<compile_context>
chip_gen: v7x
topology: tpu7x:2x2x1
jax: 0.10.2.dev20260603
libtpu: 0.0.44.dev20260713+nightly
codegen_flags: <defaults>
</compile_context>

<pallas_src>
import functools

import jax
import jax.numpy as jnp
from jax import lax
from jax.experimental import pallas as pl
from jax.experimental.pallas import tpu as pltpu
from jax.experimental.pallas import tpu_sc as plsc

N = 10000
NPAD = 10240
E = 320000
ATOM_DIM = 128
HIDDEN = 128
NODE_DIM = 64
NUM_GRAPHS = 64

NC, NS = 2, 16
NW = NC * NS
EPW = E // NW
K = 80
NCH = EPW // K
RPS = NPAD // NS
DEGW = 128
DEGO = 8

_sc_mesh = plsc.VectorSubcoreMesh(core_axis_name="c", subcore_axis_name="s")


@functools.partial(
    pl.kernel,
    mesh=_sc_mesh,
    out_type=jax.ShapeDtypeStruct((NC, NPAD, DEGW), jnp.float32),
    scratch_types=[
        pltpu.VMEM_SHARED((NPAD, DEGW), jnp.float32),
        pltpu.VMEM((NCH, K), jnp.int32),
        pltpu.VMEM((K, DEGW), jnp.float32),
        pltpu.SemaphoreType.DMA,
        pltpu.SemaphoreType.DMA,
    ],
)
def _deg_sc(dst3_hbm, ones_hbm, zero_hbm, out_hbm, acc, dsts, ones_v, sem0, sem1):
    cid = lax.axis_index("c")
    sid = lax.axis_index("s")
    wid = sid * NC + cid
    sems = [sem0, sem1]
    pltpu.sync_copy(zero_hbm.at[pl.ds(sid * RPS, RPS)],
                    acc.at[pl.ds(sid * RPS, RPS)])
    pltpu.sync_copy(ones_hbm, ones_v)
    pltpu.sync_copy(dst3_hbm.at[wid], dsts)
    plsc.subcore_barrier()

    for b in range(2):
        pltpu.async_copy(ones_v, acc.at[dsts.at[b]], sems[b], add=True)

    def body(i, carry):
        c0 = i * 2
        for b in range(2):
            c = c0 + b
            pltpu.make_async_copy(ones_v, acc.at[dsts.at[c]], sems[b]).wait()
            cn = c + 2

            @pl.when(cn <= NCH - 1)
            def _():
                pltpu.async_copy(ones_v, acc.at[dsts.at[cn]], sems[b], add=True)

        return carry

    lax.fori_loop(0, NCH // 2, body, 0)
    if NCH % 2:
        pltpu.make_async_copy(ones_v, acc.at[dsts.at[NCH - 1]], sems[0]).wait()
    plsc.subcore_barrier()
    pltpu.sync_copy(acc.at[pl.ds(sid * RPS, RPS)],
                    out_hbm.at[cid, pl.ds(sid * RPS, RPS)])


@functools.partial(
    pl.kernel,
    mesh=_sc_mesh,
    out_type=jax.ShapeDtypeStruct((NC, NPAD, HIDDEN), jnp.float32),
    scratch_types=[
        pltpu.VMEM_SHARED((NPAD, HIDDEN), jnp.float32),
        pltpu.VMEM((K,), jnp.int32),
        pltpu.VMEM((K,), jnp.int32),
        pltpu.VMEM((K,), jnp.int32),
        pltpu.VMEM((K,), jnp.int32),
        pltpu.VMEM((K,), jnp.int32),
        pltpu.VMEM((K,), jnp.int32),
        pltpu.VMEM((K, HIDDEN), jnp.float32),
        pltpu.VMEM((K, HIDDEN), jnp.float32),
        pltpu.VMEM((K, HIDDEN), jnp.float32),
        pltpu.SemaphoreType.DMA, pltpu.SemaphoreType.DMA, pltpu.SemaphoreType.DMA,
        pltpu.SemaphoreType.DMA, pltpu.SemaphoreType.DMA, pltpu.SemaphoreType.DMA,
        pltpu.SemaphoreType.DMA, pltpu.SemaphoreType.DMA, pltpu.SemaphoreType.DMA,
        pltpu.SemaphoreType.DMA, pltpu.SemaphoreType.DMA, pltpu.SemaphoreType.DMA,
    ],
)
def _agg_sc(g_hbm, src_hbm, dst_hbm, zero_hbm, out_hbm,
            acc, is0, is1, is2, id0, id1, id2, r0, r1, r2,
            gsem0, gsem1, gsem2, ssem0, ssem1, ssem2,
            isem0, isem1, isem2, dsem0, dsem1, dsem2):
    cid = lax.axis_index("c")
    sid = lax.axis_index("s")
    wid = sid * NC + cid
    iss = [is0, is1, is2]
    ids = [id0, id1, id2]
    rows = [r0, r1, r2]
    gsems = [gsem0, gsem1, gsem2]
    ssems = [ssem0, ssem1, ssem2]
    isems = [isem0, isem1, isem2]
    dsems = [dsem0, dsem1, dsem2]
    ebase = wid * EPW
    assert NCH % 3 == 2 and NCH % 2 == 1 and NCH >= 5

    pltpu.sync_copy(zero_hbm.at[pl.ds(sid * RPS, RPS)],
                    acc.at[pl.ds(sid * RPS, RPS)])
    plsc.subcore_barrier()

    def issue_src(c, b):
        pltpu.async_copy(src_hbm.at[pl.ds(ebase + c * K, K)], iss[b], isems[b])

    def issue_dst(c, b):
        pltpu.async_copy(dst_hbm.at[pl.ds(ebase + c * K, K)], ids[b], dsems[b])

    def wait_idx(buf, sem):
        pltpu.make_async_copy(src_hbm.at[pl.ds(0, K)], buf, sem).wait()

    def wait_gather(b):
        pltpu.make_async_copy(g_hbm.at[iss[b]], rows[b], gsems[b]).wait()

    def issue_scatter(b):
        pltpu.async_copy(rows[b], acc.at[ids[b]], ssems[b], add=True)

    def wait_scatter(b):
        pltpu.make_async_copy(rows[b], acc.at[ids[b]], ssems[b]).wait()

    def step(c, k, first=False):
        kp = (k + 2) % 3
        wait_gather(k)
        issue_src(jnp.minimum(c + 3, NCH - 1), k)
        wait_idx(ids[k], dsems[k])
        issue_scatter(k)
        if not first:
            wait_scatter(kp)
        issue_dst(jnp.minimum(c + 2, NCH - 1), kp)
        wait_idx(iss[kp], isems[kp])
        pltpu.async_copy(g_hbm.at[iss[kp]], rows[kp], gsems[kp])

    for b in range(2):
        pltpu.sync_copy(src_hbm.at[pl.ds(ebase + b * K, K)], iss[b])
        issue_dst(b, b)
        pltpu.async_copy(g_hbm.at[iss[b]], rows[b], gsems[b])
    issue_src(2, 2)

    step(0, 0, first=True)
    step(1, 1)
    step(2, 2)

    def body(i, carry):
        c0 = i * 3
        for k in range(3):
            step(c0 + k, k)
        return carry

    lax.fori_loop(1, (NCH - 2) // 3, body, 0)
    wait_gather(0)
    wait_idx(ids[0], dsems[0])
    issue_scatter(0)
    wait_scatter(2)
    wait_gather(1)
    wait_idx(ids[1], dsems[1])
    issue_scatter(1)
    wait_scatter(0)
    wait_scatter(1)
    wait_idx(iss[2], isems[2])
    plsc.subcore_barrier()
    pltpu.sync_copy(acc.at[pl.ds(sid * RPS, RPS)],
                    out_hbm.at[cid, pl.ds(sid * RPS, RPS)])


_RB = 1000
_GRID = N // _RB


def _dis_of(degp):
    d = 1.0 + degp[0, :, 0:1] + degp[1, :, 0:1]
    return lax.rsqrt(d)


def _encode_body(x_ref, we_ref, be_ref, w1_ref, degp_ref, g1_ref):
    h = jnp.dot(x_ref[...], we_ref[...], preferred_element_type=jnp.float32)
    h = h + be_ref[...]
    dis = _dis_of(degp_ref[...])
    g1_ref[...] = dis * jnp.dot(h, w1_ref[...], preferred_element_type=jnp.float32)


def _encode_tc(x, W_enc, b_enc2, W1, degp):
    return pl.pallas_call(
        _encode_body,
        grid=(_GRID,),
        in_specs=[
            pl.BlockSpec((_RB, ATOM_DIM), lambda i: (i, 0)),
            pl.BlockSpec((ATOM_DIM, HIDDEN), lambda i: (0, 0)),
            pl.BlockSpec((1, HIDDEN), lambda i: (0, 0)),
            pl.BlockSpec((HIDDEN, HIDDEN), lambda i: (0, 0)),
            pl.BlockSpec((NC, _RB, DEGO), lambda i: (0, i, 0)),
        ],
        out_specs=pl.BlockSpec((_RB, HIDDEN), lambda i: (i, 0)),
        out_shape=jax.ShapeDtypeStruct((N, HIDDEN), jnp.float32),
    )(x, W_enc, b_enc2, W1, degp)


def _layer_body(p_ref, g_ref, degp_ref, b_ref, w_ref, out_ref):
    dis = _dis_of(degp_ref[...])
    agg = p_ref[0] + p_ref[1] + g_ref[...]
    h = jnp.maximum(dis * agg + b_ref[...], 0.0)
    out_ref[...] = dis * jnp.dot(h, w_ref[...], preferred_element_type=jnp.float32)


def _layer_tc(p, g, degp, b2, Wn):
    return pl.pallas_call(
        _layer_body,
        grid=(_GRID,),
        in_specs=[
            pl.BlockSpec((NC, _RB, HIDDEN), lambda i: (0, i, 0)),
            pl.BlockSpec((_RB, HIDDEN), lambda i: (i, 0)),
            pl.BlockSpec((NC, _RB, DEGO), lambda i: (0, i, 0)),
            pl.BlockSpec((1, HIDDEN), lambda i: (0, 0)),
            pl.BlockSpec((HIDDEN, HIDDEN), lambda i: (0, 0)),
        ],
        out_specs=pl.BlockSpec((_RB, HIDDEN), lambda i: (i, 0)),
        out_shape=jax.ShapeDtypeStruct((N, HIDDEN), jnp.float32),
    )(p, g, degp, b2, Wn)


def _pool_body(p_ref, g_ref, degp_ref, b_ref, batch_ref, wp_ref, bp_ref,
               lng_ref, lnb_ref, out_ref, sums_s, cnt_s):
    i = pl.program_id(0)
    dis = _dis_of(degp_ref[...])
    agg = p_ref[0] + p_ref[1] + g_ref[...]
    h = jnp.maximum(dis * agg + b_ref[...], 0.0)
    gids = lax.broadcasted_iota(jnp.int32, (NUM_GRAPHS, _RB), 0)
    onehot = (gids == batch_ref[0]).astype(jnp.float32)
    psum = jnp.dot(onehot, h, preferred_element_type=jnp.float32)
    pcnt = jnp.sum(onehot, axis=1, keepdims=True)
    pcnt = jnp.broadcast_to(pcnt, (NUM_GRAPHS, HIDDEN))

    @pl.when(i == 0)
    def _():
        sums_s[...] = jnp.zeros_like(sums_s)
        cnt_s[...] = jnp.zeros_like(cnt_s)

    sums_s[...] += psum
    cnt_s[...] += pcnt

    @pl.when(i == _GRID - 1)
    def _():
        mol = sums_s[...] / jnp.maximum(cnt_s[...], 1.0)
        y = jnp.dot(mol, wp_ref[...], preferred_element_type=jnp.float32)
        y = y + bp_ref[...]
        mu = jnp.mean(y, axis=1, keepdims=True)
        var = jnp.mean((y - mu) * (y - mu), axis=1, keepdims=True)
        y = (y - mu) * lax.rsqrt(var + 1e-5)
        out_ref[...] = y * lng_ref[...] + lnb_ref[...]


def _pool_tc(p, g, degp, b2, batch3, W_proj, bp2, lng2, lnb2):
    return pl.pallas_call(
        _pool_body,
        grid=(_GRID,),
        in_specs=[
            pl.BlockSpec((NC, _RB, HIDDEN), lambda i: (0, i, 0)),
            pl.BlockSpec((_RB, HIDDEN), lambda i: (i, 0)),
            pl.BlockSpec((NC, _RB, DEGO), lambda i: (0, i, 0)),
            pl.BlockSpec((1, HIDDEN), lambda i: (0, 0)),
            pl.BlockSpec((1, 1, _RB), lambda i: (i, 0, 0)),
            pl.BlockSpec((HIDDEN, NODE_DIM), lambda i: (0, 0)),
            pl.BlockSpec((1, NODE_DIM), lambda i: (0, 0)),
            pl.BlockSpec((1, NODE_DIM), lambda i: (0, 0)),
            pl.BlockSpec((1, NODE_DIM), lambda i: (0, 0)),
        ],
        out_specs=pl.BlockSpec((NUM_GRAPHS, NODE_DIM), lambda i: (0, 0)),
        out_shape=jax.ShapeDtypeStruct((NUM_GRAPHS, NODE_DIM), jnp.float32),
        scratch_shapes=[
            pltpu.VMEM((NUM_GRAPHS, HIDDEN), jnp.float32),
            pltpu.VMEM((NUM_GRAPHS, HIDDEN), jnp.float32),
        ],
    )(p, g, degp, b2, batch3, W_proj, bp2, lng2, lnb2)


def kernel(x, edge_index, batch, W_enc, b_enc, W_convs, b_convs,
           W_proj, b_proj, ln_g, ln_b):
    src = edge_index[0]
    dst = edge_index[1]
    dst3 = dst.reshape(NW, NCH, K)
    batch3 = batch.reshape(_GRID, 1, _RB)
    zeros_h = jnp.zeros((NPAD, HIDDEN), jnp.float32)
    ones_k = jnp.ones((K, DEGW), jnp.float32)
    b_enc2 = b_enc.reshape(1, HIDDEN)
    bc2 = [b_convs[i].reshape(1, HIDDEN) for i in range(3)]

    degp = _deg_sc(dst3, ones_k, zeros_h)[:, :, :DEGO]
    g = _encode_tc(x, W_enc, b_enc2, W_convs[0], degp)
    p = _agg_sc(g, src, dst, zeros_h)
    g = _layer_tc(p, g, degp, bc2[0], W_convs[1])
    p = _agg_sc(g, src, dst, zeros_h)
    g = _layer_tc(p, g, degp, bc2[1], W_convs[2])
    p = _agg_sc(g, src, dst, zeros_h)
    return _pool_tc(p, g, degp, bc2[2], batch3, W_proj,
                    b_proj.reshape(1, NODE_DIM), ln_g.reshape(1, NODE_DIM),
                    ln_b.reshape(1, NODE_DIM))

# --- scband reference (transcript-rebuilt; emitter-appended) ---
"""Pipeline reference for scband-simple-gcnencoder-31851477467888 (READ-ONLY COPY).

The authoritative reference and input builder live on the scoring server;
editing this copy changes nothing except your own understanding.
"""

import jax, jax.numpy as jnp
import numpy as np

N = 10000
E = 320000
ATOM_DIM = 128
HIDDEN = 128
NODE_DIM = 64
NUM_LAYERS = 3
NUM_GRAPHS = 64


def setup_inputs(seed: int = 0):
    key = jax.random.key(seed)
    ks = jax.random.split(key, 12)
    x = jax.random.normal(ks[0], (N, ATOM_DIM), dtype=jnp.float32)
    edge_index = jax.random.randint(ks[1], (2, E), 0, N, dtype=jnp.int32)
    batch = jnp.sort(jax.random.randint(ks[2], (N,), 0, NUM_GRAPHS, dtype=jnp.int32))
    W_enc = jax.random.normal(ks[3], (ATOM_DIM, HIDDEN), dtype=jnp.float32) * 0.05
    b_enc = jnp.zeros((HIDDEN,), dtype=jnp.float32)
    W_convs = jax.random.normal(ks[4], (NUM_LAYERS, HIDDEN, HIDDEN), dtype=jnp.float32) * 0.05
    b_convs = jnp.zeros((NUM_LAYERS, HIDDEN), dtype=jnp.float32)
    W_proj = jax.random.normal(ks[5], (HIDDEN, NODE_DIM), dtype=jnp.float32) * 0.05
    b_proj = jnp.zeros((NODE_DIM,), dtype=jnp.float32)
    ln_g = jnp.ones((NODE_DIM,), dtype=jnp.float32)
    ln_b = jnp.zeros((NODE_DIM,), dtype=jnp.float32)
    return {"x": x, "edge_index": edge_index, "batch": batch,
            "W_enc": W_enc, "b_enc": b_enc, "W_convs": W_convs, "b_convs": b_convs,
            "W_proj": W_proj, "b_proj": b_proj, "ln_g": ln_g, "ln_b": ln_b}


def _forward(x, edge_index, batch, W_enc, b_enc, W_convs, b_convs, W_proj, b_proj, ln_g, ln_b):
    n = x.shape[0]
    loop = jnp.arange(n, dtype=edge_index.dtype)
    src = jnp.concatenate([edge_index[0], loop])
    dst = jnp.concatenate([edge_index[1], loop])
    # symmetric GCN normalization with self-loops (torch_geometric GCNConv default)
    deg = jax.ops.segment_sum(jnp.ones_like(dst, dtype=x.dtype), dst, num_segments=n)
    dis = jnp.where(deg > 0, jax.lax.rsqrt(jnp.maximum(deg, 1e-12)), 0.0)
    norm = (dis[src] * dis[dst])[:, None]
    h = x @ W_enc + b_enc
    for i in range(NUM_LAYERS):
        hw = h @ W_convs[i]
        msg = hw[src] * norm
        h = jax.ops.segment_sum(msg, dst, num_segments=n) + b_convs[i]
        h = jax.nn.relu(h)
        # dropout p=0.0 -> identity
    sums = jax.ops.segment_sum(h, batch, num_segments=NUM_GRAPHS)
    cnt = jax.ops.segment_sum(jnp.ones((n,), dtype=h.dtype), batch, num_segments=NUM_GRAPHS)
    mol = sums / jnp.maximum(cnt, 1.0)[:, None]
    y = mol @ W_proj + b_proj
    mu = jnp.mean(y, axis=-1, keepdims=True)
    var = jnp.var(y, axis=-1, keepdims=True)
    y = (y - mu) * jax.lax.rsqrt(var + 1e-5)
    return y * ln_g + ln_b


def reference(x, edge_index, batch, W_enc, b_enc, W_convs, b_convs, W_proj, b_proj, ln_g, ln_b):
    return _forward(x, edge_index, batch, W_enc, b_enc, W_convs, b_convs, W_proj, b_proj, ln_g, ln_b)

if __name__ == "__main__":
    import jax
    _d = setup_inputs()
    print(jax.jit(kernel)(*tuple(_d.values())))

</pallas_src>

<mosaic_0001>
#map = affine_map<(d0, d1) -> (0, 0)>
#map1 = affine_map<(d0, d1) -> (0)>
#map2 = affine_map<(d0, d1) -> (0, 0, 0)>
module attributes {stable_mosaic.version = 14 : i64} {
  func.func @_agg_sc(%arg0: i32, %arg1: i32, %arg2: memref<10000x128xf32, #tpu.memory_space<hbm>>, %arg3: memref<320000xi32, #tpu.memory_space<hbm>>, %arg4: memref<320000xi32, #tpu.memory_space<hbm>>, %arg5: memref<10240x128xf32, #tpu.memory_space<hbm>>, %arg6: memref<2x10240x128xf32, #tpu.memory_space<hbm>>, %arg7: memref<10240x128xf32, #tpu.memory_space<vmem_shared>>, %arg8: memref<80xi32, #tpu.memory_space<vmem>>, %arg9: memref<80xi32, #tpu.memory_space<vmem>>, %arg10: memref<80xi32, #tpu.memory_space<vmem>>, %arg11: memref<80xi32, #tpu.memory_space<vmem>>, %arg12: memref<80xi32, #tpu.memory_space<vmem>>, %arg13: memref<80xi32, #tpu.memory_space<vmem>>, %arg14: memref<80x128xf32, #tpu.memory_space<vmem>>, %arg15: memref<80x128xf32, #tpu.memory_space<vmem>>, %arg16: memref<80x128xf32, #tpu.memory_space<vmem>>, %arg17: memref<!tpu.dma_semaphore, #tpu.memory_space<semaphore_mem>>, %arg18: memref<!tpu.dma_semaphore, #tpu.memory_space<semaphore_mem>>, %arg19: memref<!tpu.dma_semaphore, #tpu.memory_space<semaphore_mem>>, %arg20: memref<!tpu.dma_semaphore, #tpu.memory_space<semaphore_mem>>, %arg21: memref<!tpu.dma_semaphore, #tpu.memory_space<semaphore_mem>>, %arg22: memref<!tpu.dma_semaphore, #tpu.memory_space<semaphore_mem>>, %arg23: memref<!tpu.dma_semaphore, #tpu.memory_space<semaphore_mem>>, %arg24: memref<!tpu.dma_semaphore, #tpu.memory_space<semaphore_mem>>, %arg25: memref<!tpu.dma_semaphore, #tpu.memory_space<semaphore_mem>>, %arg26: memref<!tpu.dma_semaphore, #tpu.memory_space<semaphore_mem>>, %arg27: memref<!tpu.dma_semaphore, #tpu.memory_space<semaphore_mem>>, %arg28: memref<!tpu.dma_semaphore, #tpu.memory_space<semaphore_mem>>) attributes {dimension_semantics = [#tpu.dimension_semantics<core_parallel>, #tpu.dimension_semantics<subcore_parallel>], iteration_bounds = array<i64: 2, 16>, scalar_prefetch = 0 : i64, scratch_operands = 22 : i64, tpu.core_type = #tpu.core_type<sc_vector_subcore>, window_params = [{transform_indices = #map}, {transform_indices = #map1}, {transform_indices = #map1}, {transform_indices = #map}, {transform_indices = #map2}]} {
    %mul3A = arith.constant 2 : i32
    %mul3A_0 = arith.muli %arg1, %mul3A : i32
    %add3A = arith.addi %mul3A_0, %arg0 : i32
    %mul3A_1 = arith.constant 10000 : i32
    %mul3A_2 = arith.muli %add3A, %mul3A_1 : i32
    %mul3A_3 = arith.constant 640 : i32
    %mul3A_4 = arith.muli %arg1, %mul3A_3 : i32
    %mul3A_5 = arith.constant 640 : i32
    %mul3A_6 = arith.muli %arg1, %mul3A_5 : i32
    "tpu.region"() ({
      %run_scoped3A = tpu.sem_alloc : memref<!tpu.dma_semaphore, #tpu.memory_space<semaphore_mem>>
      %dma_start3A_174 = arith.constant 0 : i32
      %dma_start3A_175 = tpu.memref_slice %arg7[%mul3A_6, %dma_start3A_174] : memref<10240x128xf32, #tpu.memory_space<vmem_shared>> -> memref<640x128xf32, #tpu.memory_space<vmem_shared>>
      %dma_start3A_176 = arith.constant 0 : i32
      %dma_start3A_177 = tpu.memref_slice %arg5[%mul3A_4, %dma_start3A_176] : memref<10240x128xf32, #tpu.memory_space<hbm>> -> memref<640x128xf32, #tpu.memory_space<hbm>>
      tpu.enqueue_dma source(%dma_start3A_177 : memref<640x128xf32, #tpu.memory_space<hbm>>) target(%dma_start3A_175 : memref<640x128xf32, #tpu.memory_space<vmem_shared>>) target_semaphore(%run_scoped3A : memref<!tpu.dma_semaphore, #tpu.memory_space<semaphore_mem>>)
      %dma_wait3A_178 = arith.constant 0 : i32
      %dma_wait3A_179 = tpu.memref_slice %arg7[%mul3A_6, %dma_wait3A_178] : memref<10240x128xf32, #tpu.memory_space<vmem_shared>> -> memref<640x128xf32, #tpu.memory_space<vmem_shared>>
      %dma_wait3A_180 = arith.constant 0 : i32
      %dma_wait3A_181 = tpu.memref_slice %arg5[%mul3A_4, %dma_wait3A_180] : memref<10240x128xf32, #tpu.memory_space<hbm>> -> memref<640x128xf32, #tpu.memory_space<hbm>>
      tpu.wait_dma2 semaphore(%run_scoped3A : memref<!tpu.dma_semaphore, #tpu.memory_space<semaphore_mem>>) src(%dma_wait3A_181 : memref<640x128xf32, #tpu.memory_space<hbm>>) dst(%dma_wait3A_179 : memref<640x128xf32, #tpu.memory_space<vmem_shared>>)
      tpu.yield
    }) : () -> ()
    %barrier3A = arith.constant 0 : index
    tpu.barrier barrier_id(%barrier3A)
    %add3A_7 = arith.constant 0 : i32
    %add3A_8 = arith.addi %mul3A_2, %add3A_7 : i32
    "tpu.region"() ({
      %run_scoped3A = tpu.sem_alloc : memref<!tpu.dma_semaphore, #tpu.memory_space<semaphore_mem>>
      %dma_start3A_174 = tpu.memref_slice %arg3[%add3A_8] : memref<320000xi32, #tpu.memory_space<hbm>> -> memref<80xi32, #tpu.memory_space<hbm>>
      %dma_start3A_175 = tpu.memref_slice %arg3[%add3A_8] : memref<320000xi32, #tpu.memory_space<hbm>> -> memref<80xi32, #tpu.memory_space<hbm>>
      tpu.enqueue_dma source(%dma_start3A_175 : memref<80xi32, #tpu.memory_space<hbm>>) target(%arg8 : memref<80xi32, #tpu.memory_space<vmem>>) target_semaphore(%run_scoped3A : memref<!tpu.dma_semaphore, #tpu.memory_space<semaphore_mem>>)
      %dma_wait3A_176 = tpu.memref_slice %arg3[%add3A_8] : memref<320000xi32, #tpu.memory_space<hbm>> -> memref<80xi32, #tpu.memory_space<hbm>>
      %dma_wait3A_177 = tpu.memref_slice %arg3[%add3A_8] : memref<320000xi32, #tpu.memory_space<hbm>> -> memref<80xi32, #tpu.memory_space<hbm>>
      tpu.wait_dma2 semaphore(%run_scoped3A : memref<!tpu.dma_semaphore, #tpu.memory_space<semaphore_mem>>) src(%dma_wait3A_177 : memref<80xi32, #tpu.memory_space<hbm>>) dst(%arg8 : memref<80xi32, #tpu.memory_space<vmem>>)
      tpu.yield
    }) : () -> ()
    %add3A_9 = arith.constant 0 : i32
    %add3A_10 = arith.addi %mul3A_2, %add3A_9 : i32
    %dma_start3A = tpu.memref_slice %arg4[%add3A_10] : memref<320000xi32, #tpu.memory_space<hbm>> -> memref<80xi32, #tpu.memory_space<hbm>>
    %dma_start3A_11 = tpu.memref_slice %arg4[%add3A_10] : memref<320000xi32, #tpu.memory_space<hbm>> -> memref<80xi32, #tpu.memory_space<hbm>>
    tpu.enqueue_dma source(%dma_start3A_11 : memref<80xi32, #tpu.memory_space<hbm>>) target(%arg11 : memref<80xi32, #tpu.memory_space<vmem>>) target_semaphore(%arg26 : memref<!tpu.dma_semaphore, #tpu.memory_space<semaphore_mem>>)
    %dma_start3A_12 = arith.constant 0 : i32
    %dma_start3A_13 = arith.constant 0 : i32
    %dma_start3A_14 = tpu.memref_slice %arg2[%dma_start3A_12, %dma_start3A_13] : memref<10000x128xf32, #tpu.memory_space<hbm>> -> memref<10000x128xf32, #tpu.memory_space<hbm>>
    tpu.enqueue_indirect_dma source(%dma_start3A_14 : memref<10000x128xf32, #tpu.memory_space<hbm>>) target(%arg14 : memref<80x128xf32, #tpu.memory_space<vmem>>) offsets(%arg8 : memref<80xi32, #tpu.memory_space<vmem>>) semaphore(%arg17 : memref<!tpu.dma_semaphore, #tpu.memory_space<semaphore_mem>>)
    %add3A_15 = arith.constant 80 : i32
    %add3A_16 = arith.addi %mul3A_2, %add3A_15 : i32
    "tpu.region"() ({
      %run_scoped3A = tpu.sem_alloc : memref<!tpu.dma_semaphore, #tpu.memory_space<semaphore_mem>>
      %dma_start3A_174 = tpu.memref_slice %arg3[%add3A_16] : memref<320000xi32, #tpu.memory_space<hbm>> -> memref<80xi32, #tpu.memory_space<hbm>>
      %dma_start3A_175 = tpu.memref_slice %arg3[%add3A_16] : memref<320000xi32, #tpu.memory_space<hbm>> -> memref<80xi32, #tpu.memory_space<hbm>>
      tpu.enqueue_dma source(%dma_start3A_175 : memref<80xi32, #tpu.memory_space<hbm>>) target(%arg9 : memref<80xi32, #tpu.memory_space<vmem>>) target_semaphore(%run_scoped3A : memref<!tpu.dma_semaphore, #tpu.memory_space<semaphore_mem>>)
      %dma_wait3A_176 = tpu.memref_slice %arg3[%add3A_16] : memref<320000xi32, #tpu.memory_space<hbm>> -> memref<80xi32, #tpu.memory_space<hbm>>
      %dma_wait3A_177 = tpu.memref_slice %arg3[%add3A_16] : memref<320000xi32, #tpu.memory_space<hbm>> -> memref<80xi32, #tpu.memory_space<hbm>>
      tpu.wait_dma2 semaphore(%run_scoped3A : memref<!tpu.dma_semaphore, #tpu.memory_space<semaphore_mem>>) src(%dma_wait3A_177 : memref<80xi32, #tpu.memory_space<hbm>>) dst(%arg9 : memref<80xi32, #tpu.memory_space<vmem>>)
      tpu.yield
    }) : () -> ()
    %add3A_17 = arith.constant 80 : i32
    %add3A_18 = arith.addi %mul3A_2, %add3A_17 : i32
    %dma_start3A_19 = tpu.memref_slice %arg4[%add3A_18] : memref<320000xi32, #tpu.memory_space<hbm>> -> memref<80xi32, #tpu.memory_space<hbm>>
    %dma_start3A_20 = tpu.memref_slice %arg4[%add3A_18] : memref<320000xi32, #tpu.memory_space<hbm>> -> memref<80xi32, #tpu.memory_space<hbm>>
    tpu.enqueue_dma source(%dma_start3A_20 : memref<80xi32, #tpu.memory_space<hbm>>) target(%arg12 : memref<80xi32, #tpu.memory_space<vmem>>) target_semaphore(%arg27 : memref<!tpu.dma_semaphore, #tpu.memory_space<semaphore_mem>>)
    %dma_start3A_21 = arith.constant 0 : i32
    %dma_start3A_22 = arith.constant 0 : i32
    %dma_start3A_23 = tpu.memref_slice %arg2[%dma_start3A_21, %dma_start3A_22] : memref<10000x128xf32, #tpu.memory_space<hbm>> -> memref<10000x128xf32, #tpu.memory_space<hbm>>
    tpu.enqueue_indirect_dma source(%dma_start3A_23 : memref<10000x128xf32, #tpu.memory_space<hbm>>) target(%arg15 : memref<80x128xf32, #tpu.memory_space<vmem>>) offsets(%arg9 : memref<80xi32, #tpu.memory_space<vmem>>) semaphore(%arg18 : memref<!tpu.dma_semaphore, #tpu.memory_space<semaphore_mem>>)
    %add3A_24 = arith.constant 160 : i32
    %add3A_25 = arith.addi %mul3A_2, %add3A_24 : i32
    %dma_start3A_26 = tpu.memref_slice %arg3[%add3A_25] : memref<320000xi32, #tpu.memory_space<hbm>> -> memref<80xi32, #tpu.memory_space<hbm>>
    %dma_start3A_27 = tpu.memref_slice %arg3[%add3A_25] : memref<320000xi32, #tpu.memory_space<hbm>> -> memref<80xi32, #tpu.memory_space<hbm>>
    tpu.enqueue_dma source(%dma_start3A_27 : memref<80xi32, #tpu.memory_space<hbm>>) target(%arg10 : memref<80xi32, #tpu.memory_space<vmem>>) target_semaphore(%arg25 : memref<!tpu.dma_semaphore, #tpu.memory_space<semaphore_mem>>)
    %dma_wait3A = arith.constant 0 : i32
    %dma_wait3A_28 = arith.constant 0 : i32
    %dma_wait3A_29 = tpu.memref_slice %arg2[%dma_wait3A, %dma_wait3A_28] : memref<10000x128xf32, #tpu.memory_space<hbm>> -> memref<10000x128xf32, #tpu.memory_space<hbm>>
    tpu.wait_indirect_dma semaphore(%arg17 : memref<!tpu.dma_semaphore, #tpu.memory_space<semaphore_mem>>) src(%dma_wait3A_29 : memref<10000x128xf32, #tpu.memory_space<hbm>>) dst(%arg14 : memref<80x128xf32, #tpu.memory_space<vmem>>)
    %min3A = arith.constant 3 : i32
    %min3A_30 = arith.constant 124 : i32
    %min3A_31 = arith.minsi %min3A, %min3A_30 : i32
    %mul3A_32 = arith.constant 80 : i32
    %mul3A_33 = arith.muli %min3A_31, %mul3A_32 : i32
    %add3A_34 = arith.addi %mul3A_2, %mul3A_33 : i32
    %dma_start3A_35 = tpu.memref_slice %arg3[%add3A_34] : memref<320000xi32, #tpu.memory_space<hbm>> -> memref<80xi32, #tpu.memory_space<hbm>>
    %dma_start3A_36 = tpu.memref_slice %arg3[%add3A_34] : memref<320000xi32, #tpu.memory_space<hbm>> -> memref<80xi32, #tpu.memory_space<hbm>>
    tpu.enqueue_dma source(%dma_start3A_36 : memref<80xi32, #tpu.memory_space<hbm>>) target(%arg8 : memref<80xi32, #tpu.memory_space<vmem>>) target_semaphore(%arg23 : memref<!tpu.dma_semaphore, #tpu.memory_space<semaphore_mem>>)
    %dma_wait3A_37 = arith.constant 0 : i32
    %dma_wait3A_38 = tpu.memref_slice %arg3[%dma_wait3A_37] : memref<320000xi32, #tpu.memory_space<hbm>> -> memref<80xi32, #tpu.memory_space<hbm>>
    %dma_wait3A_39 = arith.constant 0 : i32
    %dma_wait3A_40 = tpu.memref_slice %arg3[%dma_wait3A_39] : memref<320000xi32, #tpu.memory_space<hbm>> -> memref<80xi32, #tpu.memory_space<hbm>>
    tpu.wait_dma2 semaphore(%arg26 : memref<!tpu.dma_semaphore, #tpu.memory_space<semaphore_mem>>) src(%dma_wait3A_40 : memref<80xi32, #tpu.memory_space<hbm>>) dst(%arg11 : memref<80xi32, #tpu.memory_space<vmem>>)
    %dma_start3A_41 = arith.constant 0 : i32
    %dma_start3A_42 = arith.constant 0 : i32
    %dma_start3A_43 = tpu.memref_slice %arg7[%dma_start3A_41, %dma_start3A_42] : memref<10240x128xf32, #tpu.memory_space<vmem_shared>> -> memref<10240x128xf32, #tpu.memory_space<vmem_shared>>
    tpu.enqueue_indirect_dma source(%arg14 : memref<80x128xf32, #tpu.memory_space<vmem>>) target(%dma_start3A_43 : memref<10240x128xf32, #tpu.memory_space<vmem_shared>>) offsets(%arg11 : memref<80xi32, #tpu.memory_space<vmem>>) semaphore(%arg20 : memref<!tpu.dma_semaphore, #tpu.memory_space<semaphore_mem>>) {add = true}
    %min3A_44 = arith.constant 2 : i32
    %min3A_45 = arith.constant 124 : i32
    %min3A_46 = arith.minsi %min3A_44, %min3A_45 : i32
    %mul3A_47 = arith.constant 80 : i32
    %mul3A_48 = arith.muli %min3A_46, %mul3A_47 : i32
    %add3A_49 = arith.addi %mul3A_2, %mul3A_48 : i32
    %dma_start3A_50 = tpu.memref_slice %arg4[%add3A_49] : memref<320000xi32, #tpu.memory_space<hbm>> -> memref<80xi32, #tpu.memory_space<hbm>>
    %dma_start3A_51 = tpu.memref_slice %arg4[%add3A_49] : memref<320000xi32, #tpu.memory_space<hbm>> -> memref<80xi32, #tpu.memory_space<hbm>>
    tpu.enqueue_dma source(%dma_start3A_51 : memref<80xi32, #tpu.memory_space<hbm>>) target(%arg13 : memref<80xi32, #tpu.memory_space<vmem>>) target_semaphore(%arg28 : memref<!tpu.dma_semaphore, #tpu.memory_space<semaphore_mem>>)
    %dma_wait3A_52 = arith.constant 0 : i32
    %dma_wait3A_53 = tpu.memref_slice %arg3[%dma_wait3A_52] : memref<320000xi32, #tpu.memory_space<hbm>> -> memref<80xi32, #tpu.memory_space<hbm>>
    %dma_wait3A_54 = arith.constant 0 : i32
    %dma_wait3A_55 = tpu.memref_slice %arg3[%dma_wait3A_54] : memref<320000xi32, #tpu.memory_space<hbm>> -> memref<80xi32, #tpu.memory_space<hbm>>
    tpu.wait_dma2 semaphore(%arg25 : memref<!tpu.dma_semaphore, #tpu.memory_space<semaphore_mem>>) src(%dma_wait3A_55 : memref<80xi32, #tpu.memory_space<hbm>>) dst(%arg10 : memref<80xi32, #tpu.memory_space<vmem>>)
    %dma_start3A_56 = arith.constant 0 : i32
    %dma_start3A_57 = arith.constant 0 : i32
    %dma_start3A_58 = tpu.memref_slice %arg2[%dma_start3A_56, %dma_start3A_57] : memref<10000x128xf32, #tpu.memory_space<hbm>> -> memref<10000x128xf32, #tpu.memory_space<hbm>>
    tpu.enqueue_indirect_dma source(%dma_start3A_58 : memref<10000x128xf32, #tpu.memory_space<hbm>>) target(%arg16 : memref<80x128xf32, #tpu.memory_space<vmem>>) offsets(%arg10 : memref<80xi32, #tpu.memory_space<vmem>>) semaphore(%arg19 : memref<!tpu.dma_semaphore, #tpu.memory_space<semaphore_mem>>)
    %dma_wait3A_59 = arith.constant 0 : i32
    %dma_wait3A_60 = arith.constant 0 : i32
    %dma_wait3A_61 = tpu.memref_slice %arg2[%dma_wait3A_59, %dma_wait3A_60] : memref<10000x128xf32, #tpu.memory_space<hbm>> -> memref<10000x128xf32, #tpu.memory_space<hbm>>
    tpu.wait_indirect_dma semaphore(%arg18 : memref<!tpu.dma_semaphore, #tpu.memory_space<semaphore_mem>>) src(%dma_wait3A_61 : memref<10000x128xf32, #tpu.memory_space<hbm>>) dst(%arg15 : memref<80x128xf32, #tpu.memory_space<vmem>>)
    %min3A_62 = arith.constant 4 : i32
    %min3A_63 = arith.constant 124 : i32
    %min3A_64 = arith.minsi %min3A_62, %min3A_63 : i32
    %mul3A_65 = arith.constant 80 : i32
    %mul3A_66 = arith.muli %min3A_64, %mul3A_65 : i32
    %add3A_67 = arith.addi %mul3A_2, %mul3A_66 : i32
    %dma_start3A_68 = tpu.memref_slice %arg3[%add3A_67] : memref<320000xi32, #tpu.memory_space<hbm>> -> memref<80xi32, #tpu.memory_space<hbm>>
    %dma_start3A_69 = tpu.memref_slice %arg3[%add3A_67] : memref<320000xi32, #tpu.memory_space<hbm>> -> memref<80xi32, #tpu.memory_space<hbm>>
    tpu.enqueue_dma source(%dma_start3A_69 : memref<80xi32, #tpu.memory_space<hbm>>) target(%arg9 : memref<80xi32, #tpu.memory_space<vmem>>) target_semaphore(%arg24 : memref<!tpu.dma_semaphore, #tpu.memory_space<semaphore_mem>>)
    %dma_wait3A_70 = arith.constant 0 : i32
    %dma_wait3A_71 = tpu.memref_slice %arg3[%dma_wait3A_70] : memref<320000xi32, #tpu.memory_space<hbm>> -> memref<80xi32, #tpu.memory_space<hbm>>
    %dma_wait3A_72 = arith.constant 0 : i32
    %dma_wait3A_73 = tpu.memref_slice %arg3[%dma_wait3A_72] : memref<320000xi32, #tpu.memory_space<hbm>> -> memref<80xi32, #tpu.memory_space<hbm>>
    tpu.wait_dma2 semaphore(%arg27 : memref<!tpu.dma_semaphore, #tpu.memory_space<semaphore_mem>>) src(%dma_wait3A_73 : memref<80xi32, #tpu.memory_space<hbm>>) dst(%arg12 : memref<80xi32, #tpu.memory_space<vmem>>)
    %dma_start3A_74 = arith.constant 0 : i32
    %dma_start3A_75 = arith.constant 0 : i32
    %dma_start3A_76 = tpu.memref_slice %arg7[%dma_start3A_74, %dma_start3A_75] : memref<10240x128xf32, #tpu.memory_space<vmem_shared>> -> memref<10240x128xf32, #tpu.memory_space<vmem_shared>>
    tpu.enqueue_indirect_dma source(%arg15 : memref<80x128xf32, #tpu.memory_space<vmem>>) target(%dma_start3A_76 : memref<10240x128xf32, #tpu.memory_space<vmem_shared>>) offsets(%arg12 : memref<80xi32, #tpu.memory_space<vmem>>) semaphore(%arg21 : memref<!tpu.dma_semaphore, #tpu.memory_space<semaphore_mem>>) {add = true}
    %dma_wait3A_77 = arith.constant 0 : i32
    %dma_wait3A_78 = arith.constant 0 : i32
    %dma_wait3A_79 = tpu.memref_slice %arg7[%dma_wait3A_77, %dma_wait3A_78] : memref<10240x128xf32, #tpu.memory_space<vmem_shared>> -> memref<10240x128xf32, #tpu.memory_space<vmem_shared>>
    tpu.wait_indirect_dma semaphore(%arg20 : memref<!tpu.dma_semaphore, #tpu.memory_space<semaphore_mem>>) src(%arg14 : memref<80x128xf32, #tpu.memory_space<vmem>>) dst(%dma_wait3A_79 : memref<10240x128xf32, #tpu.memory_space<vmem_shared>>)
    %min3A_80 = arith.constant 3 : i32
    %min3A_81 = arith.constant 124 : i32
    %min3A_82 = arith.minsi %min3A_80, %min3A_81 : i32
    %mul3A_83 = arith.constant 80 : i32
    %mul3A_84 = arith.muli %min3A_82, %mul3A_83 : i32
    %add3A_85 = arith.addi %mul3A_2, %mul3A_84 : i32
    %dma_start3A_86 = tpu.memref_slice %arg4[%add3A_85] : memref<320000xi32, #tpu.memory_space<hbm>> -> memref<80xi32, #tpu.memory_space<hbm>>
    %dma_start3A_87 = tpu.memref_slice %arg4[%add3A_85] : memref<320000xi32, #tpu.memory_space<hbm>> -> memref<80xi32, #tpu.memory_space<hbm>>
    tpu.enqueue_dma source(%dma_start3A_87 : memref<80xi32, #tpu.memory_space<hbm>>) target(%arg11 : memref<80xi32, #tpu.memory_space<vmem>>) target_semaphore(%arg26 : memref<!tpu.dma_semaphore, #tpu.memory_space<semaphore_mem>>)
    %dma_wait3A_88 = arith.constant 0 : i32
    %dma_wait3A_89 = tpu.memref_slice %arg3[%dma_wait3A_88] : memref<320000xi32, #tpu.memory_space<hbm>> -> memref<80xi32, #tpu.memory_space<hbm>>
    %dma_wait3A_90 = arith.constant 0 : i32
    %dma_wait3A_91 = tpu.memref_slice %arg3[%dma_wait3A_90] : memref<320000xi32, #tpu.memory_space<hbm>> -> memref<80xi32, #tpu.memory_space<hbm>>
    tpu.wait_dma2 semaphore(%arg23 : memref<!tpu.dma_semaphore, #tpu.memory_space<semaphore_mem>>) src(%dma_wait3A_91 : memref<80xi32, #tpu.memory_space<hbm>>) dst(%arg8 : memref<80xi32, #tpu.memory_space<vmem>>)
    %dma_start3A_92 = arith.constant 0 : i32
    %dma_start3A_93 = arith.constant 0 : i32
    %dma_start3A_94 = tpu.memref_slice %arg2[%dma_start3A_92, %dma_start3A_93] : memref<10000x128xf32, #tpu.memory_space<hbm>> -> memref<10000x128xf32, #tpu.memory_space<hbm>>
    tpu.enqueue_indirect_dma source(%dma_start3A_94 : memref<10000x128xf32, #tpu.memory_space<hbm>>) target(%arg14 : memref<80x128xf32, #tpu.memory_space<vmem>>) offsets(%arg8 : memref<80xi32, #tpu.memory_space<vmem>>) semaphore(%arg17 : memref<!tpu.dma_semaphore, #tpu.memory_space<semaphore_mem>>)
    %dma_wait3A_95 = arith.constant 0 : i32
    %dma_wait3A_96 = arith.constant 0 : i32
    %dma_wait3A_97 = tpu.memref_slice %arg2[%dma_wait3A_95, %dma_wait3A_96] : memref<10000x128xf32, #tpu.memory_space<hbm>> -> memref<10000x128xf32, #tpu.memory_space<hbm>>
    tpu.wait_indirect_dma semaphore(%arg19 : memref<!tpu.dma_semaphore, #tpu.memory_space<semaphore_mem>>) src(%dma_wait3A_97 : memref<10000x128xf32, #tpu.memory_space<hbm>>) dst(%arg16 : memref<80x128xf32, #tpu.memory_space<vmem>>)
    %min3A_98 = arith.constant 5 : i32
    %min3A_99 = arith.constant 124 : i32
    %min3A_100 = arith.minsi %min3A_98, %min3A_99 : i32
    %mul3A_101 = arith.constant 80 : i32
    %mul3A_102 = arith.muli %min3A_100, %mul3A_101 : i32
    %add3A_103 = arith.addi %mul3A_2, %mul3A_102 : i32
    %dma_start3A_104 = tpu.memref_slice %arg3[%add3A_103] : memref<320000xi32, #tpu.memory_space<hbm>> -> memref<80xi32, #tpu.memory_space<hbm>>
    %dma_start3A_105 = tpu.memref_slice %arg3[%add3A_103] : memref<320000xi32, #tpu.memory_space<hbm>> -> memref<80xi32, #tpu.memory_space<hbm>>
    tpu.enqueue_dma source(%dma_start3A_105 : memref<80xi32, #tpu.memory_space<hbm>>) target(%arg10 : memref<80xi32, #tpu.memory_space<vmem>>) target_semaphore(%arg25 : memref<!tpu.dma_semaphore, #tpu.memory_space<semaphore_mem>>)
    %dma_wait3A_106 = arith.constant 0 : i32
    %dma_wait3A_107 = tpu.memref_slice %arg3[%dma_wait3A_106] : memref<320000xi32, #tpu.memory_space<hbm>> -> memref<80xi32, #tpu.memory_space<hbm>>
    %dma_wait3A_108 = arith.constant 0 : i32
    %dma_wait3A_109 = tpu.memref_slice %arg3[%dma_wait3A_108] : memref<320000xi32, #tpu.memory_space<hbm>> -> memref<80xi32, #tpu.memory_space<hbm>>
    tpu.wait_dma2 semaphore(%arg28 : memref<!tpu.dma_semaphore, #tpu.memory_space<semaphore_mem>>) src(%dma_wait3A_109 : memref<80xi32, #tpu.memory_space<hbm>>) dst(%arg13 : memref<80xi32, #tpu.memory_space<vmem>>)
    %dma_start3A_110 = arith.constant 0 : i32
    %dma_start3A_111 = arith.constant 0 : i32
    %dma_start3A_112 = tpu.memref_slice %arg7[%dma_start3A_110, %dma_start3A_111] : memref<10240x128xf32, #tpu.memory_space<vmem_shared>> -> memref<10240x128xf32, #tpu.memory_space<vmem_shared>>
    tpu.enqueue_indirect_dma source(%arg16 : memref<80x128xf32, #tpu.memory_space<vmem>>) target(%dma_start3A_112 : memref<10240x128xf32, #tpu.memory_space<vmem_shared>>) offsets(%arg13 : memref<80xi32, #tpu.memory_space<vmem>>) semaphore(%arg22 : memref<!tpu.dma_semaphore, #tpu.memory_space<semaphore_mem>>) {add = true}
    %dma_wait3A_113 = arith.constant 0 : i32
    %dma_wait3A_114 = arith.constant 0 : i32
    %dma_wait3A_115 = tpu.memref_slice %arg7[%dma_wait3A_113, %dma_wait3A_114] : memref<10240x128xf32, #tpu.memory_space<vmem_shared>> -> memref<10240x128xf32, #tpu.memory_space<vmem_shared>>
    tpu.wait_indirect_dma semaphore(%arg21 : memref<!tpu.dma_semaphore, #tpu.memory_space<semaphore_mem>>) src(%arg15 : memref<80x128xf32, #tpu.memory_space<vmem>>) dst(%dma_wait3A_115 : memref<10240x128xf32, #tpu.memory_space<vmem_shared>>)
    %min3A_116 = arith.constant 4 : i32
    %min3A_117 = arith.constant 124 : i32
    %min3A_118 = arith.minsi %min3A_116, %min3A_117 : i32
    %mul3A_119 = arith.constant 80 : i32
    %mul3A_120 = arith.muli %min3A_118, %mul3A_119 : i32
    %add3A_121 = arith.addi %mul3A_2, %mul3A_120 : i32
    %dma_start3A_122 = tpu.memref_slice %arg4[%add3A_121] : memref<320000xi32, #tpu.memory_space<hbm>> -> memref<80xi32, #tpu.memory_space<hbm>>
    %dma_start3A_123 = tpu.memref_slice %arg4[%add3A_121] : memref<320000xi32, #tpu.memory_space<hbm>> -> memref<80xi32, #tpu.memory_space<hbm>>
    tpu.enqueue_dma source(%dma_start3A_123 : memref<80xi32, #tpu.memory_space<hbm>>) target(%arg12 : memref<80xi32, #tpu.memory_space<vmem>>) target_semaphore(%arg27 : memref<!tpu.dma_semaphore, #tpu.memory_space<semaphore_mem>>)
    %dma_wait3A_124 = arith.constant 0 : i32
    %dma_wait3A_125 = tpu.memref_slice %arg3[%dma_wait3A_124] : memref<320000xi32, #tpu.memory_space<hbm>> -> memref<80xi32, #tpu.memory_space<hbm>>
    %dma_wait3A_126 = arith.constant 0 : i32
    %dma_wait3A_127 = tpu.memref_slice %arg3[%dma_wait3A_126] : memref<320000xi32, #tpu.memory_space<hbm>> -> memref<80xi32, #tpu.memory_space<hbm>>
    tpu.wait_dma2 semaphore(%arg24 : memref<!tpu.dma_semaphore, #tpu.memory_space<semaphore_mem>>) src(%dma_wait3A_127 : memref<80xi32, #tpu.memory_space<hbm>>) dst(%arg9 : memref<80xi32, #tpu.memory_space<vmem>>)
    %dma_start3A_128 = arith.constant 0 : i32
    %dma_start3A_129 = arith.constant 0 : i32
    %dma_start3A_130 = tpu.memref_slice %arg2[%dma_start3A_128, %dma_start3A_129] : memref<10000x128xf32, #tpu.memory_space<hbm>> -> memref<10000x128xf32, #tpu.memory_space<hbm>>
    tpu.enqueue_indirect_dma source(%dma_start3A_130 : memref<10000x128xf32, #tpu.memory_space<hbm>>) target(%arg15 : memref<80x128xf32, #tpu.memory_space<vmem>>) offsets(%arg9 : memref<80xi32, #tpu.memory_space<vmem>>) semaphore(%arg18 : memref<!tpu.dma_semaphore, #tpu.memory_space<semaphore_mem>>)
    %scan3A = arith.constant 0 : i32
    %scan3A_131 = arith.constant 1 : i32
    %scan3A_132 = arith.constant 40 : i32
    %scan3A_133 = arith.addi %scan3A_131, %scan3A_132 : i32
    %scan3A_134 = arith.constant 1 : i32
    scf.for %scan3A_174 = %scan3A_131 to %scan3A_133 step %scan3A_134  : i32 {
      %mul3A_175 = arith.constant 3 : i32
      %mul3A_176 = arith.muli %scan3A_174, %mul3A_175 : i32
      %add3A_177 = arith.constant 0 : i32
      %add3A_178 = arith.addi %mul3A_176, %add3A_177 : i32
      %dma_wait3A_179 = arith.constant 0 : i32
      %dma_wait3A_180 = arith.constant 0 : i32
      %dma_wait3A_181 = tpu.memref_slice %arg2[%dma_wait3A_179, %dma_wait3A_180] : memref<10000x128xf32, #tpu.memory_space<hbm>> -> memref<10000x128xf32, #tpu.memory_space<hbm>>
      tpu.wait_indirect_dma semaphore(%arg17 : memref<!tpu.dma_semaphore, #tpu.memory_space<semaphore_mem>>) src(%dma_wait3A_181 : memref<10000x128xf32, #tpu.memory_space<hbm>>) dst(%arg14 : memref<80x128xf32, #tpu.memory_space<vmem>>)
      %add3A_182 = arith.constant 3 : i32
      %add3A_183 = arith.addi %add3A_178, %add3A_182 : i32
      %min3A_184 = arith.constant 124 : i32
      %min3A_185 = arith.minsi %add3A_183, %min3A_184 : i32
      %mul3A_186 = arith.constant 80 : i32
      %mul3A_187 = arith.muli %min3A_185, %mul3A_186 : i32
      %add3A_188 = arith.addi %mul3A_2, %mul3A_187 : i32
      %dma_start3A_189 = tpu.memref_slice %arg3[%add3A_188] : memref<320000xi32, #tpu.memory_space<hbm>> -> memref<80xi32, #tpu.memory_space<hbm>>
      %dma_start3A_190 = tpu.memref_slice %arg3[%add3A_188] : memref<320000xi32, #tpu.memory_space<hbm>> -> memref<80xi32, #tpu.memory_space<hbm>>
      tpu.enqueue_dma source(%dma_start3A_190 : memref<80xi32, #tpu.memory_space<hbm>>) target(%arg8 : memref<80xi32, #tpu.memory_space<vmem>>) target_semaphore(%arg23 : memref<!tpu.dma_semaphore, #tpu.memory_space<semaphore_mem>>)
      %dma_wait3A_191 = arith.constant 0 : i32
      %dma_wait3A_192 = tpu.memref_slice %arg3[%dma_wait3A_191] : memref<320000xi32, #tpu.memory_space<hbm>> -> memref<80xi32, #tpu.memory_space<hbm>>
      %dma_wait3A_193 = arith.constant 0 : i32
      %dma_wait3A_194 = tpu.memref_slice %arg3[%dma_wait3A_193] : memref<320000xi32, #tpu.memory_space<hbm>> -> memref<80xi32, #tpu.memory_space<hbm>>
      tpu.wait_dma2 semaphore(%arg26 : memref<!tpu.dma_semaphore, #tpu.memory_space<semaphore_mem>>) src(%dma_wait3A_194 : memref<80xi32, #tpu.memory_space<hbm>>) dst(%arg11 : memref<80xi32, #tpu.memory_space<vmem>>)
      %dma_start3A_195 = arith.constant 0 : i32
      %dma_start3A_196 = arith.constant 0 : i32
      %dma_start3A_197 = tpu.memref_slice %arg7[%dma_start3A_195, %dma_start3A_196] : memref<10240x128xf32, #tpu.memory_space<vmem_shared>> -> memref<10240x128xf32, #tpu.memory_space<vmem_shared>>
      tpu.enqueue_indirect_dma source(%arg14 : memref<80x128xf32, #tpu.memory_space<vmem>>) target(%dma_start3A_197 : memref<10240x128xf32, #tpu.memory_space<vmem_shared>>) offsets(%arg11 : memref<80xi32, #tpu.memory_space<vmem>>) semaphore(%arg20 : memref<!tpu.dma_semaphore, #tpu.memory_space<semaphore_mem>>) {add = true}
      %dma_wait3A_198 = arith.constant 0 : i32
      %dma_wait3A_199 = arith.constant 0 : i32
      %dma_wait3A_200 = tpu.memref_slice %arg7[%dma_wait3A_198, %dma_wait3A_199] : memref<10240x128xf32, #tpu.memory_space<vmem_shared>> -> memref<10240x128xf32, #tpu.memory_space<vmem_shared>>
      tpu.wait_indirect_dma semaphore(%arg22 : memref<!tpu.dma_semaphore, #tpu.memory_space<semaphore_mem>>) src(%arg16 : memref<80x128xf32, #tpu.memory_space<vmem>>) dst(%dma_wait3A_200 : memref<10240x128xf32, #tpu.memory_space<vmem_shared>>)
      %add3A_201 = arith.constant 2 : i32
      %add3A_202 = arith.addi %add3A_178, %add3A_201 : i32
      %min3A_203 = arith.constant 124 : i32
      %min3A_204 = arith.minsi %add3A_202, %min3A_203 : i32
      %mul3A_205 = arith.constant 80 : i32
      %mul3A_206 = arith.muli %min3A_204, %mul3A_205 : i32
      %add3A_207 = arith.addi %mul3A_2, %mul3A_206 : i32
      %dma_start3A_208 = tpu.memref_slice %arg4[%add3A_207] : memref<320000xi32, #tpu.memory_space<hbm>> -> memref<80xi32, #tpu.memory_space<hbm>>
      %dma_start3A_209 = tpu.memref_slice %arg4[%add3A_207] : memref<320000xi32, #tpu.memory_space<hbm>> -> memref<80xi32, #tpu.memory_space<hbm>>
      tpu.enqueue_dma source(%dma_start3A_209 : memref<80xi32, #tpu.memory_space<hbm>>) target(%arg13 : memref<80xi32, #tpu.memory_space<vmem>>) target_semaphore(%arg28 : memref<!tpu.dma_semaphore, #tpu.memory_space<semaphore_mem>>)
      %dma_wait3A_210 = arith.constant 0 : i32
      %dma_wait3A_211 = tpu.memref_slice %arg3[%dma_wait3A_210] : memref<320000xi32, #tpu.memory_space<hbm>> -> memref<80xi32, #tpu.memory_space<hbm>>
      %dma_wait3A_212 = arith.constant 0 : i32
      %dma_wait3A_213 = tpu.memref_slice %arg3[%dma_wait3A_212] : memref<320000xi32, #tpu.memory_space<hbm>> -> memref<80xi32, #tpu.memory_space<hbm>>
      tpu.wait_dma2 semaphore(%arg25 : memref<!tpu.dma_semaphore, #tpu.memory_space<semaphore_mem>>) src(%dma_wait3A_213 : memref<80xi32, #tpu.memory_space<hbm>>) dst(%arg10 : memref<80xi32, #tpu.memory_space<vmem>>)
      %dma_start3A_214 = arith.constant 0 : i32
      %dma_start3A_215 = arith.constant 0 : i32
      %dma_start3A_216 = tpu.memref_slice %arg2[%dma_start3A_214, %dma_start3A_215] : memref<10000x128xf32, #tpu.memory_space<hbm>> -> memref<10000x128xf32, #tpu.memory_space<hbm>>
      tpu.enqueue_indirect_dma source(%dma_start3A_216 : memref<10000x128xf32, #tpu.memory_space<hbm>>) target(%arg16 : memref<80x128xf32, #tpu.memory_space<vmem>>) offsets(%arg10 : memref<80xi32, #tpu.memory_space<vmem>>) semaphore(%arg19 : memref<!tpu.dma_semaphore, #tpu.memory_space<semaphore_mem>>)
      %add3A_217 = arith.constant 1 : i32
      %add3A_218 = arith.addi %mul3A_176, %add3A_217 : i32
      %dma_wait3A_219 = arith.constant 0 : i32
      %dma_wait3A_220 = arith.constant 0 : i32
      %dma_wait3A_221 = tpu.memref_slice %arg2[%dma_wait3A_219, %dma_wait3A_220] : memref<10000x128xf32, #tpu.memory_space<hbm>> -> memref<10000x128xf32, #tpu.memory_space<hbm>>
      tpu.wait_indirect_dma semaphore(%arg18 : memref<!tpu.dma_semaphore, #tpu.memory_space<semaphore_mem>>) src(%dma_wait3A_221 : memref<10000x128xf32, #tpu.memory_space<hbm>>) dst(%arg15 : memref<80x128xf32, #tpu.memory_space<vmem>>)
      %add3A_222 = arith.constant 3 : i32
      %add3A_223 = arith.addi %add3A_218, %add3A_222 : i32
      %min3A_224 = arith.constant 124 : i32
      %min3A_225 = arith.minsi %add3A_223, %min3A_224 : i32
      %mul3A_226 = arith.constant 80 : i32
      %mul3A_227 = arith.muli %min3A_225, %mul3A_226 : i32
      %add3A_228 = arith.addi %mul3A_2, %mul3A_227 : i32
      %dma_start3A_229 = tpu.memref_slice %arg3[%add3A_228] : memref<320000xi32, #tpu.memory_space<hbm>> -> memref<80xi32, #tpu.memory_space<hbm>>
      %dma_start3A_230 = tpu.memref_slice %arg3[%add3A_228] : memref<320000xi32, #tpu.memory_space<hbm>> -> memref<80xi32, #tpu.memory_space<hbm>>
      tpu.enqueue_dma source(%dma_start3A_230 : memref<80xi32, #tpu.memory_space<hbm>>) target(%arg9 : memref<80xi32, #tpu.memory_space<vmem>>) target_semaphore(%arg24 : memref<!tpu.dma_semaphore, #tpu.memory_space<semaphore_mem>>)
      %dma_wait3A_231 = arith.constant 0 : i32
      %dma_wait3A_232 = tpu.memref_slice %arg3[%dma_wait3A_231] : memref<320000xi32, #tpu.memory_space<hbm>> -> memref<80xi32, #tpu.memory_space<hbm>>
      %dma_wait3A_233 = arith.constant 0 : i32
      %dma_wait3A_234 = tpu.memref_slice %arg3[%dma_wait3A_233] : memref<320000xi32, #tpu.memory_space<hbm>> -> memref<80xi32, #tpu.memory_space<hbm>>
      tpu.wait_dma2 semaphore(%arg27 : memref<!tpu.dma_semaphore, #tpu.memory_space<semaphore_mem>>) src(%dma_wait3A_234 : memref<80xi32, #tpu.memory_space<hbm>>) dst(%arg12 : memref<80xi32, #tpu.memory_space<vmem>>)
      %dma_start3A_235 = arith.constant 0 : i32
      %dma_start3A_236 = arith.constant 0 : i32
      %dma_start3A_237 = tpu.memref_slice %arg7[%dma_start3A_235, %dma_start3A_236] : memref<10240x128xf32, #tpu.memory_space<vmem_shared>> -> memref<10240x128xf32, #tpu.memory_space<vmem_shared>>
      tpu.enqueue_indirect_dma source(%arg15 : memref<80x128xf32, #tpu.memory_space<vmem>>) target(%dma_start3A_237 : memref<10240x128xf32, #tpu.memory_space<vmem_shared>>) offsets(%arg12 : memref<80xi32, #tpu.memory_space<vmem>>) semaphore(%arg21 : memref<!tpu.dma_semaphore, #tpu.memory_space<semaphore_mem>>) {add = true}
      %dma_wait3A_238 = arith.constant 0 : i32
      %dma_wait3A_239 = arith.constant 0 : i32
      %dma_wait3A_240 = tpu.memref_slice %arg7[%dma_wait3A_238, %dma_wait3A_239] : memref<10240x128xf32, #tpu.memory_space<vmem_shared>> -> memref<10240x128xf32, #tpu.memory_space<vmem_shared>>
      tpu.wait_indirect_dma semaphore(%arg20 : memref<!tpu.dma_semaphore, #tpu.memory_space<semaphore_mem>>) src(%arg14 : memref<80x128xf32, #tpu.memory_space<vmem>>) dst(%dma_wait3A_240 : memref<10240x128xf32, #tpu.memory_space<vmem_shared>>)
      %add3A_241 = arith.constant 2 : i32
      %add3A_242 = arith.addi %add3A_218, %add3A_241 : i32
      %min3A_243 = arith.constant 124 : i32
      %min3A_244 = arith.minsi %add3A_242, %min3A_243 : i32
      %mul3A_245 = arith.constant 80 : i32
      %mul3A_246 = arith.muli %min3A_244, %mul3A_245 : i32
      %add3A_247 = arith.addi %mul3A_2, %mul3A_246 : i32
      %dma_start3A_248 = tpu.memref_slice %arg4[%add3A_247] : memref<320000xi32, #tpu.memory_space<hbm>> -> memref<80xi32, #tpu.memory_space<hbm>>
      %dma_start3A_249 = tpu.memref_slice %arg4[%add3A_247] : memref<320000xi32, #tpu.memory_space<hbm>> -> memref<80xi32, #tpu.memory_space<hbm>>
      tpu.enqueue_dma source(%dma_start3A_249 : memref<80xi32, #tpu.memory_space<hbm>>) target(%arg11 : memref<80xi32, #tpu.memory_space<vmem>>) target_semaphore(%arg26 : memref<!tpu.dma_semaphore, #tpu.memory_space<semaphore_mem>>)
      %dma_wait3A_250 = arith.constant 0 : i32
      %dma_wait3A_251 = tpu.memref_slice %arg3[%dma_wait3A_250] : memref<320000xi32, #tpu.memory_space<hbm>> -> memref<80xi32, #tpu.memory_space<hbm>>
      %dma_wait3A_252 = arith.constant 0 : i32
      %dma_wait3A_253 = tpu.memref_slice %arg3[%dma_wait3A_252] : memref<320000xi32, #tpu.memory_space<hbm>> -> memref<80xi32, #tpu.memory_space<hbm>>
      tpu.wait_dma2 semaphore(%arg23 : memref<!tpu.dma_semaphore, #tpu.memory_space<semaphore_mem>>) src(%dma_wait3A_253 : memref<80xi32, #tpu.memory_space<hbm>>) dst(%arg8 : memref<80xi32, #tpu.memory_space<vmem>>)
      %dma_start3A_254 = arith.constant 0 : i32
      %dma_start3A_255 = arith.constant 0 : i32
      %dma_start3A_256 = tpu.memref_slice %arg2[%dma_start3A_254, %dma_start3A_255] : memref<10000x128xf32, #tpu.memory_space<hbm>> -> memref<10000x128xf32, #tpu.memory_space<hbm>>
      tpu.enqueue_indirect_dma source(%dma_start3A_256 : memref<10000x128xf32, #tpu.memory_space<hbm>>) target(%arg14 : memref<80x128xf32, #tpu.memory_space<vmem>>) offsets(%arg8 : memref<80xi32, #tpu.memory_space<vmem>>) semaphore(%arg17 : memref<!tpu.dma_semaphore, #tpu.memory_space<semaphore_mem>>)
      %add3A_257 = arith.constant 2 : i32
      %add3A_258 = arith.addi %mul3A_176, %add3A_257 : i32
      %dma_wait3A_259 = arith.constant 0 : i32
      %dma_wait3A_260 = arith.constant 0 : i32
      %dma_wait3A_261 = tpu.memref_slice %arg2[%dma_wait3A_259, %dma_wait3A_260] : memref<10000x128xf32, #tpu.memory_space<hbm>> -> memref<10000x128xf32, #tpu.memory_space<hbm>>
      tpu.wait_indirect_dma semaphore(%arg19 : memref<!tpu.dma_semaphore, #tpu.memory_space<semaphore_mem>>) src(%dma_wait3A_261 : memref<10000x128xf32, #tpu.memory_space<hbm>>) dst(%arg16 : memref<80x128xf32, #tpu.memory_space<vmem>>)
      %add3A_262 = arith.constant 3 : i32
      %add3A_263 = arith.addi %add3A_258, %add3A_262 : i32
      %min3A_264 = arith.constant 124 : i32
      %min3A_265 = arith.minsi %add3A_263, %min3A_264 : i32
      %mul3A_266 = arith.constant 80 : i32
      %mul3A_267 = arith.muli %min3A_265, %mul3A_266 : i32
      %add3A_268 = arith.addi %mul3A_2, %mul3A_267 : i32
      %dma_start3A_269 = tpu.memref_slice %arg3[%add3A_268] : memref<320000xi32, #tpu.memory_space<hbm>> -> memref<80xi32, #tpu.memory_space<hbm>>
      %dma_start3A_270 = tpu.memref_slice %arg3[%add3A_268] : memref<320000xi32, #tpu.memory_space<hbm>> -> memref<80xi32, #tpu.memory_space<hbm>>
      tpu.enqueue_dma source(%dma_start3A_270 : memref<80xi32, #tpu.memory_space<hbm>>) target(%arg10 : memref<80xi32, #tpu.memory_space<vmem>>) target_semaphore(%arg25 : memref<!tpu.dma_semaphore, #tpu.memory_space<semaphore_mem>>)
      %dma_wait3A_271 = arith.constant 0 : i32
      %dma_wait3A_272 = tpu.memref_slice %arg3[%dma_wait3A_271] : memref<320000xi32, #tpu.memory_space<hbm>> -> memref<80xi32, #tpu.memory_space<hbm>>
      %dma_wait3A_273 = arith.constant 0 : i32
      %dma_wait3A_274 = tpu.memref_slice %arg3[%dma_wait3A_273] : memref<320000xi32, #tpu.memory_space<hbm>> -> memref<80xi32, #tpu.memory_space<hbm>>
      tpu.wait_dma2 semaphore(%arg28 : memref<!tpu.dma_semaphore, #tpu.memory_space<semaphore_mem>>) src(%dma_wait3A_274 : memref<80xi32, #tpu.memory_space<hbm>>) dst(%arg13 : memref<80xi32, #tpu.memory_space<vmem>>)
      %dma_start3A_275 = arith.constant 0 : i32
      %dma_start3A_276 = arith.constant 0 : i32
      %dma_start3A_277 = tpu.memref_slice %arg7[%dma_start3A_275, %dma_start3A_276] : memref<10240x128xf32, #tpu.memory_space<vmem_shared>> -> memref<10240x128xf32, #tpu.memory_space<vmem_shared>>
      tpu.enqueue_indirect_dma source(%arg16 : memref<80x128xf32, #tpu.memory_space<vmem>>) target(%dma_start3A_277 : memref<10240x128xf32, #tpu.memory_space<vmem_shared>>) offsets(%arg13 : memref<80xi32, #tpu.memory_space<vmem>>) semaphore(%arg22 : memref<!tpu.dma_semaphore, #tpu.memory_space<semaphore_mem>>) {add = true}
      %dma_wait3A_278 = arith.constant 0 : i32
      %dma_wait3A_279 = arith.constant 0 : i32
      %dma_wait3A_280 = tpu.memref_slice %arg7[%dma_wait3A_278, %dma_wait3A_279] : memref<10240x128xf32, #tpu.memory_space<vmem_shared>> -> memref<10240x128xf32, #tpu.memory_space<vmem_shared>>
      tpu.wait_indirect_dma semaphore(%arg21 : memref<!tpu.dma_semaphore, #tpu.memory_space<semaphore_mem>>) src(%arg15 : memref<80x128xf32, #tpu.memory_space<vmem>>) dst(%dma_wait3A_280 : memref<10240x128xf32, #tpu.memory_space<vmem_shared>>)
      %add3A_281 = arith.constant 2 : i32
      %add3A_282 = arith.addi %add3A_258, %add3A_281 : i32
      %min3A_283 = arith.constant 124 : i32
      %min3A_284 = arith.minsi %add3A_282, %min3A_283 : i32
      %mul3A_285 = arith.constant 80 : i32
      %mul3A_286 = arith.muli %min3A_284, %mul3A_285 : i32
      %add3A_287 = arith.addi %mul3A_2, %mul3A_286 : i32
      %dma_start3A_288 = tpu.memref_slice %arg4[%add3A_287] : memref<320000xi32, #tpu.memory_space<hbm>> -> memref<80xi32, #tpu.memory_space<hbm>>
      %dma_start3A_289 = tpu.memref_slice %arg4[%add3A_287] : memref<320000xi32, #tpu.memory_space<hbm>> -> memref<80xi32, #tpu.memory_space<hbm>>
      tpu.enqueue_dma source(%dma_start3A_289 : memref<80xi32, #tpu.memory_space<hbm>>) target(%arg12 : memref<80xi32, #tpu.memory_space<vmem>>) target_semaphore(%arg27 : memref<!tpu.dma_semaphore, #tpu.memory_space<semaphore_mem>>)
      %dma_wait3A_290 = arith.constant 0 : i32
      %dma_wait3A_291 = tpu.memref_slice %arg3[%dma_wait3A_290] : memref<320000xi32, #tpu.memory_space<hbm>> -> memref<80xi32, #tpu.memory_space<hbm>>
      %dma_wait3A_292 = arith.constant 0 : i32
      %dma_wait3A_293 = tpu.memref_slice %arg3[%dma_wait3A_292] : memref<320000xi32, #tpu.memory_space<hbm>> -> memref<80xi32, #tpu.memory_space<hbm>>
      tpu.wait_dma2 semaphore(%arg24 : memref<!tpu.dma_semaphore, #tpu.memory_space<semaphore_mem>>) src(%dma_wait3A_293 : memref<80xi32, #tpu.memory_space<hbm>>) dst(%arg9 : memref<80xi32, #tpu.memory_space<vmem>>)
      %dma_start3A_294 = arith.constant 0 : i32
      %dma_start3A_295 = arith.constant 0 : i32
      %dma_start3A_296 = tpu.memref_slice %arg2[%dma_start3A_294, %dma_start3A_295] : memref<10000x128xf32, #tpu.memory_space<hbm>> -> memref<10000x128xf32, #tpu.memory_space<hbm>>
      tpu.enqueue_indirect_dma source(%dma_start3A_296 : memref<10000x128xf32, #tpu.memory_space<hbm>>) target(%arg15 : memref<80x128xf32, #tpu.memory_space<vmem>>) offsets(%arg9 : memref<80xi32, #tpu.memory_space<vmem>>) semaphore(%arg18 : memref<!tpu.dma_semaphore, #tpu.memory_space<semaphore_mem>>)
    }
    %scan3A_135 = arith.constant 40 : i32
    %dma_wait3A_136 = arith.constant 0 : i32
    %dma_wait3A_137 = arith.constant 0 : i32
    %dma_wait3A_138 = tpu.memref_slice %arg2[%dma_wait3A_136, %dma_wait3A_137] : memref<10000x128xf32, #tpu.memory_space<hbm>> -> memref<10000x128xf32, #tpu.memory_space<hbm>>
    tpu.wait_indirect_dma semaphore(%arg17 : memref<!tpu.dma_semaphore, #tpu.memory_space<semaphore_mem>>) src(%dma_wait3A_138 : memref<10000x128xf32, #tpu.memory_space<hbm>>) dst(%arg14 : memref<80x128xf32, #tpu.memory_space<vmem>>)
    %dma_wait3A_139 = arith.constant 0 : i32
    %dma_wait3A_140 = tpu.memref_slice %arg3[%dma_wait3A_139] : memref<320000xi32, #tpu.memory_space<hbm>> -> memref<80xi32, #tpu.memory_space<hbm>>
    %dma_wait3A_141 = arith.constant 0 : i32
    %dma_wait3A_142 = tpu.memref_slice %arg3[%dma_wait3A_141] : memref<320000xi32, #tpu.memory_space<hbm>> -> memref<80xi32, #tpu.memory_space<hbm>>
    tpu.wait_dma2 semaphore(%arg26 : memref<!tpu.dma_semaphore, #tpu.memory_space<semaphore_mem>>) src(%dma_wait3A_142 : memref<80xi32, #tpu.memory_space<hbm>>) dst(%arg11 : memref<80xi32, #tpu.memory_space<vmem>>)
    %dma_start3A_143 = arith.constant 0 : i32
    %dma_start3A_144 = arith.constant 0 : i32
    %dma_start3A_145 = tpu.memref_slice %arg7[%dma_start3A_143, %dma_start3A_144] : memref<10240x128xf32, #tpu.memory_space<vmem_shared>> -> memref<10240x128xf32, #tpu.memory_space<vmem_shared>>
    tpu.enqueue_indirect_dma source(%arg14 : memref<80x128xf32, #tpu.memory_space<vmem>>) target(%dma_start3A_145 : memref<10240x128xf32, #tpu.memory_space<vmem_shared>>) offsets(%arg11 : memref<80xi32, #tpu.memory_space<vmem>>) semaphore(%arg20 : memref<!tpu.dma_semaphore, #tpu.memory_space<semaphore_mem>>) {add = true}
    %dma_wait3A_146 = arith.constant 0 : i32
    %dma_wait3A_147 = arith.constant 0 : i32
    %dma_wait3A_148 = tpu.memref_slice %arg7[%dma_wait3A_146, %dma_wait3A_147] : memref<10240x128xf32, #tpu.memory_space<vmem_shared>> -> memref<10240x128xf32, #tpu.memory_space<vmem_shared>>
    tpu.wait_indirect_dma semaphore(%arg22 : memref<!tpu.dma_semaphore, #tpu.memory_space<semaphore_mem>>) src(%arg16 : memref<80x128xf32, #tpu.memory_space<vmem>>) dst(%dma_wait3A_148 : memref<10240x128xf32, #tpu.memory_space<vmem_shared>>)
    %dma_wait3A_149 = arith.constant 0 : i32
    %dma_wait3A_150 = arith.constant 0 : i32
    %dma_wait3A_151 = tpu.memref_slice %arg2[%dma_wait3A_149, %dma_wait3A_150] : memref<10000x128xf32, #tpu.memory_space<hbm>> -> memref<10000x128xf32, #tpu.memory_space<hbm>>
    tpu.wait_indirect_dma semaphore(%arg18 : memref<!tpu.dma_semaphore, #tpu.memory_space<semaphore_mem>>) src(%dma_wait3A_151 : memref<10000x128xf32, #tpu.memory_space<hbm>>) dst(%arg15 : memref<80x128xf32, #tpu.memory_space<vmem>>)
    %dma_wait3A_152 = arith.constant 0 : i32
    %dma_wait3A_153 = tpu.memref_slice %arg3[%dma_wait3A_152] : memref<320000xi32, #tpu.memory_space<hbm>> -> memref<80xi32, #tpu.memory_space<hbm>>
    %dma_wait3A_154 = arith.constant 0 : i32
    %dma_wait3A_155 = tpu.memref_slice %arg3[%dma_wait3A_154] : memref<320000xi32, #tpu.memory_space<hbm>> -> memref<80xi32, #tpu.memory_space<hbm>>
    tpu.wait_dma2 semaphore(%arg27 : memref<!tpu.dma_semaphore, #tpu.memory_space<semaphore_mem>>) src(%dma_wait3A_155 : memref<80xi32, #tpu.memory_space<hbm>>) dst(%arg12 : memref<80xi32, #tpu.memory_space<vmem>>)
    %dma_start3A_156 = arith.constant 0 : i32
    %dma_start3A_157 = arith.constant 0 : i32
    %dma_start3A_158 = tpu.memref_slice %arg7[%dma_start3A_156, %dma_start3A_157] : memref<10240x128xf32, #tpu.memory_space<vmem_shared>> -> memref<10240x128xf32, #tpu.memory_space<vmem_shared>>
    tpu.enqueue_indirect_dma source(%arg15 : memref<80x128xf32, #tpu.memory_space<vmem>>) target(%dma_start3A_158 : memref<10240x128xf32, #tpu.memory_space<vmem_shared>>) offsets(%arg12 : memref<80xi32, #tpu.memory_space<vmem>>) semaphore(%arg21 : memref<!tpu.dma_semaphore, #tpu.memory_space<semaphore_mem>>) {add = true}
    %dma_wait3A_159 = arith.constant 0 : i32
    %dma_wait3A_160 = arith.constant 0 : i32
    %dma_wait3A_161 = tpu.memref_slice %arg7[%dma_wait3A_159, %dma_wait3A_160] : memref<10240x128xf32, #tpu.memory_space<vmem_shared>> -> memref<10240x128xf32, #tpu.memory_space<vmem_shared>>
    tpu.wait_indirect_dma semaphore(%arg20 : memref<!tpu.dma_semaphore, #tpu.memory_space<semaphore_mem>>) src(%arg14 : memref<80x128xf32, #tpu.memory_space<vmem>>) dst(%dma_wait3A_161 : memref<10240x128xf32, #tpu.memory_space<vmem_shared>>)
    %dma_wait3A_162 = arith.constant 0 : i32
    %dma_wait3A_163 = arith.constant 0 : i32
    %dma_wait3A_164 = tpu.memref_slice %arg7[%dma_wait3A_162, %dma_wait3A_163] : memref<10240x128xf32, #tpu.memory_space<vmem_shared>> -> memref<10240x128xf32, #tpu.memory_space<vmem_shared>>
    tpu.wait_indirect_dma semaphore(%arg21 : memref<!tpu.dma_semaphore, #tpu.memory_space<semaphore_mem>>) src(%arg15 : memref<80x128xf32, #tpu.memory_space<vmem>>) dst(%dma_wait3A_164 : memref<10240x128xf32, #tpu.memory_space<vmem_shared>>)
    %dma_wait3A_165 = arith.constant 0 : i32
    %dma_wait3A_166 = tpu.memref_slice %arg3[%dma_wait3A_165] : memref<320000xi32, #tpu.memory_space<hbm>> -> memref<80xi32, #tpu.memory_space<hbm>>
    %dma_wait3A_167 = arith.constant 0 : i32
    %dma_wait3A_168 = tpu.memref_slice %arg3[%dma_wait3A_167] : memref<320000xi32, #tpu.memory_space<hbm>> -> memref<80xi32, #tpu.memory_space<hbm>>
    tpu.wait_dma2 semaphore(%arg25 : memref<!tpu.dma_semaphore, #tpu.memory_space<semaphore_mem>>) src(%dma_wait3A_168 : memref<80xi32, #tpu.memory_space<hbm>>) dst(%arg10 : memref<80xi32, #tpu.memory_space<vmem>>)
    %barrier3A_169 = arith.constant 0 : index
    tpu.barrier barrier_id(%barrier3A_169)
    %mul3A_170 = arith.constant 640 : i32
    %mul3A_171 = arith.muli %arg1, %mul3A_170 : i32
    %mul3A_172 = arith.constant 640 : i32
    %mul3A_173 = arith.muli %arg1, %mul3A_172 : i32
    "tpu.region"() ({
      %run_scoped3A = tpu.sem_alloc : memref<!tpu.dma_semaphore, #tpu.memory_space<semaphore_mem>>
      %dma_start3A_174 = arith.constant 0 : i32
      %dma_start3A_175 = tpu.memref_slice %arg6[%arg0, %mul3A_173, %dma_start3A_174] : memref<2x10240x128xf32, #tpu.memory_space<hbm>> -> memref<1x640x128xf32, #tpu.memory_space<hbm>>
      %dma_start3A_176 = tpu.memref_squeeze %dma_start3A_175 : memref<1x640x128xf32, #tpu.memory_space<hbm>> -> memref<640x128xf32, #tpu.memory_space<hbm>>
      %dma_start3A_177 = arith.constant 0 : i32
      %dma_start3A_178 = tpu.memref_slice %arg7[%mul3A_171, %dma_start3A_177] : memref<10240x128xf32, #tpu.memory_space<vmem_shared>> -> memref<640x128xf32, #tpu.memory_space<vmem_shared>>
      tpu.enqueue_dma source(%dma_start3A_178 : memref<640x128xf32, #tpu.memory_space<vmem_shared>>) target(%dma_start3A_176 : memref<640x128xf32, #tpu.memory_space<hbm>>) target_semaphore(%run_scoped3A : memref<!tpu.dma_semaphore, #tpu.memory_space<semaphore_mem>>)
      %dma_wait3A_179 = arith.constant 0 : i32
      %dma_wait3A_180 = tpu.memref_slice %arg6[%arg0, %mul3A_173, %dma_wait3A_179] : memref<2x10240x128xf32, #tpu.memory_space<hbm>> -> memref<1x640x128xf32, #tpu.memory_space<hbm>>
      %dma_wait3A_181 = tpu.memref_squeeze %dma_wait3A_180 : memref<1x640x128xf32, #tpu.memory_space<hbm>> -> memref<640x128xf32, #tpu.memory_space<hbm>>
      %dma_wait3A_182 = arith.constant 0 : i32
      %dma_wait3A_183 = tpu.memref_slice %arg7[%mul3A_171, %dma_wait3A_182] : memref<10240x128xf32, #tpu.memory_space<vmem_shared>> -> memref<640x128xf32, #tpu.memory_space<vmem_shared>>
      tpu.wait_dma2 semaphore(%run_scoped3A : memref<!tpu.dma_semaphore, #tpu.memory_space<semaphore_mem>>) src(%dma_wait3A_183 : memref<640x128xf32, #tpu.memory_space<vmem_shared>>) dst(%dma_wait3A_181 : memref<640x128xf32, #tpu.memory_space<hbm>>)
      tpu.yield
    }) : () -> ()
    return
  }
}

#map = affine_map<(d0, d1) -> (0, 0)>
#map1 = affine_map<(d0, d1) -> (0)>
#map2 = affine_map<(d0, d1) -> (0, 0, 0)>
module attributes {stable_mosaic.version = 14 : i64} {
  func.func @_agg_sc(%arg0: i32, %arg1: i32, %arg2: memref<10000x128xf32, #tpu.memory_space<hbm>>, %arg3: memref<320000xi32, #tpu.memory_space<hbm>>, %arg4: memref<320000xi32, #tpu.memory_space<hbm>>, %arg5: memref<10240x128xf32, #tpu.memory_space<hbm>>, %arg6: memref<2x10240x128xf32, #tpu.memory_space<hbm>>, %arg7: memref<10240x128xf32, #tpu.memory_space<vmem_shared>>, %arg8: memref<80xi32, #tpu.memory_space<vmem>>, %arg9: memref<80xi32, #tpu.memory_space<vmem>>, %arg10: memref<80xi32, #tpu.memory_space<vmem>>, %arg11: memref<80xi32, #tpu.memory_space<vmem>>, %arg12: memref<80xi32, #tpu.memory_space<vmem>>, %arg13: memref<80xi32, #tpu.memory_space<vmem>>, %arg14: memref<80x128xf32, #tpu.memory_space<vmem>>, %arg15: memref<80x128xf32, #tpu.memory_space<vmem>>, %arg16: memref<80x128xf32, #tpu.memory_space<vmem>>, %arg17: memref<!tpu.dma_semaphore, #tpu.memory_space<semaphore_mem>>, %arg18: memref<!tpu.dma_semaphore, #tpu.memory_space<semaphore_mem>>, %arg19: memref<!tpu.dma_semaphore, #tpu.memory_space<semaphore_mem>>, %arg20: memref<!tpu.dma_semaphore, #tpu.memory_space<semaphore_mem>>, %arg21: memref<!tpu.dma_semaphore, #tpu.memory_space<semaphore_mem>>, %arg22: memref<!tpu.dma_semaphore, #tpu.memory_space<semaphore_mem>>, %arg23: memref<!tpu.dma_semaphore, #tpu.memory_space<semaphore_mem>>, %arg24: memref<!tpu.dma_semaphore, #tpu.memory_space<semaphore_mem>>, %arg25: memref<!tpu.dma_semaphore, #tpu.memory_space<semaphore_mem>>, %arg26: memref<!tpu.dma_semaphore, #tpu.memory_space<semaphore_mem>>, %arg27: memref<!tpu.dma_semaphore, #tpu.memory_space<semaphore_mem>>, %arg28: memref<!tpu.dma_semaphore, #tpu.memory_space<semaphore_mem>>) attributes {dimension_semantics = [#tpu.dimension_semantics<core_parallel>, #tpu.dimension_semantics<subcore_parallel>], iteration_bounds = array<i64: 2, 16>, scalar_prefetch = 0 : i64, scratch_operands = 22 : i64, tpu.core_type = #tpu.core_type<sc_vector_subcore>, window_params = [{transform_indices = #map}, {transform_indices = #map1}, {transform_indices = #map1}, {transform_indices = #map}, {transform_indices = #map2}]} {
    %mul3A = arith.constant 2 : i32
    %mul3A_0 = arith.muli %arg1, %mul3A : i32
    %add3A = arith.addi %mul3A_0, %arg0 : i32
    %mul3A_1 = arith.constant 10000 : i32
    %mul3A_2 = arith.muli %add3A, %mul3A_1 : i32
    %mul3A_3 = arith.constant 640 : i32
    %mul3A_4 = arith.muli %arg1, %mul3A_3 : i32
    %mul3A_5 = arith.constant 640 : i32
    %mul3A_6 = arith.muli %arg1, %mul3A_5 : i32
    "tpu.region"() ({
      %run_scoped3A = tpu.sem_alloc : memref<!tpu.dma_semaphore, #tpu.memory_space<semaphore_mem>>
      %dma_start3A_174 = arith.constant 0 : i32
      %dma_start3A_175 = tpu.memref_slice %arg7[%mul3A_6, %dma_start3A_174] : memref<10240x128xf32, #tpu.memory_space<vmem_shared>> -> memref<640x128xf32, #tpu.memory_space<vmem_shared>>
      %dma_start3A_176 = arith.constant 0 : i32
      %dma_start3A_177 = tpu.memref_slice %arg5[%mul3A_4, %dma_start3A_176] : memref<10240x128xf32, #tpu.memory_space<hbm>> -> memref<640x128xf32, #tpu.memory_space<hbm>>
      tpu.enqueue_dma source(%dma_start3A_177 : memref<640x128xf32, #tpu.memory_space<hbm>>) target(%dma_start3A_175 : memref<640x128xf32, #tpu.memory_space<vmem_shared>>) target_semaphore(%run_scoped3A : memref<!tpu.dma_semaphore, #tpu.memory_space<semaphore_mem>>)
      %dma_wait3A_178 = arith.constant 0 : i32
      %dma_wait3A_179 = tpu.memref_slice %arg7[%mul3A_6, %dma_wait3A_178] : memref<10240x128xf32, #tpu.memory_space<vmem_shared>> -> memref<640x128xf32, #tpu.memory_space<vmem_shared>>
      %dma_wait3A_180 = arith.constant 0 : i32
      %dma_wait3A_181 = tpu.memref_slice %arg5[%mul3A_4, %dma_wait3A_180] : memref<10240x128xf32, #tpu.memory_space<hbm>> -> memref<640x128xf32, #tpu.memory_space<hbm>>
      tpu.wait_dma2 semaphore(%run_scoped3A : memref<!tpu.dma_semaphore, #tpu.memory_space<semaphore_mem>>) src(%dma_wait3A_181 : memref<640x128xf32, #tpu.memory_space<hbm>>) dst(%dma_wait3A_179 : memref<640x128xf32, #tpu.memory_space<vmem_shared>>)
      tpu.yield
    }) : () -> ()
    %barrier3A = arith.constant 0 : index
    tpu.barrier barrier_id(%barrier3A)
    %add3A_7 = arith.constant 0 : i32
    %add3A_8 = arith.addi %mul3A_2, %add3A_7 : i32
    "tpu.region"() ({
      %run_scoped3A = tpu.sem_alloc : memref<!tpu.dma_semaphore, #tpu.memory_space<semaphore_mem>>
      %dma_start3A_174 = tpu.memref_slice %arg3[%add3A_8] : memref<320000xi32, #tpu.memory_space<hbm>> -> memref<80xi32, #tpu.memory_space<hbm>>
      %dma_start3A_175 = tpu.memref_slice %arg3[%add3A_8] : memref<320000xi32, #tpu.memory_space<hbm>> -> memref<80xi32, #tpu.memory_space<hbm>>
      tpu.enqueue_dma source(%dma_start3A_175 : memref<80xi32, #tpu.memory_space<hbm>>) target(%arg8 : memref<80xi32, #tpu.memory_space<vmem>>) target_semaphore(%run_scoped3A : memref<!tpu.dma_semaphore, #tpu.memory_space<semaphore_mem>>)
      %dma_wait3A_176 = tpu.memref_slice %arg3[%add3A_8] : memref<320000xi32, #tpu.memory_space<hbm>> -> memref<80xi32, #tpu.memory_space<hbm>>
      %dma_wait3A_177 = tpu.memref_slice %arg3[%add3A_8] : memref<320000xi32, #tpu.memory_space<hbm>> -> memref<80xi32, #tpu.memory_space<hbm>>
      tpu.wait_dma2 semaphore(%run_scoped3A : memref<!tpu.dma_semaphore, #tpu.memory_space<semaphore_mem>>) src(%dma_wait3A_177 : memref<80xi32, #tpu.memory_space<hbm>>) dst(%arg8 : memref<80xi32, #tpu.memory_space<vmem>>)
      tpu.yield
    }) : () -> ()
    %add3A_9 = arith.constant 0 : i32
    %add3A_10 = arith.addi %mul3A_2, %add3A_9 : i32
    %dma_start3A = tpu.memref_slice %arg4[%add3A_10] : memref<320000xi32, #tpu.memory_space<hbm>> -> memref<80xi32, #tpu.memory_space<hbm>>
    %dma_start3A_11 = tpu.memref_slice %arg4[%add3A_10] : memref<320000xi32, #tpu.memory_space<hbm>> -> memref<80xi32, #tpu.memory_space<hbm>>
    tpu.enqueue_dma source(%dma_start3A_11 : memref<80xi32, #tpu.memory_space<hbm>>) target(%arg11 : memref<80xi32, #tpu.memory_space<vmem>>) target_semaphore(%arg26 : memref<!tpu.dma_semaphore, #tpu.memory_space<semaphore_mem>>)
    %dma_start3A_12 = arith.constant 0 : i32
    %dma_start3A_13 = arith.constant 0 : i32
    %dma_start3A_14 = tpu.memref_slice %arg2[%dma_start3A_12, %dma_start3A_13] : memref<10000x128xf32, #tpu.memory_space<hbm>> -> memref<10000x128xf32, #tpu.memory_space<hbm>>
    tpu.enqueue_indirect_dma source(%dma_start3A_14 : memref<10000x128xf32, #tpu.memory_space<hbm>>) target(%arg14 : memref<80x128xf32, #tpu.memory_space<vmem>>) offsets(%arg8 : memref<80xi32, #tpu.memory_space<vmem>>) semaphore(%arg17 : memref<!tpu.dma_semaphore, #tpu.memory_space<semaphore_mem>>)
    %add3A_15 = arith.constant 80 : i32
    %add3A_16 = arith.addi %mul3A_2, %add3A_15 : i32
    "tpu.region"() ({
      %run_scoped3A = tpu.sem_alloc : memref<!tpu.dma_semaphore, #tpu.memory_space<semaphore_mem>>
      %dma_start3A_174 = tpu.memref_slice %arg3[%add3A_16] : memref<320000xi32, #tpu.memory_space<hbm>> -> memref<80xi32, #tpu.memory_space<hbm>>
      %dma_start3A_175 = tpu.memref_slice %arg3[%add3A_16] : memref<320000xi32, #tpu.memory_space<hbm>> -> memref<80xi32, #tpu.memory_space<hbm>>
      tpu.enqueue_dma source(%dma_start3A_175 : memref<80xi32, #tpu.memory_space<hbm>>) target(%arg9 : memref<80xi32, #tpu.memory_space<vmem>>) target_semaphore(%run_scoped3A : memref<!tpu.dma_semaphore, #tpu.memory_space<semaphore_mem>>)
      %dma_wait3A_176 = tpu.memref_slice %arg3[%add3A_16] : memref<320000xi32, #tpu.memory_space<hbm>> -> memref<80xi32, #tpu.memory_space<hbm>>
      %dma_wait3A_177 = tpu.memref_slice %arg3[%add3A_16] : memref<320000xi32, #tpu.memory_space<hbm>> -> memref<80xi32, #tpu.memory_space<hbm>>
      tpu.wait_dma2 semaphore(%run_scoped3A : memref<!tpu.dma_semaphore, #tpu.memory_space<semaphore_mem>>) src(%dma_wait3A_177 : memref<80xi32, #tpu.memory_space<hbm>>) dst(%arg9 : memref<80xi32, #tpu.memory_space<vmem>>)
      tpu.yield
    }) : () -> ()
    %add3A_17 = arith.constant 80 : i32
    %add3A_18 = arith.addi %mul3A_2, %add3A_17 : i32
    %dma_start3A_19 = tpu.memref_slice %arg4[%add3A_18] : memref<320000xi32, #tpu.memory_space<hbm>> -> memref<80xi32, #tpu.memory_space<hbm>>
    %dma_start3A_20 = tpu.memref_slice %arg4[%add3A_18] : memref<320000xi32, #tpu.memory_space<hbm>> -> memref<80xi32, #tpu.memory_space<hbm>>
    tpu.enqueue_dma source(%dma_start3A_20 : memref<80xi32, #tpu.memory_space<hbm>>) target(%arg12 : memref<80xi32, #tpu.memory_space<vmem>>) target_semaphore(%arg27 : memref<!tpu.dma_semaphore, #tpu.memory_space<semaphore_mem>>)
    %dma_start3A_21 = arith.constant 0 : i32
    %dma_start3A_22 = arith.constant 0 : i32
    %dma_start3A_23 = tpu.memref_slice %arg2[%dma_start3A_21, %dma_start3A_22] : memref<10000x128xf32, #tpu.memory_space<hbm>> -> memref<10000x128xf32, #tpu.memory_space<hbm>>
    tpu.enqueue_indirect_dma source(%dma_start3A_23 : memref<10000x128xf32, #tpu.memory_space<hbm>>) target(%arg15 : memref<80x128xf32, #tpu.memory_space<vmem>>) offsets(%arg9 : memref<80xi32, #tpu.memory_space<vmem>>) semaphore(%arg18 : memref<!tpu.dma_semaphore, #tpu.memory_space<semaphore_mem>>)
    %add3A_24 = arith.constant 160 : i32
    %add3A_25 = arith.addi %mul3A_2, %add3A_24 : i32
    %dma_start3A_26 = tpu.memref_slice %arg3[%add3A_25] : memref<320000xi32, #tpu.memory_space<hbm>> -> memref<80xi32, #tpu.memory_space<hbm>>
    %dma_start3A_27 = tpu.memref_slice %arg3[%add3A_25] : memref<320000xi32, #tpu.memory_space<hbm>> -> memref<80xi32, #tpu.memory_space<hbm>>
    tpu.enqueue_dma source(%dma_start3A_27 : memref<80xi32, #tpu.memory_space<hbm>>) target(%arg10 : memref<80xi32, #tpu.memory_space<vmem>>) target_semaphore(%arg25 : memref<!tpu.dma_semaphore, #tpu.memory_space<semaphore_mem>>)
    %dma_wait3A = arith.constant 0 : i32
    %dma_wait3A_28 = arith.constant 0 : i32
    %dma_wait3A_29 = tpu.memref_slice %arg2[%dma_wait3A, %dma_wait3A_28] : memref<10000x128xf32, #tpu.memory_space<hbm>> -> memref<10000x128xf32, #tpu.memory_space<hbm>>
    tpu.wait_indirect_dma semaphore(%arg17 : memref<!tpu.dma_semaphore, #tpu.memory_space<semaphore_mem>>) src(%dma_wait3A_29 : memref<10000x128xf32, #tpu.memory_space<hbm>>) dst(%arg14 : memref<80x128xf32, #tpu.memory_space<vmem>>)
    %min3A = arith.constant 3 : i32
    %min3A_30 = arith.constant 124 : i32
    %min3A_31 = arith.minsi %min3A, %min3A_30 : i32
    %mul3A_32 = arith.constant 80 : i32
    %mul3A_33 = arith.muli %min3A_31, %mul3A_32 : i32
    %add3A_34 = arith.addi %mul3A_2, %mul3A_33 : i32
    %dma_start3A_35 = tpu.memref_slice %arg3[%add3A_34] : memref<320000xi32, #tpu.memory_space<hbm>> -> memref<80xi32, #tpu.memory_space<hbm>>
    %dma_start3A_36 = tpu.memref_slice %arg3[%add3A_34] : memref<320000xi32, #tpu.memory_space<hbm>> -> memref<80xi32, #tpu.memory_space<hbm>>
    tpu.enqueue_dma source(%dma_start3A_36 : memref<80xi32, #tpu.memory_space<hbm>>) target(%arg8 : memref<80xi32, #tpu.memory_space<vmem>>) target_semaphore(%arg23 : memref<!tpu.dma_semaphore, #tpu.memory_space<semaphore_mem>>)
    %dma_wait3A_37 = arith.constant 0 : i32
    %dma_wait3A_38 = tpu.memref_slice %arg3[%dma_wait3A_37] : memref<320000xi32, #tpu.memory_space<hbm>> -> memref<80xi32, #tpu.memory_space<hbm>>
    %dma_wait3A_39 = arith.constant 0 : i32
    %dma_wait3A_40 = tpu.memref_slice %arg3[%dma_wait3A_39] : memref<320000xi32, #tpu.memory_space<hbm>> -> memref<80xi32, #tpu.memory_space<hbm>>
    tpu.wait_dma2 semaphore(%arg26 : memref<!tpu.dma_semaphore, #tpu.memory_space<semaphore_mem>>) src(%dma_wait3A_40 : memref<80xi32, #tpu.memory_space<hbm>>) dst(%arg11 : memref<80xi32, #tpu.memory_space<vmem>>)
    %dma_start3A_41 = arith.constant 0 : i32
    %dma_start3A_42 = arith.constant 0 : i32
    %dma_start3A_43 = tpu.memref_slice %arg7[%dma_start3A_41, %dma_start3A_42] : memref<10240x128xf32, #tpu.memory_space<vmem_shared>> -> memref<10240x128xf32, #tpu.memory_space<vmem_shared>>
    tpu.enqueue_indirect_dma source(%arg14 : memref<80x128xf32, #tpu.memory_space<vmem>>) target(%dma_start3A_43 : memref<10240x128xf32, #tpu.memory_space<vmem_shared>>) offsets(%arg11 : memref<80xi32, #tpu.memory_space<vmem>>) semaphore(%arg20 : memref<!tpu.dma_semaphore, #tpu.memory_space<semaphore_mem>>) {add = true}
    %min3A_44 = arith.constant 2 : i32
    %min3A_45 = arith.constant 124 : i32
    %min3A_46 = arith.minsi %min3A_44, %min3A_45 : i32
    %mul3A_47 = arith.constant 80 : i32
    %mul3A_48 = arith.muli %min3A_46, %mul3A_47 : i32
    %add3A_49 = arith.addi %mul3A_2, %mul3A_48 : i32
    %dma_start3A_50 = tpu.memref_slice %arg4[%add3A_49] : memref<320000xi32, #tpu.memory_space<hbm>> -> memref<80xi32, #tpu.memory_space<hbm>>
    %dma_start3A_51 = tpu.memref_slice %arg4[%add3A_49] : memref<320000xi32, #tpu.memory_space<hbm>> -> memref<80xi32, #tpu.memory_space<hbm>>
    tpu.enqueue_dma source(%dma_start3A_51 : memref<80xi32, #tpu.memory_space<hbm>>) target(%arg13 : memref<80xi32, #tpu.memory_space<vmem>>) target_semaphore(%arg28 : memref<!tpu.dma_semaphore, #tpu.memory_space<semaphore_mem>>)
    %dma_wait3A_52 = arith.constant 0 : i32
    %dma_wait3A_53 = tpu.memref_slice %arg3[%dma_wait3A_52] : memref<320000xi32, #tpu.memory_space<hbm>> -> memref<80xi32, #tpu.memory_space<hbm>>
    %dma_wait3A_54 = arith.constant 0 : i32
    %dma_wait3A_55 = tpu.memref_slice %arg3[%dma_wait3A_54] : memref<320000xi32, #tpu.memory_space<hbm>> -> memref<80xi32, #tpu.memory_space<hbm>>
    tpu.wait_dma2 semaphore(%arg25 : memref<!tpu.dma_semaphore, #tpu.memory_space<semaphore_mem>>) src(%dma_wait3A_55 : memref<80xi32, #tpu.memory_space<hbm>>) dst(%arg10 : memref<80xi32, #tpu.memory_space<vmem>>)
    %dma_start3A_56 = arith.constant 0 : i32
    %dma_start3A_57 = arith.constant 0 : i32
    %dma_start3A_58 = tpu.memref_slice %arg2[%dma_start3A_56, %dma_start3A_57] : memref<10000x128xf32, #tpu.memory_space<hbm>> -> memref<10000x128xf32, #tpu.memory_space<hbm>>
    tpu.enqueue_indirect_dma source(%dma_start3A_58 : memref<10000x128xf32, #tpu.memory_space<hbm>>) target(%arg16 : memref<80x128xf32, #tpu.memory_space<vmem>>) offsets(%arg10 : memref<80xi32, #tpu.memory_space<vmem>>) semaphore(%arg19 : memref<!tpu.dma_semaphore, #tpu.memory_space<semaphore_mem>>)
    %dma_wait3A_59 = arith.constant 0 : i32
    %dma_wait3A_60 = arith.constant 0 : i32
    %dma_wait3A_61 = tpu.memref_slice %arg2[%dma_wait3A_59, %dma_wait3A_60] : memref<10000x128xf32, #tpu.memory_space<hbm>> -> memref<10000x128xf32, #tpu.memory_space<hbm>>
    tpu.wait_indirect_dma semaphore(%arg18 : memref<!tpu.dma_semaphore, #tpu.memory_space<semaphore_mem>>) src(%dma_wait3A_61 : memref<10000x128xf32, #tpu.memory_space<hbm>>) dst(%arg15 : memref<80x128xf32, #tpu.memory_space<vmem>>)
    %min3A_62 = arith.constant 4 : i32
    %min3A_63 = arith.constant 124 : i32
    %min3A_64 = arith.minsi %min3A_62, %min3A_63 : i32
    %mul3A_65 = arith.constant 80 : i32
    %mul3A_66 = arith.muli %min3A_64, %mul3A_65 : i32
    %add3A_67 = arith.addi %mul3A_2, %mul3A_66 : i32
    %dma_start3A_68 = tpu.memref_slice %arg3[%add3A_67] : memref<320000xi32, #tpu.memory_space<hbm>> -> memref<80xi32, #tpu.memory_space<hbm>>
    %dma_start3A_69 = tpu.memref_slice %arg3[%add3A_67] : memref<320000xi32, #tpu.memory_space<hbm>> -> memref<80xi32, #tpu.memory_space<hbm>>
    tpu.enqueue_dma source(%dma_start3A_69 : memref<80xi32, #tpu.memory_space<hbm>>) target(%arg9 : memref<80xi32, #tpu.memory_space<vmem>>) target_semaphore(%arg24 : memref<!tpu.dma_semaphore, #tpu.memory_space<semaphore_mem>>)
    %dma_wait3A_70 = arith.constant 0 : i32
    %dma_wait3A_71 = tpu.memref_slice %arg3[%dma_wait3A_70] : memref<320000xi32, #tpu.memory_space<hbm>> -> memref<80xi32, #tpu.memory_space<hbm>>
    %dma_wait3A_72 = arith.constant 0 : i32
    %dma_wait3A_73 = tpu.memref_slice %arg3[%dma_wait3A_72] : memref<320000xi32, #tpu.memory_space<hbm>> -> memref<80xi32, #tpu.memory_space<hbm>>
    tpu.wait_dma2 semaphore(%arg27 : memref<!tpu.dma_semaphore, #tpu.memory_space<semaphore_mem>>) src(%dma_wait3A_73 : memref<80xi32, #tpu.memory_space<hbm>>) dst(%arg12 : memref<80xi32, #tpu.memory_space<vmem>>)
    %dma_start3A_74 = arith.constant 0 : i32
    %dma_start3A_75 = arith.constant 0 : i32
    %dma_start3A_76 = tpu.memref_slice %arg7[%dma_start3A_74, %dma_start3A_75] : memref<10240x128xf32, #tpu.memory_space<vmem_shared>> -> memref<10240x128xf32, #tpu.memory_space<vmem_shared>>
    tpu.enqueue_indirect_dma source(%arg15 : memref<80x128xf32, #tpu.memory_space<vmem>>) target(%dma_start3A_76 : memref<10240x128xf32, #tpu.memory_space<vmem_shared>>) offsets(%arg12 : memref<80xi32, #tpu.memory_space<vmem>>) semaphore(%arg21 : memref<!tpu.dma_semaphore, #tpu.memory_space<semaphore_mem>>) {add = true}
    %dma_wait3A_77 = arith.constant 0 : i32
    %dma_wait3A_78 = arith.constant 0 : i32
    %dma_wait3A_79 = tpu.memref_slice %arg7[%dma_wait3A_77, %dma_wait3A_78] : memref<10240x128xf32, #tpu.memory_space<vmem_shared>> -> memref<10240x128xf32, #tpu.memory_space<vmem_shared>>
    tpu.wait_indirect_dma semaphore(%arg20 : memref<!tpu.dma_semaphore, #tpu.memory_space<semaphore_mem>>) src(%arg14 : memref<80x128xf32, #tpu.memory_space<vmem>>) dst(%dma_wait3A_79 : memref<10240x128xf32, #tpu.memory_space<vmem_shared>>)
    %min3A_80 = arith.constant 3 : i32
    %min3A_81 = arith.constant 124 : i32
    %min3A_82 = arith.minsi %min3A_80, %min3A_81 : i32
    %mul3A_83 = arith.constant 80 : i32
    %mul3A_84 = arith.muli %min3A_82, %mul3A_83 : i32
    %add3A_85 = arith.addi %mul3A_2, %mul3A_84 : i32
    %dma_start3A_86 = tpu.memref_slice %arg4[%add3A_85] : memref<320000xi32, #tpu.memory_space<hbm>> -> memref<80xi32, #tpu.memory_space<hbm>>
    %dma_start3A_87 = tpu.memref_slice %arg4[%add3A_85] : memref<320000xi32, #tpu.memory_space<hbm>> -> memref<80xi32, #tpu.memory_space<hbm>>
    tpu.enqueue_dma source(%dma_start3A_87 : memref<80xi32, #tpu.memory_space<hbm>>) target(%arg11 : memref<80xi32, #tpu.memory_space<vmem>>) target_semaphore(%arg26 : memref<!tpu.dma_semaphore, #tpu.memory_space<semaphore_mem>>)
    %dma_wait3A_88 = arith.constant 0 : i32
    %dma_wait3A_89 = tpu.memref_slice %arg3[%dma_wait3A_88] : memref<320000xi32, #tpu.memory_space<hbm>> -> memref<80xi32, #tpu.memory_space<hbm>>
    %dma_wait3A_90 = arith.constant 0 : i32
    %dma_wait3A_91 = tpu.memref_slice %arg3[%dma_wait3A_90] : memref<320000xi32, #tpu.memory_space<hbm>> -> memref<80xi32, #tpu.memory_space<hbm>>
    tpu.wait_dma2 semaphore(%arg23 : memref<!tpu.dma_semaphore, #tpu.memory_space<semaphore_mem>>) src(%dma_wait3A_91 : memref<80xi32, #tpu.memory_space<hbm>>) dst(%arg8 : memref<80xi32, #tpu.memory_space<vmem>>)
    %dma_start3A_92 = arith.constant 0 : i32
    %dma_start3A_93 = arith.constant 0 : i32
    %dma_start3A_94 = tpu.memref_slice %arg2[%dma_start3A_92, %dma_start3A_93] : memref<10000x128xf32, #tpu.memory_space<hbm>> -> memref<10000x128xf32, #tpu.memory_space<hbm>>
    tpu.enqueue_indirect_dma source(%dma_start3A_94 : memref<10000x128xf32, #tpu.memory_space<hbm>>) target(%arg14 : memref<80x128xf32, #tpu.memory_space<vmem>>) offsets(%arg8 : memref<80xi32, #tpu.memory_space<vmem>>) semaphore(%arg17 : memref<!tpu.dma_semaphore, #tpu.memory_space<semaphore_mem>>)
    %dma_wait3A_95 = arith.constant 0 : i32
    %dma_wait3A_96 = arith.constant 0 : i32
    %dma_wait3A_97 = tpu.memref_slice %arg2[%dma_wait3A_95, %dma_wait3A_96] : memref<10000x128xf32, #tpu.memory_space<hbm>> -> memref<10000x128xf32, #tpu.memory_space<hbm>>
    tpu.wait_indirect_dma semaphore(%arg19 : memref<!tpu.dma_semaphore, #tpu.memory_space<semaphore_mem>>) src(%dma_wait3A_97 : memref<10000x128xf32, #tpu.memory_space<hbm>>) dst(%arg16 : memref<80x128xf32, #tpu.memory_space<vmem>>)
    %min3A_98 = arith.constant 5 : i32
    %min3A_99 = arith.constant 124 : i32
    %min3A_100 = arith.minsi %min3A_98, %min3A_99 : i32
    %mul3A_101 = arith.constant 80 : i32
    %mul3A_102 = arith.muli %min3A_100, %mul3A_101 : i32
    %add3A_103 = arith.addi %mul3A_2, %mul3A_102 : i32
    %dma_start3A_104 = tpu.memref_slice %arg3[%add3A_103] : memref<320000xi32, #tpu.memory_space<hbm>> -> memref<80xi32, #tpu.memory_space<hbm>>
    %dma_start3A_105 = tpu.memref_slice %arg3[%add3A_103] : memref<320000xi32, #tpu.memory_space<hbm>> -> memref<80xi32, #tpu.memory_space<hbm>>
    tpu.enqueue_dma source(%dma_start3A_105 : memref<80xi32, #tpu.memory_space<hbm>>) target(%arg10 : memref<80xi32, #tpu.memory_space<vmem>>) target_semaphore(%arg25 : memref<!tpu.dma_semaphore, #tpu.memory_space<semaphore_mem>>)
    %dma_wait3A_106 = arith.constant 0 : i32
    %dma_wait3A_107 = tpu.memref_slice %arg3[%dma_wait3A_106] : memref<320000xi32, #tpu.memory_space<hbm>> -> memref<80xi32, #tpu.memory_space<hbm>>
    %dma_wait3A_108 = arith.constant 0 : i32
    %dma_wait3A_109 = tpu.memref_slice %arg3[%dma_wait3A_108] : memref<320000xi32, #tpu.memory_space<hbm>> -> memref<80xi32, #tpu.memory_space<hbm>>
    tpu.wait_dma2 semaphore(%arg28 : memref<!tpu.dma_semaphore, #tpu.memory_space<semaphore_mem>>) src(%dma_wait3A_109 : memref<80xi32, #tpu.memory_space<hbm>>) dst(%arg13 : memref<80xi32, #tpu.memory_space<vmem>>)
    %dma_start3A_110 = arith.constant 0 : i32
    %dma_start3A_111 = arith.constant 0 : i32
    %dma_start3A_112 = tpu.memref_slice %arg7[%dma_start3A_110, %dma_start3A_111] : memref<10240x128xf32, #tpu.memory_space<vmem_shared>> -> memref<10240x128xf32, #tpu.memory_space<vmem_shared>>
    tpu.enqueue_indirect_dma source(%arg16 : memref<80x128xf32, #tpu.memory_space<vmem>>) target(%dma_start3A_112 : memref<10240x128xf32, #tpu.memory_space<vmem_shared>>) offsets(%arg13 : memref<80xi32, #tpu.memory_space<vmem>>) semaphore(%arg22 : memref<!tpu.dma_semaphore, #tpu.memory_space<semaphore_mem>>) {add = true}
    %dma_wait3A_113 = arith.constant 0 : i32
    %dma_wait3A_114 = arith.constant 0 : i32
    %dma_wait3A_115 = tpu.memref_slice %arg7[%dma_wait3A_113, %dma_wait3A_114] : memref<10240x128xf32, #tpu.memory_space<vmem_shared>> -> memref<10240x128xf32, #tpu.memory_space<vmem_shared>>
    tpu.wait_indirect_dma semaphore(%arg21 : memref<!tpu.dma_semaphore, #tpu.memory_space<semaphore_mem>>) src(%arg15 : memref<80x128xf32, #tpu.memory_space<vmem>>) dst(%dma_wait3A_115 : memref<10240x128xf32, #tpu.memory_space<vmem_shared>>)
    %min3A_116 = arith.constant 4 : i32
    %min3A_117 = arith.constant 124 : i32
    %min3A_118 = arith.minsi %min3A_116, %min3A_117 : i32
    %mul3A_119 = arith.constant 80 : i32
    %mul3A_120 = arith.muli %min3A_118, %mul3A_119 : i32
    %add3A_121 = arith.addi %mul3A_2, %mul3A_120 : i32
    %dma_start3A_122 = tpu.memref_slice %arg4[%add3A_121] : memref<320000xi32, #tpu.memory_space<hbm>> -> memref<80xi32, #tpu.memory_space<hbm>>
    %dma_start3A_123 = tpu.memref_slice %arg4[%add3A_121] : memref<320000xi32, #tpu.memory_space<hbm>> -> memref<80xi32, #tpu.memory_space<hbm>>
    tpu.enqueue_dma source(%dma_start3A_123 : memref<80xi32, #tpu.memory_space<hbm>>) target(%arg12 : memref<80xi32, #tpu.memory_space<vmem>>) target_semaphore(%arg27 : memref<!tpu.dma_semaphore, #tpu.memory_space<semaphore_mem>>)
    %dma_wait3A_124 = arith.constant 0 : i32
    %dma_wait3A_125 = tpu.memref_slice %arg3[%dma_wait3A_124] : memref<320000xi32, #tpu.memory_space<hbm>> -> memref<80xi32, #tpu.memory_space<hbm>>
    %dma_wait3A_126 = arith.constant 0 : i32
    %dma_wait3A_127 = tpu.memref_slice %arg3[%dma_wait3A_126] : memref<320000xi32, #tpu.memory_space<hbm>> -> memref<80xi32, #tpu.memory_space<hbm>>
    tpu.wait_dma2 semaphore(%arg24 : memref<!tpu.dma_semaphore, #tpu.memory_space<semaphore_mem>>) src(%dma_wait3A_127 : memref<80xi32, #tpu.memory_space<hbm>>) dst(%arg9 : memref<80xi32, #tpu.memory_space<vmem>>)
    %dma_start3A_128 = arith.constant 0 : i32
    %dma_start3A_129 = arith.constant 0 : i32
    %dma_start3A_130 = tpu.memref_slice %arg2[%dma_start3A_128, %dma_start3A_129] : memref<10000x128xf32, #tpu.memory_space<hbm>> -> memref<10000x128xf32, #tpu.memory_space<hbm>>
    tpu.enqueue_indirect_dma source(%dma_start3A_130 : memref<10000x128xf32, #tpu.memory_space<hbm>>) target(%arg15 : memref<80x128xf32, #tpu.memory_space<vmem>>) offsets(%arg9 : memref<80xi32, #tpu.memory_space<vmem>>) semaphore(%arg18 : memref<!tpu.dma_semaphore, #tpu.memory_space<semaphore_mem>>)
    %scan3A = arith.constant 0 : i32
    %scan3A_131 = arith.constant 1 : i32
    %scan3A_132 = arith.constant 40 : i32
    %scan3A_133 = arith.addi %scan3A_131, %scan3A_132 : i32
    %scan3A_134 = arith.constant 1 : i32
    scf.for %scan3A_174 = %scan3A_131 to %scan3A_133 step %scan3A_134  : i32 {
      %mul3A_175 = arith.constant 3 : i32
      %mul3A_176 = arith.muli %scan3A_174, %mul3A_175 : i32
      %add3A_177 = arith.constant 0 : i32
      %add3A_178 = arith.addi %mul3A_176, %add3A_177 : i32
      %dma_wait3A_179 = arith.constant 0 : i32
      %dma_wait3A_180 = arith.constant 0 : i32
      %dma_wait3A_181 = tpu.memref_slice %arg2[%dma_wait3A_179, %dma_wait3A_180] : memref<10000x128xf32, #tpu.memory_space<hbm>> -> memref<10000x128xf32, #tpu.memory_space<hbm>>
      tpu.wait_indirect_dma semaphore(%arg17 : memref<!tpu.dma_semaphore, #tpu.memory_space<semaphore_mem>>) src(%dma_wait3A_181 : memref<10000x128xf32, #tpu.memory_space<hbm>>) dst(%arg14 : memref<80x128xf32, #tpu.memory_space<vmem>>)
      %add3A_182 = arith.constant 3 : i32
      %add3A_183 = arith.addi %add3A_178, %add3A_182 : i32
      %min3A_184 = arith.constant 124 : i32
      %min3A_185 = arith.minsi %add3A_183, %min3A_184 : i32
      %mul3A_186 = arith.constant 80 : i32
      %mul3A_187 = arith.muli %min3A_185, %mul3A_186 : i32
      %add3A_188 = arith.addi %mul3A_2, %mul3A_187 : i32
      %dma_start3A_189 = tpu.memref_slice %arg3[%add3A_188] : memref<320000xi32, #tpu.memory_space<hbm>> -> memref<80xi32, #tpu.memory_space<hbm>>
      %dma_start3A_190 = tpu.memref_slice %arg3[%add3A_188] : memref<320000xi32, #tpu.memory_space<hbm>> -> memref<80xi32, #tpu.memory_space<hbm>>
      tpu.enqueue_dma source(%dma_start3A_190 : memref<80xi32, #tpu.memory_space<hbm>>) target(%arg8 : memref<80xi32, #tpu.memory_space<vmem>>) target_semaphore(%arg23 : memref<!tpu.dma_semaphore, #tpu.memory_space<semaphore_mem>>)
      %dma_wait3A_191 = arith.constant 0 : i32
      %dma_wait3A_192 = tpu.memref_slice %arg3[%dma_wait3A_191] : memref<320000xi32, #tpu.memory_space<hbm>> -> memref<80xi32, #tpu.memory_space<hbm>>
      %dma_wait3A_193 = arith.constant 0 : i32
      %dma_wait3A_194 = tpu.memref_slice %arg3[%dma_wait3A_193] : memref<320000xi32, #tpu.memory_space<hbm>> -> memref<80xi32, #tpu.memory_space<hbm>>
      tpu.wait_dma2 semaphore(%arg26 : memref<!tpu.dma_semaphore, #tpu.memory_space<semaphore_mem>>) src(%dma_wait3A_194 : memref<80xi32, #tpu.memory_space<hbm>>) dst(%arg11 : memref<80xi32, #tpu.memory_space<vmem>>)
      %dma_start3A_195 = arith.constant 0 : i32
      %dma_start3A_196 = arith.constant 0 : i32
      %dma_start3A_197 = tpu.memref_slice %arg7[%dma_start3A_195, %dma_start3A_196] : memref<10240x128xf32, #tpu.memory_space<vmem_shared>> -> memref<10240x128xf32, #tpu.memory_space<vmem_shared>>
      tpu.enqueue_indirect_dma source(%arg14 : memref<80x128xf32, #tpu.memory_space<vmem>>) target(%dma_start3A_197 : memref<10240x128xf32, #tpu.memory_space<vmem_shared>>) offsets(%arg11 : memref<80xi32, #tpu.memory_space<vmem>>) semaphore(%arg20 : memref<!tpu.dma_semaphore, #tpu.memory_space<semaphore_mem>>) {add = true}
      %dma_wait3A_198 = arith.constant 0 : i32
      %dma_wait3A_199 = arith.constant 0 : i32
      %dma_wait3A_200 = tpu.memref_slice %arg7[%dma_wait3A_198, %dma_wait3A_199] : memref<10240x128xf32, #tpu.memory_space<vmem_shared>> -> memref<10240x128xf32, #tpu.memory_space<vmem_shared>>
      tpu.wait_indirect_dma semaphore(%arg22 : memref<!tpu.dma_semaphore, #tpu.memory_space<semaphore_mem>>) src(%arg16 : memref<80x128xf32, #tpu.memory_space<vmem>>) dst(%dma_wait3A_200 : memref<10240x128xf32, #tpu.memory_space<vmem_shared>>)
      %add3A_201 = arith.constant 2 : i32
      %add3A_202 = arith.addi %add3A_178, %add3A_201 : i32
      %min3A_203 = arith.constant 124 : i32
      %min3A_204 = arith.minsi %add3A_202, %min3A_203 : i32
      %mul3A_205 = arith.constant 80 : i32
      %mul3A_206 = arith.muli %min3A_204, %mul3A_205 : i32
      %add3A_207 = arith.addi %mul3A_2, %mul3A_206 : i32
      %dma_start3A_208 = tpu.memref_slice %arg4[%add3A_207] : memref<320000xi32, #tpu.memory_space<hbm>> -> memref<80xi32, #tpu.memory_space<hbm>>
      %dma_start3A_209 = tpu.memref_slice %arg4[%add3A_207] : memref<320000xi32, #tpu.memory_space<hbm>> -> memref<80xi32, #tpu.memory_space<hbm>>
      tpu.enqueue_dma source(%dma_start3A_209 : memref<80xi32, #tpu.memory_space<hbm>>) target(%arg13 : memref<80xi32, #tpu.memory_space<vmem>>) target_semaphore(%arg28 : memref<!tpu.dma_semaphore, #tpu.memory_space<semaphore_mem>>)
      %dma_wait3A_210 = arith.constant 0 : i32
      %dma_wait3A_211 = tpu.memref_slice %arg3[%dma_wait3A_210] : memref<320000xi32, #tpu.memory_space<hbm>> -> memref<80xi32, #tpu.memory_space<hbm>>
      %dma_wait3A_212 = arith.constant 0 : i32
      %dma_wait3A_213 = tpu.memref_slice %arg3[%dma_wait3A_212] : memref<320000xi32, #tpu.memory_space<hbm>> -> memref<80xi32, #tpu.memory_space<hbm>>
      tpu.wait_dma2 semaphore(%arg25 : memref<!tpu.dma_semaphore, #tpu.memory_space<semaphore_mem>>) src(%dma_wait3A_213 : memref<80xi32, #tpu.memory_space<hbm>>) dst(%arg10 : memref<80xi32, #tpu.memory_space<vmem>>)
      %dma_start3A_214 = arith.constant 0 : i32
      %dma_start3A_215 = arith.constant 0 : i32
      %dma_start3A_216 = tpu.memref_slice %arg2[%dma_start3A_214, %dma_start3A_215] : memref<10000x128xf32, #tpu.memory_space<hbm>> -> memref<10000x128xf32, #tpu.memory_space<hbm>>
      tpu.enqueue_indirect_dma source(%dma_start3A_216 : memref<10000x128xf32, #tpu.memory_space<hbm>>) target(%arg16 : memref<80x128xf32, #tpu.memory_space<vmem>>) offsets(%arg10 : memref<80xi32, #tpu.memory_space<vmem>>) semaphore(%arg19 : memref<!tpu.dma_semaphore, #tpu.memory_space<semaphore_mem>>)
      %add3A_217 = arith.constant 1 : i32
      %add3A_218 = arith.addi %mul3A_176, %add3A_217 : i32
      %dma_wait3A_219 = arith.constant 0 : i32
      %dma_wait3A_220 = arith.constant 0 : i32
      %dma_wait3A_221 = tpu.memref_slice %arg2[%dma_wait3A_219, %dma_wait3A_220] : memref<10000x128xf32, #tpu.memory_space<hbm>> -> memref<10000x128xf32, #tpu.memory_space<hbm>>
      tpu.wait_indirect_dma semaphore(%arg18 : memref<!tpu.dma_semaphore, #tpu.memory_space<semaphore_mem>>) src(%dma_wait3A_221 : memref<10000x128xf32, #tpu.memory_space<hbm>>) dst(%arg15 : memref<80x128xf32, #tpu.memory_space<vmem>>)
      %add3A_222 = arith.constant 3 : i32
      %add3A_223 = arith.addi %add3A_218, %add3A_222 : i32
      %min3A_224 = arith.constant 124 : i32
      %min3A_225 = arith.minsi %add3A_223, %min3A_224 : i32
      %mul3A_226 = arith.constant 80 : i32
      %mul3A_227 = arith.muli %min3A_225, %mul3A_226 : i32
      %add3A_228 = arith.addi %mul3A_2, %mul3A_227 : i32
      %dma_start3A_229 = tpu.memref_slice %arg3[%add3A_228] : memref<320000xi32, #tpu.memory_space<hbm>> -> memref<80xi32, #tpu.memory_space<hbm>>
      %dma_start3A_230 = tpu.memref_slice %arg3[%add3A_228] : memref<320000xi32, #tpu.memory_space<hbm>> -> memref<80xi32, #tpu.memory_space<hbm>>
      tpu.enqueue_dma source(%dma_start3A_230 : memref<80xi32, #tpu.memory_space<hbm>>) target(%arg9 : memref<80xi32, #tpu.memory_space<vmem>>) target_semaphore(%arg24 : memref<!tpu.dma_semaphore, #tpu.memory_space<semaphore_mem>>)
      %dma_wait3A_231 = arith.constant 0 : i32
      %dma_wait3A_232 = tpu.memref_slice %arg3[%dma_wait3A_231] : memref<320000xi32, #tpu.memory_space<hbm>> -> memref<80xi32, #tpu.memory_space<hbm>>
      %dma_wait3A_233 = arith.constant 0 : i32
      %dma_wait3A_234 = tpu.memref_slice %arg3[%dma_wait3A_233] : memref<320000xi32, #tpu.memory_space<hbm>> -> memref<80xi32, #tpu.memory_space<hbm>>
      tpu.wait_dma2 semaphore(%arg27 : memref<!tpu.dma_semaphore, #tpu.memory_space<semaphore_mem>>) src(%dma_wait3A_234 : memref<80xi32, #tpu.memory_space<hbm>>) dst(%arg12 : memref<80xi32, #tpu.memory_space<vmem>>)
      %dma_start3A_235 = arith.constant 0 : i32
      %dma_start3A_236 = arith.constant 0 : i32
      %dma_start3A_237 = tpu.memref_slice %arg7[%dma_start3A_235, %dma_start3A_236] : memref<10240x128xf32, #tpu.memory_space<vmem_shared>> -> memref<10240x128xf32, #tpu.memory_space<vmem_shared>>
      tpu.enqueue_indirect_dma source(%arg15 : memref<80x128xf32, #tpu.memory_space<vmem>>) target(%dma_start3A_237 : memref<10240x128xf32, #tpu.memory_space<vmem_shared>>) offsets(%arg12 : memref<80xi32, #tpu.memory_space<vmem>>) semaphore(%arg21 : memref<!tpu.dma_semaphore, #tpu.memory_space<semaphore_mem>>) {add = true}
      %dma_wait3A_238 = arith.constant 0 : i32
      %dma_wait3A_239 = arith.constant 0 : i32
      %dma_wait3A_240 = tpu.memref_slice %arg7[%dma_wait3A_238, %dma_wait3A_239] : memref<10240x128xf32, #tpu.memory_space<vmem_shared>> -> memref<10240x128xf32, #tpu.memory_space<vmem_shared>>
      tpu.wait_indirect_dma semaphore(%arg20 : memref<!tpu.dma_semaphore, #tpu.memory_space<semaphore_mem>>) src(%arg14 : memref<80x128xf32, #tpu.memory_space<vmem>>) dst(%dma_wait3A_240 : memref<10240x128xf32, #tpu.memory_space<vmem_shared>>)
      %add3A_241 = arith.constant 2 : i32
      %add3A_242 = arith.addi %add3A_218, %add3A_241 : i32
      %min3A_243 = arith.constant 124 : i32
      %min3A_244 = arith.minsi %add3A_242, %min3A_243 : i32
      %mul3A_245 = arith.constant 80 : i32
      %mul3A_246 = arith.muli %min3A_244, %mul3A_245 : i32
      %add3A_247 = arith.addi %mul3A_2, %mul3A_246 : i32
      %dma_start3A_248 = tpu.memref_slice %arg4[%add3A_247] : memref<320000xi32, #tpu.memory_space<hbm>> -> memref<80xi32, #tpu.memory_space<hbm>>
      %dma_start3A_249 = tpu.memref_slice %arg4[%add3A_247] : memref<320000xi32, #tpu.memory_space<hbm>> -> memref<80xi32, #tpu.memory_space<hbm>>
      tpu.enqueue_dma source(%dma_start3A_249 : memref<80xi32, #tpu.memory_space<hbm>>) target(%arg11 : memref<80xi32, #tpu.memory_space<vmem>>) target_semaphore(%arg26 : memref<!tpu.dma_semaphore, #tpu.memory_space<semaphore_mem>>)
      %dma_wait3A_250 = arith.constant 0 : i32
      %dma_wait3A_251 = tpu.memref_slice %arg3[%dma_wait3A_250] : memref<320000xi32, #tpu.memory_space<hbm>> -> memref<80xi32, #tpu.memory_space<hbm>>
      %dma_wait3A_252 = arith.constant 0 : i32
      %dma_wait3A_253 = tpu.memref_slice %arg3[%dma_wait3A_252] : memref<320000xi32, #tpu.memory_space<hbm>> -> memref<80xi32, #tpu.memory_space<hbm>>
      tpu.wait_dma2 semaphore(%arg23 : memref<!tpu.dma_semaphore, #tpu.memory_space<semaphore_mem>>) src(%dma_wait3A_253 : memref<80xi32, #tpu.memory_space<hbm>>) dst(%arg8 : memref<80xi32, #tpu.memory_space<vmem>>)
      %dma_start3A_254 = arith.constant 0 : i32
      %dma_start3A_255 = arith.constant 0 : i32
      %dma_start3A_256 = tpu.memref_slice %arg2[%dma_start3A_254, %dma_start3A_255] : memref<10000x128xf32, #tpu.memory_space<hbm>> -> memref<10000x128xf32, #tpu.memory_space<hbm>>
      tpu.enqueue_indirect_dma source(%dma_start3A_256 : memref<10000x128xf32, #tpu.memory_space<hbm>>) target(%arg14 : memref<80x128xf32, #tpu.memory_space<vmem>>) offsets(%arg8 : memref<80xi32, #tpu.memory_space<vmem>>) semaphore(%arg17 : memref<!tpu.dma_semaphore, #tpu.memory_space<semaphore_mem>>)
      %add3A_257 = arith.constant 2 : i32
      %add3A_258 = arith.addi %mul3A_176, %add3A_257 : i32
      %dma_wait3A_259 = arith.constant 0 : i32
      %dma_wait3A_260 = arith.constant 0 : i32
      %dma_wait3A_261 = tpu.memref_slice %arg2[%dma_wait3A_259, %dma_wait3A_260] : memref<10000x128xf32, #tpu.memory_space<hbm>> -> memref<10000x128xf32, #tpu.memory_space<hbm>>
      tpu.wait_indirect_dma semaphore(%arg19 : memref<!tpu.dma_semaphore, #tpu.memory_space<semaphore_mem>>) src(%dma_wait3A_261 : memref<10000x128xf32, #tpu.memory_space<hbm>>) dst(%arg16 : memref<80x128xf32, #tpu.memory_space<vmem>>)
      %add3A_262 = arith.constant 3 : i32
      %add3A_263 = arith.addi %add3A_258, %add3A_262 : i32
      %min3A_264 = arith.constant 124 : i32
      %min3A_265 = arith.minsi %add3A_263, %min3A_264 : i32
      %mul3A_266 = arith.constant 80 : i32
      %mul3A_267 = arith.muli %min3A_265, %mul3A_266 : i32
      %add3A_268 = arith.addi %mul3A_2, %mul3A_267 : i32
      %dma_start3A_269 = tpu.memref_slice %arg3[%add3A_268] : memref<320000xi32, #tpu.memory_space<hbm>> -> memref<80xi32, #tpu.memory_space<hbm>>
      %dma_start3A_270 = tpu.memref_slice %arg3[%add3A_268] : memref<320000xi32, #tpu.memory_space<hbm>> -> memref<80xi32, #tpu.memory_space<hbm>>
      tpu.enqueue_dma source(%dma_start3A_270 : memref<80xi32, #tpu.memory_space<hbm>>) target(%arg10 : memref<80xi32, #tpu.memory_space<vmem>>) target_semaphore(%arg25 : memref<!tpu.dma_semaphore, #tpu.memory_space<semaphore_mem>>)
      %dma_wait3A_271 = arith.constant 0 : i32
      %dma_wait3A_272 = tpu.memref_slice %arg3[%dma_wait3A_271] : memref<320000xi32, #tpu.memory_space<hbm>> -> memref<80xi32, #tpu.memory_space<hbm>>
      %dma_wait3A_273 = arith.constant 0 : i32
      %dma_wait3A_274 = tpu.memref_slice %arg3[%dma_wait3A_273] : memref<320000xi32, #tpu.memory_space<hbm>> -> memref<80xi32, #tpu.memory_space<hbm>>
      tpu.wait_dma2 semaphore(%arg28 : memref<!tpu.dma_semaphore, #tpu.memory_space<semaphore_mem>>) src(%dma_wait3A_274 : memref<80xi32, #tpu.memory_space<hbm>>) dst(%arg13 : memref<80xi32, #tpu.memory_space<vmem>>)
      %dma_start3A_275 = arith.constant 0 : i32
      %dma_start3A_276 = arith.constant 0 : i32
      %dma_start3A_277 = tpu.memref_slice %arg7[%dma_start3A_275, %dma_start3A_276] : memref<10240x128xf32, #tpu.memory_space<vmem_shared>> -> memref<10240x128xf32, #tpu.memory_space<vmem_shared>>
      tpu.enqueue_indirect_dma source(%arg16 : memref<80x128xf32, #tpu.memory_space<vmem>>) target(%dma_start3A_277 : memref<10240x128xf32, #tpu.memory_space<vmem_shared>>) offsets(%arg13 : memref<80xi32, #tpu.memory_space<vmem>>) semaphore(%arg22 : memref<!tpu.dma_semaphore, #tpu.memory_space<semaphore_mem>>) {add = true}
      %dma_wait3A_278 = arith.constant 0 : i32
      %dma_wait3A_279 = arith.constant 0 : i32
      %dma_wait3A_280 = tpu.memref_slice %arg7[%dma_wait3A_278, %dma_wait3A_279] : memref<10240x128xf32, #tpu.memory_space<vmem_shared>> -> memref<10240x128xf32, #tpu.memory_space<vmem_shared>>
      tpu.wait_indirect_dma semaphore(%arg21 : memref<!tpu.dma_semaphore, #tpu.memory_space<semaphore_mem>>) src(%arg15 : memref<80x128xf32, #tpu.memory_space<vmem>>) dst(%dma_wait3A_280 : memref<10240x128xf32, #tpu.memory_space<vmem_shared>>)
      %add3A_281 = arith.constant 2 : i32
      %add3A_282 = arith.addi %add3A_258, %add3A_281 : i32
      %min3A_283 = arith.constant 124 : i32
      %min3A_284 = arith.minsi %add3A_282, %min3A_283 : i32
      %mul3A_285 = arith.constant 80 : i32
      %mul3A_286 = arith.muli %min3A_284, %mul3A_285 : i32
      %add3A_287 = arith.addi %mul3A_2, %mul3A_286 : i32
      %dma_start3A_288 = tpu.memref_slice %arg4[%add3A_287] : memref<320000xi32, #tpu.memory_space<hbm>> -> memref<80xi32, #tpu.memory_space<hbm>>
      %dma_start3A_289 = tpu.memref_slice %arg4[%add3A_287] : memref<320000xi32, #tpu.memory_space<hbm>> -> memref<80xi32, #tpu.memory_space<hbm>>
      tpu.enqueue_dma source(%dma_start3A_289 : memref<80xi32, #tpu.memory_space<hbm>>) target(%arg12 : memref<80xi32, #tpu.memory_space<vmem>>) target_semaphore(%arg27 : memref<!tpu.dma_semaphore, #tpu.memory_space<semaphore_mem>>)
      %dma_wait3A_290 = arith.constant 0 : i32
      %dma_wait3A_291 = tpu.memref_slice %arg3[%dma_wait3A_290] : memref<320000xi32, #tpu.memory_space<hbm>> -> memref<80xi32, #tpu.memory_space<hbm>>
      %dma_wait3A_292 = arith.constant 0 : i32
      %dma_wait3A_293 = tpu.memref_slice %arg3[%dma_wait3A_292] : memref<320000xi32, #tpu.memory_space<hbm>> -> memref<80xi32, #tpu.memory_space<hbm>>
      tpu.wait_dma2 semaphore(%arg24 : memref<!tpu.dma_semaphore, #tpu.memory_space<semaphore_mem>>) src(%dma_wait3A_293 : memref<80xi32, #tpu.memory_space<hbm>>) dst(%arg9 : memref<80xi32, #tpu.memory_space<vmem>>)
      %dma_start3A_294 = arith.constant 0 : i32
      %dma_start3A_295 = arith.constant 0 : i32
      %dma_start3A_296 = tpu.memref_slice %arg2[%dma_start3A_294, %dma_start3A_295] : memref<10000x128xf32, #tpu.memory_space<hbm>> -> memref<10000x128xf32, #tpu.memory_space<hbm>>
      tpu.enqueue_indirect_dma source(%dma_start3A_296 : memref<10000x128xf32, #tpu.memory_space<hbm>>) target(%arg15 : memref<80x128xf32, #tpu.memory_space<vmem>>) offsets(%arg9 : memref<80xi32, #tpu.memory_space<vmem>>) semaphore(%arg18 : memref<!tpu.dma_semaphore, #tpu.memory_space<semaphore_mem>>)
    }
    %scan3A_135 = arith.constant 40 : i32
    %dma_wait3A_136 = arith.constant 0 : i32
    %dma_wait3A_137 = arith.constant 0 : i32
    %dma_wait3A_138 = tpu.memref_slice %arg2[%dma_wait3A_136, %dma_wait3A_137] : memref<10000x128xf32, #tpu.memory_space<hbm>> -> memref<10000x128xf32, #tpu.memory_space<hbm>>
    tpu.wait_indirect_dma semaphore(%arg17 : memref<!tpu.dma_semaphore, #tpu.memory_space<semaphore_mem>>) src(%dma_wait3A_138 : memref<10000x128xf32, #tpu.memory_space<hbm>>) dst(%arg14 : memref<80x128xf32, #tpu.memory_space<vmem>>)
    %dma_wait3A_139 = arith.constant 0 : i32
    %dma_wait3A_140 = tpu.memref_slice %arg3[%dma_wait3A_139] : memref<320000xi32, #tpu.memory_space<hbm>> -> memref<80xi32, #tpu.memory_space<hbm>>
    %dma_wait3A_141 = arith.constant 0 : i32
    %dma_wait3A_142 = tpu.memref_slice %arg3[%dma_wait3A_141] : memref<320000xi32, #tpu.memory_space<hbm>> -> memref<80xi32, #tpu.memory_space<hbm>>
    tpu.wait_dma2 semaphore(%arg26 : memref<!tpu.dma_semaphore, #tpu.memory_space<semaphore_mem>>) src(%dma_wait3A_142 : memref<80xi32, #tpu.memory_space<hbm>>) dst(%arg11 : memref<80xi32, #tpu.memory_space<vmem>>)
    %dma_start3A_143 = arith.constant 0 : i32
    %dma_start3A_144 = arith.constant 0 : i32
    %dma_start3A_145 = tpu.memref_slice %arg7[%dma_start3A_143, %dma_start3A_144] : memref<10240x128xf32, #tpu.memory_space<vmem_shared>> -> memref<10240x128xf32, #tpu.memory_space<vmem_shared>>
    tpu.enqueue_indirect_dma source(%arg14 : memref<80x128xf32, #tpu.memory_space<vmem>>) target(%dma_start3A_145 : memref<10240x128xf32, #tpu.memory_space<vmem_shared>>) offsets(%arg11 : memref<80xi32, #tpu.memory_space<vmem>>) semaphore(%arg20 : memref<!tpu.dma_semaphore, #tpu.memory_space<semaphore_mem>>) {add = true}
    %dma_wait3A_146 = arith.constant 0 : i32
    %dma_wait3A_147 = arith.constant 0 : i32
    %dma_wait3A_148 = tpu.memref_slice %arg7[%dma_wait3A_146, %dma_wait3A_147] : memref<10240x128xf32, #tpu.memory_space<vmem_shared>> -> memref<10240x128xf32, #tpu.memory_space<vmem_shared>>
    tpu.wait_indirect_dma semaphore(%arg22 : memref<!tpu.dma_semaphore, #tpu.memory_space<semaphore_mem>>) src(%arg16 : memref<80x128xf32, #tpu.memory_space<vmem>>) dst(%dma_wait3A_148 : memref<10240x128xf32, #tpu.memory_space<vmem_shared>>)
    %dma_wait3A_149 = arith.constant 0 : i32
    %dma_wait3A_150 = arith.constant 0 : i32
    %dma_wait3A_151 = tpu.memref_slice %arg2[%dma_wait3A_149, %dma_wait3A_150] : memref<10000x128xf32, #tpu.memory_space<hbm>> -> memref<10000x128xf32, #tpu.memory_space<hbm>>
    tpu.wait_indirect_dma semaphore(%arg18 : memref<!tpu.dma_semaphore, #tpu.memory_space<semaphore_mem>>) src(%dma_wait3A_151 : memref<10000x128xf32, #tpu.memory_space<hbm>>) dst(%arg15 : memref<80x128xf32, #tpu.memory_space<vmem>>)
    %dma_wait3A_152 = arith.constant 0 : i32
    %dma_wait3A_153 = tpu.memref_slice %arg3[%dma_wait3A_152] : memref<320000xi32, #tpu.memory_space<hbm>> -> memref<80xi32, #tpu.memory_space<hbm>>
    %dma_wait3A_154 = arith.constant 0 : i32
    %dma_wait3A_155 = tpu.memref_slice %arg3[%dma_wait3A_154] : memref<320000xi32, #tpu.memory_space<hbm>> -> memref<80xi32, #tpu.memory_space<hbm>>
    tpu.wait_dma2 semaphore(%arg27 : memref<!tpu.dma_semaphore, #tpu.memory_space<semaphore_mem>>) src(%dma_wait3A_155 : memref<80xi32, #tpu.memory_space<hbm>>) dst(%arg12 : memref<80xi32, #tpu.memory_space<vmem>>)
    %dma_start3A_156 = arith.constant 0 : i32
    %dma_start3A_157 = arith.constant 0 : i32
    %dma_start3A_158 = tpu.memref_slice %arg7[%dma_start3A_156, %dma_start3A_157] : memref<10240x128xf32, #tpu.memory_space<vmem_shared>> -> memref<10240x128xf32, #tpu.memory_space<vmem_shared>>
    tpu.enqueue_indirect_dma source(%arg15 : memref<80x128xf32, #tpu.memory_space<vmem>>) target(%dma_start3A_158 : memref<10240x128xf32, #tpu.memory_space<vmem_shared>>) offsets(%arg12 : memref<80xi32, #tpu.memory_space<vmem>>) semaphore(%arg21 : memref<!tpu.dma_semaphore, #tpu.memory_space<semaphore_mem>>) {add = true}
    %dma_wait3A_159 = arith.constant 0 : i32
    %dma_wait3A_160 = arith.constant 0 : i32
    %dma_wait3A_161 = tpu.memref_slice %arg7[%dma_wait3A_159, %dma_wait3A_160] : memref<10240x128xf32, #tpu.memory_space<vmem_shared>> -> memref<10240x128xf32, #tpu.memory_space<vmem_shared>>
    tpu.wait_indirect_dma semaphore(%arg20 : memref<!tpu.dma_semaphore, #tpu.memory_space<semaphore_mem>>) src(%arg14 : memref<80x128xf32, #tpu.memory_space<vmem>>) dst(%dma_wait3A_161 : memref<10240x128xf32, #tpu.memory_space<vmem_shared>>)
    %dma_wait3A_162 = arith.constant 0 : i32
    %dma_wait3A_163 = arith.constant 0 : i32
    %dma_wait3A_164 = tpu.memref_slice %arg7[%dma_wait3A_162, %dma_wait3A_163] : memref<10240x128xf32, #tpu.memory_space<vmem_shared>> -> memref<10240x128xf32, #tpu.memory_space<vmem_shared>>
    tpu.wait_indirect_dma semaphore(%arg21 : memref<!tpu.dma_semaphore, #tpu.memory_space<semaphore_mem>>) src(%arg15 : memref<80x128xf32, #tpu.memory_space<vmem>>) dst(%dma_wait3A_164 : memref<10240x128xf32, #tpu.memory_space<vmem_shared>>)
    %dma_wait3A_165 = arith.constant 0 : i32
    %dma_wait3A_166 = tpu.memref_slice %arg3[%dma_wait3A_165] : memref<320000xi32, #tpu.memory_space<hbm>> -> memref<80xi32, #tpu.memory_space<hbm>>
    %dma_wait3A_167 = arith.constant 0 : i32
    %dma_wait3A_168 = tpu.memref_slice %arg3[%dma_wait3A_167] : memref<320000xi32, #tpu.memory_space<hbm>> -> memref<80xi32, #tpu.memory_space<hbm>>
    tpu.wait_dma2 semaphore(%arg25 : memref<!tpu.dma_semaphore, #tpu.memory_space<semaphore_mem>>) src(%dma_wait3A_168 : memref<80xi32, #tpu.memory_space<hbm>>) dst(%arg10 : memref<80xi32, #tpu.memory_space<vmem>>)
    %barrier3A_169 = arith.constant 0 : index
    tpu.barrier barrier_id(%barrier3A_169)
    %mul3A_170 = arith.constant 640 : i32
    %mul3A_171 = arith.muli %arg1, %mul3A_170 : i32
    %mul3A_172 = arith.constant 640 : i32
    %mul3A_173 = arith.muli %arg1, %mul3A_172 : i32
    "tpu.region"() ({
      %run_scoped3A = tpu.sem_alloc : memref<!tpu.dma_semaphore, #tpu.memory_space<semaphore_mem>>
      %dma_start3A_174 = arith.constant 0 : i32
      %dma_start3A_175 = tpu.memref_slice %arg6[%arg0, %mul3A_173, %dma_start3A_174] : memref<2x10240x128xf32, #tpu.memory_space<hbm>> -> memref<1x640x128xf32, #tpu.memory_space<hbm>>
      %dma_start3A_176 = tpu.memref_squeeze %dma_start3A_175 : memref<1x640x128xf32, #tpu.memory_space<hbm>> -> memref<640x128xf32, #tpu.memory_space<hbm>>
      %dma_start3A_177 = arith.constant 0 : i32
      %dma_start3A_178 = tpu.memref_slice %arg7[%mul3A_171, %dma_start3A_177] : memref<10240x128xf32, #tpu.memory_space<vmem_shared>> -> memref<640x128xf32, #tpu.memory_space<vmem_shared>>
      tpu.enqueue_dma source(%dma_start3A_178 : memref<640x128xf32, #tpu.memory_space<vmem_shared>>) target(%dma_start3A_176 : memref<640x128xf32, #tpu.memory_space<hbm>>) target_semaphore(%run_scoped3A : memref<!tpu.dma_semaphore, #tpu.memory_space<semaphore_mem>>)
      %dma_wait3A_179 = arith.constant 0 : i32
      %dma_wait3A_180 = tpu.memref_slice %arg6[%arg0, %mul3A_173, %dma_wait3A_179] : memref<2x10240x128xf32, #tpu.memory_space<hbm>> -> memref<1x640x128xf32, #tpu.memory_space<hbm>>
      %dma_wait3A_181 = tpu.memref_squeeze %dma_wait3A_180 : memref<1x640x128xf32, #tpu.memory_space<hbm>> -> memref<640x128xf32, #tpu.memory_space<hbm>>
      %dma_wait3A_182 = arith.constant 0 : i32
      %dma_wait3A_183 = tpu.memref_slice %arg7[%mul3A_171, %dma_wait3A_182] : memref<10240x128xf32, #tpu.memory_space<vmem_shared>> -> memref<640x128xf32, #tpu.memory_space<vmem_shared>>
      tpu.wait_dma2 semaphore(%run_scoped3A : memref<!tpu.dma_semaphore, #tpu.memory_space<semaphore_mem>>) src(%dma_wait3A_183 : memref<640x128xf32, #tpu.memory_space<vmem_shared>>) dst(%dma_wait3A_181 : memref<640x128xf32, #tpu.memory_space<hbm>>)
      tpu.yield
    }) : () -> ()
    return
  }
}

#map = affine_map<(d0, d1) -> (0, 0, 0)>
#map1 = affine_map<(d0, d1) -> (0, 0)>
module attributes {stable_mosaic.version = 14 : i64} {
  func.func @_deg_sc(%arg0: i32, %arg1: i32, %arg2: memref<32x125x80xi32, #tpu.memory_space<hbm>>, %arg3: memref<80x128xf32, #tpu.memory_space<hbm>>, %arg4: memref<10240x128xf32, #tpu.memory_space<hbm>>, %arg5: memref<2x10240x128xf32, #tpu.memory_space<hbm>>, %arg6: memref<10240x128xf32, #tpu.memory_space<vmem_shared>>, %arg7: memref<125x80xi32, #tpu.memory_space<vmem>>, %arg8: memref<80x128xf32, #tpu.memory_space<vmem>>, %arg9: memref<!tpu.dma_semaphore, #tpu.memory_space<semaphore_mem>>, %arg10: memref<!tpu.dma_semaphore, #tpu.memory_space<semaphore_mem>>) attributes {dimension_semantics = [#tpu.dimension_semantics<core_parallel>, #tpu.dimension_semantics<subcore_parallel>], iteration_bounds = array<i64: 2, 16>, scalar_prefetch = 0 : i64, scratch_operands = 5 : i64, tpu.core_type = #tpu.core_type<sc_vector_subcore>, window_params = [{transform_indices = #map}, {transform_indices = #map1}, {transform_indices = #map1}, {transform_indices = #map}]} {
    %mul3A = arith.constant 2 : i32
    %mul3A_0 = arith.muli %arg1, %mul3A : i32
    %add3A = arith.addi %mul3A_0, %arg0 : i32
    %mul3A_1 = arith.constant 640 : i32
    %mul3A_2 = arith.muli %arg1, %mul3A_1 : i32
    %mul3A_3 = arith.constant 640 : i32
    %mul3A_4 = arith.muli %arg1, %mul3A_3 : i32
    "tpu.region"() ({
      %run_scoped3A = tpu.sem_alloc : memref<!tpu.dma_semaphore, #tpu.memory_space<semaphore_mem>>
      %dma_start3A_34 = arith.constant 0 : i32
      %dma_start3A_35 = tpu.memref_slice %arg6[%mul3A_4, %dma_start3A_34] : memref<10240x128xf32, #tpu.memory_space<vmem_shared>> -> memref<640x128xf32, #tpu.memory_space<vmem_shared>>
      %dma_start3A_36 = arith.constant 0 : i32
      %dma_start3A_37 = tpu.memref_slice %arg4[%mul3A_2, %dma_start3A_36] : memref<10240x128xf32, #tpu.memory_space<hbm>> -> memref<640x128xf32, #tpu.memory_space<hbm>>
      tpu.enqueue_dma source(%dma_start3A_37 : memref<640x128xf32, #tpu.memory_space<hbm>>) target(%dma_start3A_35 : memref<640x128xf32, #tpu.memory_space<vmem_shared>>) target_semaphore(%run_scoped3A : memref<!tpu.dma_semaphore, #tpu.memory_space<semaphore_mem>>)
      %dma_wait3A_38 = arith.constant 0 : i32
      %dma_wait3A_39 = tpu.memref_slice %arg6[%mul3A_4, %dma_wait3A_38] : memref<10240x128xf32, #tpu.memory_space<vmem_shared>> -> memref<640x128xf32, #tpu.memory_space<vmem_shared>>
      %dma_wait3A_40 = arith.constant 0 : i32
      %dma_wait3A_41 = tpu.memref_slice %arg4[%mul3A_2, %dma_wait3A_40] : memref<10240x128xf32, #tpu.memory_space<hbm>> -> memref<640x128xf32, #tpu.memory_space<hbm>>
      tpu.wait_dma2 semaphore(%run_scoped3A : memref<!tpu.dma_semaphore, #tpu.memory_space<semaphore_mem>>) src(%dma_wait3A_41 : memref<640x128xf32, #tpu.memory_space<hbm>>) dst(%dma_wait3A_39 : memref<640x128xf32, #tpu.memory_space<vmem_shared>>)
      tpu.yield
    }) : () -> ()
    "tpu.region"() ({
      %run_scoped3A = tpu.sem_alloc : memref<!tpu.dma_semaphore, #tpu.memory_space<semaphore_mem>>
      tpu.enqueue_dma source(%arg3 : memref<80x128xf32, #tpu.memory_space<hbm>>) target(%arg8 : memref<80x128xf32, #tpu.memory_space<vmem>>) target_semaphore(%run_scoped3A : memref<!tpu.dma_semaphore, #tpu.memory_space<semaphore_mem>>)
      tpu.wait_dma2 semaphore(%run_scoped3A : memref<!tpu.dma_semaphore, #tpu.memory_space<semaphore_mem>>) src(%arg3 : memref<80x128xf32, #tpu.memory_space<hbm>>) dst(%arg8 : memref<80x128xf32, #tpu.memory_space<vmem>>)
      tpu.yield
    }) : () -> ()
    "tpu.region"() ({
      %run_scoped3A = tpu.sem_alloc : memref<!tpu.dma_semaphore, #tpu.memory_space<semaphore_mem>>
      %dma_start3A_34 = arith.constant 0 : i32
      %dma_start3A_35 = arith.constant 0 : i32
      %dma_start3A_36 = tpu.memref_slice %arg2[%add3A, %dma_start3A_34, %dma_start3A_35] : memref<32x125x80xi32, #tpu.memory_space<hbm>> -> memref<1x125x80xi32, #tpu.memory_space<hbm>>
      %dma_start3A_37 = tpu.memref_squeeze %dma_start3A_36 : memref<1x125x80xi32, #tpu.memory_space<hbm>> -> memref<125x80xi32, #tpu.memory_space<hbm>>
      %dma_start3A_38 = arith.constant 0 : i32
      %dma_start3A_39 = arith.constant 0 : i32
      %dma_start3A_40 = tpu.memref_slice %arg2[%add3A, %dma_start3A_38, %dma_start3A_39] : memref<32x125x80xi32, #tpu.memory_space<hbm>> -> memref<1x125x80xi32, #tpu.memory_space<hbm>>
      %dma_start3A_41 = tpu.memref_squeeze %dma_start3A_40 : memref<1x125x80xi32, #tpu.memory_space<hbm>> -> memref<125x80xi32, #tpu.memory_space<hbm>>
      tpu.enqueue_dma source(%dma_start3A_41 : memref<125x80xi32, #tpu.memory_space<hbm>>) target(%arg7 : memref<125x80xi32, #tpu.memory_space<vmem>>) target_semaphore(%run_scoped3A : memref<!tpu.dma_semaphore, #tpu.memory_space<semaphore_mem>>)
      %dma_wait3A_42 = arith.constant 0 : i32
      %dma_wait3A_43 = arith.constant 0 : i32
      %dma_wait3A_44 = tpu.memref_slice %arg2[%add3A, %dma_wait3A_42, %dma_wait3A_43] : memref<32x125x80xi32, #tpu.memory_space<hbm>> -> memref<1x125x80xi32, #tpu.memory_space<hbm>>
      %dma_wait3A_45 = tpu.memref_squeeze %dma_wait3A_44 : memref<1x125x80xi32, #tpu.memory_space<hbm>> -> memref<125x80xi32, #tpu.memory_space<hbm>>
      %dma_wait3A_46 = arith.constant 0 : i32
      %dma_wait3A_47 = arith.constant 0 : i32
      %dma_wait3A_48 = tpu.memref_slice %arg2[%add3A, %dma_wait3A_46, %dma_wait3A_47] : memref<32x125x80xi32, #tpu.memory_space<hbm>> -> memref<1x125x80xi32, #tpu.memory_space<hbm>>
      %dma_wait3A_49 = tpu.memref_squeeze %dma_wait3A_48 : memref<1x125x80xi32, #tpu.memory_space<hbm>> -> memref<125x80xi32, #tpu.memory_space<hbm>>
      tpu.wait_dma2 semaphore(%run_scoped3A : memref<!tpu.dma_semaphore, #tpu.memory_space<semaphore_mem>>) src(%dma_wait3A_49 : memref<125x80xi32, #tpu.memory_space<hbm>>) dst(%arg7 : memref<125x80xi32, #tpu.memory_space<vmem>>)
      tpu.yield
    }) : () -> ()
    %barrier3A = arith.constant 0 : index
    tpu.barrier barrier_id(%barrier3A)
    %dma_start3A = arith.constant 0 : i32
    %dma_start3A_5 = arith.constant 0 : i32
    %dma_start3A_6 = tpu.memref_slice %arg7[%dma_start3A, %dma_start3A_5] : memref<125x80xi32, #tpu.memory_space<vmem>> -> memref<1x80xi32, #tpu.memory_space<vmem>>
    %dma_start3A_7 = tpu.memref_squeeze %dma_start3A_6 : memref<1x80xi32, #tpu.memory_space<vmem>> -> memref<80xi32, #tpu.memory_space<vmem>>
    %dma_start3A_8 = arith.constant 0 : i32
    %dma_start3A_9 = arith.constant 0 : i32
    %dma_start3A_10 = tpu.memref_slice %arg6[%dma_start3A_8, %dma_start3A_9] : memref<10240x128xf32, #tpu.memory_space<vmem_shared>> -> memref<10240x128xf32, #tpu.memory_space<vmem_shared>>
    tpu.enqueue_indirect_dma source(%arg8 : memref<80x128xf32, #tpu.memory_space<vmem>>) target(%dma_start3A_10 : memref<10240x128xf32, #tpu.memory_space<vmem_shared>>) offsets(%dma_start3A_7 : memref<80xi32, #tpu.memory_space<vmem>>) semaphore(%arg9 : memref<!tpu.dma_semaphore, #tpu.memory_space<semaphore_mem>>) {add = true}
    %dma_start3A_11 = arith.constant 1 : i32
    %dma_start3A_12 = arith.constant 0 : i32
    %dma_start3A_13 = tpu.memref_slice %arg7[%dma_start3A_11, %dma_start3A_12] : memref<125x80xi32, #tpu.memory_space<vmem>> -> memref<1x80xi32, #tpu.memory_space<vmem>>
    %dma_start3A_14 = tpu.memref_squeeze %dma_start3A_13 : memref<1x80xi32, #tpu.memory_space<vmem>> -> memref<80xi32, #tpu.memory_space<vmem>>
    %dma_start3A_15 = arith.constant 0 : i32
    %dma_start3A_16 = arith.constant 0 : i32
    %dma_start3A_17 = tpu.memref_slice %arg6[%dma_start3A_15, %dma_start3A_16] : memref<10240x128xf32, #tpu.memory_space<vmem_shared>> -> memref<10240x128xf32, #tpu.memory_space<vmem_shared>>
    tpu.enqueue_indirect_dma source(%arg8 : memref<80x128xf32, #tpu.memory_space<vmem>>) target(%dma_start3A_17 : memref<10240x128xf32, #tpu.memory_space<vmem_shared>>) offsets(%dma_start3A_14 : memref<80xi32, #tpu.memory_space<vmem>>) semaphore(%arg10 : memref<!tpu.dma_semaphore, #tpu.memory_space<semaphore_mem>>) {add = true}
    %scan3A = arith.constant 0 : i32
    %scan3A_18 = arith.constant 0 : i32
    %scan3A_19 = arith.constant 62 : i32
    %scan3A_20 = arith.addi %scan3A_18, %scan3A_19 : i32
    %scan3A_21 = arith.constant 1 : i32
    scf.for %scan3A_34 = %scan3A_18 to %scan3A_20 step %scan3A_21  : i32 {
      %mul3A_35 = arith.constant 2 : i32
      %mul3A_36 = arith.muli %scan3A_34, %mul3A_35 : i32
      %add3A_37 = arith.constant 0 : i32
      %add3A_38 = arith.addi %mul3A_36, %add3A_37 : i32
      %dma_wait3A_39 = arith.constant 0 : i32
      %dma_wait3A_40 = tpu.memref_slice %arg7[%add3A_38, %dma_wait3A_39] : memref<125x80xi32, #tpu.memory_space<vmem>> -> memref<1x80xi32, #tpu.memory_space<vmem>>
      %dma_wait3A_41 = tpu.memref_squeeze %dma_wait3A_40 : memref<1x80xi32, #tpu.memory_space<vmem>> -> memref<80xi32, #tpu.memory_space<vmem>>
      %dma_wait3A_42 = arith.constant 0 : i32
      %dma_wait3A_43 = arith.constant 0 : i32
      %dma_wait3A_44 = tpu.memref_slice %arg6[%dma_wait3A_42, %dma_wait3A_43] : memref<10240x128xf32, #tpu.memory_space<vmem_shared>> -> memref<10240x128xf32, #tpu.memory_space<vmem_shared>>
      tpu.wait_indirect_dma semaphore(%arg9 : memref<!tpu.dma_semaphore, #tpu.memory_space<semaphore_mem>>) src(%arg8 : memref<80x128xf32, #tpu.memory_space<vmem>>) dst(%dma_wait3A_44 : memref<10240x128xf32, #tpu.memory_space<vmem_shared>>)
      %add3A_45 = arith.constant 2 : i32
      %add3A_46 = arith.addi %add3A_38, %add3A_45 : i32
      %le3A = arith.constant 124 : i32
      %le3A_47 = arith.cmpi sle, %add3A_46, %le3A : i32
      %convert_element_type3A = arith.extui %le3A_47 : i1 to i32
      %cond3A = arith.constant 0 : i32
      %cond3A_48 = arith.cmpi ne, %convert_element_type3A, %cond3A : i32
      scf.if %cond3A_48 {
        %dma_start3A_64 = arith.constant 0 : i32
        %dma_start3A_65 = tpu.memref_slice %arg7[%add3A_46, %dma_start3A_64] : memref<125x80xi32, #tpu.memory_space<vmem>> -> memref<1x80xi32, #tpu.memory_space<vmem>>
        %dma_start3A_66 = tpu.memref_squeeze %dma_start3A_65 : memref<1x80xi32, #tpu.memory_space<vmem>> -> memref<80xi32, #tpu.memory_space<vmem>>
        %dma_start3A_67 = arith.constant 0 : i32
        %dma_start3A_68 = arith.constant 0 : i32
        %dma_start3A_69 = tpu.memref_slice %arg6[%dma_start3A_67, %dma_start3A_68] : memref<10240x128xf32, #tpu.memory_space<vmem_shared>> -> memref<10240x128xf32, #tpu.memory_space<vmem_shared>>
        tpu.enqueue_indirect_dma source(%arg8 : memref<80x128xf32, #tpu.memory_space<vmem>>) target(%dma_start3A_69 : memref<10240x128xf32, #tpu.memory_space<vmem_shared>>) offsets(%dma_start3A_66 : memref<80xi32, #tpu.memory_space<vmem>>) semaphore(%arg9 : memref<!tpu.dma_semaphore, #tpu.memory_space<semaphore_mem>>) {add = true}
      } else {
      }
      %add3A_49 = arith.constant 1 : i32
      %add3A_50 = arith.addi %mul3A_36, %add3A_49 : i32
      %dma_wait3A_51 = arith.constant 0 : i32
      %dma_wait3A_52 = tpu.memref_slice %arg7[%add3A_50, %dma_wait3A_51] : memref<125x80xi32, #tpu.memory_space<vmem>> -> memref<1x80xi32, #tpu.memory_space<vmem>>
      %dma_wait3A_53 = tpu.memref_squeeze %dma_wait3A_52 : memref<1x80xi32, #tpu.memory_space<vmem>> -> memref<80xi32, #tpu.memory_space<vmem>>
      %dma_wait3A_54 = arith.constant 0 : i32
      %dma_wait3A_55 = arith.constant 0 : i32
      %dma_wait3A_56 = tpu.memref_slice %arg6[%dma_wait3A_54, %dma_wait3A_55] : memref<10240x128xf32, #tpu.memory_space<vmem_shared>> -> memref<10240x128xf32, #tpu.memory_space<vmem_shared>>
      tpu.wait_indirect_dma semaphore(%arg10 : memref<!tpu.dma_semaphore, #tpu.memory_space<semaphore_mem>>) src(%arg8 : memref<80x128xf32, #tpu.memory_space<vmem>>) dst(%dma_wait3A_56 : memref<10240x128xf32, #tpu.memory_space<vmem_shared>>)
      %add3A_57 = arith.constant 2 : i32
      %add3A_58 = arith.addi %add3A_50, %add3A_57 : i32
      %le3A_59 = arith.constant 124 : i32
      %le3A_60 = arith.cmpi sle, %add3A_58, %le3A_59 : i32
      %convert_element_type3A_61 = arith.extui %le3A_60 : i1 to i32
      %cond3A_62 = arith.constant 0 : i32
      %cond3A_63 = arith.cmpi ne, %convert_element_type3A_61, %cond3A_62 : i32
      scf.if %cond3A_63 {
        %dma_start3A_64 = arith.constant 0 : i32
        %dma_start3A_65 = tpu.memref_slice %arg7[%add3A_58, %dma_start3A_64] : memref<125x80xi32, #tpu.memory_space<vmem>> -> memref<1x80xi32, #tpu.memory_space<vmem>>
        %dma_start3A_66 = tpu.memref_squeeze %dma_start3A_65 : memref<1x80xi32, #tpu.memory_space<vmem>> -> memref<80xi32, #tpu.memory_space<vmem>>
        %dma_start3A_67 = arith.constant 0 : i32
        %dma_start3A_68 = arith.constant 0 : i32
        %dma_start3A_69 = tpu.memref_slice %arg6[%dma_start3A_67, %dma_start3A_68] : memref<10240x128xf32, #tpu.memory_space<vmem_shared>> -> memref<10240x128xf32, #tpu.memory_space<vmem_shared>>
        tpu.enqueue_indirect_dma source(%arg8 : memref<80x128xf32, #tpu.memory_space<vmem>>) target(%dma_start3A_69 : memref<10240x128xf32, #tpu.memory_space<vmem_shared>>) offsets(%dma_start3A_66 : memref<80xi32, #tpu.memory_space<vmem>>) semaphore(%arg10 : memref<!tpu.dma_semaphore, #tpu.memory_space<semaphore_mem>>) {add = true}
      } else {
      }
    }
    %scan3A_22 = arith.constant 62 : i32
    %dma_wait3A = arith.constant 124 : i32
    %dma_wait3A_23 = arith.constant 0 : i32
    %dma_wait3A_24 = tpu.memref_slice %arg7[%dma_wait3A, %dma_wait3A_23] : memref<125x80xi32, #tpu.memory_space<vmem>> -> memref<1x80xi32, #tpu.memory_space<vmem>>
    %dma_wait3A_25 = tpu.memref_squeeze %dma_wait3A_24 : memref<1x80xi32, #tpu.memory_space<vmem>> -> memref<80xi32, #tpu.memory_space<vmem>>
    %dma_wait3A_26 = arith.constant 0 : i32
    %dma_wait3A_27 = arith.constant 0 : i32
    %dma_wait3A_28 = tpu.memref_slice %arg6[%dma_wait3A_26, %dma_wait3A_27] : memref<10240x128xf32, #tpu.memory_space<vmem_shared>> -> memref<10240x128xf32, #tpu.memory_space<vmem_shared>>
    tpu.wait_indirect_dma semaphore(%arg9 : memref<!tpu.dma_semaphore, #tpu.memory_space<semaphore_mem>>) src(%arg8 : memref<80x128xf32, #tpu.memory_space<vmem>>) dst(%dma_wait3A_28 : memref<10240x128xf32, #tpu.memory_space<vmem_shared>>)
    %barrier3A_29 = arith.constant 0 : index
    tpu.barrier barrier_id(%barrier3A_29)
    %mul3A_30 = arith.constant 640 : i32
    %mul3A_31 = arith.muli %arg1, %mul3A_30 : i32
    %mul3A_32 = arith.constant 640 : i32
    %mul3A_33 = arith.muli %arg1, %mul3A_32 : i32
    "tpu.region"() ({
      %run_scoped3A = tpu.sem_alloc : memref<!tpu.dma_semaphore, #tpu.memory_space<semaphore_mem>>
      %dma_start3A_34 = arith.constant 0 : i32
      %dma_start3A_35 = tpu.memref_slice %arg5[%arg0, %mul3A_33, %dma_start3A_34] : memref<2x10240x128xf32, #tpu.memory_space<hbm>> -> memref<1x640x128xf32, #tpu.memory_space<hbm>>
      %dma_start3A_36 = tpu.memref_squeeze %dma_start3A_35 : memref<1x640x128xf32, #tpu.memory_space<hbm>> -> memref<640x128xf32, #tpu.memory_space<hbm>>
      %dma_start3A_37 = arith.constant 0 : i32
      %dma_start3A_38 = tpu.memref_slice %arg6[%mul3A_31, %dma_start3A_37] : memref<10240x128xf32, #tpu.memory_space<vmem_shared>> -> memref<640x128xf32, #tpu.memory_space<vmem_shared>>
      tpu.enqueue_dma source(%dma_start3A_38 : memref<640x128xf32, #tpu.memory_space<vmem_shared>>) target(%dma_start3A_36 : memref<640x128xf32, #tpu.memory_space<hbm>>) target_semaphore(%run_scoped3A : memref<!tpu.dma_semaphore, #tpu.memory_space<semaphore_mem>>)
      %dma_wait3A_39 = arith.constant 0 : i32
      %dma_wait3A_40 = tpu.memref_slice %arg5[%arg0, %mul3A_33, %dma_wait3A_39] : memref<2x10240x128xf32, #tpu.memory_space<hbm>> -> memref<1x640x128xf32, #tpu.memory_space<hbm>>
      %dma_wait3A_41 = tpu.memref_squeeze %dma_wait3A_40 : memref<1x640x128xf32, #tpu.memory_space<hbm>> -> memref<640x128xf32, #tpu.memory_space<hbm>>
      %dma_wait3A_42 = arith.constant 0 : i32
      %dma_wait3A_43 = tpu.memref_slice %arg6[%mul3A_31, %dma_wait3A_42] : memref<10240x128xf32, #tpu.memory_space<vmem_shared>> -> memref<640x128xf32, #tpu.memory_space<vmem_shared>>
      tpu.wait_dma2 semaphore(%run_scoped3A : memref<!tpu.dma_semaphore, #tpu.memory_space<semaphore_mem>>) src(%dma_wait3A_43 : memref<640x128xf32, #tpu.memory_space<vmem_shared>>) dst(%dma_wait3A_41 : memref<640x128xf32, #tpu.memory_space<hbm>>)
      tpu.yield
    }) : () -> ()
    return
  }
}

#map = affine_map<(d0, d1) -> (0, 0)>
#map1 = affine_map<(d0, d1) -> (0)>
#map2 = affine_map<(d0, d1) -> (0, 0, 0)>
module attributes {stable_mosaic.version = 14 : i64} {
  func.func @_agg_sc(%arg0: i32, %arg1: i32, %arg2: memref<10000x128xf32, #tpu.memory_space<hbm>>, %arg3: memref<320000xi32, #tpu.memory_space<hbm>>, %arg4: memref<320000xi32, #tpu.memory_space<hbm>>, %arg5: memref<10240x128xf32, #tpu.memory_space<hbm>>, %arg6: memref<2x10240x128xf32, #tpu.memory_space<hbm>>, %arg7: memref<10240x128xf32, #tpu.memory_space<vmem_shared>>, %arg8: memref<80xi32, #tpu.memory_space<vmem>>, %arg9: memref<80xi32, #tpu.memory_space<vmem>>, %arg10: memref<80xi32, #tpu.memory_space<vmem>>, %arg11: memref<80xi32, #tpu.memory_space<vmem>>, %arg12: memref<80xi32, #tpu.memory_space<vmem>>, %arg13: memref<80xi32, #tpu.memory_space<vmem>>, %arg14: memref<80x128xf32, #tpu.memory_space<vmem>>, %arg15: memref<80x128xf32, #tpu.memory_space<vmem>>, %arg16: memref<80x128xf32, #tpu.memory_space<vmem>>, %arg17: memref<!tpu.dma_semaphore, #tpu.memory_space<semaphore_mem>>, %arg18: memref<!tpu.dma_semaphore, #tpu.memory_space<semaphore_mem>>, %arg19: memref<!tpu.dma_semaphore, #tpu.memory_space<semaphore_mem>>, %arg20: memref<!tpu.dma_semaphore, #tpu.memory_space<semaphore_mem>>, %arg21: memref<!tpu.dma_semaphore, #tpu.memory_space<semaphore_mem>>, %arg22: memref<!tpu.dma_semaphore, #tpu.memory_space<semaphore_mem>>, %arg23: memref<!tpu.dma_semaphore, #tpu.memory_space<semaphore_mem>>, %arg24: memref<!tpu.dma_semaphore, #tpu.memory_space<semaphore_mem>>, %arg25: memref<!tpu.dma_semaphore, #tpu.memory_space<semaphore_mem>>, %arg26: memref<!tpu.dma_semaphore, #tpu.memory_space<semaphore_mem>>, %arg27: memref<!tpu.dma_semaphore, #tpu.memory_space<semaphore_mem>>, %arg28: memref<!tpu.dma_semaphore, #tpu.memory_space<semaphore_mem>>) attributes {dimension_semantics = [#tpu.dimension_semantics<core_parallel>, #tpu.dimension_semantics<subcore_parallel>], iteration_bounds = array<i64: 2, 16>, scalar_prefetch = 0 : i64, scratch_operands = 22 : i64, tpu.core_type = #tpu.core_type<sc_vector_subcore>, window_params = [{transform_indices = #map}, {transform_indices = #map1}, {transform_indices = #map1}, {transform_indices = #map}, {transform_indices = #map2}]} {
    %mul3A = arith.constant 2 : i32
    %mul3A_0 = arith.muli %arg1, %mul3A : i32
    %add3A = arith.addi %mul3A_0, %arg0 : i32
    %mul3A_1 = arith.constant 10000 : i32
    %mul3A_2 = arith.muli %add3A, %mul3A_1 : i32
    %mul3A_3 = arith.constant 640 : i32
    %mul3A_4 = arith.muli %arg1, %mul3A_3 : i32
    %mul3A_5 = arith.constant 640 : i32
    %mul3A_6 = arith.muli %arg1, %mul3A_5 : i32
    "tpu.region"() ({
      %run_scoped3A = tpu.sem_alloc : memref<!tpu.dma_semaphore, #tpu.memory_space<semaphore_mem>>
      %dma_start3A_174 = arith.constant 0 : i32
      %dma_start3A_175 = tpu.memref_slice %arg7[%mul3A_6, %dma_start3A_174] : memref<10240x128xf32, #tpu.memory_space<vmem_shared>> -> memref<640x128xf32, #tpu.memory_space<vmem_shared>>
      %dma_start3A_176 = arith.constant 0 : i32
      %dma_start3A_177 = tpu.memref_slice %arg5[%mul3A_4, %dma_start3A_176] : memref<10240x128xf32, #tpu.memory_space<hbm>> -> memref<640x128xf32, #tpu.memory_space<hbm>>
      tpu.enqueue_dma source(%dma_start3A_177 : memref<640x128xf32, #tpu.memory_space<hbm>>) target(%dma_start3A_175 : memref<640x128xf32, #tpu.memory_space<vmem_shared>>) target_semaphore(%run_scoped3A : memref<!tpu.dma_semaphore, #tpu.memory_space<semaphore_mem>>)
      %dma_wait3A_178 = arith.constant 0 : i32
      %dma_wait3A_179 = tpu.memref_slice %arg7[%mul3A_6, %dma_wait3A_178] : memref<10240x128xf32, #tpu.memory_space<vmem_shared>> -> memref<640x128xf32, #tpu.memory_space<vmem_shared>>
      %dma_wait3A_180 = arith.constant 0 : i32
      %dma_wait3A_181 = tpu.memref_slice %arg5[%mul3A_4, %dma_wait3A_180] : memref<10240x128xf32, #tpu.memory_space<hbm>> -> memref<640x128xf32, #tpu.memory_space<hbm>>
      tpu.wait_dma2 semaphore(%run_scoped3A : memref<!tpu.dma_semaphore, #tpu.memory_space<semaphore_mem>>) src(%dma_wait3A_181 : memref<640x128xf32, #tpu.memory_space<hbm>>) dst(%dma_wait3A_179 : memref<640x128xf32, #tpu.memory_space<vmem_shared>>)
      tpu.yield
    }) : () -> ()
    %barrier3A = arith.constant 0 : index
    tpu.barrier barrier_id(%barrier3A)
    %add3A_7 = arith.constant 0 : i32
    %add3A_8 = arith.addi %mul3A_2, %add3A_7 : i32
    "tpu.region"() ({
      %run_scoped3A = tpu.sem_alloc : memref<!tpu.dma_semaphore, #tpu.memory_space<semaphore_mem>>
      %dma_start3A_174 = tpu.memref_slice %arg3[%add3A_8] : memref<320000xi32, #tpu.memory_space<hbm>> -> memref<80xi32, #tpu.memory_space<hbm>>
      %dma_start3A_175 = tpu.memref_slice %arg3[%add3A_8] : memref<320000xi32, #tpu.memory_space<hbm>> -> memref<80xi32, #tpu.memory_space<hbm>>
      tpu.enqueue_dma source(%dma_start3A_175 : memref<80xi32, #tpu.memory_space<hbm>>) target(%arg8 : memref<80xi32, #tpu.memory_space<vmem>>) target_semaphore(%run_scoped3A : memref<!tpu.dma_semaphore, #tpu.memory_space<semaphore_mem>>)
      %dma_wait3A_176 = tpu.memref_slice %arg3[%add3A_8] : memref<320000xi32, #tpu.memory_space<hbm>> -> memref<80xi32, #tpu.memory_space<hbm>>
      %dma_wait3A_177 = tpu.memref_slice %arg3[%add3A_8] : memref<320000xi32, #tpu.memory_space<hbm>> -> memref<80xi32, #tpu.memory_space<hbm>>
      tpu.wait_dma2 semaphore(%run_scoped3A : memref<!tpu.dma_semaphore, #tpu.memory_space<semaphore_mem>>) src(%dma_wait3A_177 : memref<80xi32, #tpu.memory_space<hbm>>) dst(%arg8 : memref<80xi32, #tpu.memory_space<vmem>>)
      tpu.yield
    }) : () -> ()
    %add3A_9 = arith.constant 0 : i32
    %add3A_10 = arith.addi %mul3A_2, %add3A_9 : i32
    %dma_start3A = tpu.memref_slice %arg4[%add3A_10] : memref<320000xi32, #tpu.memory_space<hbm>> -> memref<80xi32, #tpu.memory_space<hbm>>
    %dma_start3A_11 = tpu.memref_slice %arg4[%add3A_10] : memref<320000xi32, #tpu.memory_space<hbm>> -> memref<80xi32, #tpu.memory_space<hbm>>
    tpu.enqueue_dma source(%dma_start3A_11 : memref<80xi32, #tpu.memory_space<hbm>>) target(%arg11 : memref<80xi32, #tpu.memory_space<vmem>>) target_semaphore(%arg26 : memref<!tpu.dma_semaphore, #tpu.memory_space<semaphore_mem>>)
    %dma_start3A_12 = arith.constant 0 : i32
    %dma_start3A_13 = arith.constant 0 : i32
    %dma_start3A_14 = tpu.memref_slice %arg2[%dma_start3A_12, %dma_start3A_13] : memref<10000x128xf32, #tpu.memory_space<hbm>> -> memref<10000x128xf32, #tpu.memory_space<hbm>>
    tpu.enqueue_indirect_dma source(%dma_start3A_14 : memref<10000x128xf32, #tpu.memory_space<hbm>>) target(%arg14 : memref<80x128xf32, #tpu.memory_space<vmem>>) offsets(%arg8 : memref<80xi32, #tpu.memory_space<vmem>>) semaphore(%arg17 : memref<!tpu.dma_semaphore, #tpu.memory_space<semaphore_mem>>)
    %add3A_15 = arith.constant 80 : i32
    %add3A_16 = arith.addi %mul3A_2, %add3A_15 : i32
    "tpu.region"() ({
      %run_scoped3A = tpu.sem_alloc : memref<!tpu.dma_semaphore, #tpu.memory_space<semaphore_mem>>
      %dma_start3A_174 = tpu.memref_slice %arg3[%add3A_16] : memref<320000xi32, #tpu.memory_space<hbm>> -> memref<80xi32, #tpu.memory_space<hbm>>
      %dma_start3A_175 = tpu.memref_slice %arg3[%add3A_16] : memref<320000xi32, #tpu.memory_space<hbm>> -> memref<80xi32, #tpu.memory_space<hbm>>
      tpu.enqueue_dma source(%dma_start3A_175 : memref<80xi32, #tpu.memory_space<hbm>>) target(%arg9 : memref<80xi32, #tpu.memory_space<vmem>>) target_semaphore(%run_scoped3A : memref<!tpu.dma_semaphore, #tpu.memory_space<semaphore_mem>>)
      %dma_wait3A_176 = tpu.memref_slice %arg3[%add3A_16] : memref<320000xi32, #tpu.memory_space<hbm>> -> memref<80xi32, #tpu.memory_space<hbm>>
      %dma_wait3A_177 = tpu.memref_slice %arg3[%add3A_16] : memref<320000xi32, #tpu.memory_space<hbm>> -> memref<80xi32, #tpu.memory_space<hbm>>
      tpu.wait_dma2 semaphore(%run_scoped3A : memref<!tpu.dma_semaphore, #tpu.memory_space<semaphore_mem>>) src(%dma_wait3A_177 : memref<80xi32, #tpu.memory_space<hbm>>) dst(%arg9 : memref<80xi32, #tpu.memory_space<vmem>>)
      tpu.yield
    }) : () -> ()
    %add3A_17 = arith.constant 80 : i32
    %add3A_18 = arith.addi %mul3A_2, %add3A_17 : i32
    %dma_start3A_19 = tpu.memref_slice %arg4[%add3A_18] : memref<320000xi32, #tpu.memory_space<hbm>> -> memref<80xi32, #tpu.memory_space<hbm>>
    %dma_start3A_20 = tpu.memref_slice %arg4[%add3A_18] : memref<320000xi32, #tpu.memory_space<hbm>> -> memref<80xi32, #tpu.memory_space<hbm>>
    tpu.enqueue_dma source(%dma_start3A_20 : memref<80xi32, #tpu.memory_space<hbm>>) target(%arg12 : memref<80xi32, #tpu.memory_space<vmem>>) target_semaphore(%arg27 : memref<!tpu.dma_semaphore, #tpu.memory_space<semaphore_mem>>)
    %dma_start3A_21 = arith.constant 0 : i32
    %dma_start3A_22 = arith.constant 0 : i32
    %dma_start3A_23 = tpu.memref_slice %arg2[%dma_start3A_21, %dma_start3A_22] : memref<10000x128xf32, #tpu.memory_space<hbm>> -> memref<10000x128xf32, #tpu.memory_space<hbm>>
    tpu.enqueue_indirect_dma source(%dma_start3A_23 : memref<10000x128xf32, #tpu.memory_space<hbm>>) target(%arg15 : memref<80x128xf32, #tpu.memory_space<vmem>>) offsets(%arg9 : memref<80xi32, #tpu.memory_space<vmem>>) semaphore(%arg18 : memref<!tpu.dma_semaphore, #tpu.memory_space<semaphore_mem>>)
    %add3A_24 = arith.constant 160 : i32
    %add3A_25 = arith.addi %mul3A_2, %add3A_24 : i32
    %dma_start3A_26 = tpu.memref_slice %arg3[%add3A_25] : memref<320000xi32, #tpu.memory_space<hbm>> -> memref<80xi32, #tpu.memory_space<hbm>>
    %dma_start3A_27 = tpu.memref_slice %arg3[%add3A_25] : memref<320000xi32, #tpu.memory_space<hbm>> -> memref<80xi32, #tpu.memory_space<hbm>>
    tpu.enqueue_dma source(%dma_start3A_27 : memref<80xi32, #tpu.memory_space<hbm>>) target(%arg10 : memref<80xi32, #tpu.memory_space<vmem>>) target_semaphore(%arg25 : memref<!tpu.dma_semaphore, #tpu.memory_space<semaphore_mem>>)
    %dma_wait3A = arith.constant 0 : i32
    %dma_wait3A_28 = arith.constant 0 : i32
    %dma_wait3A_29 = tpu.memref_slice %arg2[%dma_wait3A, %dma_wait3A_28] : memref<10000x128xf32, #tpu.memory_space<hbm>> -> memref<10000x128xf32, #tpu.memory_space<hbm>>
    tpu.wait_indirect_dma semaphore(%arg17 : memref<!tpu.dma_semaphore, #tpu.memory_space<semaphore_mem>>) src(%dma_wait3A_29 : memref<10000x128xf32, #tpu.memory_space<hbm>>) dst(%arg14 : memref<80x128xf32, #tpu.memory_space<vmem>>)
    %min3A = arith.constant 3 : i32
    %min3A_30 = arith.constant 124 : i32
    %min3A_31 = arith.minsi %min3A, %min3A_30 : i32
    %mul3A_32 = arith.constant 80 : i32
    %mul3A_33 = arith.muli %min3A_31, %mul3A_32 : i32
    %add3A_34 = arith.addi %mul3A_2, %mul3A_33 : i32
    %dma_start3A_35 = tpu.memref_slice %arg3[%add3A_34] : memref<320000xi32, #tpu.memory_space<hbm>> -> memref<80xi32, #tpu.memory_space<hbm>>
    %dma_start3A_36 = tpu.memref_slice %arg3[%add3A_34] : memref<320000xi32, #tpu.memory_space<hbm>> -> memref<80xi32, #tpu.memory_space<hbm>>
    tpu.enqueue_dma source(%dma_start3A_36 : memref<80xi32, #tpu.memory_space<hbm>>) target(%arg8 : memref<80xi32, #tpu.memory_space<vmem>>) target_semaphore(%arg23 : memref<!tpu.dma_semaphore, #tpu.memory_space<semaphore_mem>>)
    %dma_wait3A_37 = arith.constant 0 : i32
    %dma_wait3A_38 = tpu.memref_slice %arg3[%dma_wait3A_37] : memref<320000xi32, #tpu.memory_space<hbm>> -> memref<80xi32, #tpu.memory_space<hbm>>
    %dma_wait3A_39 = arith.constant 0 : i32
    %dma_wait3A_40 = tpu.memref_slice %arg3[%dma_wait3A_39] : memref<320000xi32, #tpu.memory_space<hbm>> -> memref<80xi32, #tpu.memory_space<hbm>>
    tpu.wait_dma2 semaphore(%arg26 : memref<!tpu.dma_semaphore, #tpu.memory_space<semaphore_mem>>) src(%dma_wait3A_40 : memref<80xi32, #tpu.memory_space<hbm>>) dst(%arg11 : memref<80xi32, #tpu.memory_space<vmem>>)
    %dma_start3A_41 = arith.constant 0 : i32
    %dma_start3A_42 = arith.constant 0 : i32
    %dma_start3A_43 = tpu.memref_slice %arg7[%dma_start3A_41, %dma_start3A_42] : memref<10240x128xf32, #tpu.memory_space<vmem_shared>> -> memref<10240x128xf32, #tpu.memory_space<vmem_shared>>
    tpu.enqueue_indirect_dma source(%arg14 : memref<80x128xf32, #tpu.memory_space<vmem>>) target(%dma_start3A_43 : memref<10240x128xf32, #tpu.memory_space<vmem_shared>>) offsets(%arg11 : memref<80xi32, #tpu.memory_space<vmem>>) semaphore(%arg20 : memref<!tpu.dma_semaphore, #tpu.memory_space<semaphore_mem>>) {add = true}
    %min3A_44 = arith.constant 2 : i32
    %min3A_45 = arith.constant 124 : i32
    %min3A_46 = arith.minsi %min3A_44, %min3A_45 : i32
    %mul3A_47 = arith.constant 80 : i32
    %mul3A_48 = arith.muli %min3A_46, %mul3A_47 : i32
    %add3A_49 = arith.addi %mul3A_2, %mul3A_48 : i32
    %dma_start3A_50 = tpu.memref_slice %arg4[%add3A_49] : memref<320000xi32, #tpu.memory_space<hbm>> -> memref<80xi32, #tpu.memory_space<hbm>>
    %dma_start3A_51 = tpu.memref_slice %arg4[%add3A_49] : memref<320000xi32, #tpu.memory_space<hbm>> -> memref<80xi32, #tpu.memory_space<hbm>>
    tpu.enqueue_dma source(%dma_start3A_51 : memref<80xi32, #tpu.memory_space<hbm>>) target(%arg13 : memref<80xi32, #tpu.memory_space<vmem>>) target_semaphore(%arg28 : memref<!tpu.dma_semaphore, #tpu.memory_space<semaphore_mem>>)
    %dma_wait3A_52 = arith.constant 0 : i32
    %dma_wait3A_53 = tpu.memref_slice %arg3[%dma_wait3A_52] : memref<320000xi32, #tpu.memory_space<hbm>> -> memref<80xi32, #tpu.memory_space<hbm>>
    %dma_wait3A_54 = arith.constant 0 : i32
    %dma_wait3A_55 = tpu.memref_slice %arg3[%dma_wait3A_54] : memref<320000xi32, #tpu.memory_space<hbm>> -> memref<80xi32, #tpu.memory_space<hbm>>
    tpu.wait_dma2 semaphore(%arg25 : memref<!tpu.dma_semaphore, #tpu.memory_space<semaphore_mem>>) src(%dma_wait3A_55 : memref<80xi32, #tpu.memory_space<hbm>>) dst(%arg10 : memref<80xi32, #tpu.memory_space<vmem>>)
    %dma_start3A_56 = arith.constant 0 : i32
    %dma_start3A_57 = arith.constant 0 : i32
    %dma_start3A_58 = tpu.memref_slice %arg2[%dma_start3A_56, %dma_start3A_57] : memref<10000x128xf32, #tpu.memory_space<hbm>> -> memref<10000x128xf32, #tpu.memory_space<hbm>>
    tpu.enqueue_indirect_dma source(%dma_start3A_58 : memref<10000x128xf32, #tpu.memory_space<hbm>>) target(%arg16 : memref<80x128xf32, #tpu.memory_space<vmem>>) offsets(%arg10 : memref<80xi32, #tpu.memory_space<vmem>>) semaphore(%arg19 : memref<!tpu.dma_semaphore, #tpu.memory_space<semaphore_mem>>)
    %dma_wait3A_59 = arith.constant 0 : i32
    %dma_wait3A_60 = arith.constant 0 : i32
    %dma_wait3A_61 = tpu.memref_slice %arg2[%dma_wait3A_59, %dma_wait3A_60] : memref<10000x128xf32, #tpu.memory_space<hbm>> -> memref<10000x128xf32, #tpu.memory_space<hbm>>
    tpu.wait_indirect_dma semaphore(%arg18 : memref<!tpu.dma_semaphore, #tpu.memory_space<semaphore_mem>>) src(%dma_wait3A_61 : memref<10000x128xf32, #tpu.memory_space<hbm>>) dst(%arg15 : memref<80x128xf32, #tpu.memory_space<vmem>>)
    %min3A_62 = arith.constant 4 : i32
    %min3A_63 = arith.constant 124 : i32
    %min3A_64 = arith.minsi %min3A_62, %min3A_63 : i32
    %mul3A_65 = arith.constant 80 : i32
    %mul3A_66 = arith.muli %min3A_64, %mul3A_65 : i32
    %add3A_67 = arith.addi %mul3A_2, %mul3A_66 : i32
    %dma_start3A_68 = tpu.memref_slice %arg3[%add3A_67] : memref<320000xi32, #tpu.memory_space<hbm>> -> memref<80xi32, #tpu.memory_space<hbm>>
    %dma_start3A_69 = tpu.memref_slice %arg3[%add3A_67] : memref<320000xi32, #tpu.memory_space<hbm>> -> memref<80xi32, #tpu.memory_space<hbm>>
    tpu.enqueue_dma source(%dma_start3A_69 : memref<80xi32, #tpu.memory_space<hbm>>) target(%arg9 : memref<80xi32, #tpu.memory_space<vmem>>) target_semaphore(%arg24 : memref<!tpu.dma_semaphore, #tpu.memory_space<semaphore_mem>>)
    %dma_wait3A_70 = arith.constant 0 : i32
    %dma_wait3A_71 = tpu.memref_slice %arg3[%dma_wait3A_70] : memref<320000xi32, #tpu.memory_space<hbm>> -> memref<80xi32, #tpu.memory_space<hbm>>
    %dma_wait3A_72 = arith.constant 0 : i32
    %dma_wait3A_73 = tpu.memref_slice %arg3[%dma_wait3A_72] : memref<320000xi32, #tpu.memory_space<hbm>> -> memref<80xi32, #tpu.memory_space<hbm>>
    tpu.wait_dma2 semaphore(%arg27 : memref<!tpu.dma_semaphore, #tpu.memory_space<semaphore_mem>>) src(%dma_wait3A_73 : memref<80xi32, #tpu.memory_space<hbm>>) dst(%arg12 : memref<80xi32, #tpu.memory_space<vmem>>)
    %dma_start3A_74 = arith.constant 0 : i32
    %dma_start3A_75 = arith.constant 0 : i32
    %dma_start3A_76 = tpu.memref_slice %arg7[%dma_start3A_74, %dma_start3A_75] : memref<10240x128xf32, #tpu.memory_space<vmem_shared>> -> memref<10240x128xf32, #tpu.memory_space<vmem_shared>>
    tpu.enqueue_indirect_dma source(%arg15 : memref<80x128xf32, #tpu.memory_space<vmem>>) target(%dma_start3A_76 : memref<10240x128xf32, #tpu.memory_space<vmem_shared>>) offsets(%arg12 : memref<80xi32, #tpu.memory_space<vmem>>) semaphore(%arg21 : memref<!tpu.dma_semaphore, #tpu.memory_space<semaphore_mem>>) {add = true}
    %dma_wait3A_77 = arith.constant 0 : i32
    %dma_wait3A_78 = arith.constant 0 : i32
    %dma_wait3A_79 = tpu.memref_slice %arg7[%dma_wait3A_77, %dma_wait3A_78] : memref<10240x128xf32, #tpu.memory_space<vmem_shared>> -> memref<10240x128xf32, #tpu.memory_space<vmem_shared>>
    tpu.wait_indirect_dma semaphore(%arg20 : memref<!tpu.dma_semaphore, #tpu.memory_space<semaphore_mem>>) src(%arg14 : memref<80x128xf32, #tpu.memory_space<vmem>>) dst(%dma_wait3A_79 : memref<10240x128xf32, #tpu.memory_space<vmem_shared>>)
    %min3A_80 = arith.constant 3 : i32
    %min3A_81 = arith.constant 124 : i32
    %min3A_82 = arith.minsi %min3A_80, %min3A_81 : i32
    %mul3A_83 = arith.constant 80 : i32
    %mul3A_84 = arith.muli %min3A_82, %mul3A_83 : i32
    %add3A_85 = arith.addi %mul3A_2, %mul3A_84 : i32
    %dma_start3A_86 = tpu.memref_slice %arg4[%add3A_85] : memref<320000xi32, #tpu.memory_space<hbm>> -> memref<80xi32, #tpu.memory_space<hbm>>
    %dma_start3A_87 = tpu.memref_slice %arg4[%add3A_85] : memref<320000xi32, #tpu.memory_space<hbm>> -> memref<80xi32, #tpu.memory_space<hbm>>
    tpu.enqueue_dma source(%dma_start3A_87 : memref<80xi32, #tpu.memory_space<hbm>>) target(%arg11 : memref<80xi32, #tpu.memory_space<vmem>>) target_semaphore(%arg26 : memref<!tpu.dma_semaphore, #tpu.memory_space<semaphore_mem>>)
    %dma_wait3A_88 = arith.constant 0 : i32
    %dma_wait3A_89 = tpu.memref_slice %arg3[%dma_wait3A_88] : memref<320000xi32, #tpu.memory_space<hbm>> -> memref<80xi32, #tpu.memory_space<hbm>>
    %dma_wait3A_90 = arith.constant 0 : i32
    %dma_wait3A_91 = tpu.memref_slice %arg3[%dma_wait3A_90] : memref<320000xi32, #tpu.memory_space<hbm>> -> memref<80xi32, #tpu.memory_space<hbm>>
    tpu.wait_dma2 semaphore(%arg23 : memref<!tpu.dma_semaphore, #tpu.memory_space<semaphore_mem>>) src(%dma_wait3A_91 : memref<80xi32, #tpu.memory_space<hbm>>) dst(%arg8 : memref<80xi32, #tpu.memory_space<vmem>>)
    %dma_start3A_92 = arith.constant 0 : i32
    %dma_start3A_93 = arith.constant 0 : i32
    %dma_start3A_94 = tpu.memref_slice %arg2[%dma_start3A_92, %dma_start3A_93] : memref<10000x128xf32, #tpu.memory_space<hbm>> -> memref<10000x128xf32, #tpu.memory_space<hbm>>
    tpu.enqueue_indirect_dma source(%dma_start3A_94 : memref<10000x128xf32, #tpu.memory_space<hbm>>) target(%arg14 : memref<80x128xf32, #tpu.memory_space<vmem>>) offsets(%arg8 : memref<80xi32, #tpu.memory_space<vmem>>) semaphore(%arg17 : memref<!tpu.dma_semaphore, #tpu.memory_space<semaphore_mem>>)
    %dma_wait3A_95 = arith.constant 0 : i32
    %dma_wait3A_96 = arith.constant 0 : i32
    %dma_wait3A_97 = tpu.memref_slice %arg2[%dma_wait3A_95, %dma_wait3A_96] : memref<10000x128xf32, #tpu.memory_space<hbm>> -> memref<10000x128xf32, #tpu.memory_space<hbm>>
    tpu.wait_indirect_dma semaphore(%arg19 : memref<!tpu.dma_semaphore, #tpu.memory_space<semaphore_mem>>) src(%dma_wait3A_97 : memref<10000x128xf32, #tpu.memory_space<hbm>>) dst(%arg16 : memref<80x128xf32, #tpu.memory_space<vmem>>)
    %min3A_98 = arith.constant 5 : i32
    %min3A_99 = arith.constant 124 : i32
    %min3A_100 = arith.minsi %min3A_98, %min3A_99 : i32
    %mul3A_101 = arith.constant 80 : i32
    %mul3A_102 = arith.muli %min3A_100, %mul3A_101 : i32
    %add3A_103 = arith.addi %mul3A_2, %mul3A_102 : i32
    %dma_start3A_104 = tpu.memref_slice %arg3[%add3A_103] : memref<320000xi32, #tpu.memory_space<hbm>> -> memref<80xi32, #tpu.memory_space<hbm>>
    %dma_start3A_105 = tpu.memref_slice %arg3[%add3A_103] : memref<320000xi32, #tpu.memory_space<hbm>> -> memref<80xi32, #tpu.memory_space<hbm>>
    tpu.enqueue_dma source(%dma_start3A_105 : memref<80xi32, #tpu.memory_space<hbm>>) target(%arg10 : memref<80xi32, #tpu.memory_space<vmem>>) target_semaphore(%arg25 : memref<!tpu.dma_semaphore, #tpu.memory_space<semaphore_mem>>)
    %dma_wait3A_106 = arith.constant 0 : i32
    %dma_wait3A_107 = tpu.memref_slice %arg3[%dma_wait3A_106] : memref<320000xi32, #tpu.memory_space<hbm>> -> memref<80xi32, #tpu.memory_space<hbm>>
    %dma_wait3A_108 = arith.constant 0 : i32
    %dma_wait3A_109 = tpu.memref_slice %arg3[%dma_wait3A_108] : memref<320000xi32, #tpu.memory_space<hbm>> -> memref<80xi32, #tpu.memory_space<hbm>>
    tpu.wait_dma2 semaphore(%arg28 : memref<!tpu.dma_semaphore, #tpu.memory_space<semaphore_mem>>) src(%dma_wait3A_109 : memref<80xi32, #tpu.memory_space<hbm>>) dst(%arg13 : memref<80xi32, #tpu.memory_space<vmem>>)
    %dma_start3A_110 = arith.constant 0 : i32
    %dma_start3A_111 = arith.constant 0 : i32
    %dma_start3A_112 = tpu.memref_slice %arg7[%dma_start3A_110, %dma_start3A_111] : memref<10240x128xf32, #tpu.memory_space<vmem_shared>> -> memref<10240x128xf32, #tpu.memory_space<vmem_shared>>
    tpu.enqueue_indirect_dma source(%arg16 : memref<80x128xf32, #tpu.memory_space<vmem>>) target(%dma_start3A_112 : memref<10240x128xf32, #tpu.memory_space<vmem_shared>>) offsets(%arg13 : memref<80xi32, #tpu.memory_space<vmem>>) semaphore(%arg22 : memref<!tpu.dma_semaphore, #tpu.memory_space<semaphore_mem>>) {add = true}
    %dma_wait3A_113 = arith.constant 0 : i32
    %dma_wait3A_114 = arith.constant 0 : i32
    %dma_wait3A_115 = tpu.memref_slice %arg7[%dma_wait3A_113, %dma_wait3A_114] : memref<10240x128xf32, #tpu.memory_space<vmem_shared>> -> memref<10240x128xf32, #tpu.memory_space<vmem_shared>>
    tpu.wait_indirect_dma semaphore(%arg21 : memref<!tpu.dma_semaphore, #tpu.memory_space<semaphore_mem>>) src(%arg15 : memref<80x128xf32, #tpu.memory_space<vmem>>) dst(%dma_wait3A_115 : memref<10240x128xf32, #tpu.memory_space<vmem_shared>>)
    %min3A_116 = arith.constant 4 : i32
    %min3A_117 = arith.constant 124 : i32
    %min3A_118 = arith.minsi %min3A_116, %min3A_117 : i32
    %mul3A_119 = arith.constant 80 : i32
    %mul3A_120 = arith.muli %min3A_118, %mul3A_119 : i32
    %add3A_121 = arith.addi %mul3A_2, %mul3A_120 : i32
    %dma_start3A_122 = tpu.memref_slice %arg4[%add3A_121] : memref<320000xi32, #tpu.memory_space<hbm>> -> memref<80xi32, #tpu.memory_space<hbm>>
    %dma_start3A_123 = tpu.memref_slice %arg4[%add3A_121] : memref<320000xi32, #tpu.memory_space<hbm>> -> memref<80xi32, #tpu.memory_space<hbm>>
    tpu.enqueue_dma source(%dma_start3A_123 : memref<80xi32, #tpu.memory_space<hbm>>) target(%arg12 : memref<80xi32, #tpu.memory_space<vmem>>) target_semaphore(%arg27 : memref<!tpu.dma_semaphore, #tpu.memory_space<semaphore_mem>>)
    %dma_wait3A_124 = arith.constant 0 : i32
    %dma_wait3A_125 = tpu.memref_slice %arg3[%dma_wait3A_124] : memref<320000xi32, #tpu.memory_space<hbm>> -> memref<80xi32, #tpu.memory_space<hbm>>
    %dma_wait3A_126 = arith.constant 0 : i32
    %dma_wait3A_127 = tpu.memref_slice %arg3[%dma_wait3A_126] : memref<320000xi32, #tpu.memory_space<hbm>> -> memref<80xi32, #tpu.memory_space<hbm>>
    tpu.wait_dma2 semaphore(%arg24 : memref<!tpu.dma_semaphore, #tpu.memory_space<semaphore_mem>>) src(%dma_wait3A_127 : memref<80xi32, #tpu.memory_space<hbm>>) dst(%arg9 : memref<80xi32, #tpu.memory_space<vmem>>)
    %dma_start3A_128 = arith.constant 0 : i32
    %dma_start3A_129 = arith.constant 0 : i32
    %dma_start3A_130 = tpu.memref_slice %arg2[%dma_start3A_128, %dma_start3A_129] : memref<10000x128xf32, #tpu.memory_space<hbm>> -> memref<10000x128xf32, #tpu.memory_space<hbm>>
    tpu.enqueue_indirect_dma source(%dma_start3A_130 : memref<10000x128xf32, #tpu.memory_space<hbm>>) target(%arg15 : memref<80x128xf32, #tpu.memory_space<vmem>>) offsets(%arg9 : memref<80xi32, #tpu.memory_space<vmem>>) semaphore(%arg18 : memref<!tpu.dma_semaphore, #tpu.memory_space<semaphore_mem>>)
    %scan3A = arith.constant 0 : i32
    %scan3A_131 = arith.constant 1 : i32
    %scan3A_132 = arith.constant 40 : i32
    %scan3A_133 = arith.addi %scan3A_131, %scan3A_132 : i32
    %scan3A_134 = arith.constant 1 : i32
    scf.for %scan3A_174 = %scan3A_131 to %scan3A_133 step %scan3A_134  : i32 {
      %mul3A_175 = arith.constant 3 : i32
      %mul3A_176 = arith.muli %scan3A_174, %mul3A_175 : i32
      %add3A_177 = arith.constant 0 : i32
      %add3A_178 = arith.addi %mul3A_176, %add3A_177 : i32
      %dma_wait3A_179 = arith.constant 0 : i32
      %dma_wait3A_180 = arith.constant 0 : i32
      %dma_wait3A_181 = tpu.memref_slice %arg2[%dma_wait3A_179, %dma_wait3A_180] : memref<10000x128xf32, #tpu.memory_space<hbm>> -> memref<10000x128xf32, #tpu.memory_space<hbm>>
      tpu.wait_indirect_dma semaphore(%arg17 : memref<!tpu.dma_semaphore, #tpu.memory_space<semaphore_mem>>) src(%dma_wait3A_181 : memref<10000x128xf32, #tpu.memory_space<hbm>>) dst(%arg14 : memref<80x128xf32, #tpu.memory_space<vmem>>)
      %add3A_182 = arith.constant 3 : i32
      %add3A_183 = arith.addi %add3A_178, %add3A_182 : i32
      %min3A_184 = arith.constant 124 : i32
      %min3A_185 = arith.minsi %add3A_183, %min3A_184 : i32
      %mul3A_186 = arith.constant 80 : i32
      %mul3A_187 = arith.muli %min3A_185, %mul3A_186 : i32
      %add3A_188 = arith.addi %mul3A_2, %mul3A_187 : i32
      %dma_start3A_189 = tpu.memref_slice %arg3[%add3A_188] : memref<320000xi32, #tpu.memory_space<hbm>> -> memref<80xi32, #tpu.memory_space<hbm>>
      %dma_start3A_190 = tpu.memref_slice %arg3[%add3A_188] : memref<320000xi32, #tpu.memory_space<hbm>> -> memref<80xi32, #tpu.memory_space<hbm>>
      tpu.enqueue_dma source(%dma_start3A_190 : memref<80xi32, #tpu.memory_space<hbm>>) target(%arg8 : memref<80xi32, #tpu.memory_space<vmem>>) target_semaphore(%arg23 : memref<!tpu.dma_semaphore, #tpu.memory_space<semaphore_mem>>)
      %dma_wait3A_191 = arith.constant 0 : i32
      %dma_wait3A_192 = tpu.memref_slice %arg3[%dma_wait3A_191] : memref<320000xi32, #tpu.memory_space<hbm>> -> memref<80xi32, #tpu.memory_space<hbm>>
      %dma_wait3A_193 = arith.constant 0 : i32
      %dma_wait3A_194 = tpu.memref_slice %arg3[%dma_wait3A_193] : memref<320000xi32, #tpu.memory_space<hbm>> -> memref<80xi32, #tpu.memory_space<hbm>>
      tpu.wait_dma2 semaphore(%arg26 : memref<!tpu.dma_semaphore, #tpu.memory_space<semaphore_mem>>) src(%dma_wait3A_194 : memref<80xi32, #tpu.memory_space<hbm>>) dst(%arg11 : memref<80xi32, #tpu.memory_space<vmem>>)
      %dma_start3A_195 = arith.constant 0 : i32
      %dma_start3A_196 = arith.constant 0 : i32
      %dma_start3A_197 = tpu.memref_slice %arg7[%dma_start3A_195, %dma_start3A_196] : memref<10240x128xf32, #tpu.memory_space<vmem_shared>> -> memref<10240x128xf32, #tpu.memory_space<vmem_shared>>
      tpu.enqueue_indirect_dma source(%arg14 : memref<80x128xf32, #tpu.memory_space<vmem>>) target(%dma_start3A_197 : memref<10240x128xf32, #tpu.memory_space<vmem_shared>>) offsets(%arg11 : memref<80xi32, #tpu.memory_space<vmem>>) semaphore(%arg20 : memref<!tpu.dma_semaphore, #tpu.memory_space<semaphore_mem>>) {add = true}
      %dma_wait3A_198 = arith.constant 0 : i32
      %dma_wait3A_199 = arith.constant 0 : i32
      %dma_wait3A_200 = tpu.memref_slice %arg7[%dma_wait3A_198, %dma_wait3A_199] : memref<10240x128xf32, #tpu.memory_space<vmem_shared>> -> memref<10240x128xf32, #tpu.memory_space<vmem_shared>>
      tpu.wait_indirect_dma semaphore(%arg22 : memref<!tpu.dma_semaphore, #tpu.memory_space<semaphore_mem>>) src(%arg16 : memref<80x128xf32, #tpu.memory_space<vmem>>) dst(%dma_wait3A_200 : memref<10240x128xf32, #tpu.memory_space<vmem_shared>>)
      %add3A_201 = arith.constant 2 : i32
      %add3A_202 = arith.addi %add3A_178, %add3A_201 : i32
      %min3A_203 = arith.constant 124 : i32
      %min3A_204 = arith.minsi %add3A_202, %min3A_203 : i32
      %mul3A_205 = arith.constant 80 : i32
      %mul3A_206 = arith.muli %min3A_204, %mul3A_205 : i32
      %add3A_207 = arith.addi %mul3A_2, %mul3A_206 : i32
      %dma_start3A_208 = tpu.memref_slice %arg4[%add3A_207] : memref<320000xi32, #tpu.memory_space<hbm>> -> memref<80xi32, #tpu.memory_space<hbm>>
      %dma_start3A_209 = tpu.memref_slice %arg4[%add3A_207] : memref<320000xi32, #tpu.memory_space<hbm>> -> memref<80xi32, #tpu.memory_space<hbm>>
      tpu.enqueue_dma source(%dma_start3A_209 : memref<80xi32, #tpu.memory_space<hbm>>) target(%arg13 : memref<80xi32, #tpu.memory_space<vmem>>) target_semaphore(%arg28 : memref<!tpu.dma_semaphore, #tpu.memory_space<semaphore_mem>>)
      %dma_wait3A_210 = arith.constant 0 : i32
      %dma_wait3A_211 = tpu.memref_slice %arg3[%dma_wait3A_210] : memref<320000xi32, #tpu.memory_space<hbm>> -> memref<80xi32, #tpu.memory_space<hbm>>
      %dma_wait3A_212 = arith.constant 0 : i32
      %dma_wait3A_213 = tpu.memref_slice %arg3[%dma_wait3A_212] : memref<320000xi32, #tpu.memory_space<hbm>> -> memref<80xi32, #tpu.memory_space<hbm>>
      tpu.wait_dma2 semaphore(%arg25 : memref<!tpu.dma_semaphore, #tpu.memory_space<semaphore_mem>>) src(%dma_wait3A_213 : memref<80xi32, #tpu.memory_space<hbm>>) dst(%arg10 : memref<80xi32, #tpu.memory_space<vmem>>)
      %dma_start3A_214 = arith.constant 0 : i32
      %dma_start3A_215 = arith.constant 0 : i32
      %dma_start3A_216 = tpu.memref_slice %arg2[%dma_start3A_214, %dma_start3A_215] : memref<10000x128xf32, #tpu.memory_space<hbm>> -> memref<10000x128xf32, #tpu.memory_space<hbm>>
      tpu.enqueue_indirect_dma source(%dma_start3A_216 : memref<10000x128xf32, #tpu.memory_space<hbm>>) target(%arg16 : memref<80x128xf32, #tpu.memory_space<vmem>>) offsets(%arg10 : memref<80xi32, #tpu.memory_space<vmem>>) semaphore(%arg19 : memref<!tpu.dma_semaphore, #tpu.memory_space<semaphore_mem>>)
      %add3A_217 = arith.constant 1 : i32
      %add3A_218 = arith.addi %mul3A_176, %add3A_217 : i32
      %dma_wait3A_219 = arith.constant 0 : i32
      %dma_wait3A_220 = arith.constant 0 : i32
      %dma_wait3A_221 = tpu.memref_slice %arg2[%dma_wait3A_219, %dma_wait3A_220] : memref<10000x128xf32, #tpu.memory_space<hbm>> -> memref<10000x128xf32, #tpu.memory_space<hbm>>
      tpu.wait_indirect_dma semaphore(%arg18 : memref<!tpu.dma_semaphore, #tpu.memory_space<semaphore_mem>>) src(%dma_wait3A_221 : memref<10000x128xf32, #tpu.memory_space<hbm>>) dst(%arg15 : memref<80x128xf32, #tpu.memory_space<vmem>>)
      %add3A_222 = arith.constant 3 : i32
      %add3A_223 = arith.addi %add3A_218, %add3A_222 : i32
      %min3A_224 = arith.constant 124 : i32
      %min3A_225 = arith.minsi %add3A_223, %min3A_224 : i32
      %mul3A_226 = arith.constant 80 : i32
      %mul3A_227 = arith.muli %min3A_225, %mul3A_226 : i32
      %add3A_228 = arith.addi %mul3A_2, %mul3A_227 : i32
      %dma_start3A_229 = tpu.memref_slice %arg3[%add3A_228] : memref<320000xi32, #tpu.memory_space<hbm>> -> memref<80xi32, #tpu.memory_space<hbm>>
      %dma_start3A_230 = tpu.memref_slice %arg3[%add3A_228] : memref<320000xi32, #tpu.memory_space<hbm>> -> memref<80xi32, #tpu.memory_space<hbm>>
      tpu.enqueue_dma source(%dma_start3A_230 : memref<80xi32, #tpu.memory_space<hbm>>) target(%arg9 : memref<80xi32, #tpu.memory_space<vmem>>) target_semaphore(%arg24 : memref<!tpu.dma_semaphore, #tpu.memory_space<semaphore_mem>>)
      %dma_wait3A_231 = arith.constant 0 : i32
      %dma_wait3A_232 = tpu.memref_slice %arg3[%dma_wait3A_231] : memref<320000xi32, #tpu.memory_space<hbm>> -> memref<80xi32, #tpu.memory_space<hbm>>
      %dma_wait3A_233 = arith.constant 0 : i32
      %dma_wait3A_234 = tpu.memref_slice %arg3[%dma_wait3A_233] : memref<320000xi32, #tpu.memory_space<hbm>> -> memref<80xi32, #tpu.memory_space<hbm>>
      tpu.wait_dma2 semaphore(%arg27 : memref<!tpu.dma_semaphore, #tpu.memory_space<semaphore_mem>>) src(%dma_wait3A_234 : memref<80xi32, #tpu.memory_space<hbm>>) dst(%arg12 : memref<80xi32, #tpu.memory_space<vmem>>)
      %dma_start3A_235 = arith.constant 0 : i32
      %dma_start3A_236 = arith.constant 0 : i32
      %dma_start3A_237 = tpu.memref_slice %arg7[%dma_start3A_235, %dma_start3A_236] : memref<10240x128xf32, #tpu.memory_space<vmem_shared>> -> memref<10240x128xf32, #tpu.memory_space<vmem_shared>>
      tpu.enqueue_indirect_dma source(%arg15 : memref<80x128xf32, #tpu.memory_space<vmem>>) target(%dma_start3A_237 : memref<10240x128xf32, #tpu.memory_space<vmem_shared>>) offsets(%arg12 : memref<80xi32, #tpu.memory_space<vmem>>) semaphore(%arg21 : memref<!tpu.dma_semaphore, #tpu.memory_space<semaphore_mem>>) {add = true}
      %dma_wait3A_238 = arith.constant 0 : i32
      %dma_wait3A_239 = arith.constant 0 : i32
      %dma_wait3A_240 = tpu.memref_slice %arg7[%dma_wait3A_238, %dma_wait3A_239] : memref<10240x128xf32, #tpu.memory_space<vmem_shared>> -> memref<10240x128xf32, #tpu.memory_space<vmem_shared>>
      tpu.wait_indirect_dma semaphore(%arg20 : memref<!tpu.dma_semaphore, #tpu.memory_space<semaphore_mem>>) src(%arg14 : memref<80x128xf32, #tpu.memory_space<vmem>>) dst(%dma_wait3A_240 : memref<10240x128xf32, #tpu.memory_space<vmem_shared>>)
      %add3A_241 = arith.constant 2 : i32
      %add3A_242 = arith.addi %add3A_218, %add3A_241 : i32
      %min3A_243 = arith.constant 124 : i32
      %min3A_244 = arith.minsi %add3A_242, %min3A_243 : i32
      %mul3A_245 = arith.constant 80 : i32
      %mul3A_246 = arith.muli %min3A_244, %mul3A_245 : i32
      %add3A_247 = arith.addi %mul3A_2, %mul3A_246 : i32
      %dma_start3A_248 = tpu.memref_slice %arg4[%add3A_247] : memref<320000xi32, #tpu.memory_space<hbm>> -> memref<80xi32, #tpu.memory_space<hbm>>
      %dma_start3A_249 = tpu.memref_slice %arg4[%add3A_247] : memref<320000xi32, #tpu.memory_space<hbm>> -> memref<80xi32, #tpu.memory_space<hbm>>
      tpu.enqueue_dma source(%dma_start3A_249 : memref<80xi32, #tpu.memory_space<hbm>>) target(%arg11 : memref<80xi32, #tpu.memory_space<vmem>>) target_semaphore(%arg26 : memref<!tpu.dma_semaphore, #tpu.memory_space<semaphore_mem>>)
      %dma_wait3A_250 = arith.constant 0 : i32
      %dma_wait3A_251 = tpu.memref_slice %arg3[%dma_wait3A_250] : memref<320000xi32, #tpu.memory_space<hbm>> -> memref<80xi32, #tpu.memory_space<hbm>>
      %dma_wait3A_252 = arith.constant 0 : i32
      %dma_wait3A_253 = tpu.memref_slice %arg3[%dma_wait3A_252] : memref<320000xi32, #tpu.memory_space<hbm>> -> memref<80xi32, #tpu.memory_space<hbm>>
      tpu.wait_dma2 semaphore(%arg23 : memref<!tpu.dma_semaphore, #tpu.memory_space<semaphore_mem>>) src(%dma_wait3A_253 : memref<80xi32, #tpu.memory_space<hbm>>) dst(%arg8 : memref<80xi32, #tpu.memory_space<vmem>>)
      %dma_start3A_254 = arith.constant 0 : i32
      %dma_start3A_255 = arith.constant 0 : i32
      %dma_start3A_256 = tpu.memref_slice %arg2[%dma_start3A_254, %dma_start3A_255] : memref<10000x128xf32, #tpu.memory_space<hbm>> -> memref<10000x128xf32, #tpu.memory_space<hbm>>
      tpu.enqueue_indirect_dma source(%dma_start3A_256 : memref<10000x128xf32, #tpu.memory_space<hbm>>) target(%arg14 : memref<80x128xf32, #tpu.memory_space<vmem>>) offsets(%arg8 : memref<80xi32, #tpu.memory_space<vmem>>) semaphore(%arg17 : memref<!tpu.dma_semaphore, #tpu.memory_space<semaphore_mem>>)
      %add3A_257 = arith.constant 2 : i32
      %add3A_258 = arith.addi %mul3A_176, %add3A_257 : i32
      %dma_wait3A_259 = arith.constant 0 : i32
      %dma_wait3A_260 = arith.constant 0 : i32
      %dma_wait3A_261 = tpu.memref_slice %arg2[%dma_wait3A_259, %dma_wait3A_260] : memref<10000x128xf32, #tpu.memory_space<hbm>> -> memref<10000x128xf32, #tpu.memory_space<hbm>>
      tpu.wait_indirect_dma semaphore(%arg19 : memref<!tpu.dma_semaphore, #tpu.memory_space<semaphore_mem>>) src(%dma_wait3A_261 : memref<10000x128xf32, #tpu.memory_space<hbm>>) dst(%arg16 : memref<80x128xf32, #tpu.memory_space<vmem>>)
      %add3A_262 = arith.constant 3 : i32
      %add3A_263 = arith.addi %add3A_258, %add3A_262 : i32
      %min3A_264 = arith.constant 124 : i32
      %min3A_265 = arith.minsi %add3A_263, %min3A_264 : i32
      %mul3A_266 = arith.constant 80 : i32
      %mul3A_267 = arith.muli %min3A_265, %mul3A_266 : i32
      %add3A_268 = arith.addi %mul3A_2, %mul3A_267 : i32
      %dma_start3A_269 = tpu.memref_slice %arg3[%add3A_268] : memref<320000xi32, #tpu.memory_space<hbm>> -> memref<80xi32, #tpu.memory_space<hbm>>
      %dma_start3A_270 = tpu.memref_slice %arg3[%add3A_268] : memref<320000xi32, #tpu.memory_space<hbm>> -> memref<80xi32, #tpu.memory_space<hbm>>
      tpu.enqueue_dma source(%dma_start3A_270 : memref<80xi32, #tpu.memory_space<hbm>>) target(%arg10 : memref<80xi32, #tpu.memory_space<vmem>>) target_semaphore(%arg25 : memref<!tpu.dma_semaphore, #tpu.memory_space<semaphore_mem>>)
      %dma_wait3A_271 = arith.constant 0 : i32
      %dma_wait3A_272 = tpu.memref_slice %arg3[%dma_wait3A_271] : memref<320000xi32, #tpu.memory_space<hbm>> -> memref<80xi32, #tpu.memory_space<hbm>>
      %dma_wait3A_273 = arith.constant 0 : i32
      %dma_wait3A_274 = tpu.memref_slice %arg3[%dma_wait3A_273] : memref<320000xi32, #tpu.memory_space<hbm>> -> memref<80xi32, #tpu.memory_space<hbm>>
      tpu.wait_dma2 semaphore(%arg28 : memref<!tpu.dma_semaphore, #tpu.memory_space<semaphore_mem>>) src(%dma_wait3A_274 : memref<80xi32, #tpu.memory_space<hbm>>) dst(%arg13 : memref<80xi32, #tpu.memory_space<vmem>>)
      %dma_start3A_275 = arith.constant 0 : i32
      %dma_start3A_276 = arith.constant 0 : i32
      %dma_start3A_277 = tpu.memref_slice %arg7[%dma_start3A_275, %dma_start3A_276] : memref<10240x128xf32, #tpu.memory_space<vmem_shared>> -> memref<10240x128xf32, #tpu.memory_space<vmem_shared>>
      tpu.enqueue_indirect_dma source(%arg16 : memref<80x128xf32, #tpu.memory_space<vmem>>) target(%dma_start3A_277 : memref<10240x128xf32, #tpu.memory_space<vmem_shared>>) offsets(%arg13 : memref<80xi32, #tpu.memory_space<vmem>>) semaphore(%arg22 : memref<!tpu.dma_semaphore, #tpu.memory_space<semaphore_mem>>) {add = true}
      %dma_wait3A_278 = arith.constant 0 : i32
      %dma_wait3A_279 = arith.constant 0 : i32
      %dma_wait3A_280 = tpu.memref_slice %arg7[%dma_wait3A_278, %dma_wait3A_279] : memref<10240x128xf32, #tpu.memory_space<vmem_shared>> -> memref<10240x128xf32, #tpu.memory_space<vmem_shared>>
      tpu.wait_indirect_dma semaphore(%arg21 : memref<!tpu.dma_semaphore, #tpu.memory_space<semaphore_mem>>) src(%arg15 : memref<80x128xf32, #tpu.memory_space<vmem>>) dst(%dma_wait3A_280 : memref<10240x128xf32, #tpu.memory_space<vmem_shared>>)
      %add3A_281 = arith.constant 2 : i32
      %add3A_282 = arith.addi %add3A_258, %add3A_281 : i32
      %min3A_283 = arith.constant 124 : i32
      %min3A_284 = arith.minsi %add3A_282, %min3A_283 : i32
      %mul3A_285 = arith.constant 80 : i32
      %mul3A_286 = arith.muli %min3A_284, %mul3A_285 : i32
      %add3A_287 = arith.addi %mul3A_2, %mul3A_286 : i32
      %dma_start3A_288 = tpu.memref_slice %arg4[%add3A_287] : memref<320000xi32, #tpu.memory_space<hbm>> -> memref<80xi32, #tpu.memory_space<hbm>>
      %dma_start3A_289 = tpu.memref_slice %arg4[%add3A_287] : memref<320000xi32, #tpu.memory_space<hbm>> -> memref<80xi32, #tpu.memory_space<hbm>>
      tpu.enqueue_dma source(%dma_start3A_289 : memref<80xi32, #tpu.memory_space<hbm>>) target(%arg12 : memref<80xi32, #tpu.memory_space<vmem>>) target_semaphore(%arg27 : memref<!tpu.dma_semaphore, #tpu.memory_space<semaphore_mem>>)
      %dma_wait3A_290 = arith.constant 0 : i32
      %dma_wait3A_291 = tpu.memref_slice %arg3[%dma_wait3A_290] : memref<320000xi32, #tpu.memory_space<hbm>> -> memref<80xi32, #tpu.memory_space<hbm>>
      %dma_wait3A_292 = arith.constant 0 : i32
      %dma_wait3A_293 = tpu.memref_slice %arg3[%dma_wait3A_292] : memref<320000xi32, #tpu.memory_space<hbm>> -> memref<80xi32, #tpu.memory_space<hbm>>
      tpu.wait_dma2 semaphore(%arg24 : memref<!tpu.dma_semaphore, #tpu.memory_space<semaphore_mem>>) src(%dma_wait3A_293 : memref<80xi32, #tpu.memory_space<hbm>>) dst(%arg9 : memref<80xi32, #tpu.memory_space<vmem>>)
      %dma_start3A_294 = arith.constant 0 : i32
      %dma_start3A_295 = arith.constant 0 : i32
      %dma_start3A_296 = tpu.memref_slice %arg2[%dma_start3A_294, %dma_start3A_295] : memref<10000x128xf32, #tpu.memory_space<hbm>> -> memref<10000x128xf32, #tpu.memory_space<hbm>>
      tpu.enqueue_indirect_dma source(%dma_start3A_296 : memref<10000x128xf32, #tpu.memory_space<hbm>>) target(%arg15 : memref<80x128xf32, #tpu.memory_space<vmem>>) offsets(%arg9 : memref<80xi32, #tpu.memory_space<vmem>>) semaphore(%arg18 : memref<!tpu.dma_semaphore, #tpu.memory_space<semaphore_mem>>)
    }
    %scan3A_135 = arith.constant 40 : i32
    %dma_wait3A_136 = arith.constant 0 : i32
    %dma_wait3A_137 = arith.constant 0 : i32
    %dma_wait3A_138 = tpu.memref_slice %arg2[%dma_wait3A_136, %dma_wait3A_137] : memref<10000x128xf32, #tpu.memory_space<hbm>> -> memref<10000x128xf32, #tpu.memory_space<hbm>>
    tpu.wait_indirect_dma semaphore(%arg17 : memref<!tpu.dma_semaphore, #tpu.memory_space<semaphore_mem>>) src(%dma_wait3A_138 : memref<10000x128xf32, #tpu.memory_space<hbm>>) dst(%arg14 : memref<80x128xf32, #tpu.memory_space<vmem>>)
    %dma_wait3A_139 = arith.constant 0 : i32
    %dma_wait3A_140 = tpu.memref_slice %arg3[%dma_wait3A_139] : memref<320000xi32, #tpu.memory_space<hbm>> -> memref<80xi32, #tpu.memory_space<hbm>>
    %dma_wait3A_141 = arith.constant 0 : i32
    %dma_wait3A_142 = tpu.memref_slice %arg3[%dma_wait3A_141] : memref<320000xi32, #tpu.memory_space<hbm>> -> memref<80xi32, #tpu.memory_space<hbm>>
    tpu.wait_dma2 semaphore(%arg26 : memref<!tpu.dma_semaphore, #tpu.memory_space<semaphore_mem>>) src(%dma_wait3A_142 : memref<80xi32, #tpu.memory_space<hbm>>) dst(%arg11 : memref<80xi32, #tpu.memory_space<vmem>>)
    %dma_start3A_143 = arith.constant 0 : i32
    %dma_start3A_144 = arith.constant 0 : i32
    %dma_start3A_145 = tpu.memref_slice %arg7[%dma_start3A_143, %dma_start3A_144] : memref<10240x128xf32, #tpu.memory_space<vmem_shared>> -> memref<10240x128xf32, #tpu.memory_space<vmem_shared>>
    tpu.enqueue_indirect_dma source(%arg14 : memref<80x128xf32, #tpu.memory_space<vmem>>) target(%dma_start3A_145 : memref<10240x128xf32, #tpu.memory_space<vmem_shared>>) offsets(%arg11 : memref<80xi32, #tpu.memory_space<vmem>>) semaphore(%arg20 : memref<!tpu.dma_semaphore, #tpu.memory_space<semaphore_mem>>) {add = true}
    %dma_wait3A_146 = arith.constant 0 : i32
    %dma_wait3A_147 = arith.constant 0 : i32
    %dma_wait3A_148 = tpu.memref_slice %arg7[%dma_wait3A_146, %dma_wait3A_147] : memref<10240x128xf32, #tpu.memory_space<vmem_shared>> -> memref<10240x128xf32, #tpu.memory_space<vmem_shared>>
    tpu.wait_indirect_dma semaphore(%arg22 : memref<!tpu.dma_semaphore, #tpu.memory_space<semaphore_mem>>) src(%arg16 : memref<80x128xf32, #tpu.memory_space<vmem>>) dst(%dma_wait3A_148 : memref<10240x128xf32, #tpu.memory_space<vmem_shared>>)
    %dma_wait3A_149 = arith.constant 0 : i32
    %dma_wait3A_150 = arith.constant 0 : i32
    %dma_wait3A_151 = tpu.memref_slice %arg2[%dma_wait3A_149, %dma_wait3A_150] : memref<10000x128xf32, #tpu.memory_space<hbm>> -> memref<10000x128xf32, #tpu.memory_space<hbm>>
    tpu.wait_indirect_dma semaphore(%arg18 : memref<!tpu.dma_semaphore, #tpu.memory_space<semaphore_mem>>) src(%dma_wait3A_151 : memref<10000x128xf32, #tpu.memory_space<hbm>>) dst(%arg15 : memref<80x128xf32, #tpu.memory_space<vmem>>)
    %dma_wait3A_152 = arith.constant 0 : i32
    %dma_wait3A_153 = tpu.memref_slice %arg3[%dma_wait3A_152] : memref<320000xi32, #tpu.memory_space<hbm>> -> memref<80xi32, #tpu.memory_space<hbm>>
    %dma_wait3A_154 = arith.constant 0 : i32
    %dma_wait3A_155 = tpu.memref_slice %arg3[%dma_wait3A_154] : memref<320000xi32, #tpu.memory_space<hbm>> -> memref<80xi32, #tpu.memory_space<hbm>>
    tpu.wait_dma2 semaphore(%arg27 : memref<!tpu.dma_semaphore, #tpu.memory_space<semaphore_mem>>) src(%dma_wait3A_155 : memref<80xi32, #tpu.memory_space<hbm>>) dst(%arg12 : memref<80xi32, #tpu.memory_space<vmem>>)
    %dma_start3A_156 = arith.constant 0 : i32
    %dma_start3A_157 = arith.constant 0 : i32
    %dma_start3A_158 = tpu.memref_slice %arg7[%dma_start3A_156, %dma_start3A_157] : memref<10240x128xf32, #tpu.memory_space<vmem_shared>> -> memref<10240x128xf32, #tpu.memory_space<vmem_shared>>
    tpu.enqueue_indirect_dma source(%arg15 : memref<80x128xf32, #tpu.memory_space<vmem>>) target(%dma_start3A_158 : memref<10240x128xf32, #tpu.memory_space<vmem_shared>>) offsets(%arg12 : memref<80xi32, #tpu.memory_space<vmem>>) semaphore(%arg21 : memref<!tpu.dma_semaphore, #tpu.memory_space<semaphore_mem>>) {add = true}
    %dma_wait3A_159 = arith.constant 0 : i32
    %dma_wait3A_160 = arith.constant 0 : i32
    %dma_wait3A_161 = tpu.memref_slice %arg7[%dma_wait3A_159, %dma_wait3A_160] : memref<10240x128xf32, #tpu.memory_space<vmem_shared>> -> memref<10240x128xf32, #tpu.memory_space<vmem_shared>>
    tpu.wait_indirect_dma semaphore(%arg20 : memref<!tpu.dma_semaphore, #tpu.memory_space<semaphore_mem>>) src(%arg14 : memref<80x128xf32, #tpu.memory_space<vmem>>) dst(%dma_wait3A_161 : memref<10240x128xf32, #tpu.memory_space<vmem_shared>>)
    %dma_wait3A_162 = arith.constant 0 : i32
    %dma_wait3A_163 = arith.constant 0 : i32
    %dma_wait3A_164 = tpu.memref_slice %arg7[%dma_wait3A_162, %dma_wait3A_163] : memref<10240x128xf32, #tpu.memory_space<vmem_shared>> -> memref<10240x128xf32, #tpu.memory_space<vmem_shared>>
    tpu.wait_indirect_dma semaphore(%arg21 : memref<!tpu.dma_semaphore, #tpu.memory_space<semaphore_mem>>) src(%arg15 : memref<80x128xf32, #tpu.memory_space<vmem>>) dst(%dma_wait3A_164 : memref<10240x128xf32, #tpu.memory_space<vmem_shared>>)
    %dma_wait3A_165 = arith.constant 0 : i32
    %dma_wait3A_166 = tpu.memref_slice %arg3[%dma_wait3A_165] : memref<320000xi32, #tpu.memory_space<hbm>> -> memref<80xi32, #tpu.memory_space<hbm>>
    %dma_wait3A_167 = arith.constant 0 : i32
    %dma_wait3A_168 = tpu.memref_slice %arg3[%dma_wait3A_167] : memref<320000xi32, #tpu.memory_space<hbm>> -> memref<80xi32, #tpu.memory_space<hbm>>
    tpu.wait_dma2 semaphore(%arg25 : memref<!tpu.dma_semaphore, #tpu.memory_space<semaphore_mem>>) src(%dma_wait3A_168 : memref<80xi32, #tpu.memory_space<hbm>>) dst(%arg10 : memref<80xi32, #tpu.memory_space<vmem>>)
    %barrier3A_169 = arith.constant 0 : index
    tpu.barrier barrier_id(%barrier3A_169)
    %mul3A_170 = arith.constant 640 : i32
    %mul3A_171 = arith.muli %arg1, %mul3A_170 : i32
    %mul3A_172 = arith.constant 640 : i32
    %mul3A_173 = arith.muli %arg1, %mul3A_172 : i32
    "tpu.region"() ({
      %run_scoped3A = tpu.sem_alloc : memref<!tpu.dma_semaphore, #tpu.memory_space<semaphore_mem>>
      %dma_start3A_174 = arith.constant 0 : i32
      %dma_start3A_175 = tpu.memref_slice %arg6[%arg0, %mul3A_173, %dma_start3A_174] : memref<2x10240x128xf32, #tpu.memory_space<hbm>> -> memref<1x640x128xf32, #tpu.memory_space<hbm>>
      %dma_start3A_176 = tpu.memref_squeeze %dma_start3A_175 : memref<1x640x128xf32, #tpu.memory_space<hbm>> -> memref<640x128xf32, #tpu.memory_space<hbm>>
      %dma_start3A_177 = arith.constant 0 : i32
      %dma_start3A_178 = tpu.memref_slice %arg7[%mul3A_171, %dma_start3A_177] : memref<10240x128xf32, #tpu.memory_space<vmem_shared>> -> memref<640x128xf32, #tpu.memory_space<vmem_shared>>
      tpu.enqueue_dma source(%dma_start3A_178 : memref<640x128xf32, #tpu.memory_space<vmem_shared>>) target(%dma_start3A_176 : memref<640x128xf32, #tpu.memory_space<hbm>>) target_semaphore(%run_scoped3A : memref<!tpu.dma_semaphore, #tpu.memory_space<semaphore_mem>>)
      %dma_wait3A_179 = arith.constant 0 : i32
      %dma_wait3A_180 = tpu.memref_slice %arg6[%arg0, %mul3A_173, %dma_wait3A_179] : memref<2x10240x128xf32, #tpu.memory_space<hbm>> -> memref<1x640x128xf32, #tpu.memory_space<hbm>>
      %dma_wait3A_181 = tpu.memref_squeeze %dma_wait3A_180 : memref<1x640x128xf32, #tpu.memory_space<hbm>> -> memref<640x128xf32, #tpu.memory_space<hbm>>
      %dma_wait3A_182 = arith.constant 0 : i32
      %dma_wait3A_183 = tpu.memref_slice %arg7[%mul3A_171, %dma_wait3A_182] : memref<10240x128xf32, #tpu.memory_space<vmem_shared>> -> memref<640x128xf32, #tpu.memory_space<vmem_shared>>
      tpu.wait_dma2 semaphore(%run_scoped3A : memref<!tpu.dma_semaphore, #tpu.memory_space<semaphore_mem>>) src(%dma_wait3A_183 : memref<640x128xf32, #tpu.memory_space<vmem_shared>>) dst(%dma_wait3A_181 : memref<640x128xf32, #tpu.memory_space<hbm>>)
      tpu.yield
    }) : () -> ()
    return
  }
}

module attributes {stable_mosaic.version = 14 : i64} {
  func.func @_encode_body(%arg0: i32, %arg1: memref<1000x128xf32, #tpu.memory_space<vmem>>, %arg2: memref<128x128xf32, #tpu.memory_space<vmem>>, %arg3: memref<1x128xf32, #tpu.memory_space<vmem>>, %arg4: memref<128x128xf32, #tpu.memory_space<vmem>>, %arg5: memref<2x1000x8xf32, #tpu.memory_space<vmem>>, %arg6: memref<1000x128xf32, #tpu.memory_space<vmem>>) attributes {dimension_semantics = [#tpu.dimension_semantics<arbitrary>], iteration_bounds = array<i64: 10>, scalar_prefetch = 0 : i64, scratch_operands = 0 : i64, tpu.core_type = #tpu.core_type<tc>, window_params = [{transform_indices = @transform_0, window_bounds = array<i64: 1000, 128>}, {pipeline_mode = #tpu.pipeline_mode<synchronous>, transform_indices = @transform_1, window_bounds = array<i64: 128, 128>}, {pipeline_mode = #tpu.pipeline_mode<synchronous>, transform_indices = @transform_2, window_bounds = array<i64: 1, 128>}, {pipeline_mode = #tpu.pipeline_mode<synchronous>, transform_indices = @transform_3, window_bounds = array<i64: 128, 128>}, {transform_indices = @transform_4, window_bounds = array<i64: 2, 1000, 8>}, {transform_indices = @transform_5, window_bounds = array<i64: 1000, 128>}]} {
    %get3A = arith.constant 0 : index
    %get3A_0 = arith.constant 0 : index
    %get3A_1 = vector.load %arg1[%get3A, %get3A_0] : memref<1000x128xf32, #tpu.memory_space<vmem>>, vector<1000x128xf32>
    %get3A_2 = arith.constant 0 : index
    %get3A_3 = arith.constant 0 : index
    %get3A_4 = vector.load %arg2[%get3A_2, %get3A_3] : memref<128x128xf32, #tpu.memory_space<vmem>>, vector<128x128xf32>
    %dot_general3A = arith.constant dense<0.000000e+00> : vector<1000x128xf32>
    %dot_general3A_5 = tpu.matmul %get3A_1, %get3A_4, %dot_general3A {dimension_numbers = #tpu.dot_dimension_numbers<[1], [0], [0], [1], [0, 0, 1, 1], [], []>, transpose_lhs_hint = false} : vector<1000x128xf32>, vector<128x128xf32>, vector<1000x128xf32> -> vector<1000x128xf32>
    %get3A_6 = arith.constant 0 : index
    %get3A_7 = arith.constant 0 : index
    %get3A_8 = vector.load %arg3[%get3A_6, %get3A_7] : memref<1x128xf32, #tpu.memory_space<vmem>>, vector<1x128xf32>
    %add3A = vector.broadcast %get3A_8 : vector<1x128xf32> to vector<1000x128xf32>
    %add3A_9 = arith.addf %dot_general3A_5, %add3A : vector<1000x128xf32>
    %get3A_10 = arith.constant 0 : index
    %get3A_11 = arith.constant 0 : index
    %get3A_12 = arith.constant 0 : index
    %get3A_13 = vector.load %arg5[%get3A_10, %get3A_11, %get3A_12] : memref<2x1000x8xf32, #tpu.memory_space<vmem>>, vector<2x1000x8xf32>
    %slice3A = vector.extract_strided_slice %get3A_13 {offsets = [0, 0, 0], sizes = [1, 1000, 1], strides = [1, 1, 1]} : vector<2x1000x8xf32> to vector<1x1000x1xf32>
    %squeeze3A = vector.shape_cast %slice3A : vector<1x1000x1xf32> to vector<1000x1xf32>
    %add3A_14 = arith.constant 1.000000e+00 : f32
    %add3A_15 = vector.broadcast %add3A_14 : f32 to vector<1000x1xf32>
    %add3A_16 = arith.addf %add3A_15, %squeeze3A : vector<1000x1xf32>
    %slice3A_17 = vector.extract_strided_slice %get3A_13 {offsets = [1, 0, 0], sizes = [1, 1000, 1], strides = [1, 1, 1]} : vector<2x1000x8xf32> to vector<1x1000x1xf32>
    %squeeze3A_18 = vector.shape_cast %slice3A_17 : vector<1x1000x1xf32> to vector<1000x1xf32>
    %add3A_19 = arith.addf %add3A_16, %squeeze3A_18 : vector<1000x1xf32>
    %rsqrt3A = math.rsqrt %add3A_19 : vector<1000x1xf32>
    %get3A_20 = arith.constant 0 : index
    %get3A_21 = arith.constant 0 : index
    %get3A_22 = vector.load %arg4[%get3A_20, %get3A_21] : memref<128x128xf32, #tpu.memory_space<vmem>>, vector<128x128xf32>
    %dot_general3A_23 = arith.constant dense<0.000000e+00> : vector<1000x128xf32>
    %dot_general3A_24 = tpu.matmul %add3A_9, %get3A_22, %dot_general3A_23 {dimension_numbers = #tpu.dot_dimension_numbers<[1], [0], [0], [1], [0, 0, 1, 1], [], []>, transpose_lhs_hint = false} : vector<1000x128xf32>, vector<128x128xf32>, vector<1000x128xf32> -> vector<1000x128xf32>
    %mul3A = vector.broadcast %rsqrt3A : vector<1000x1xf32> to vector<1000x128xf32>
    %mul3A_25 = arith.mulf %mul3A, %dot_general3A_24 : vector<1000x128xf32>
    %swap3A = arith.constant 0 : index
    %swap3A_26 = arith.constant 0 : index
    %swap3A_27 = vector.load %arg6[%swap3A, %swap3A_26] : memref<1000x128xf32, #tpu.memory_space<vmem>>, vector<1000x128xf32>
    tpu.vector_store %arg6[%swap3A, %swap3A_26], %mul3A_25 {strides = array<i32>} : memref<1000x128xf32, #tpu.memory_space<vmem>>, vector<1000x128xf32>,
    return
  }
  func.func @transform_0(%arg0: i32) -> (i32, i32) {
    %c0_i32 = arith.constant 0 : i32
    %c0_i32_0 = arith.constant 0 : i32
    return %arg0, %c0_i32 : i32, i32
  }
  func.func @transform_1(%arg0: i32) -> (i32, i32) {
    %c0_i32 = arith.constant 0 : i32
    %c0_i32_0 = arith.constant 0 : i32
    %c0_i32_1 = arith.constant 0 : i32
    return %c0_i32, %c0_i32_0 : i32, i32
  }
  func.func @transform_2(%arg0: i32) -> (i32, i32) {
    %c0_i32 = arith.constant 0 : i32
    %c0_i32_0 = arith.constant 0 : i32
    %c0_i32_1 = arith.constant 0 : i32
    return %c0_i32, %c0_i32_0 : i32, i32
  }
  func.func @transform_3(%arg0: i32) -> (i32, i32) {
    %c0_i32 = arith.constant 0 : i32
    %c0_i32_0 = arith.constant 0 : i32
    %c0_i32_1 = arith.constant 0 : i32
    return %c0_i32, %c0_i32_0 : i32, i32
  }
  func.func @transform_4(%arg0: i32) -> (i32, i32, i32) {
    %c0_i32 = arith.constant 0 : i32
    %c0_i32_0 = arith.constant 0 : i32
    %c0_i32_1 = arith.constant 0 : i32
    return %c0_i32, %arg0, %c0_i32_0 : i32, i32, i32
  }
  func.func @transform_5(%arg0: i32) -> (i32, i32) {
    %c0_i32 = arith.constant 0 : i32
    %c0_i32_0 = arith.constant 0 : i32
    return %arg0, %c0_i32 : i32, i32
  }
}

module attributes {stable_mosaic.version = 14 : i64} {
  func.func @_layer_body(%arg0: i32, %arg1: memref<2x1000x128xf32, #tpu.memory_space<vmem>>, %arg2: memref<1000x128xf32, #tpu.memory_space<vmem>>, %arg3: memref<2x1000x8xf32, #tpu.memory_space<vmem>>, %arg4: memref<1x128xf32, #tpu.memory_space<vmem>>, %arg5: memref<128x128xf32, #tpu.memory_space<vmem>>, %arg6: memref<1000x128xf32, #tpu.memory_space<vmem>>) attributes {dimension_semantics = [#tpu.dimension_semantics<arbitrary>], iteration_bounds = array<i64: 10>, scalar_prefetch = 0 : i64, scratch_operands = 0 : i64, tpu.core_type = #tpu.core_type<tc>, window_params = [{transform_indices = @transform_0, window_bounds = array<i64: 2, 1000, 128>}, {transform_indices = @transform_1, window_bounds = array<i64: 1000, 128>}, {transform_indices = @transform_2, window_bounds = array<i64: 2, 1000, 8>}, {pipeline_mode = #tpu.pipeline_mode<synchronous>, transform_indices = @transform_3, window_bounds = array<i64: 1, 128>}, {pipeline_mode = #tpu.pipeline_mode<synchronous>, transform_indices = @transform_4, window_bounds = array<i64: 128, 128>}, {transform_indices = @transform_5, window_bounds = array<i64: 1000, 128>}]} {
    %get3A = arith.constant 0 : index
    %get3A_0 = arith.constant 0 : index
    %get3A_1 = arith.constant 0 : index
    %get3A_2 = vector.load %arg3[%get3A, %get3A_0, %get3A_1] : memref<2x1000x8xf32, #tpu.memory_space<vmem>>, vector<2x1000x8xf32>
    %slice3A = vector.extract_strided_slice %get3A_2 {offsets = [0, 0, 0], sizes = [1, 1000, 1], strides = [1, 1, 1]} : vector<2x1000x8xf32> to vector<1x1000x1xf32>
    %squeeze3A = vector.shape_cast %slice3A : vector<1x1000x1xf32> to vector<1000x1xf32>
    %add3A = arith.constant 1.000000e+00 : f32
    %add3A_3 = vector.broadcast %add3A : f32 to vector<1000x1xf32>
    %add3A_4 = arith.addf %add3A_3, %squeeze3A : vector<1000x1xf32>
    %slice3A_5 = vector.extract_strided_slice %get3A_2 {offsets = [1, 0, 0], sizes = [1, 1000, 1], strides = [1, 1, 1]} : vector<2x1000x8xf32> to vector<1x1000x1xf32>
    %squeeze3A_6 = vector.shape_cast %slice3A_5 : vector<1x1000x1xf32> to vector<1000x1xf32>
    %add3A_7 = arith.addf %add3A_4, %squeeze3A_6 : vector<1000x1xf32>
    %rsqrt3A = math.rsqrt %add3A_7 : vector<1000x1xf32>
    %get3A_8 = arith.constant 0 : index
    %get3A_9 = arith.constant 0 : index
    %get3A_10 = arith.constant 0 : index
    %get3A_11 = vector.load %arg1[%get3A_8, %get3A_9, %get3A_10] : memref<2x1000x128xf32, #tpu.memory_space<vmem>>, vector<1x1000x128xf32>
    %get3A_12 = vector.shape_cast %get3A_11 : vector<1x1000x128xf32> to vector<1000x128xf32>
    %get3A_13 = arith.constant 1 : index
    %get3A_14 = arith.constant 0 : index
    %get3A_15 = arith.constant 0 : index
    %get3A_16 = vector.load %arg1[%get3A_13, %get3A_14, %get3A_15] : memref<2x1000x128xf32, #tpu.memory_space<vmem>>, vector<1x1000x128xf32>
    %get3A_17 = vector.shape_cast %get3A_16 : vector<1x1000x128xf32> to vector<1000x128xf32>
    %add3A_18 = arith.addf %get3A_12, %get3A_17 : vector<1000x128xf32>
    %get3A_19 = arith.constant 0 : index
    %get3A_20 = arith.constant 0 : index
    %get3A_21 = vector.load %arg2[%get3A_19, %get3A_20] : memref<1000x128xf32, #tpu.memory_space<vmem>>, vector<1000x128xf32>
    %add3A_22 = arith.addf %add3A_18, %get3A_21 : vector<1000x128xf32>
    %mul3A = vector.broadcast %rsqrt3A : vector<1000x1xf32> to vector<1000x128xf32>
    %mul3A_23 = arith.mulf %mul3A, %add3A_22 : vector<1000x128xf32>
    %get3A_24 = arith.constant 0 : index
    %get3A_25 = arith.constant 0 : index
    %get3A_26 = vector.load %arg4[%get3A_24, %get3A_25] : memref<1x128xf32, #tpu.memory_space<vmem>>, vector<1x128xf32>
    %add3A_27 = vector.broadcast %get3A_26 : vector<1x128xf32> to vector<1000x128xf32>
    %add3A_28 = arith.addf %mul3A_23, %add3A_27 : vector<1000x128xf32>
    %max3A = arith.constant 0.000000e+00 : f32
    %max3A_29 = vector.broadcast %max3A : f32 to vector<1000x128xf32>
    %max3A_30 = arith.maximumf %add3A_28, %max3A_29 : vector<1000x128xf32>
    %get3A_31 = arith.constant 0 : index
    %get3A_32 = arith.constant 0 : index
    %get3A_33 = vector.load %arg5[%get3A_31, %get3A_32] : memref<128x128xf32, #tpu.memory_space<vmem>>, vector<128x128xf32>
    %dot_general3A = arith.constant dense<0.000000e+00> : vector<1000x128xf32>
    %dot_general3A_34 = tpu.matmul %max3A_30, %get3A_33, %dot_general3A {dimension_numbers = #tpu.dot_dimension_numbers<[1], [0], [0], [1], [0, 0, 1, 1], [], []>, transpose_lhs_hint = false} : vector<1000x128xf32>, vector<128x128xf32>, vector<1000x128xf32> -> vector<1000x128xf32>
    %mul3A_35 = vector.broadcast %rsqrt3A : vector<1000x1xf32> to vector<1000x128xf32>
    %mul3A_36 = arith.mulf %mul3A_35, %dot_general3A_34 : vector<1000x128xf32>
    %swap3A = arith.constant 0 : index
    %swap3A_37 = arith.constant 0 : index
    %swap3A_38 = vector.load %arg6[%swap3A, %swap3A_37] : memref<1000x128xf32, #tpu.memory_space<vmem>>, vector<1000x128xf32>
    tpu.vector_store %arg6[%swap3A, %swap3A_37], %mul3A_36 {strides = array<i32>} : memref<1000x128xf32, #tpu.memory_space<vmem>>, vector<1000x128xf32>,
    return
  }
  func.func @transform_0(%arg0: i32) -> (i32, i32, i32) {
    %c0_i32 = arith.constant 0 : i32
    %c0_i32_0 = arith.constant 0 : i32
    %c0_i32_1 = arith.constant 0 : i32
    return %c0_i32, %arg0, %c0_i32_0 : i32, i32, i32
  }
  func.func @transform_1(%arg0: i32) -> (i32, i32) {
    %c0_i32 = arith.constant 0 : i32
    %c0_i32_0 = arith.constant 0 : i32
    return %arg0, %c0_i32 : i32, i32
  }
  func.func @transform_2(%arg0: i32) -> (i32, i32, i32) {
    %c0_i32 = arith.constant 0 : i32
    %c0_i32_0 = arith.constant 0 : i32
    %c0_i32_1 = arith.constant 0 : i32
    return %c0_i32, %arg0, %c0_i32_0 : i32, i32, i32
  }
  func.func @transform_3(%arg0: i32) -> (i32, i32) {
    %c0_i32 = arith.constant 0 : i32
    %c0_i32_0 = arith.constant 0 : i32
    %c0_i32_1 = arith.constant 0 : i32
    return %c0_i32, %c0_i32_0 : i32, i32
  }
  func.func @transform_4(%arg0: i32) -> (i32, i32) {
    %c0_i32 = arith.constant 0 : i32
    %c0_i32_0 = arith.constant 0 : i32
    %c0_i32_1 = arith.constant 0 : i32
    return %c0_i32, %c0_i32_0 : i32, i32
  }
  func.func @transform_5(%arg0: i32) -> (i32, i32) {
    %c0_i32 = arith.constant 0 : i32
    %c0_i32_0 = arith.constant 0 : i32
    return %arg0, %c0_i32 : i32, i32
  }
}

module attributes {stable_mosaic.version = 14 : i64} {
  func.func @_pool_body(%arg0: i32, %arg1: memref<2x1000x128xf32, #tpu.memory_space<vmem>>, %arg2: memref<1000x128xf32, #tpu.memory_space<vmem>>, %arg3: memref<2x1000x8xf32, #tpu.memory_space<vmem>>, %arg4: memref<1x128xf32, #tpu.memory_space<vmem>>, %arg5: memref<1x1x1000xi32, #tpu.memory_space<vmem>>, %arg6: memref<128x64xf32, #tpu.memory_space<vmem>>, %arg7: memref<1x64xf32, #tpu.memory_space<vmem>>, %arg8: memref<1x64xf32, #tpu.memory_space<vmem>>, %arg9: memref<1x64xf32, #tpu.memory_space<vmem>>, %arg10: memref<64x64xf32, #tpu.memory_space<vmem>>, %arg11: memref<64x128xf32, #tpu.memory_space<vmem>>, %arg12: memref<64x128xf32, #tpu.memory_space<vmem>>) attributes {dimension_semantics = [#tpu.dimension_semantics<arbitrary>], iteration_bounds = array<i64: 10>, scalar_prefetch = 0 : i64, scratch_operands = 2 : i64, tpu.core_type = #tpu.core_type<tc>, window_params = [{transform_indices = @transform_0, window_bounds = array<i64: 2, 1000, 128>}, {transform_indices = @transform_1, window_bounds = array<i64: 1000, 128>}, {transform_indices = @transform_2, window_bounds = array<i64: 2, 1000, 8>}, {pipeline_mode = #tpu.pipeline_mode<synchronous>, transform_indices = @transform_3, window_bounds = array<i64: 1, 128>}, {transform_indices = @transform_4, window_bounds = array<i64: 1, 1, 1000>}, {pipeline_mode = #tpu.pipeline_mode<synchronous>, transform_indices = @transform_5, window_bounds = array<i64: 128, 64>}, {pipeline_mode = #tpu.pipeline_mode<synchronous>, transform_indices = @transform_6, window_bounds = array<i64: 1, 64>}, {pipeline_mode = #tpu.pipeline_mode<synchronous>, transform_indices = @transform_7, window_bounds = array<i64: 1, 64>}, {pipeline_mode = #tpu.pipeline_mode<synchronous>, transform_indices = @transform_8, window_bounds = array<i64: 1, 64>}, {pipeline_mode = #tpu.pipeline_mode<synchronous>, transform_indices = @transform_9, window_bounds = array<i64: 64, 64>}]} {
    %get3A = arith.constant 0 : index
    %get3A_0 = arith.constant 0 : index
    %get3A_1 = arith.constant 0 : index
    %get3A_2 = vector.load %arg3[%get3A, %get3A_0, %get3A_1] : memref<2x1000x8xf32, #tpu.memory_space<vmem>>, vector<2x1000x8xf32>
    %slice3A = vector.extract_strided_slice %get3A_2 {offsets = [0, 0, 0], sizes = [1, 1000, 1], strides = [1, 1, 1]} : vector<2x1000x8xf32> to vector<1x1000x1xf32>
    %squeeze3A = vector.shape_cast %slice3A : vector<1x1000x1xf32> to vector<1000x1xf32>
    %add3A = arith.constant 1.000000e+00 : f32
    %add3A_3 = vector.broadcast %add3A : f32 to vector<1000x1xf32>
    %add3A_4 = arith.addf %add3A_3, %squeeze3A : vector<1000x1xf32>
    %slice3A_5 = vector.extract_strided_slice %get3A_2 {offsets = [1, 0, 0], sizes = [1, 1000, 1], strides = [1, 1, 1]} : vector<2x1000x8xf32> to vector<1x1000x1xf32>
    %squeeze3A_6 = vector.shape_cast %slice3A_5 : vector<1x1000x1xf32> to vector<1000x1xf32>
    %add3A_7 = arith.addf %add3A_4, %squeeze3A_6 : vector<1000x1xf32>
    %rsqrt3A = math.rsqrt %add3A_7 : vector<1000x1xf32>
    %get3A_8 = arith.constant 0 : index
    %get3A_9 = arith.constant 0 : index
    %get3A_10 = arith.constant 0 : index
    %get3A_11 = vector.load %arg1[%get3A_8, %get3A_9, %get3A_10] : memref<2x1000x128xf32, #tpu.memory_space<vmem>>, vector<1x1000x128xf32>
    %get3A_12 = vector.shape_cast %get3A_11 : vector<1x1000x128xf32> to vector<1000x128xf32>
    %get3A_13 = arith.constant 1 : index
    %get3A_14 = arith.constant 0 : index
    %get3A_15 = arith.constant 0 : index
    %get3A_16 = vector.load %arg1[%get3A_13, %get3A_14, %get3A_15] : memref<2x1000x128xf32, #tpu.memory_space<vmem>>, vector<1x1000x128xf32>
    %get3A_17 = vector.shape_cast %get3A_16 : vector<1x1000x128xf32> to vector<1000x128xf32>
    %add3A_18 = arith.addf %get3A_12, %get3A_17 : vector<1000x128xf32>
    %get3A_19 = arith.constant 0 : index
    %get3A_20 = arith.constant 0 : index
    %get3A_21 = vector.load %arg2[%get3A_19, %get3A_20] : memref<1000x128xf32, #tpu.memory_space<vmem>>, vector<1000x128xf32>
    %add3A_22 = arith.addf %add3A_18, %get3A_21 : vector<1000x128xf32>
    %mul3A = vector.broadcast %rsqrt3A : vector<1000x1xf32> to vector<1000x128xf32>
    %mul3A_23 = arith.mulf %mul3A, %add3A_22 : vector<1000x128xf32>
    %get3A_24 = arith.constant 0 : index
    %get3A_25 = arith.constant 0 : index
    %get3A_26 = vector.load %arg4[%get3A_24, %get3A_25] : memref<1x128xf32, #tpu.memory_space<vmem>>, vector<1x128xf32>
    %add3A_27 = vector.broadcast %get3A_26 : vector<1x128xf32> to vector<1000x128xf32>
    %add3A_28 = arith.addf %mul3A_23, %add3A_27 : vector<1000x128xf32>
    %max3A = arith.constant 0.000000e+00 : f32
    %max3A_29 = vector.broadcast %max3A : f32 to vector<1000x128xf32>
    %max3A_30 = arith.maximumf %add3A_28, %max3A_29 : vector<1000x128xf32>
    %iota3A = tpu.iota {dimensions = array<i32: 0>} : vector<64x1000xi32>
    %get3A_31 = arith.constant 0 : index
    %get3A_32 = arith.constant 0 : index
    %get3A_33 = arith.constant 0 : index
    %get3A_34 = vector.load %arg5[%get3A_31, %get3A_32, %get3A_33] : memref<1x1x1000xi32, #tpu.memory_space<vmem>>, vector<1x1x1000xi32>
    %get3A_35 = vector.shape_cast %get3A_34 : vector<1x1x1000xi32> to vector<1x1000xi32>
    %eq3A = vector.broadcast %get3A_35 : vector<1x1000xi32> to vector<64x1000xi32>
    %eq3A_36 = arith.cmpi eq, %iota3A, %eq3A : vector<64x1000xi32>
    %convert_element_type3A = arith.extui %eq3A_36 : vector<64x1000xi1> to vector<64x1000xi32>
    %convert_element_type3A_37 = arith.sitofp %convert_element_type3A : vector<64x1000xi32> to vector<64x1000xf32>
    %dot_general3A = arith.constant dense<0.000000e+00> : vector<64x128xf32>
    %dot_general3A_38 = tpu.matmul %convert_element_type3A_37, %max3A_30, %dot_general3A {dimension_numbers = #tpu.dot_dimension_numbers<[1], [0], [0], [1], [0, 0, 1, 1], [], []>, transpose_lhs_hint = false} : vector<64x1000xf32>, vector<1000x128xf32>, vector<64x128xf32> -> vector<64x128xf32>
    %reduce_sum3A = arith.constant dense<0.000000e+00> : vector<64xf32>
    %reduce_sum3A_39 = vector.multi_reduction <add>, %convert_element_type3A_37, %reduce_sum3A [1] : vector<64x1000xf32> to vector<64xf32>
    %broadcast_in_dim3A = vector.shape_cast %reduce_sum3A_39 : vector<64xf32> to vector<64x1xf32>
    %broadcast_in_dim3A_40 = vector.shape_cast %broadcast_in_dim3A : vector<64x1xf32> to vector<64x1xf32>
    %broadcast_in_dim3A_41 = vector.broadcast %broadcast_in_dim3A_40 : vector<64x1xf32> to vector<64x128xf32>
    %eq3A_42 = arith.constant 0 : i32
    %eq3A_43 = arith.cmpi eq, %arg0, %eq3A_42 : i32
    %convert_element_type3A_44 = arith.extui %eq3A_43 : i1 to i32
    %cond3A = arith.constant 0 : i32
    %cond3A_45 = arith.cmpi ne, %convert_element_type3A_44, %cond3A : i32
    scf.if %cond3A_45 {
      %broadcast_in_dim3A_64 = arith.constant 0.000000e+00 : f32
      %broadcast_in_dim3A_65 = vector.broadcast %broadcast_in_dim3A_64 : f32 to vector<64x128xf32>
      %swap3A_66 = arith.constant 0 : index
      %swap3A_67 = arith.constant 0 : index
      %swap3A_68 = vector.load %arg11[%swap3A_66, %swap3A_67] : memref<64x128xf32, #tpu.memory_space<vmem>>, vector<64x128xf32>
      tpu.vector_store %arg11[%swap3A_66, %swap3A_67], %broadcast_in_dim3A_65 {strides = array<i32>} : memref<64x128xf32, #tpu.memory_space<vmem>>, vector<64x128xf32>,
      %broadcast_in_dim3A_69 = arith.constant 0.000000e+00 : f32
      %broadcast_in_dim3A_70 = vector.broadcast %broadcast_in_dim3A_69 : f32 to vector<64x128xf32>
      %swap3A_71 = arith.constant 0 : index
      %swap3A_72 = arith.constant 0 : index
      %swap3A_73 = vector.load %arg12[%swap3A_71, %swap3A_72] : memref<64x128xf32, #tpu.memory_space<vmem>>, vector<64x128xf32>
      tpu.vector_store %arg12[%swap3A_71, %swap3A_72], %broadcast_in_dim3A_70 {strides = array<i32>} : memref<64x128xf32, #tpu.memory_space<vmem>>, vector<64x128xf32>,
    } else {
    }
    %get3A_46 = arith.constant 0 : index
    %get3A_47 = arith.constant 0 : index
    %get3A_48 = vector.load %arg11[%get3A_46, %get3A_47] : memref<64x128xf32, #tpu.memory_space<vmem>>, vector<64x128xf32>
    %add3A_49 = arith.addf %get3A_48, %dot_general3A_38 : vector<64x128xf32>
    %swap3A = arith.constant 0 : index
    %swap3A_50 = arith.constant 0 : index
    %swap3A_51 = vector.load %arg11[%swap3A, %swap3A_50] : memref<64x128xf32, #tpu.memory_space<vmem>>, vector<64x128xf32>
    tpu.vector_store %arg11[%swap3A, %swap3A_50], %add3A_49 {strides = array<i32>} : memref<64x128xf32, #tpu.memory_space<vmem>>, vector<64x128xf32>,
    %get3A_52 = arith.constant 0 : index
    %get3A_53 = arith.constant 0 : index
    %get3A_54 = vector.load %arg12[%get3A_52, %get3A_53] : memref<64x128xf32, #tpu.memory_space<vmem>>, vector<64x128xf32>
    %add3A_55 = arith.addf %get3A_54, %broadcast_in_dim3A_41 : vector<64x128xf32>
    %swap3A_56 = arith.constant 0 : index
    %swap3A_57 = arith.constant 0 : index
    %swap3A_58 = vector.load %arg12[%swap3A_56, %swap3A_57] : memref<64x128xf32, #tpu.memory_space<vmem>>, vector<64x128xf32>
    tpu.vector_store %arg12[%swap3A_56, %swap3A_57], %add3A_55 {strides = array<i32>} : memref<64x128xf32, #tpu.memory_space<vmem>>, vector<64x128xf32>,
    %eq3A_59 = arith.constant 9 : i32
    %eq3A_60 = arith.cmpi eq, %arg0, %eq3A_59 : i32
    %convert_element_type3A_61 = arith.extui %eq3A_60 : i1 to i32
    %cond3A_62 = arith.constant 0 : i32
    %cond3A_63 = arith.cmpi ne, %convert_element_type3A_61, %cond3A_62 : i32
    scf.if %cond3A_63 {
      %get3A_64 = arith.constant 0 : index
      %get3A_65 = arith.constant 0 : index
      %get3A_66 = vector.load %arg11[%get3A_64, %get3A_65] : memref<64x128xf32, #tpu.memory_space<vmem>>, vector<64x128xf32>
      %get3A_67 = arith.constant 0 : index
      %get3A_68 = arith.constant 0 : index
      %get3A_69 = vector.load %arg12[%get3A_67, %get3A_68] : memref<64x128xf32, #tpu.memory_space<vmem>>, vector<64x128xf32>
      %max3A_70 = arith.constant 1.000000e+00 : f32
      %max3A_71 = vector.broadcast %max3A_70 : f32 to vector<64x128xf32>
      %max3A_72 = arith.maximumf %get3A_69, %max3A_71 : vector<64x128xf32>
      %div3A = arith.divf %get3A_66, %max3A_72 : vector<64x128xf32>
      %get3A_73 = arith.constant 0 : index
      %get3A_74 = arith.constant 0 : index
      %get3A_75 = vector.load %arg6[%get3A_73, %get3A_74] : memref<128x64xf32, #tpu.memory_space<vmem>>, vector<128x64xf32>
      %dot_general3A_76 = arith.constant dense<0.000000e+00> : vector<64x64xf32>
      %dot_general3A_77 = tpu.matmul %div3A, %get3A_75, %dot_general3A_76 {dimension_numbers = #tpu.dot_dimension_numbers<[1], [0], [0], [1], [0, 0, 1, 1], [], []>, transpose_lhs_hint = false} : vector<64x128xf32>, vector<128x64xf32>, vector<64x64xf32> -> vector<64x64xf32>
      %get3A_78 = arith.constant 0 : index
      %get3A_79 = arith.constant 0 : index
      %get3A_80 = vector.load %arg7[%get3A_78, %get3A_79] : memref<1x64xf32, #tpu.memory_space<vmem>>, vector<1x64xf32>
      %add3A_81 = vector.broadcast %get3A_80 : vector<1x64xf32> to vector<64x64xf32>
      %add3A_82 = arith.addf %dot_general3A_77, %add3A_81 : vector<64x64xf32>
      %reduce_sum3A_83 = arith.constant dense<0.000000e+00> : vector<64xf32>
      %reduce_sum3A_84 = vector.multi_reduction <add>, %add3A_82, %reduce_sum3A_83 [1] : vector<64x64xf32> to vector<64xf32>
      %broadcast_in_dim3A_85 = vector.shape_cast %reduce_sum3A_84 : vector<64xf32> to vector<64x1xf32>
      %div3A_86 = arith.constant 6.400000e+01 : f32
      %div3A_87 = vector.broadcast %div3A_86 : f32 to vector<64x1xf32>
      %div3A_88 = arith.divf %broadcast_in_dim3A_85, %div3A_87 : vector<64x1xf32>
      %sub3A = vector.broadcast %div3A_88 : vector<64x1xf32> to vector<64x64xf32>
      %sub3A_89 = arith.subf %add3A_82, %sub3A : vector<64x64xf32>
      %sub3A_90 = vector.broadcast %div3A_88 : vector<64x1xf32> to vector<64x64xf32>
      %sub3A_91 = arith.subf %add3A_82, %sub3A_90 : vector<64x64xf32>
      %mul3A_92 = arith.mulf %sub3A_89, %sub3A_91 : vector<64x64xf32>
      %reduce_sum3A_93 = arith.constant dense<0.000000e+00> : vector<64xf32>
      %reduce_sum3A_94 = vector.multi_reduction <add>, %mul3A_92, %reduce_sum3A_93 [1] : vector<64x64xf32> to vector<64xf32>
      %broadcast_in_dim3A_95 = vector.shape_cast %reduce_sum3A_94 : vector<64xf32> to vector<64x1xf32>
      %div3A_96 = arith.constant 6.400000e+01 : f32
      %div3A_97 = vector.broadcast %div3A_96 : f32 to vector<64x1xf32>
      %div3A_98 = arith.divf %broadcast_in_dim3A_95, %div3A_97 : vector<64x1xf32>
      %sub3A_99 = vector.broadcast %div3A_88 : vector<64x1xf32> to vector<64x64xf32>
      %sub3A_100 = arith.subf %add3A_82, %sub3A_99 : vector<64x64xf32>
      %add3A_101 = arith.constant 9.99999974E-6 : f32
      %add3A_102 = vector.broadcast %add3A_101 : f32 to vector<64x1xf32>
      %add3A_103 = arith.addf %div3A_98, %add3A_102 : vector<64x1xf32>
      %rsqrt3A_104 = math.rsqrt %add3A_103 : vector<64x1xf32>
      %mul3A_105 = vector.broadcast %rsqrt3A_104 : vector<64x1xf32> to vector<64x64xf32>
      %mul3A_106 = arith.mulf %sub3A_100, %mul3A_105 : vector<64x64xf32>
      %get3A_107 = arith.constant 0 : index
      %get3A_108 = arith.constant 0 : index
      %get3A_109 = vector.load %arg8[%get3A_107, %get3A_108] : memref<1x64xf32, #tpu.memory_space<vmem>>, vector<1x64xf32>
      %mul3A_110 = vector.broadcast %get3A_109 : vector<1x64xf32> to vector<64x64xf32>
      %mul3A_111 = arith.mulf %mul3A_106, %mul3A_110 : vector<64x64xf32>
      %get3A_112 = arith.constant 0 : index
      %get3A_113 = arith.constant 0 : index
      %get3A_114 = vector.load %arg9[%get3A_112, %get3A_113] : memref<1x64xf32, #tpu.memory_space<vmem>>, vector<1x64xf32>
      %add3A_115 = vector.broadcast %get3A_114 : vector<1x64xf32> to vector<64x64xf32>
      %add3A_116 = arith.addf %mul3A_111, %add3A_115 : vector<64x64xf32>
      %swap3A_117 = arith.constant 0 : index
      %swap3A_118 = arith.constant 0 : index
      %swap3A_119 = vector.load %arg10[%swap3A_117, %swap3A_118] : memref<64x64xf32, #tpu.memory_space<vmem>>, vector<64x64xf32>
      tpu.vector_store %arg10[%swap3A_117, %swap3A_118], %add3A_116 {strides = array<i32>} : memref<64x64xf32, #tpu.memory_space<vmem>>, vector<64x64xf32>,
    } else {
    }
    return
  }
  func.func @transform_0(%arg0: i32) -> (i32, i32, i32) {
    %c0_i32 = arith.constant 0 : i32
    %c0_i32_0 = arith.constant 0 : i32
    %c0_i32_1 = arith.constant 0 : i32
    return %c0_i32, %arg0, %c0_i32_0 : i32, i32, i32
  }
  func.func @transform_1(%arg0: i32) -> (i32, i32) {
    %c0_i32 = arith.constant 0 : i32
    %c0_i32_0 = arith.constant 0 : i32
    return %arg0, %c0_i32 : i32, i32
  }
  func.func @transform_2(%arg0: i32) -> (i32, i32, i32) {
    %c0_i32 = arith.constant 0 : i32
    %c0_i32_0 = arith.constant 0 : i32
    %c0_i32_1 = arith.constant 0 : i32
    return %c0_i32, %arg0, %c0_i32_0 : i32, i32, i32
  }
  func.func @transform_3(%arg0: i32) -> (i32, i32) {
    %c0_i32 = arith.constant 0 : i32
    %c0_i32_0 = arith.constant 0 : i32
    %c0_i32_1 = arith.constant 0 : i32
    return %c0_i32, %c0_i32_0 : i32, i32
  }
  func.func @transform_4(%arg0: i32) -> (i32, i32, i32) {
    %c0_i32 = arith.constant 0 : i32
    %c0_i32_0 = arith.constant 0 : i32
    %c0_i32_1 = arith.constant 0 : i32
    return %arg0, %c0_i32, %c0_i32_0 : i32, i32, i32
  }
  func.func @transform_5(%arg0: i32) -> (i32, i32) {
    %c0_i32 = arith.constant 0 : i32
    %c0_i32_0 = arith.constant 0 : i32
    %c0_i32_1 = arith.constant 0 : i32
    return %c0_i32, %c0_i32_0 : i32, i32
  }
  func.func @transform_6(%arg0: i32) -> (i32, i32) {
    %c0_i32 = arith.constant 0 : i32
    %c0_i32_0 = arith.constant 0 : i32
    %c0_i32_1 = arith.constant 0 : i32
    return %c0_i32, %c0_i32_0 : i32, i32
  }
  func.func @transform_7(%arg0: i32) -> (i32, i32) {
    %c0_i32 = arith.constant 0 : i32
    %c0_i32_0 = arith.constant 0 : i32
    %c0_i32_1 = arith.constant 0 : i32
    return %c0_i32, %c0_i32_0 : i32, i32
  }
  func.func @transform_8(%arg0: i32) -> (i32, i32) {
    %c0_i32 = arith.constant 0 : i32
    %c0_i32_0 = arith.constant 0 : i32
    %c0_i32_1 = arith.constant 0 : i32
    return %c0_i32, %c0_i32_0 : i32, i32
  }
  func.func @transform_9(%arg0: i32) -> (i32, i32) {
    %c0_i32 = arith.constant 0 : i32
    %c0_i32_0 = arith.constant 0 : i32
    %c0_i32_1 = arith.constant 0 : i32
    return %c0_i32, %c0_i32_0 : i32, i32
  }
}

</mosaic_0001>

<sc_bundles>
// kernel: kernel.10.cloned.1.call-start
scs
__scs_entry_jumppad:
0x0: {  	(pc) =	sbr.rel $0x88, $3  }
0x1: {  	(tag) =	ssettag $0x0;
	lr =	simm.s32 $0x1  }
0x2: {  	[smem:$0x3F96] =	sst lr;
	_ =	strace $0xD0000000  }
0x3: {  	_ = 	snop  }
0x4: {  	_ = 	snop  }
0x5: {  	_ = 	snop  }
0x6: {  	_ = 	snop  }
0x7: {  	_ = 	snop  }
__scs_overlays_trampoline_lowered:
0x8: {  	[smem:$0x3FA5] =	sst s0  }
0x9: {  	[smem:$0x3FA6] =	sst s1  }
0xa: {  	[smem:$0x3FA7] =	sst s2  }
0xb: {  	[smem:$0x3FA8] =	sst s3  }
0xc: {  	[smem:$0x3FA9] =	sst s4  }
0xd: {  	[smem:$0x3FAA] =	sst s5  }
0xe: {  	[smem:$0x3FAB] =	sst s6  }
0xf: {  	[smem:$0x3FAC] =	sst s7  }
0x10: {  	[smem:$0x3FAD] =	sst s8  }
0x11: {  	[smem:$0x3FAE] =	sst s9;
	s0 =	simm.s32 @!p0 $0x0  }
0x12: {  	s1 =	sld [smem:$0x3F94];
	s0 =	simm.s32 @p0 $0x1  }
0x13: {  	[smem:$0x3FAF] =	sst s0;
	s0 =	simm.s32 @!p1 $0x0  }
0x14: {  	s2 =	sld [smem:$0x3F93];
	s0 =	simm.s32 @p1 $0x1  }
0x15: {  	[smem:$0x3FB0] =	sst s0;
	s0 =	simm.s32 @!p2 $0x0  }
0x16: {  	s3 =	sld [smem:$0x3FDB];
	s0 =	simm.s32 @p2 $0x1  }
0x17: {  	s4 =	simm.s32 $0x1BF5;
	[smem:$0x3FB2] =	sst s0  }
0x18: {  	s0 =	sld [smem:$0x3F95];
	_ =	swait.ge [sflag:s4], $0x0  }
0x19: {  	s7 =	sld [smem:$0x3F96]  }
0x1a: {  	s8 =	sadd.s32 $0xFFFFE003, lr  }
0x1b: {  	s9 =	sadd.s32 $0xFFFFFEF7, lr;
	s5 =	simm.s32 $0xFFFFFFFF;
	p2 =	slt.u32 s8, $0xFFFFF086  }
0x1c: {  	p1 =	slt.u32 s9, $0xF7A;
	s5 =	simm.s32 @!p2 $0x0  }
0x1d: {  	s5 =	simm.s32 @p1 $0x1;
	p0 =	seq.s32 s7, s2  }
0x1e: {  	s7 =	smul.u32 @!p0 $0xF7A, s2;
	p2 =	seq.s32 @!p0 s5, $0x0  }
0x1f: {  	s9 =	smul.u32 $0xF7A, s1;
	s8 =	simm.s32 @!p0 $0x1BF5;
	p2 =	por !p2, p0  }
0x20: {  	[sflag:s8] =	ssyncset.s32 @!p0 $0xFFFFF086;
	s6 =	sadd.s32 @!p0 s3, s7;
	s7 =	simm.s32 @!p0 $0x108  }
0x21: {  	s3 =	sadd.s32 s3, s9;
	s6 =	sadd.s32 @!p0 $0x88, s6;
	s7 =	simm.s32 @p2 $0x1082  }
0x22: {  	[simem:s7], [sflag:s8] =	dma.local @!p0 [hbm:s6], $0xF7A  }
0x23: {  	s9 =	sor.u32 $0xD0000000, s2;
	s6 =	simm.s32 $0x108;
	_ =	swait.ge @!p0 [sflag:s8], $0x0  }
0x24: {  	s3 =	sadd.s32 $0x88, s3;
	s6 =	simm.s32 @!p1 $0x1082;
	[sflag:s4] =	ssyncset.s32 $0xFFFFF086  }
0x25: {  	[simem:s6], [sflag:s4] =	dma.local [hbm:s3], $0xF7A  }
0x26: {  	[smem:$0x3F96] =	sst s1;
	(tag) =	ssettag s2;
	_ =	strace s9  }
0x27: {  	s1 =	sld [smem:$0x3FA6]  }
0x28: {  	s2 =	sld [smem:$0x3FA7]  }
0x29: {  	s4 =	sld [smem:$0x3FA9]  }
0x2a: {  	p0 =	seq.s32 s5, $0x0;
	s5 =	sld [smem:$0x3FAA]  }
0x2b: {  	s6 =	sld [smem:$0x3FAB]  }
0x2c: {  	s7 =	sld [smem:$0x3FAC]  }
0x2d: {  	s3 =	simm.s32 $0x108;
	s8 =	sld [smem:$0x3FAD]  }
0x2e: {  	s3 =	simm.s32 @!p0 $0x1082;
	s9 =	sld [smem:$0x3FAE]  }
0x2f: {  	lr =	sadd.s32 s0, s3;
	s0 =	sld [smem:$0x3FA5]  }
0x30: {  	s3 =	sld [smem:$0x3FA8]  }
0x31: {  	[smem:$0x3FB1] =	sst s10  }
0x32: {  	s10 =	sld [smem:$0x3FAF];
	_ =	sdelay $0x3  }
0x33: {  	p0 =	seq.s32 s10, $0x1;
	s10 =	sld [smem:$0x3FB1];
	_ =	sdelay $0x3  }
0x34: {  	[smem:$0x3FB1] =	sst s10  }
0x35: {  	s10 =	sld [smem:$0x3FB0];
	_ =	sdelay $0x3  }
0x36: {  	p1 =	seq.s32 s10, $0x1;
	s10 =	sld [smem:$0x3FB1];
	_ =	sdelay $0x3  }
0x37: {  	[smem:$0x3FB1] =	sst s10  }
0x38: {  	s10 =	sld [smem:$0x3FB2]  }
0x39: {  	_ = 	snop;
	(pc) =	sbr.ind lr, $3  }
0x3a: {  	_ = 	snop  }
0x3b: {  	_ = 	snop  }
0x3c: {  	p2 =	seq.s32 s10, $0x1;
	s10 =	sld [smem:$0x3FB1]  }
0x3d: {  	_ =	shalt  }
0x3e: {  	_ =	shalt  }
0x3f: {  	_ =	shalt  }
0x40: {  	_ =	shalt  }
0x41: {  	_ =	shalt  }
0x42: {  	_ =	shalt  }
0x43: {  	_ =	shalt  }
0x44: {  	_ =	shalt  }
0x45: {  	_ =	shalt  }
0x46: {  	_ =	shalt  }
0x47: {  	_ =	shalt  }
0x48: {  	_ =	shalt  }
0x49: {  	_ =	shalt  }
0x4a: {  	_ =	shalt  }
0x4b: {  	_ =	shalt  }
0x4c: {  	_ =	shalt  }
0x4d: {  	_ =	shalt  }
0x4e: {  	_ =	shalt  }
0x4f: {  	_ =	shalt  }
0x50: {  	_ =	shalt  }
0x51: {  	_ =	shalt  }
0x52: {  	_ =	shalt  }
0x53: {  	_ =	shalt  }
0x54: {  	_ =	shalt  }
0x55: {  	_ =	shalt  }
0x56: {  	_ =	shalt  }
0x57: {  	_ =	shalt  }
0x58: {  	_ =	shalt  }
0x59: {  	_ =	shalt  }
0x5a: {  	_ =	shalt  }
0x5b: {  	_ =	shalt  }
0x5c: {  	_ =	shalt  }
0x5d: {  	_ =	shalt  }
0x5e: {  	_ =	shalt  }
0x5f: {  	_ =	shalt  }
0x60: {  	_ =	shalt  }
0x61: {  	_ =	shalt  }
0x62: {  	_ =	shalt  }
0x63: {  	_ =	shalt  }
0x64: {  	_ =	shalt  }
0x65: {  	_ =	shalt  }
0x66: {  	_ =	shalt  }
0x67: {  	_ =	shalt  }
0x68: {  	_ =	shalt  }
0x69: {  	_ =	shalt  }
0x6a: {  	_ =	shalt  }
0x6b: {  	_ =	shalt  }
0x6c: {  	_ =	shalt  }
0x6d: {  	_ =	shalt  }
0x6e: {  	_ =	shalt  }
0x6f: {  	_ =	shalt  }
0x70: {  	_ =	shalt  }
0x71: {  	_ =	shalt  }
0x72: {  	_ =	shalt  }
0x73: {  	_ =	shalt  }
0x74: {  	_ =	shalt  }
0x75: {  	_ =	shalt  }
0x76: {  	_ =	shalt  }
0x77: {  	_ =	shalt  }
0x78: {  	_ =	shalt  }
0x79: {  	_ =	shalt  }
0x7a: {  	_ =	shalt  }
0x7b: {  	_ =	shalt  }
0x7c: {  	_ =	shalt  }
0x7d: {  	_ =	shalt  }
0x7e: {  	_ =	shalt  }
0x7f: {  	_ =	shalt  }
0x80: {  	_ =	shalt  }
0x81: {  	_ =	shalt  }
0x82: {  	_ =	shalt  }
0x83: {  	_ =	shalt  }
0x84: {  	_ =	shalt  }
0x85: {  	_ =	shalt  }
0x86: {  	_ =	shalt  }
0x87: {  	_ =	shalt  }
.Lfunc_end0:
.L_simem_size_0:
called_computation_lowered:
.L_overlay_start_0:
0x88: {  	s2 =	sld [smem:$0x3FD9]  }
0x89: {  	s3 =	sld [smem:$0x3FFE];
	_ =	sdelay $0x1  }
0x8a: {  	s1 =	srdreg.scid  }
0x8b: {  	s0 =	sand.u32 $0x1, s1  }
0x8c: {  	s16 =	sshll.u32 s0, $0xA;
	s2 =	sadd.s32 s3, s2  }
0x8d: {  	s2 =	sadd.s32 s2, s16  }
0x8e: {  	[smem:$0x3FBD] =	sst s2  }
0x8f: {  	_ = 	snop  }
0x90: {  	(tm) =	ssettm $0x1  }
0x91: {  	s17 =	sld [smem:$0x3FFB];
	_ =	sdelay $0x3  }
0x92: {  	_ =	strace s17  }
0x93: {  	s2 =	sld [smem:$0x3FFC];
	_ =	sdelay $0x3  }
0x94: {  	_ =	strace s2  }
0x95: {  	s2 =	sld [smem:$0x3FFD];
	_ =	sdelay $0x3  }
0x96: {  	_ =	strace s2  }
0x97: {  	_ =	strace $0x8FFFFFFF  }
0x98: {  	s18 =	sld [smem:$0x3FDB];
	_ =	sdelay $0x1  }
0x99: {  	s19 =	simm.s32 $_scs_section_size  }
0x9a: {  	s4 =	simm.s32 $_size__tile_overlayer_lowered;
	s5 =	simm.s32 $_tile_overlayer_lowered  }
0x9b: {  	s22 =	simm.s32 $0x1BFF;
	s21 =	sshll.u32 s5, $0x1;
	s2 =	sadd.s32 s19, s18  }
0x9c: {  	s6 =	simm.s32 $0x0;
	s20 =	sshll.u32 s4, $0x1;
	s4 =	sadd.s32 s21, s2  }
0x9d: {  	[timem:s6], [sflag:s22] =	dma.local [hbm:s4], s20  }
0x9e: {  	_ =	swait.ge [sflag:s22], s20  }
0x9f: {  	s3 =	ssub.s32 $0x0, s20;
	[sflag:s22] =	ssyncset.done $0x0  }
0xa0: {  	[sflag:s22] =	ssyncadd.s32 s3;
	_ =	sdelay $0x1  }
0xa1: {  	s23 =	simm.s32 $0x1B8B  }
0xa2: {  	_ =	swait.ge [sflag:s23], $0x1  }
0xa3: {  	[sflag:s23] =	ssyncset.done $0x0  }
0xa4: {  	s25 =	simm.s32 $0x1B8E;
	s24 =	sld [smem:$0x3FFE];
	[sflag:s23] =	ssyncadd.s32 $0xFFFFFFFF  }
0xa5: {  	s26 =	simm.s32 $execute0_lowered;
	[smem:$0x3FD2] =	sst s25  }
0xa6: {  	s4 =	sshll.u32 s26, $0x1;
	_ =	strace $0x80000046;
	[dreg:$0x1] =	wrdreg $0xFFFFFFFF  }
0xa7: {  	s28 =	simm.s32 $_size_execute0_lowered;
	s2 =	sadd.s32 s2, s4;
	[dreg:$0x0] =	wrdreg $0x0  }
0xa8: {  	s4 =	sshll.u32 s28, $0x1;
	[dreg:$0x2] =	wrdreg s2  }
0xa9: {  	[dreg:$0x3] =	wrdreg s4  }
0xaa: {  	[dreg:$0x4] =	wrdreg $0xC0  }
0xab: {  	_ =	task [dreg:s6], $0x5FFFF  }
0xac: {  	[dreg:$0x1] =	wrdreg $0xFFFFFFFF  }
0xad: {  	[dreg:$0x0] =	wrdreg $0x60  }
0xae: {  	[dreg:$0x2] =	wrdreg s24  }
0xaf: {  	[dreg:$0x3] =	wrdreg $0x0  }
0xb0: {  	[dreg:$0x4] =	wrdreg $0x9  }
0xb1: {  	_ =	task.clear_ibuf [dreg:s6], $0x5FFFF;
	_ =	strace $0x90000046  }
0xb2: {  	s29 =	simm.s32 $0x9;
	_ =	strace $0x80000048  }
0xb3: {  	_ =	swait.ge [sflag:s29], $0x1  }
0xb4: {  	[sflag:s29] =	ssyncadd.s32 $0xFFFFFFFF  }
0xb5: {  	_ =	strace $0x90000048  }
0xb6: {  	_ =	sfence  }
0xb7: {  	s30 =	sld [smem:$0x0];
	_ =	sdelay $0x2  }
0xb8: {  	s31 =	sshll.u32 s1, $0xD;
	s1 =	sshrl.u32 s1, $0x2  }
0xb9: {  	s3 =	sand.u32 $0x4000, s31;
	s1 =	sadd.s32 s1, s30  }
0xba: {  	s0 =	sor.u32 s3, s0;
	s1 =	sshll.u32 s1, $0x11  }
0xbb: {  	s0 =	sor.u32 s1, s0  }
0xbc: {  	s0 =	sadd.s32 $0x8F2B, s0  }
0xbd: {  	[sflag:s0] =	ssyncadd.remote.s32 $0x1  }
0xbe: {  	_ =	sfence.sel $0xFFFF  }
0xbf: {  	[dreg:$0x0] =	wrdreg $0xFFFFFFFF;
	(pc) =	sbr.abs _section_cstart, $3  }
0xc0: {  	[dreg:$0x1] =	wrdreg $0xFFFFFFFF  }
0xc1: {  	_ =	task.clear_ibuf [dreg:s6], $0x2FFFF;
	_ =	strace $0x9FFFFFFF  }
0xc2: {  	(tm) =	ssettm $0x7FFFFFFF  }
0xc3: {  	_ =	shalt  }
tec
execute0_lowered:
.L_overlay_start_1:
0x0: {  	(tag) =	ssettag $0x1  }
0x1: {  	s5 =	rddreg [dreg:$0x0]  }
0x2: {  	s2 =	rddreg [dreg:$0x1]  }
0x3: {  	s0 =	rddreg [dreg:$0x2];
	s4 =	srdreg.scid  }
0x4: {  	s1 =	stileid.u32;
	s3 =	simm.s32 $0x0;
	s14 =	simm.s32 $0x50  }
0x5: {  	s15 =	simm.s32 $0x14080;
	s16 =	simm.s32 $0x1;
	s17 =	simm.s32 $0x2  }
0x6: {  	s18 =	simm.s32 $0x17E00;
	s19 =	simm.s32 $0x0;
	s7 =	smul.u32 $0x14000, s1  }
0x7: {  	s6 =	sand.u32 $0x1, s4;
	[smem:$0x7FF] =	sst s3;
	s25 =	smul.u32 $0x50000, s1  }
0x8: {  	s29 =	sshll.u32 s1, $0xC;
	s30 =	sshll.u32 s1, $0x6;
	s4 =	sshll.u32 s6, $0xB  }
0x9: {  	s8 =	smul.u32 $0x140000, s6;
	_ =	strace $0x80000047;
	s6 =	ssub.s32 $0x2, s6  }
0xa: {  	s9 =	sadd.s32 s4, s5;
	s4 =	sadd.s32 $0x4F800, s5;
	s10 =	sshrl.u32 s7, $0x3  }
0xb: {  	s26 =	sshrl.u32 s6, $0x1;
	s28 =	sshrl.u32 s25, $0x2;
	s7 =	sadd.s32 s7, s8  }
0xc: {  	s10 =	sadd.s32 s10, s5;
	s12 =	ssub.s32 s6, s26;
	s13 =	sadd.s32 s28, s2  }
0xd: {  	s31 =	sadd.s32 s29, s9;
	s6 =	sor.u32 $0x1C03, s30;
	s7 =	sshrl.u32 s7, $0x3  }
0xe: {  	s9 =	smax.u32 s12, $0x1;
	s12 =	simm.s32 $0x18000;
	s11 =	sadd.s32 s7, s5  }
0xf: {  	s5 =	sadd.s32 $0x27800, s10;
	s7 =	sadd.s32 $0x17800, s31;
	s10 =	sshrl.u32 s13, $0x3  }
0x10: {  	s13 =	simm.s32 $0x14000;
	s8 =	sadd.s32 $0x4FE00, s11;
	s11 =	simm.s32 $0x3  }
.LBB2_1:
0x11: {  	[spmem:s10], [sflag:s6] =	dma.local [hbm:s5], $0x2800  }
0x12: {  	_ =	swait.ge [sflag:s11], $0x2800  }
0x13: {  	[sflag:s11] =	ssyncset.done $0x0  }
0x14: {  	[sflag:s11] =	ssyncadd.s32 $0xFFFFD800  }
0x15: {  	[tilespmem:s12], [sflag:$0x3] =	stream.linear.gather [hbm4b:s4+s3], $0x2800, $0x38;
	[tilespmem:$0x1A800] =	vst v63  }
0x16: {  	_ =	swait.ge [sflag:s11], $0x2800  }
0x17: {  	[sflag:s11] =	ssyncset.done $0x0  }
0x18: {  	[sflag:s11] =	ssyncadd.s32 $0xFFFFD800  }
0x19: {  	[tilespmem:s13], [sflag:$0x3] =	stream.linear.gather [hbm4b:s7+s3], $0x3E80, $0x38;
	[tilespmem:$0x1A800] =	vst v63  }
0x1a: {  	_ =	swait.ge [sflag:s11], $0x3E80  }
0x1b: {  	[sflag:s11] =	ssyncset.done $0x0  }
0x1c: {  	[sflag:s11] =	ssyncadd.s32 $0xFFFFC180  }
0x1d: {  	[bflag:$0x0] =	sbarrier.arrive $0xFFFF  }
0x1e: {  	[spmem:s2] =	stream.indirect.scatter.add.f32 [tilespmem:s12], [sflag:$0x1], $0x80, s13, s14, $0xb8;
	[tilespmem:$0x1A800] =	vst v63  }
0x1f: {  	_ = 	snop  }
0x20: {  	[spmem:s2] =	stream.indirect.scatter.add.f32 [tilespmem:s12], [sflag:$0x2], $0x80, s15, s14, $0xb8;
	[tilespmem:$0x1A800] =	vst v63  }
0x21: {  	_ =	swait.ge [sflag:s16], $0x2800  }
0x22: {  	[sflag:s16] =	ssyncset.done $0x0  }
0x23: {  	s20 =	simm.s32 $0x14100;
	[sflag:s16] =	ssyncadd.s32 $0xFFFFD800  }
0x24: {  	[spmem:s2] =	stream.indirect.scatter.add.f32 [tilespmem:s12], [sflag:$0x1], $0x80, s20, s14, $0xb8;
	[tilespmem:$0x1A800] =	vst v63  }
0x25: {  	_ =	swait.ge [sflag:s17], $0x2800  }
0x26: {  	[sflag:s17] =	ssyncset.done $0x0  }
0x27: {  	s21 =	simm.s32 $0x14180;
	s20 =	simm.s32 $0xFFFF1000;
	[sflag:s17] =	ssyncadd.s32 $0xFFFFD800  }
.LBB2_2:
0x28: {  	[spmem:s2] =	stream.indirect.scatter.add.f32 [tilespmem:s12], [sflag:$0x2], $0x80, s21, s14, $0xb8;
	[tilespmem:$0x1A800] =	vst v63  }
0x29: {  	s21 =	smov.u32 s20  }
0x2a: {  	p0 =	sne.s32 s20, $0xFFFFFC00;
	s20 =	sadd.s32 $0x400, s20;
	_ =	swait.ge [sflag:s16], $0x2800  }
0x2b: {  	s21 =	sshra.s32 s21, $0x2;
	[sflag:s16] =	ssyncset.done $0x0  }
.Ltmp0:
0x2c: {  	s22 =	sadd.s32 $0x17E00, s21;
	[sflag:s16] =	ssyncadd.s32 $0xFFFFD800;
	(pc) =	sbr.rel @p0 .LBB2_2-.Ltmp0, $4  }
0x2d: {  	[spmem:s2] =	stream.indirect.scatter.add.f32 [tilespmem:s12], [sflag:$0x1], $0x80, s22, s14, $0xb8;
	[tilespmem:$0x1A800] =	vst v63  }
0x2e: {  	_ =	swait.ge [sflag:s17], $0x2800  }
0x2f: {  	[sflag:s17] =	ssyncset.done $0x0  }
0x30: {  	s21 =	sadd.s32 $0x17E80, s21;
	[sflag:s17] =	ssyncadd.s32 $0xFFFFD800  }
0x31: {  	[spmem:s2] =	stream.indirect.scatter.add.f32 [tilespmem:s12], [sflag:$0x2], $0x80, s21, s14, $0xb8;
	[tilespmem:$0x1A800] =	vst v63  }
0x32: {  	_ =	swait.ge [sflag:s16], $0x2800  }
0x33: {  	[sflag:s16] =	ssyncset.done $0x0  }
0x34: {  	[sflag:s16] =	ssyncadd.s32 $0xFFFFD800  }
0x35: {  	[spmem:s2] =	stream.indirect.scatter.add.f32 [tilespmem:s12], [sflag:$0x1], $0x80, s18, s14, $0xb8;
	[tilespmem:$0x1A800] =	vst v63  }
0x36: {  	_ =	swait.ge [sflag:s17], $0x2800  }
0x37: {  	[sflag:s17] =	ssyncset.done $0x0  }
0x38: {  	[sflag:s17] =	ssyncadd.s32 $0xFFFFD800  }
0x39: {  	_ =	swait.ge [sflag:s16], $0x2800  }
0x3a: {  	s19 =	sadd.s32 $0x1, s19;
	[sflag:s16] =	ssyncset.done $0x0  }
0x3b: {  	p0 =	sne.s32 s19, s9;
	[sflag:s16] =	ssyncadd.s32 $0xFFFFD800  }
.Ltmp1:
0x3c: {  	[bflag:$0x0] =	sbarrier.arrive $0xFFFF;
	(pc) =	sbr.rel @p0 .LBB2_1-.Ltmp1, $4  }
0x3d: {  	[hbm:s8], [sflag:s6] =	dma.local [spmem:s10], $0x2800  }
0x3e: {  	_ =	swait.ge [sflag:s11], $0x2800  }
0x3f: {  	[sflag:s11] =	ssyncset.done $0x0  }
0x40: {  	[sflag:s11] =	ssyncadd.s32 $0xFFFFD800  }
0x41: {  	_ =	sfence.sel $0x180000  }
0x42: {  	[bflag:$0x0] =	sbarrier.arrive $0xFFFF  }
0x43: {  	p0 =	sne.s32 s1, $0x0;
	_ =	strace $0x90000047  }
0x44: {  	s0 =	sadd.s32 @!p0 $0x100000, s0;
	[bflag:$0x2] =	sbarrier.arrive $0xFFFF  }
0x45: {  	[sflag:s0] =	ssyncadd.tile.s32 @!p0 $0x1;
	_ =	shalt  }
.Lfunc_end2:
_tile_overlayer_lowered:
.L_overlay_start_2:
0x46: {  	(tag) =	ssettag $0x2  }
0x47: {  	s0 =	rddreg [dreg:$0x0];
	s2 =	stileid.u32  }
0x48: {  	s1 =	rddreg [dreg:$0x1];
	p0 =	sne.s32 s2, $0x0  }
0x49: {  	s3 =	rddreg [dreg:$0x2];
	[bflag:$0x3] =	sbarrier.arrive $0xFFFF;
	s2 =	simm.s32 @!p0 $0x1C03  }
0x4a: {  	[timem:s3], [sflag:s2] =	dma.local @!p0 [hbm:s0], s1  }
0x4b: {  	s0 =	simm.s32 @!p0 $0x3  }
0x4c: {  	_ =	swait.ge @!p0 [sflag:s0], s1  }
0x4d: {  	s1 =	ssub.s32 @!p0 $0x0, s1;
	[sflag:s0] =	ssyncset.done @!p0 $0x0  }
0x4e: {  	[sflag:s0] =	ssyncadd.s32 @!p0 s1  }
0x4f: {  	[bflag:$0x3] =	sbarrier.arrive $0xFFFF  }
0x50: {  	_ =	shalt  }

// kernel: kernel.13.cloned.1.call-start
scs
__scs_entry_jumppad:
0x0: {  	(pc) =	sbr.rel $0x88, $3  }
0x1: {  	(tag) =	ssettag $0x0;
	lr =	simm.s32 $0x1  }
0x2: {  	[smem:$0x3F96] =	sst lr;
	_ =	strace $0xD0000000  }
0x3: {  	_ = 	snop  }
0x4: {  	_ = 	snop  }
0x5: {  	_ = 	snop  }
0x6: {  	_ = 	snop  }
0x7: {  	_ = 	snop  }
__scs_overlays_trampoline_lowered:
0x8: {  	[smem:$0x3FA5] =	sst s0  }
0x9: {  	[smem:$0x3FA6] =	sst s1  }
0xa: {  	[smem:$0x3FA7] =	sst s2  }
0xb: {  	[smem:$0x3FA8] =	sst s3  }
0xc: {  	[smem:$0x3FA9] =	sst s4  }
0xd: {  	[smem:$0x3FAA] =	sst s5  }
0xe: {  	[smem:$0x3FAB] =	sst s6  }
0xf: {  	[smem:$0x3FAC] =	sst s7  }
0x10: {  	[smem:$0x3FAD] =	sst s8  }
0x11: {  	[smem:$0x3FAE] =	sst s9;
	s0 =	simm.s32 @!p0 $0x0  }
0x12: {  	s1 =	sld [smem:$0x3F94];
	s0 =	simm.s32 @p0 $0x1  }
0x13: {  	[smem:$0x3FAF] =	sst s0;
	s0 =	simm.s32 @!p1 $0x0  }
0x14: {  	s2 =	sld [smem:$0x3F93];
	s0 =	simm.s32 @p1 $0x1  }
0x15: {  	[smem:$0x3FB0] =	sst s0;
	s0 =	simm.s32 @!p2 $0x0  }
0x16: {  	s3 =	sld [smem:$0x3FDB];
	s0 =	simm.s32 @p2 $0x1  }
0x17: {  	s4 =	simm.s32 $0x1BF5;
	[smem:$0x3FB2] =	sst s0  }
0x18: {  	s0 =	sld [smem:$0x3F95];
	_ =	swait.ge [sflag:s4], $0x0  }
0x19: {  	s7 =	sld [smem:$0x3F96]  }
0x1a: {  	s8 =	sadd.s32 $0xFFFFE003, lr  }
0x1b: {  	s9 =	sadd.s32 $0xFFFFFEF7, lr;
	s5 =	simm.s32 $0xFFFFFFFF;
	p2 =	slt.u32 s8, $0xFFFFF086  }
0x1c: {  	p1 =	slt.u32 s9, $0xF7A;
	s5 =	simm.s32 @!p2 $0x0  }
0x1d: {  	s5 =	simm.s32 @p1 $0x1;
	p0 =	seq.s32 s7, s2  }
0x1e: {  	s7 =	smul.u32 @!p0 $0xF7A, s2;
	p2 =	seq.s32 @!p0 s5, $0x0  }
0x1f: {  	s9 =	smul.u32 $0xF7A, s1;
	s8 =	simm.s32 @!p0 $0x1BF5;
	p2 =	por !p2, p0  }
0x20: {  	[sflag:s8] =	ssyncset.s32 @!p0 $0xFFFFF086;
	s6 =	sadd.s32 @!p0 s3, s7;
	s7 =	simm.s32 @!p0 $0x108  }
0x21: {  	s3 =	sadd.s32 s3, s9;
	s6 =	sadd.s32 @!p0 $0x88, s6;
	s7 =	simm.s32 @p2 $0x1082  }
0x22: {  	[simem:s7], [sflag:s8] =	dma.local @!p0 [hbm:s6], $0xF7A  }
0x23: {  	s9 =	sor.u32 $0xD0000000, s2;
	s6 =	simm.s32 $0x108;
	_ =	swait.ge @!p0 [sflag:s8], $0x0  }
0x24: {  	s3 =	sadd.s32 $0x88, s3;
	s6 =	simm.s32 @!p1 $0x1082;
	[sflag:s4] =	ssyncset.s32 $0xFFFFF086  }
0x25: {  	[simem:s6], [sflag:s4] =	dma.local [hbm:s3], $0xF7A  }
0x26: {  	[smem:$0x3F96] =	sst s1;
	(tag) =	ssettag s2;
	_ =	strace s9  }
0x27: {  	s1 =	sld [smem:$0x3FA6]  }
0x28: {  	s2 =	sld [smem:$0x3FA7]  }
0x29: {  	s4 =	sld [smem:$0x3FA9]  }
0x2a: {  	p0 =	seq.s32 s5, $0x0;
	s5 =	sld [smem:$0x3FAA]  }
0x2b: {  	s6 =	sld [smem:$0x3FAB]  }
0x2c: {  	s7 =	sld [smem:$0x3FAC]  }
0x2d: {  	s3 =	simm.s32 $0x108;
	s8 =	sld [smem:$0x3FAD]  }
0x2e: {  	s3 =	simm.s32 @!p0 $0x1082;
	s9 =	sld [smem:$0x3FAE]  }
0x2f: {  	lr =	sadd.s32 s0, s3;
	s0 =	sld [smem:$0x3FA5]  }
0x30: {  	s3 =	sld [smem:$0x3FA8]  }
0x31: {  	[smem:$0x3FB1] =	sst s10  }
0x32: {  	s10 =	sld [smem:$0x3FAF];
	_ =	sdelay $0x3  }
0x33: {  	p0 =	seq.s32 s10, $0x1;
	s10 =	sld [smem:$0x3FB1];
	_ =	sdelay $0x3  }
0x34: {  	[smem:$0x3FB1] =	sst s10  }
0x35: {  	s10 =	sld [smem:$0x3FB0];
	_ =	sdelay $0x3  }
0x36: {  	p1 =	seq.s32 s10, $0x1;
	s10 =	sld [smem:$0x3FB1];
	_ =	sdelay $0x3  }
0x37: {  	[smem:$0x3FB1] =	sst s10  }
0x38: {  	s10 =	sld [smem:$0x3FB2]  }
0x39: {  	_ = 	snop;
	(pc) =	sbr.ind lr, $3  }
0x3a: {  	_ = 	snop  }
0x3b: {  	_ = 	snop  }
0x3c: {  	p2 =	seq.s32 s10, $0x1;
	s10 =	sld [smem:$0x3FB1]  }
0x3d: {  	_ =	shalt  }
0x3e: {  	_ =	shalt  }
0x3f: {  	_ =	shalt  }
0x40: {  	_ =	shalt  }
0x41: {  	_ =	shalt  }
0x42: {  	_ =	shalt  }
0x43: {  	_ =	shalt  }
0x44: {  	_ =	shalt  }
0x45: {  	_ =	shalt  }
0x46: {  	_ =	shalt  }
0x47: {  	_ =	shalt  }
0x48: {  	_ =	shalt  }
0x49: {  	_ =	shalt  }
0x4a: {  	_ =	shalt  }
0x4b: {  	_ =	shalt  }
0x4c: {  	_ =	shalt  }
0x4d: {  	_ =	shalt  }
0x4e: {  	_ =	shalt  }
0x4f: {  	_ =	shalt  }
0x50: {  	_ =	shalt  }
0x51: {  	_ =	shalt  }
0x52: {  	_ =	shalt  }
0x53: {  	_ =	shalt  }
0x54: {  	_ =	shalt  }
0x55: {  	_ =	shalt  }
0x56: {  	_ =	shalt  }
0x57: {  	_ =	shalt  }
0x58: {  	_ =	shalt  }
0x59: {  	_ =	shalt  }
0x5a: {  	_ =	shalt  }
0x5b: {  	_ =	shalt  }
0x5c: {  	_ =	shalt  }
0x5d: {  	_ =	shalt  }
0x5e: {  	_ =	shalt  }
0x5f: {  	_ =	shalt  }
0x60: {  	_ =	shalt  }
0x61: {  	_ =	shalt  }
0x62: {  	_ =	shalt  }
0x63: {  	_ =	shalt  }
0x64: {  	_ =	shalt  }
0x65: {  	_ =	shalt  }
0x66: {  	_ =	shalt  }
0x67: {  	_ =	shalt  }
0x68: {  	_ =	shalt  }
0x69: {  	_ =	shalt  }
0x6a: {  	_ =	shalt  }
0x6b: {  	_ =	shalt  }
0x6c: {  	_ =	shalt  }
0x6d: {  	_ =	shalt  }
0x6e: {  	_ =	shalt  }
0x6f: {  	_ =	shalt  }
0x70: {  	_ =	shalt  }
0x71: {  	_ =	shalt  }
0x72: {  	_ =	shalt  }
0x73: {  	_ =	shalt  }
0x74: {  	_ =	shalt  }
0x75: {  	_ =	shalt  }
0x76: {  	_ =	shalt  }
0x77: {  	_ =	shalt  }
0x78: {  	_ =	shalt  }
0x79: {  	_ =	shalt  }
0x7a: {  	_ =	shalt  }
0x7b: {  	_ =	shalt  }
0x7c: {  	_ =	shalt  }
0x7d: {  	_ =	shalt  }
0x7e: {  	_ =	shalt  }
0x7f: {  	_ =	shalt  }
0x80: {  	_ =	shalt  }
0x81: {  	_ =	shalt  }
0x82: {  	_ =	shalt  }
0x83: {  	_ =	shalt  }
0x84: {  	_ =	shalt  }
0x85: {  	_ =	shalt  }
0x86: {  	_ =	shalt  }
0x87: {  	_ =	shalt  }
.Lfunc_end0:
.L_simem_size_0:
called_computation.1_lowered:
.L_overlay_start_0:
0x88: {  	s2 =	sld [smem:$0x3FD9]  }
0x89: {  	s3 =	sld [smem:$0x3FFE];
	_ =	sdelay $0x1  }
0x8a: {  	s1 =	srdreg.scid  }
0x8b: {  	s0 =	sand.u32 $0x1, s1  }
0x8c: {  	s16 =	sshll.u32 s0, $0xA;
	s2 =	sadd.s32 s3, s2  }
0x8d: {  	s2 =	sadd.s32 s2, s16  }
0x8e: {  	[smem:$0x3FBD] =	sst s2  }
0x8f: {  	_ = 	snop  }
0x90: {  	(tm) =	ssettm $0x1  }
0x91: {  	s17 =	sld [smem:$0x3FFB];
	_ =	sdelay $0x3  }
0x92: {  	_ =	strace s17  }
0x93: {  	s2 =	sld [smem:$0x3FFC];
	_ =	sdelay $0x3  }
0x94: {  	_ =	strace s2  }
0x95: {  	s2 =	sld [smem:$0x3FFD];
	_ =	sdelay $0x3  }
0x96: {  	_ =	strace s2  }
0x97: {  	_ =	strace $0x8FFFFFFF  }
0x98: {  	s18 =	sld [smem:$0x3FDB];
	_ =	sdelay $0x1  }
0x99: {  	s19 =	simm.s32 $_scs_section_size  }
0x9a: {  	s4 =	simm.s32 $_size__tile_overlayer_lowered;
	s5 =	simm.s32 $_tile_overlayer_lowered  }
0x9b: {  	s22 =	simm.s32 $0x1BFF;
	s21 =	sshll.u32 s5, $0x1;
	s2 =	sadd.s32 s19, s18  }
0x9c: {  	s6 =	simm.s32 $0x0;
	s20 =	sshll.u32 s4, $0x1;
	s4 =	sadd.s32 s21, s2  }
0x9d: {  	[timem:s6], [sflag:s22] =	dma.local [hbm:s4], s20  }
0x9e: {  	_ =	swait.ge [sflag:s22], s20  }
0x9f: {  	s3 =	ssub.s32 $0x0, s20;
	[sflag:s22] =	ssyncset.done $0x0  }
0xa0: {  	[sflag:s22] =	ssyncadd.s32 s3;
	_ =	sdelay $0x1  }
0xa1: {  	s23 =	simm.s32 $0x1B8B  }
0xa2: {  	_ =	swait.ge [sflag:s23], $0x1  }
0xa3: {  	[sflag:s23] =	ssyncset.done $0x0  }
0xa4: {  	s25 =	simm.s32 $0x1B8E;
	s24 =	sld [smem:$0x3FFE];
	[sflag:s23] =	ssyncadd.s32 $0xFFFFFFFF  }
0xa5: {  	s26 =	simm.s32 $execute0_lowered;
	[smem:$0x3FD2] =	sst s25  }
0xa6: {  	s4 =	sshll.u32 s26, $0x1;
	_ =	strace $0x80000049;
	[dreg:$0x1] =	wrdreg $0xFFFFFFFF  }
0xa7: {  	s28 =	simm.s32 $_size_execute0_lowered;
	s2 =	sadd.s32 s2, s4;
	[dreg:$0x0] =	wrdreg $0x0  }
0xa8: {  	s4 =	sshll.u32 s28, $0x1;
	[dreg:$0x2] =	wrdreg s2  }
0xa9: {  	[dreg:$0x3] =	wrdreg s4  }
0xaa: {  	[dreg:$0x4] =	wrdreg $0xC0  }
0xab: {  	_ =	task [dreg:s6], $0x5FFFF  }
0xac: {  	[dreg:$0x1] =	wrdreg $0xFFFFFFFF  }
0xad: {  	[dreg:$0x0] =	wrdreg $0x60  }
0xae: {  	[dreg:$0x2] =	wrdreg s24  }
0xaf: {  	[dreg:$0x3] =	wrdreg $0x0  }
0xb0: {  	[dreg:$0x4] =	wrdreg $0x9  }
0xb1: {  	_ =	task.clear_ibuf [dreg:s6], $0x5FFFF;
	_ =	strace $0x90000049  }
0xb2: {  	s29 =	simm.s32 $0x9;
	_ =	strace $0x8000004B  }
0xb3: {  	_ =	swait.ge [sflag:s29], $0x1  }
0xb4: {  	[sflag:s29] =	ssyncadd.s32 $0xFFFFFFFF  }
0xb5: {  	_ =	strace $0x9000004B  }
0xb6: {  	_ =	sfence  }
0xb7: {  	s30 =	sld [smem:$0x0];
	_ =	sdelay $0x2  }
0xb8: {  	s31 =	sshll.u32 s1, $0xD;
	s1 =	sshrl.u32 s1, $0x2  }
0xb9: {  	s3 =	sand.u32 $0x4000, s31;
	s1 =	sadd.s32 s1, s30  }
0xba: {  	s0 =	sor.u32 s3, s0;
	s1 =	sshll.u32 s1, $0x11  }
0xbb: {  	s0 =	sor.u32 s1, s0  }
0xbc: {  	s0 =	sadd.s32 $0x8F2B, s0  }
0xbd: {  	[sflag:s0] =	ssyncadd.remote.s32 $0x1  }
0xbe: {  	_ =	sfence.sel $0xFFFF  }
0xbf: {  	[dreg:$0x0] =	wrdreg $0xFFFFFFFF;
	(pc) =	sbr.abs _section_cstart, $3  }
0xc0: {  	[dreg:$0x1] =	wrdreg $0xFFFFFFFF  }
0xc1: {  	_ =	task.clear_ibuf [dreg:s6], $0x2FFFF;
	_ =	strace $0x9FFFFFFF  }
0xc2: {  	(tm) =	ssettm $0x7FFFFFFF  }
0xc3: {  	_ =	shalt  }
tec
execute0_lowered:
.L_overlay_start_1:
0x0: {  	(tag) =	ssettag $0x1  }
0x1: {  	s0 =	rddreg [dreg:$0x0]  }
0x2: {  	s2 =	rddreg [dreg:$0x1];
	s3 =	simm.s32 $0x0;
	s11 =	stileid.u32  }
0x3: {  	s4 =	srdreg.scid;
	s30 =	simm.s32 $0x50;
	[smem:$0x7FF] =	sst s3  }
0x4: {  	s1 =	smul.u32 $0x14000, s11;
	s5 =	sand.u32 $0x1, s4;
	s4 =	sadd.s32 $0x9FE00, s0  }
0x5: {  	s28 =	sadd.s32 $0x3C00, s0;
	s12 =	sadd.s32 $0xDA00, s0;
	s8 =	smul.u32 $0x50000, s11  }
0x6: {  	s26 =	sshll.u32 s11, $0x1;
	s29 =	sshll.u32 s11, $0x6;
	s18 =	smul.u32 $0x4E20, s11  }
0x7: {  	_ =	strace $0x8000004A;
	s7 =	smul.u32 $0x140000, s5;
	s9 =	ssub.s32 $0x2, s5  }
0x8: {  	s17 =	sor.u32 $0x1C0D, s29;
	[dreg:$0x4] =	wrdreg s12;
	s6 =	sshrl.u32 s1, $0x3  }
0x9: {  	s10 =	sshrl.u32 s9, $0x1;
	s8 =	sshrl.u32 s8, $0x2;
	[dreg:$0x7] =	wrdreg s17  }
0xa: {  	s6 =	sadd.s32 s6, s0;
	s1 =	sadd.s32 s1, s7;
	s7 =	sor.u32 s5, s26  }
0xb: {  	s8 =	sadd.s32 s8, s2;
	s5 =	smul.u32 $0x2710, s5;
	s1 =	sshrl.u32 s1, $0x3  }
0xc: {  	s7 =	smul.u32 $0x2710, s7;
	[dreg:$0x5] =	wrdreg s8;
	s6 =	sadd.s32 $0x27800, s6  }
0xd: {  	s0 =	sadd.s32 s1, s0;
	s1 =	ssub.s32 s9, s10;
	[dreg:$0x6] =	wrdreg s6  }
0xe: {  	s5 =	sadd.s32 s5, s18;
	s18 =	simm.s32 $0x4;
	s2 =	sshrl.u32 s7, $0x3  }
0xf: {  	s31 =	sadd.s32 $0x190, s7;
	s25 =	sadd.s32 $0x190, s5;
	s0 =	sadd.s32 $0xC7000, s0  }
0x10: {  	s29 =	sadd.s32 $0x230, s5;
	s5 =	sadd.s32 $0x1E0, s5;
	s1 =	smax.u32 s1, $0x1  }
0x11: {  	s9 =	sadd.s32 s28, s2;
	s10 =	sadd.s32 $0xA, s2;
	[dreg:$0x13] =	wrdreg s0  }
0x12: {  	s13 =	sadd.s32 s12, s2;
	s15 =	sadd.s32 $0x14, s2;
	[dreg:$0x14] =	wrdreg s1  }
0x13: {  	s16 =	sadd.s32 $0x1E, s2;
	s21 =	sadd.s32 $0x28, s2;
	[dreg:$0x8] =	wrdreg s9  }
0x14: {  	s23 =	sshrl.u32 s31, $0x3;
	s26 =	sshrl.u32 s25, $0x3;
	[dreg:$0x9] =	wrdreg s13  }
0x15: {  	s25 =	sshrl.u32 s5, $0x3;
	s14 =	sadd.s32 s28, s10;
	[dreg:$0x3] =	wrdreg s26  }
0x16: {  	s0 =	simm.s32 $0x0;
	s6 =	sadd.s32 s12, s10;
	[dreg:$0xa] =	wrdreg s14  }
0x17: {  	s19 =	sadd.s32 s28, s15;
	s20 =	sadd.s32 s28, s16;
	[dreg:$0xb] =	wrdreg s6  }
0x18: {  	s22 =	sadd.s32 s28, s21;
	s24 =	sadd.s32 s12, s16;
	[dreg:$0xc] =	wrdreg s19  }
0x19: {  	s7 =	sadd.s32 s28, s23;
	s26 =	simm.s32 $0x14000;
	[dreg:$0xd] =	wrdreg s20  }
0x1a: {  	s10 =	simm.s32 $0x14100;
	s16 =	simm.s32 $0xB;
	[dreg:$0xf] =	wrdreg s22  }
0x1b: {  	s23 =	simm.s32 $0x6;
	s9 =	simm.s32 $0x3;
	[dreg:$0x10] =	wrdreg s24  }
0x1c: {  	s6 =	sadd.s32 s12, s15;
	[dreg:$0x11] =	wrdreg s7;
	s24 =	sshrl.u32 s29, $0x3  }
0x1d: {  	s14 =	simm.s32 $0x14280;
	s19 =	simm.s32 $0x7;
	s20 =	simm.s32 $0xC  }
0x1e: {  	s22 =	simm.s32 $0x8;
	[dreg:$0xe] =	wrdreg s6;
	s6 =	sadd.s32 s12, s21  }
0x1f: {  	s21 =	simm.s32 $0x5;
	[dreg:$0x12] =	wrdreg s6;
	s6 =	simm.s32 $0xD  }
.LBB2_1:
0x20: {  	[dreg:$0x15] =	wrdreg s0  }
0x21: {  	s5 =	rddreg [dreg:$0x5]  }
0x22: {  	s2 =	rddreg [dreg:$0x6];
	s1 =	sshrl.u32 s5, $0x3  }
0x23: {  	[dreg:$0x16] =	wrdreg s1  }
0x24: {  	[spmem:s1], [sflag:s17] =	dma.local [hbm:s2], $0x2800  }
0x25: {  	_ =	swait.ge [sflag:s6], $0x2800  }
0x26: {  	[sflag:s6] =	ssyncset.done $0x0  }
0x27: {  	[sflag:s6] =	ssyncadd.s32 $0xFFFFD800  }
0x28: {  	[bflag:$0x0] =	sbarrier.arrive $0xFFFF  }
0x29: {  	s7 =	rddreg [dreg:$0x8]  }
0x2a: {  	[tilespmem:s26], [sflag:$0xD] =	stream.linear.gather [hbm4b:s7+s3], $0x50, $0x38;
	[tilespmem:$0x1BB00] =	vst v63  }
0x2b: {  	_ =	swait.ge [sflag:s6], $0x50  }
0x2c: {  	[sflag:s6] =	ssyncset.done $0x0  }
0x2d: {  	s0 =	simm.s32 $0x14180;
	s8 =	rddreg [dreg:$0x9];
	[sflag:s6] =	ssyncadd.s32 $0xFFFFFFB0  }
0x2e: {  	[tilespmem:s0], [sflag:$0xA] =	stream.linear.gather [hbm4b:s8+s3], $0x50, $0x38;
	[tilespmem:$0x1BB00] =	vst v63  }
0x2f: {  	s1 =	simm.s32 $0x14300  }
0x30: {  	[tilespmem:s1], [sflag:$0x1] =	stream.indirect.gather [hbm4b:s4+s30], $0x80, s26, s30, $0xb8;
	[tilespmem:$0x1BB00] =	vst v63  }
0x31: {  	s7 =	simm.s32 $0x14080;
	s11 =	rddreg [dreg:$0xa]  }
0x32: {  	[tilespmem:s7], [sflag:$0xD] =	stream.linear.gather [hbm4b:s11+s3], $0x50, $0x38;
	[tilespmem:$0x1BB00] =	vst v63  }
0x33: {  	_ =	swait.ge [sflag:s6], $0x50  }
0x34: {  	[sflag:s6] =	ssyncset.done $0x0  }
0x35: {  	s8 =	simm.s32 $0x14200;
	s12 =	rddreg [dreg:$0xb];
	[sflag:s6] =	ssyncadd.s32 $0xFFFFFFB0  }
0x36: {  	[tilespmem:s8], [sflag:$0xB] =	stream.linear.gather [hbm4b:s12+s3], $0x50, $0x38;
	[tilespmem:$0x1BB00] =	vst v63  }
0x37: {  	s12 =	simm.s32 $0x16B00  }
0x38: {  	[tilespmem:s12], [sflag:$0x2] =	stream.indirect.gather [hbm4b:s4+s30], $0x80, s7, s30, $0xb8;
	[tilespmem:$0x1BB00] =	vst v63  }
0x39: {  	s13 =	rddreg [dreg:$0xc];
	s6 =	simm.s32 $0x1  }
0x3a: {  	[tilespmem:s10], [sflag:$0x9] =	stream.linear.gather [hbm4b:s13+s3], $0x50, $0x38;
	[tilespmem:$0x1BB00] =	vst v63  }
0x3b: {  	_ =	swait.ge [sflag:s6], $0x2800  }
0x3c: {  	[sflag:s6] =	ssyncset.done $0x0  }
0x3d: {  	s11 =	simm.s32 $0xA;
	s15 =	rddreg [dreg:$0xd];
	[sflag:s6] =	ssyncadd.s32 $0xFFFFD800  }
0x3e: {  	[tilespmem:s26], [sflag:$0x7] =	stream.linear.gather [hbm4b:s15+s3], $0x50, $0x38;
	[tilespmem:$0x1BB00] =	vst v63  }
0x3f: {  	_ =	swait.ge [sflag:s11], $0x50  }
0x40: {  	[sflag:s11] =	ssyncset.done $0x0  }
0x41: {  	[sflag:s11] =	ssyncadd.s32 $0xFFFFFFB0  }
0x42: {  	s2 =	rddreg [dreg:$0x1]  }
0x43: {  	[spmem:s2] =	stream.indirect.scatter.add.f32 [tilespmem:s1], [sflag:$0x4], $0x80, s0, s30, $0xb8;
	[tilespmem:$0x1BB00] =	vst v63  }
0x44: {  	s13 =	simm.s32 $0x9;
	s17 =	rddreg [dreg:$0xe]  }
0x45: {  	[tilespmem:s14], [sflag:$0xC] =	stream.linear.gather [hbm4b:s17+s3], $0x50, $0x38;
	[tilespmem:$0x1BB00] =	vst v63  }
0x46: {  	_ =	swait.ge [sflag:s13], $0x50  }
0x47: {  	[sflag:s13] =	ssyncset.done $0x0  }
0x48: {  	s15 =	simm.s32 $0x19300;
	s17 =	simm.s32 $0x2;
	[sflag:s13] =	ssyncadd.s32 $0xFFFFFFB0  }
0x49: {  	[tilespmem:s15], [sflag:$0x3] =	stream.indirect.gather [hbm4b:s4+s30], $0x80, s10, s30, $0xb8;
	[tilespmem:$0x1BB00] =	vst v63  }
0x4a: {  	_ =	swait.ge [sflag:s17], $0x2800  }
0x4b: {  	[sflag:s17] =	ssyncset.done $0x0  }
0x4c: {  	s29 =	rddreg [dreg:$0xf];
	[sflag:s17] =	ssyncadd.s32 $0xFFFFD800  }
0x4d: {  	[tilespmem:s7], [sflag:$0x8] =	stream.linear.gather [hbm4b:s29+s3], $0x50, $0x38;
	[tilespmem:$0x1BB00] =	vst v63  }
0x4e: {  	_ =	swait.ge [sflag:s16], $0x50  }
0x4f: {  	[sflag:s16] =	ssyncset.done $0x0  }
0x50: {  	[sflag:s16] =	ssyncadd.s32 $0xFFFFFFB0  }
0x51: {  	[spmem:s2] =	stream.indirect.scatter.add.f32 [tilespmem:s12], [sflag:$0x5], $0x80, s8, s30, $0xb8;
	[tilespmem:$0x1BB00] =	vst v63  }
0x52: {  	_ =	swait.ge [sflag:s18], $0x2800  }
0x53: {  	[sflag:s18] =	ssyncset.done $0x0  }
0x54: {  	s29 =	rddreg [dreg:$0x10];
	[sflag:s18] =	ssyncadd.s32 $0xFFFFD800  }
0x55: {  	[tilespmem:s0], [sflag:$0xA] =	stream.linear.gather [hbm4b:s29+s3], $0x50, $0x38;
	[tilespmem:$0x1BB00] =	vst v63  }
0x56: {  	_ =	swait.ge [sflag:s19], $0x50  }
0x57: {  	[sflag:s19] =	ssyncset.done $0x0  }
0x58: {  	[sflag:s19] =	ssyncadd.s32 $0xFFFFFFB0  }
0x59: {  	[tilespmem:s1], [sflag:$0x1] =	stream.indirect.gather [hbm4b:s4+s30], $0x80, s26, s30, $0xb8;
	[tilespmem:$0x1BB00] =	vst v63  }
0x5a: {  	_ =	swait.ge [sflag:s9], $0x2800  }
0x5b: {  	[sflag:s9] =	ssyncset.done $0x0  }
0x5c: {  	s29 =	rddreg [dreg:$0x11];
	[sflag:s9] =	ssyncadd.s32 $0xFFFFD800  }
0x5d: {  	[tilespmem:s10], [sflag:$0x9] =	stream.linear.gather [hbm4b:s29+s3], $0x50, $0x38;
	[tilespmem:$0x1BB00] =	vst v63  }
0x5e: {  	_ =	swait.ge [sflag:s20], $0x50  }
0x5f: {  	[sflag:s20] =	ssyncset.done $0x0  }
0x60: {  	[sflag:s20] =	ssyncadd.s32 $0xFFFFFFB0  }
0x61: {  	[spmem:s2] =	stream.indirect.scatter.add.f32 [tilespmem:s15], [sflag:$0x6], $0x80, s14, s30, $0xb8;
	[tilespmem:$0x1BB00] =	vst v63  }
0x62: {  	_ =	swait.ge [sflag:s21], $0x2800  }
0x63: {  	[sflag:s21] =	ssyncset.done $0x0  }
0x64: {  	s29 =	rddreg [dreg:$0x12];
	[sflag:s21] =	ssyncadd.s32 $0xFFFFD800  }
0x65: {  	[tilespmem:s8], [sflag:$0xB] =	stream.linear.gather [hbm4b:s29+s3], $0x50, $0x38;
	[tilespmem:$0x1BB00] =	vst v63  }
0x66: {  	_ =	swait.ge [sflag:s22], $0x50  }
0x67: {  	[sflag:s22] =	ssyncset.done $0x0  }
0x68: {  	[sflag:s22] =	ssyncadd.s32 $0xFFFFFFB0  }
0x69: {  	[tilespmem:s12], [sflag:$0x2] =	stream.indirect.gather [hbm4b:s4+s30], $0x80, s7, s30, $0xb8;
	[tilespmem:$0x1BB00] =	vst v63  }
0x6a: {  	_ =	swait.ge [sflag:s6], $0x2800  }
0x6b: {  	[sflag:s6] =	ssyncset.done $0x0  }
0x6c: {  	s15 =	sadd.s32 s28, s25;
	[sflag:s6] =	ssyncadd.s32 $0xFFFFD800  }
0x6d: {  	[tilespmem:s26], [sflag:$0x7] =	stream.linear.gather [hbm4b:s15+s3], $0x50, $0x38;
	[tilespmem:$0x1BB00] =	vst v63  }
0x6e: {  	_ =	swait.ge [sflag:s11], $0x50  }
0x6f: {  	[sflag:s11] =	ssyncset.done $0x0  }
0x70: {  	[sflag:s11] =	ssyncadd.s32 $0xFFFFFFB0  }
0x71: {  	[spmem:s2] =	stream.indirect.scatter.add.f32 [tilespmem:s1], [sflag:$0x4], $0x80, s0, s30, $0xb8;
	[tilespmem:$0x1BB00] =	vst v63  }
0x72: {  	_ =	swait.ge [sflag:s23], $0x2800  }
0x73: {  	s29 =	rddreg [dreg:$0x3]  }
0x74: {  	[sflag:s23] =	ssyncset.done $0x0;
	s6 =	rddreg [dreg:$0x4]  }
0x75: {  	[sflag:s23] =	ssyncadd.s32 $0xFFFFD800;
	s5 =	sadd.s32 s6, s29  }
0x76: {  	[tilespmem:s14], [sflag:$0xC] =	stream.linear.gather [hbm4b:s5+s3], $0x50, $0x38;
	[tilespmem:$0x1BB00] =	vst v63  }
0x77: {  	_ =	swait.ge [sflag:s13], $0x50  }
0x78: {  	[sflag:s13] =	ssyncset.done $0x0  }
0x79: {  	[sflag:s13] =	ssyncadd.s32 $0xFFFFFFB0;
	s13 =	simm.s32 $0x19300  }
0x7a: {  	[tilespmem:s13], [sflag:$0x3] =	stream.indirect.gather [hbm4b:s4+s30], $0x80, s10, s30, $0xb8;
	[tilespmem:$0x1BB00] =	vst v63  }
0x7b: {  	_ =	swait.ge [sflag:s17], $0x2800  }
0x7c: {  	[sflag:s17] =	ssyncset.done $0x0  }
0x7d: {  	s11 =	sadd.s32 s28, s24;
	[sflag:s17] =	ssyncadd.s32 $0xFFFFD800  }
0x7e: {  	[tilespmem:s7], [sflag:$0x8] =	stream.linear.gather [hbm4b:s11+s3], $0x50, $0x38;
	[tilespmem:$0x1BB00] =	vst v63  }
0x7f: {  	_ =	swait.ge [sflag:s16], $0x50  }
0x80: {  	[sflag:s16] =	ssyncset.done $0x0  }
0x81: {  	[sflag:s16] =	ssyncadd.s32 $0xFFFFFFB0  }
0x82: {  	[spmem:s2] =	stream.indirect.scatter.add.f32 [tilespmem:s12], [sflag:$0x5], $0x80, s8, s30, $0xb8;
	[tilespmem:$0x1BB00] =	vst v63  }
0x83: {  	_ =	swait.ge [sflag:s18], $0x2800  }
0x84: {  	[sflag:s18] =	ssyncset.done $0x0  }
0x85: {  	s15 =	sadd.s32 s6, s25;
	[sflag:s18] =	ssyncadd.s32 $0xFFFFD800  }
0x86: {  	[tilespmem:s0], [sflag:$0xA] =	stream.linear.gather [hbm4b:s15+s3], $0x50, $0x38;
	[tilespmem:$0x1BB00] =	vst v63  }
0x87: {  	_ =	swait.ge [sflag:s19], $0x50  }
0x88: {  	s17 =	smin.u32 s9, $0x77;
	[sflag:s19] =	ssyncset.done $0x0  }
0x89: {  	s5 =	smul.u32 $0x50, s17;
	[sflag:s19] =	ssyncadd.s32 $0xFFFFFFB0  }
0x8a: {  	[tilespmem:s1], [sflag:$0x1] =	stream.indirect.gather [hbm4b:s4+s30], $0x80, s26, s30, $0xb8;
	[tilespmem:$0x1BB00] =	vst v63  }
0x8b: {  	s5 =	sadd.s32 s5, s31;
	_ =	swait.ge [sflag:s9], $0x2800  }
0x8c: {  	s5 =	sshrl.u32 s5, $0x3;
	[sflag:s9] =	ssyncset.done $0x0  }
0x8d: {  	s5 =	sadd.s32 s28, s5;
	[sflag:s9] =	ssyncadd.s32 $0xFFFFD800  }
0x8e: {  	[tilespmem:s10], [sflag:$0x9] =	stream.linear.gather [hbm4b:s5+s3], $0x50, $0x38;
	[tilespmem:$0x1BB00] =	vst v63  }
0x8f: {  	_ =	swait.ge [sflag:s20], $0x50  }
0x90: {  	[sflag:s20] =	ssyncset.done $0x0  }
0x91: {  	[sflag:s20] =	ssyncadd.s32 $0xFFFFFFB0  }
0x92: {  	[spmem:s2] =	stream.indirect.scatter.add.f32 [tilespmem:s13], [sflag:$0x6], $0x80, s14, s30, $0xb8;
	[tilespmem:$0x1BB00] =	vst v63  }
0x93: {  	_ =	swait.ge [sflag:s21], $0x2800  }
0x94: {  	[sflag:s21] =	ssyncset.done $0x0  }
0x95: {  	s29 =	sadd.s32 s6, s24;
	[sflag:s21] =	ssyncadd.s32 $0xFFFFD800  }
0x96: {  	[tilespmem:s8], [sflag:$0xB] =	stream.linear.gather [hbm4b:s29+s3], $0x50, $0x38;
	[tilespmem:$0x1BB00] =	vst v63  }
0x97: {  	s6 =	sadd.s32 $0x1E, s6;
	_ =	swait.ge [sflag:s22], $0x50  }
0x98: {  	s11 =	simm.s32 $0x14100;
	s0 =	simm.s32 $0x14000;
	[sflag:s22] =	ssyncset.done $0x0  }
0x99: {  	s26 =	simm.s32 $0x6;
	s5 =	sadd.s32 $0x1E, s28;
	[sflag:s22] =	ssyncadd.s32 $0xFFFFFFB0  }
.LBB2_2:
0x9a: {  	s1 =	simm.s32 $0x14080;
	s2 =	simm.s32 $0x16B00;
	s7 =	simm.s32 $0x1  }
0x9b: {  	[tilespmem:s2], [sflag:$0x2] =	stream.indirect.gather [hbm4b:s4+s30], $0x80, s1, s30, $0xb8;
	[tilespmem:$0x1BB00] =	vst v63  }
0x9c: {  	_ =	swait.ge [sflag:s7], $0x2800  }
0x9d: {  	s29 =	smov.u32 s28;
	[sflag:s7] =	ssyncset.done $0x0  }
0x9e: {  	s28 =	sadd.s32 s5, s25;
	s12 =	simm.s32 $0xA;
	[sflag:s7] =	ssyncadd.s32 $0xFFFFD800  }
0x9f: {  	[tilespmem:s0], [sflag:$0x7] =	stream.linear.gather [hbm4b:s28+s3], $0x50, $0x38;
	[tilespmem:$0x1BB00] =	vst v63  }
0xa0: {  	_ =	swait.ge [sflag:s12], $0x50  }
0xa1: {  	[sflag:s12] =	ssyncset.done $0x0  }
0xa2: {  	[sflag:s12] =	ssyncadd.s32 $0xFFFFFFB0  }
0xa3: {  	s8 =	simm.s32 $0x14300;
	s7 =	simm.s32 $0x14180;
	s10 =	rddreg [dreg:$0x1]  }
0xa4: {  	[spmem:s10] =	stream.indirect.scatter.add.f32 [tilespmem:s8], [sflag:$0x4], $0x80, s7, s30, $0xb8;
	[tilespmem:$0x1BB00] =	vst v63  }
0xa5: {  	_ =	swait.ge [sflag:s23], $0x2800  }
0xa6: {  	s28 =	rddreg [dreg:$0x3];
	[sflag:s23] =	ssyncset.done $0x0  }
0xa7: {  	s12 =	simm.s32 $0x9;
	[sflag:s23] =	ssyncadd.s32 $0xFFFFD800;
	s28 =	sadd.s32 s6, s28  }
0xa8: {  	[tilespmem:s14], [sflag:$0xC] =	stream.linear.gather [hbm4b:s28+s3], $0x50, $0x38;
	[tilespmem:$0x1BB00] =	vst v63  }
0xa9: {  	_ =	swait.ge [sflag:s12], $0x50  }
0xaa: {  	[sflag:s12] =	ssyncset.done $0x0  }
0xab: {  	s15 =	simm.s32 $0x2;
	[sflag:s12] =	ssyncadd.s32 $0xFFFFFFB0  }
0xac: {  	[tilespmem:s13], [sflag:$0x3] =	stream.indirect.gather [hbm4b:s4+s30], $0x80, s11, s30, $0xb8;
	[tilespmem:$0x1BB00] =	vst v63  }
0xad: {  	_ =	swait.ge [sflag:s15], $0x2800  }
0xae: {  	[sflag:s15] =	ssyncset.done $0x0  }
0xaf: {  	s28 =	sadd.s32 s5, s24;
	[sflag:s15] =	ssyncadd.s32 $0xFFFFD800  }
0xb0: {  	[tilespmem:s1], [sflag:$0x8] =	stream.linear.gather [hbm4b:s28+s3], $0x50, $0x38;
	[tilespmem:$0x1BB00] =	vst v63  }
0xb1: {  	_ =	swait.ge [sflag:s16], $0x50  }
0xb2: {  	[sflag:s16] =	ssyncset.done $0x0  }
0xb3: {  	s14 =	simm.s32 $0x14200;
	[sflag:s16] =	ssyncadd.s32 $0xFFFFFFB0  }
0xb4: {  	[spmem:s10] =	stream.indirect.scatter.add.f32 [tilespmem:s2], [sflag:$0x5], $0x80, s14, s30, $0xb8;
	[tilespmem:$0x1BB00] =	vst v63  }
0xb5: {  	_ =	swait.ge [sflag:s18], $0x2800  }
0xb6: {  	[sflag:s18] =	ssyncset.done $0x0  }
0xb7: {  	s28 =	sadd.s32 s6, s25;
	[sflag:s18] =	ssyncadd.s32 $0xFFFFD800  }
0xb8: {  	[tilespmem:s7], [sflag:$0xA] =	stream.linear.gather [hbm4b:s28+s3], $0x50, $0x38;
	[tilespmem:$0x1BB00] =	vst v63  }
0xb9: {  	s17 =	smov.u32 s26;
	_ =	swait.ge [sflag:s19], $0x50  }
0xba: {  	s17 =	smin.u32 s17, $0x77;
	[sflag:s19] =	ssyncset.done $0x0  }
0xbb: {  	s17 =	smul.u32 $0x50, s17;
	[sflag:s19] =	ssyncadd.s32 $0xFFFFFFB0  }
0xbc: {  	[tilespmem:s8], [sflag:$0x1] =	stream.indirect.gather [hbm4b:s4+s30], $0x80, s0, s30, $0xb8;
	[tilespmem:$0x1BB00] =	vst v63  }
0xbd: {  	s17 =	sadd.s32 s17, s31;
	_ =	swait.ge [sflag:s9], $0x2800  }
0xbe: {  	s17 =	sshrl.u32 s17, $0x3;
	[sflag:s9] =	ssyncset.done $0x0  }
0xbf: {  	s17 =	sadd.s32 s29, s17;
	[sflag:s9] =	ssyncadd.s32 $0xFFFFD800  }
0xc0: {  	[tilespmem:s11], [sflag:$0x9] =	stream.linear.gather [hbm4b:s17+s3], $0x50, $0x38;
	[tilespmem:$0x1BB00] =	vst v63  }
0xc1: {  	_ =	swait.ge [sflag:s20], $0x50  }
0xc2: {  	p0 =	sne.s32 s26, $0x78;
	[sflag:s20] =	ssyncset.done $0x0  }
0xc3: {  	s13 =	simm.s32 $0x14280;
	s15 =	simm.s32 $0x19300;
	[sflag:s20] =	ssyncadd.s32 $0xFFFFFFB0  }
0xc4: {  	[spmem:s10] =	stream.indirect.scatter.add.f32 [tilespmem:s15], [sflag:$0x6], $0x80, s13, s30, $0xb8;
	[tilespmem:$0x1BB00] =	vst v63  }
0xc5: {  	s26 =	sadd.s32 $0x3, s26;
	s5 =	sadd.s32 $0x1E, s5;
	_ =	swait.ge [sflag:s21], $0x2800  }
0xc6: {  	s12 =	simm.s32 $0x14080;
	s28 =	smov.u32 s29;
	[sflag:s21] =	ssyncset.done $0x0  }
.Ltmp0:
0xc7: {  	s29 =	sadd.s32 s6, s24;
	[sflag:s21] =	ssyncadd.s32 $0xFFFFD800;
	(pc) =	sbr.rel @p0 .LBB2_2-.Ltmp0, $4  }
0xc8: {  	[tilespmem:s14], [sflag:$0xB] =	stream.linear.gather [hbm4b:s29+s3], $0x50, $0x38;
	[tilespmem:$0x1BB00] =	vst v63  }
0xc9: {  	s1 =	simm.s32 $0x14180;
	s7 =	simm.s32 $0x14300;
	_ =	swait.ge [sflag:s22], $0x50  }
0xca: {  	s6 =	sadd.s32 $0x1E, s6;
	s8 =	simm.s32 $0x14200;
	[sflag:s22] =	ssyncset.done $0x0  }
0xcb: {  	s13 =	simm.s32 $0x19300;
	s14 =	simm.s32 $0x14280;
	[sflag:s22] =	ssyncadd.s32 $0xFFFFFFB0  }
0xcc: {  	s0 =	simm.s32 $0x16B00;
	s2 =	simm.s32 $0x1  }
0xcd: {  	[tilespmem:s0], [sflag:$0x2] =	stream.indirect.gather [hbm4b:s4+s30], $0x80, s12, s30, $0xb8;
	[tilespmem:$0x1BB00] =	vst v63  }
0xce: {  	_ =	swait.ge [sflag:s2], $0x2800  }
0xcf: {  	[sflag:s2] =	ssyncset.done $0x0  }
0xd0: {  	s11 =	simm.s32 $0xA;
	[sflag:s2] =	ssyncadd.s32 $0xFFFFD800  }
0xd1: {  	_ =	swait.ge [sflag:s11], $0x50  }
0xd2: {  	[sflag:s11] =	ssyncset.done $0x0  }
0xd3: {  	[sflag:s11] =	ssyncadd.s32 $0xFFFFFFB0  }
0xd4: {  	s2 =	rddreg [dreg:$0x1]  }
0xd5: {  	[spmem:s2] =	stream.indirect.scatter.add.f32 [tilespmem:s7], [sflag:$0x4], $0x80, s1, s30, $0xb8;
	[tilespmem:$0x1BB00] =	vst v63  }
0xd6: {  	_ =	swait.ge [sflag:s23], $0x2800  }
0xd7: {  	[sflag:s23] =	ssyncset.done $0x0  }
0xd8: {  	s12 =	simm.s32 $0x2;
	[sflag:s23] =	ssyncadd.s32 $0xFFFFD800  }
0xd9: {  	_ =	swait.ge [sflag:s12], $0x2800  }
0xda: {  	[sflag:s12] =	ssyncset.done $0x0  }
0xdb: {  	[sflag:s12] =	ssyncadd.s32 $0xFFFFD800  }
0xdc: {  	_ =	swait.ge [sflag:s16], $0x50  }
0xdd: {  	[sflag:s16] =	ssyncset.done $0x0  }
0xde: {  	[sflag:s16] =	ssyncadd.s32 $0xFFFFFFB0  }
0xdf: {  	[spmem:s2] =	stream.indirect.scatter.add.f32 [tilespmem:s0], [sflag:$0x5], $0x80, s8, s30, $0xb8;
	[tilespmem:$0x1BB00] =	vst v63  }
0xe0: {  	_ =	swait.ge [sflag:s18], $0x2800  }
0xe1: {  	[sflag:s18] =	ssyncset.done $0x0  }
0xe2: {  	[sflag:s18] =	ssyncadd.s32 $0xFFFFD800  }
0xe3: {  	_ =	swait.ge [sflag:s21], $0x2800  }
0xe4: {  	[sflag:s21] =	ssyncset.done $0x0  }
0xe5: {  	s13 =	simm.s32 $0x9;
	[sflag:s21] =	ssyncadd.s32 $0xFFFFD800  }
0xe6: {  	_ =	swait.ge [sflag:s13], $0x50  }
0xe7: {  	[sflag:s13] =	ssyncset.done $0x0  }
0xe8: {  	[sflag:s13] =	ssyncadd.s32 $0xFFFFFFB0  }
0xe9: {  	[bflag:$0x0] =	sbarrier.arrive $0xFFFF  }
0xea: {  	s17 =	rddreg [dreg:$0x7]  }
0xeb: {  	s5 =	rddreg [dreg:$0x13]  }
0xec: {  	s6 =	simm.s32 $0xD;
	s15 =	rddreg [dreg:$0x16]  }
0xed: {  	[hbm:s5], [sflag:s17] =	dma.local [spmem:s15], $0x2800  }
0xee: {  	_ =	swait.ge [sflag:s6], $0x2800  }
0xef: {  	s26 =	rddreg [dreg:$0x15]  }
0xf0: {  	s29 =	rddreg [dreg:$0x14];
	s0 =	sadd.s32 $0x1, s26  }
0xf1: {  	p0 =	sne.s32 s0, s29  }
.Ltmp1:
0xf2: {  	_ = 	snop;
	(pc) =	sbr.rel @p0 .LBB2_1-.Ltmp1, $3  }
0xf3: {  	_ =	sdelay $0x1  }
0xf4: {  	[sflag:s6] =	ssyncset.done $0x0  }
0xf5: {  	s10 =	simm.s32 $0x14100;
	[sflag:s6] =	ssyncadd.s32 $0xFFFFD800;
	s26 =	simm.s32 $0x14000  }
0xf6: {  	_ =	sfence.sel $0x180000  }
0xf7: {  	[bflag:$0x0] =	sbarrier.arrive $0xFFFF  }
0xf8: {  	_ =	strace $0x9000004A  }
0xf9: {  	s0 =	stileid.u32;
	[bflag:$0x2] =	sbarrier.arrive $0xFFFF  }
0xfa: {  	p0 =	sne.s32 s0, $0x0;
	s0 =	rddreg [dreg:$0x2]  }
0xfb: {  	s0 =	sadd.s32 @!p0 $0x100000, s0  }
0xfc: {  	[sflag:s0] =	ssyncadd.tile.s32 @!p0 $0x1;
	_ =	shalt  }
.Lfunc_end2:
_tile_overlayer_lowered:
.L_overlay_start_2:
0xfd: {  	(tag) =	ssettag $0x2  }
0xfe: {  	s0 =	rddreg [dreg:$0x0];
	s2 =	stileid.u32  }
0xff: {  	s1 =	rddreg [dreg:$0x1];
	p0 =	sne.s32 s2, $0x0  }
0x100: {  	s3 =	rddreg [dreg:$0x2];
	[bflag:$0x3] =	sbarrier.arrive $0xFFFF;
	s2 =	simm.s32 @!p0 $0x1C0D  }
0x101: {  	[timem:s3], [sflag:s2] =	dma.local @!p0 [hbm:s0], s1  }
0x102: {  	s0 =	simm.s32 @!p0 $0xD  }
0x103: {  	_ =	swait.ge @!p0 [sflag:s0], s1  }
0x104: {  	s1 =	ssub.s32 @!p0 $0x0, s1;
	[sflag:s0] =	ssyncset.done @!p0 $0x0  }
0x105: {  	[sflag:s0] =	ssyncadd.s32 @!p0 s1  }
0x106: {  	[bflag:$0x3] =	sbarrier.arrive $0xFFFF  }
0x107: {  	_ =	shalt  }

// kernel: kernel.16.cloned.1.call-start
scs
__scs_entry_jumppad:
0x0: {  	(pc) =	sbr.rel $0x88, $3  }
0x1: {  	(tag) =	ssettag $0x0;
	lr =	simm.s32 $0x1  }
0x2: {  	[smem:$0x3F96] =	sst lr;
	_ =	strace $0xD0000000  }
0x3: {  	_ = 	snop  }
0x4: {  	_ = 	snop  }
0x5: {  	_ = 	snop  }
0x6: {  	_ = 	snop  }
0x7: {  	_ = 	snop  }
__scs_overlays_trampoline_lowered:
0x8: {  	[smem:$0x3FA5] =	sst s0  }
0x9: {  	[smem:$0x3FA6] =	sst s1  }
0xa: {  	[smem:$0x3FA7] =	sst s2  }
0xb: {  	[smem:$0x3FA8] =	sst s3  }
0xc: {  	[smem:$0x3FA9] =	sst s4  }
0xd: {  	[smem:$0x3FAA] =	sst s5  }
0xe: {  	[smem:$0x3FAB] =	sst s6  }
0xf: {  	[smem:$0x3FAC] =	sst s7  }
0x10: {  	[smem:$0x3FAD] =	sst s8  }
0x11: {  	[smem:$0x3FAE] =	sst s9;
	s0 =	simm.s32 @!p0 $0x0  }
0x12: {  	s1 =	sld [smem:$0x3F94];
	s0 =	simm.s32 @p0 $0x1  }
0x13: {  	[smem:$0x3FAF] =	sst s0;
	s0 =	simm.s32 @!p1 $0x0  }
0x14: {  	s2 =	sld [smem:$0x3F93];
	s0 =	simm.s32 @p1 $0x1  }
0x15: {  	[smem:$0x3FB0] =	sst s0;
	s0 =	simm.s32 @!p2 $0x0  }
0x16: {  	s3 =	sld [smem:$0x3FDB];
	s0 =	simm.s32 @p2 $0x1  }
0x17: {  	s4 =	simm.s32 $0x1BF5;
	[smem:$0x3FB2] =	sst s0  }
0x18: {  	s0 =	sld [smem:$0x3F95];
	_ =	swait.ge [sflag:s4], $0x0  }
0x19: {  	s7 =	sld [smem:$0x3F96]  }
0x1a: {  	s8 =	sadd.s32 $0xFFFFE003, lr  }
0x1b: {  	s9 =	sadd.s32 $0xFFFFFEF7, lr;
	s5 =	simm.s32 $0xFFFFFFFF;
	p2 =	slt.u32 s8, $0xFFFFF086  }
0x1c: {  	p1 =	slt.u32 s9, $0xF7A;
	s5 =	simm.s32 @!p2 $0x0  }
0x1d: {  	s5 =	simm.s32 @p1 $0x1;
	p0 =	seq.s32 s7, s2  }
0x1e: {  	s7 =	smul.u32 @!p0 $0xF7A, s2;
	p2 =	seq.s32 @!p0 s5, $0x0  }
0x1f: {  	s9 =	smul.u32 $0xF7A, s1;
	s8 =	simm.s32 @!p0 $0x1BF5;
	p2 =	por !p2, p0  }
0x20: {  	[sflag:s8] =	ssyncset.s32 @!p0 $0xFFFFF086;
	s6 =	sadd.s32 @!p0 s3, s7;
	s7 =	simm.s32 @!p0 $0x108  }
0x21: {  	s3 =	sadd.s32 s3, s9;
	s6 =	sadd.s32 @!p0 $0x88, s6;
	s7 =	simm.s32 @p2 $0x1082  }
0x22: {  	[simem:s7], [sflag:s8] =	dma.local @!p0 [hbm:s6], $0xF7A  }
0x23: {  	s9 =	sor.u32 $0xD0000000, s2;
	s6 =	simm.s32 $0x108;
	_ =	swait.ge @!p0 [sflag:s8], $0x0  }
0x24: {  	s3 =	sadd.s32 $0x88, s3;
	s6 =	simm.s32 @!p1 $0x1082;
	[sflag:s4] =	ssyncset.s32 $0xFFFFF086  }
0x25: {  	[simem:s6], [sflag:s4] =	dma.local [hbm:s3], $0xF7A  }
0x26: {  	[smem:$0x3F96] =	sst s1;
	(tag) =	ssettag s2;
	_ =	strace s9  }
0x27: {  	s1 =	sld [smem:$0x3FA6]  }
0x28: {  	s2 =	sld [smem:$0x3FA7]  }
0x29: {  	s4 =	sld [smem:$0x3FA9]  }
0x2a: {  	p0 =	seq.s32 s5, $0x0;
	s5 =	sld [smem:$0x3FAA]  }
0x2b: {  	s6 =	sld [smem:$0x3FAB]  }
0x2c: {  	s7 =	sld [smem:$0x3FAC]  }
0x2d: {  	s3 =	simm.s32 $0x108;
	s8 =	sld [smem:$0x3FAD]  }
0x2e: {  	s3 =	simm.s32 @!p0 $0x1082;
	s9 =	sld [smem:$0x3FAE]  }
0x2f: {  	lr =	sadd.s32 s0, s3;
	s0 =	sld [smem:$0x3FA5]  }
0x30: {  	s3 =	sld [smem:$0x3FA8]  }
0x31: {  	[smem:$0x3FB1] =	sst s10  }
0x32: {  	s10 =	sld [smem:$0x3FAF];
	_ =	sdelay $0x3  }
0x33: {  	p0 =	seq.s32 s10, $0x1;
	s10 =	sld [smem:$0x3FB1];
	_ =	sdelay $0x3  }
0x34: {  	[smem:$0x3FB1] =	sst s10  }
0x35: {  	s10 =	sld [smem:$0x3FB0];
	_ =	sdelay $0x3  }
0x36: {  	p1 =	seq.s32 s10, $0x1;
	s10 =	sld [smem:$0x3FB1];
	_ =	sdelay $0x3  }
0x37: {  	[smem:$0x3FB1] =	sst s10  }
0x38: {  	s10 =	sld [smem:$0x3FB2]  }
0x39: {  	_ = 	snop;
	(pc) =	sbr.ind lr, $3  }
0x3a: {  	_ = 	snop  }
0x3b: {  	_ = 	snop  }
0x3c: {  	p2 =	seq.s32 s10, $0x1;
	s10 =	sld [smem:$0x3FB1]  }
0x3d: {  	_ =	shalt  }
0x3e: {  	_ =	shalt  }
0x3f: {  	_ =	shalt  }
0x40: {  	_ =	shalt  }
0x41: {  	_ =	shalt  }
0x42: {  	_ =	shalt  }
0x43: {  	_ =	shalt  }
0x44: {  	_ =	shalt  }
0x45: {  	_ =	shalt  }
0x46: {  	_ =	shalt  }
0x47: {  	_ =	shalt  }
0x48: {  	_ =	shalt  }
0x49: {  	_ =	shalt  }
0x4a: {  	_ =	shalt  }
0x4b: {  	_ =	shalt  }
0x4c: {  	_ =	shalt  }
0x4d: {  	_ =	shalt  }
0x4e: {  	_ =	shalt  }
0x4f: {  	_ =	shalt  }
0x50: {  	_ =	shalt  }
0x51: {  	_ =	shalt  }
0x52: {  	_ =	shalt  }
0x53: {  	_ =	shalt  }
0x54: {  	_ =	shalt  }
0x55: {  	_ =	shalt  }
0x56: {  	_ =	shalt  }
0x57: {  	_ =	shalt  }
0x58: {  	_ =	shalt  }
0x59: {  	_ =	shalt  }
0x5a: {  	_ =	shalt  }
0x5b: {  	_ =	shalt  }
0x5c: {  	_ =	shalt  }
0x5d: {  	_ =	shalt  }
0x5e: {  	_ =	shalt  }
0x5f: {  	_ =	shalt  }
0x60: {  	_ =	shalt  }
0x61: {  	_ =	shalt  }
0x62: {  	_ =	shalt  }
0x63: {  	_ =	shalt  }
0x64: {  	_ =	shalt  }
0x65: {  	_ =	shalt  }
0x66: {  	_ =	shalt  }
0x67: {  	_ =	shalt  }
0x68: {  	_ =	shalt  }
0x69: {  	_ =	shalt  }
0x6a: {  	_ =	shalt  }
0x6b: {  	_ =	shalt  }
0x6c: {  	_ =	shalt  }
0x6d: {  	_ =	shalt  }
0x6e: {  	_ =	shalt  }
0x6f: {  	_ =	shalt  }
0x70: {  	_ =	shalt  }
0x71: {  	_ =	shalt  }
0x72: {  	_ =	shalt  }
0x73: {  	_ =	shalt  }
0x74: {  	_ =	shalt  }
0x75: {  	_ =	shalt  }
0x76: {  	_ =	shalt  }
0x77: {  	_ =	shalt  }
0x78: {  	_ =	shalt  }
0x79: {  	_ =	shalt  }
0x7a: {  	_ =	shalt  }
0x7b: {  	_ =	shalt  }
0x7c: {  	_ =	shalt  }
0x7d: {  	_ =	shalt  }
0x7e: {  	_ =	shalt  }
0x7f: {  	_ =	shalt  }
0x80: {  	_ =	shalt  }
0x81: {  	_ =	shalt  }
0x82: {  	_ =	shalt  }
0x83: {  	_ =	shalt  }
0x84: {  	_ =	shalt  }
0x85: {  	_ =	shalt  }
0x86: {  	_ =	shalt  }
0x87: {  	_ =	shalt  }
.Lfunc_end0:
.L_simem_size_0:
called_computation.2_lowered:
.L_overlay_start_0:
0x88: {  	s2 =	sld [smem:$0x3FD9]  }
0x89: {  	s3 =	sld [smem:$0x3FFE];
	_ =	sdelay $0x1  }
0x8a: {  	s1 =	srdreg.scid  }
0x8b: {  	s0 =	sand.u32 $0x1, s1  }
0x8c: {  	s16 =	sshll.u32 s0, $0xA;
	s2 =	sadd.s32 s3, s2  }
0x8d: {  	s2 =	sadd.s32 s2, s16  }
0x8e: {  	[smem:$0x3FBD] =	sst s2  }
0x8f: {  	_ = 	snop  }
0x90: {  	(tm) =	ssettm $0x1  }
0x91: {  	s17 =	sld [smem:$0x3FFB];
	_ =	sdelay $0x3  }
0x92: {  	_ =	strace s17  }
0x93: {  	s2 =	sld [smem:$0x3FFC];
	_ =	sdelay $0x3  }
0x94: {  	_ =	strace s2  }
0x95: {  	s2 =	sld [smem:$0x3FFD];
	_ =	sdelay $0x3  }
0x96: {  	_ =	strace s2  }
0x97: {  	_ =	strace $0x8FFFFFFF  }
0x98: {  	s18 =	sld [smem:$0x3FDB];
	_ =	sdelay $0x1  }
0x99: {  	s19 =	simm.s32 $_scs_section_size  }
0x9a: {  	s4 =	simm.s32 $_size__tile_overlayer_lowered;
	s5 =	simm.s32 $_tile_overlayer_lowered  }
0x9b: {  	s22 =	simm.s32 $0x1BFF;
	s21 =	sshll.u32 s5, $0x1;
	s2 =	sadd.s32 s19, s18  }
0x9c: {  	s6 =	simm.s32 $0x0;
	s20 =	sshll.u32 s4, $0x1;
	s4 =	sadd.s32 s21, s2  }
0x9d: {  	[timem:s6], [sflag:s22] =	dma.local [hbm:s4], s20  }
0x9e: {  	_ =	swait.ge [sflag:s22], s20  }
0x9f: {  	s3 =	ssub.s32 $0x0, s20;
	[sflag:s22] =	ssyncset.done $0x0  }
0xa0: {  	[sflag:s22] =	ssyncadd.s32 s3;
	_ =	sdelay $0x1  }
0xa1: {  	s23 =	simm.s32 $0x1B8B  }
0xa2: {  	_ =	swait.ge [sflag:s23], $0x1  }
0xa3: {  	[sflag:s23] =	ssyncset.done $0x0  }
0xa4: {  	s25 =	simm.s32 $0x1B8E;
	s24 =	sld [smem:$0x3FFE];
	[sflag:s23] =	ssyncadd.s32 $0xFFFFFFFF  }
0xa5: {  	s26 =	simm.s32 $execute0_lowered;
	[smem:$0x3FD2] =	sst s25  }
0xa6: {  	s4 =	sshll.u32 s26, $0x1;
	_ =	strace $0x8000004C;
	[dreg:$0x1] =	wrdreg $0xFFFFFFFF  }
0xa7: {  	s28 =	simm.s32 $_size_execute0_lowered;
	s2 =	sadd.s32 s2, s4;
	[dreg:$0x0] =	wrdreg $0x0  }
0xa8: {  	s4 =	sshll.u32 s28, $0x1;
	[dreg:$0x2] =	wrdreg s2  }
0xa9: {  	[dreg:$0x3] =	wrdreg s4  }
0xaa: {  	[dreg:$0x4] =	wrdreg $0xC0  }
0xab: {  	_ =	task [dreg:s6], $0x5FFFF  }
0xac: {  	[dreg:$0x1] =	wrdreg $0xFFFFFFFF  }
0xad: {  	[dreg:$0x0] =	wrdreg $0x60  }
0xae: {  	[dreg:$0x2] =	wrdreg s24  }
0xaf: {  	[dreg:$0x3] =	wrdreg $0x0  }
0xb0: {  	[dreg:$0x4] =	wrdreg $0x9  }
0xb1: {  	_ =	task.clear_ibuf [dreg:s6], $0x5FFFF;
	_ =	strace $0x9000004C  }
0xb2: {  	s29 =	simm.s32 $0x9;
	_ =	strace $0x8000004E  }
0xb3: {  	_ =	swait.ge [sflag:s29], $0x1  }
0xb4: {  	[sflag:s29] =	ssyncadd.s32 $0xFFFFFFFF  }
0xb5: {  	_ =	strace $0x9000004E  }
0xb6: {  	_ =	sfence  }
0xb7: {  	s30 =	sld [smem:$0x0];
	_ =	sdelay $0x2  }
0xb8: {  	s31 =	sshll.u32 s1, $0xD;
	s1 =	sshrl.u32 s1, $0x2  }
0xb9: {  	s3 =	sand.u32 $0x4000, s31;
	s1 =	sadd.s32 s1, s30  }
0xba: {  	s0 =	sor.u32 s3, s0;
	s1 =	sshll.u32 s1, $0x11  }
0xbb: {  	s0 =	sor.u32 s1, s0  }
0xbc: {  	s0 =	sadd.s32 $0x8F2B, s0  }
0xbd: {  	[sflag:s0] =	ssyncadd.remote.s32 $0x1  }
0xbe: {  	_ =	sfence.sel $0xFFFF  }
0xbf: {  	[dreg:$0x0] =	wrdreg $0xFFFFFFFF;
	(pc) =	sbr.abs _section_cstart, $3  }
0xc0: {  	[dreg:$0x1] =	wrdreg $0xFFFFFFFF  }
0xc1: {  	_ =	task.clear_ibuf [dreg:s6], $0x2FFFF;
	_ =	strace $0x9FFFFFFF  }
0xc2: {  	(tm) =	ssettm $0x7FFFFFFF  }
0xc3: {  	_ =	shalt  }
tec
execute0_lowered:
.L_overlay_start_1:
0x0: {  	(tag) =	ssettag $0x1  }
0x1: {  	s0 =	rddreg [dreg:$0x0]  }
0x2: {  	s2 =	rddreg [dreg:$0x1];
	s3 =	simm.s32 $0x0;
	s11 =	stileid.u32  }
0x3: {  	s4 =	srdreg.scid;
	s30 =	simm.s32 $0x50;
	[smem:$0x7FF] =	sst s3  }
0x4: {  	s1 =	smul.u32 $0x14000, s11;
	s5 =	sand.u32 $0x1, s4;
	s4 =	sadd.s32 $0x9FE00, s0  }
0x5: {  	s28 =	sadd.s32 $0x3C00, s0;
	s12 =	sadd.s32 $0xDA00, s0;
	s8 =	smul.u32 $0x50000, s11  }
0x6: {  	s26 =	sshll.u32 s11, $0x1;
	s29 =	sshll.u32 s11, $0x6;
	s18 =	smul.u32 $0x4E20, s11  }
0x7: {  	_ =	strace $0x8000004D;
	s7 =	smul.u32 $0x140000, s5;
	s9 =	ssub.s32 $0x2, s5  }
0x8: {  	s17 =	sor.u32 $0x1C0D, s29;
	[dreg:$0x4] =	wrdreg s12;
	s6 =	sshrl.u32 s1, $0x3  }
0x9: {  	s10 =	sshrl.u32 s9, $0x1;
	s8 =	sshrl.u32 s8, $0x2;
	[dreg:$0x7] =	wrdreg s17  }
0xa: {  	s6 =	sadd.s32 s6, s0;
	s1 =	sadd.s32 s1, s7;
	s7 =	sor.u32 s5, s26  }
0xb: {  	s8 =	sadd.s32 s8, s2;
	s5 =	smul.u32 $0x2710, s5;
	s1 =	sshrl.u32 s1, $0x3  }
0xc: {  	s7 =	smul.u32 $0x2710, s7;
	[dreg:$0x5] =	wrdreg s8;
	s6 =	sadd.s32 $0x27800, s6  }
0xd: {  	s0 =	sadd.s32 s1, s0;
	s1 =	ssub.s32 s9, s10;
	[dreg:$0x6] =	wrdreg s6  }
0xe: {  	s5 =	sadd.s32 s5, s18;
	s18 =	simm.s32 $0x4;
	s2 =	sshrl.u32 s7, $0x3  }
0xf: {  	s31 =	sadd.s32 $0x190, s7;
	s25 =	sadd.s32 $0x190, s5;
	s0 =	sadd.s32 $0xC7000, s0  }
0x10: {  	s29 =	sadd.s32 $0x230, s5;
	s5 =	sadd.s32 $0x1E0, s5;
	s1 =	smax.u32 s1, $0x1  }
0x11: {  	s9 =	sadd.s32 s28, s2;
	s10 =	sadd.s32 $0xA, s2;
	[dreg:$0x13] =	wrdreg s0  }
0x12: {  	s13 =	sadd.s32 s12, s2;
	s15 =	sadd.s32 $0x14, s2;
	[dreg:$0x14] =	wrdreg s1  }
0x13: {  	s16 =	sadd.s32 $0x1E, s2;
	s21 =	sadd.s32 $0x28, s2;
	[dreg:$0x8] =	wrdreg s9  }
0x14: {  	s23 =	sshrl.u32 s31, $0x3;
	s26 =	sshrl.u32 s25, $0x3;
	[dreg:$0x9] =	wrdreg s13  }
0x15: {  	s25 =	sshrl.u32 s5, $0x3;
	s14 =	sadd.s32 s28, s10;
	[dreg:$0x3] =	wrdreg s26  }
0x16: {  	s0 =	simm.s32 $0x0;
	s6 =	sadd.s32 s12, s10;
	[dreg:$0xa] =	wrdreg s14  }
0x17: {  	s19 =	sadd.s32 s28, s15;
	s20 =	sadd.s32 s28, s16;
	[dreg:$0xb] =	wrdreg s6  }
0x18: {  	s22 =	sadd.s32 s28, s21;
	s24 =	sadd.s32 s12, s16;
	[dreg:$0xc] =	wrdreg s19  }
0x19: {  	s7 =	sadd.s32 s28, s23;
	s26 =	simm.s32 $0x14000;
	[dreg:$0xd] =	wrdreg s20  }
0x1a: {  	s10 =	simm.s32 $0x14100;
	s16 =	simm.s32 $0xB;
	[dreg:$0xf] =	wrdreg s22  }
0x1b: {  	s23 =	simm.s32 $0x6;
	s9 =	simm.s32 $0x3;
	[dreg:$0x10] =	wrdreg s24  }
0x1c: {  	s6 =	sadd.s32 s12, s15;
	[dreg:$0x11] =	wrdreg s7;
	s24 =	sshrl.u32 s29, $0x3  }
0x1d: {  	s14 =	simm.s32 $0x14280;
	s19 =	simm.s32 $0x7;
	s20 =	simm.s32 $0xC  }
0x1e: {  	s22 =	simm.s32 $0x8;
	[dreg:$0xe] =	wrdreg s6;
	s6 =	sadd.s32 s12, s21  }
0x1f: {  	s21 =	simm.s32 $0x5;
	[dreg:$0x12] =	wrdreg s6;
	s6 =	simm.s32 $0xD  }
.LBB2_1:
0x20: {  	[dreg:$0x15] =	wrdreg s0  }
0x21: {  	s5 =	rddreg [dreg:$0x5]  }
0x22: {  	s2 =	rddreg [dreg:$0x6];
	s1 =	sshrl.u32 s5, $0x3  }
0x23: {  	[dreg:$0x16] =	wrdreg s1  }
0x24: {  	[spmem:s1], [sflag:s17] =	dma.local [hbm:s2], $0x2800  }
0x25: {  	_ =	swait.ge [sflag:s6], $0x2800  }
0x26: {  	[sflag:s6] =	ssyncset.done $0x0  }
0x27: {  	[sflag:s6] =	ssyncadd.s32 $0xFFFFD800  }
0x28: {  	[bflag:$0x0] =	sbarrier.arrive $0xFFFF  }
0x29: {  	s7 =	rddreg [dreg:$0x8]  }
0x2a: {  	[tilespmem:s26], [sflag:$0xD] =	stream.linear.gather [hbm4b:s7+s3], $0x50, $0x38;
	[tilespmem:$0x1BB00] =	vst v63  }
0x2b: {  	_ =	swait.ge [sflag:s6], $0x50  }
0x2c: {  	[sflag:s6] =	ssyncset.done $0x0  }
0x2d: {  	s0 =	simm.s32 $0x14180;
	s8 =	rddreg [dreg:$0x9];
	[sflag:s6] =	ssyncadd.s32 $0xFFFFFFB0  }
0x2e: {  	[tilespmem:s0], [sflag:$0xA] =	stream.linear.gather [hbm4b:s8+s3], $0x50, $0x38;
	[tilespmem:$0x1BB00] =	vst v63  }
0x2f: {  	s1 =	simm.s32 $0x14300  }
0x30: {  	[tilespmem:s1], [sflag:$0x1] =	stream.indirect.gather [hbm4b:s4+s30], $0x80, s26, s30, $0xb8;
	[tilespmem:$0x1BB00] =	vst v63  }
0x31: {  	s7 =	simm.s32 $0x14080;
	s11 =	rddreg [dreg:$0xa]  }
0x32: {  	[tilespmem:s7], [sflag:$0xD] =	stream.linear.gather [hbm4b:s11+s3], $0x50, $0x38;
	[tilespmem:$0x1BB00] =	vst v63  }
0x33: {  	_ =	swait.ge [sflag:s6], $0x50  }
0x34: {  	[sflag:s6] =	ssyncset.done $0x0  }
0x35: {  	s8 =	simm.s32 $0x14200;
	s12 =	rddreg [dreg:$0xb];
	[sflag:s6] =	ssyncadd.s32 $0xFFFFFFB0  }
0x36: {  	[tilespmem:s8], [sflag:$0xB] =	stream.linear.gather [hbm4b:s12+s3], $0x50, $0x38;
	[tilespmem:$0x1BB00] =	vst v63  }
0x37: {  	s12 =	simm.s32 $0x16B00  }
0x38: {  	[tilespmem:s12], [sflag:$0x2] =	stream.indirect.gather [hbm4b:s4+s30], $0x80, s7, s30, $0xb8;
	[tilespmem:$0x1BB00] =	vst v63  }
0x39: {  	s13 =	rddreg [dreg:$0xc];
	s6 =	simm.s32 $0x1  }
0x3a: {  	[tilespmem:s10], [sflag:$0x9] =	stream.linear.gather [hbm4b:s13+s3], $0x50, $0x38;
	[tilespmem:$0x1BB00] =	vst v63  }
0x3b: {  	_ =	swait.ge [sflag:s6], $0x2800  }
0x3c: {  	[sflag:s6] =	ssyncset.done $0x0  }
0x3d: {  	s11 =	simm.s32 $0xA;
	s15 =	rddreg [dreg:$0xd];
	[sflag:s6] =	ssyncadd.s32 $0xFFFFD800  }
0x3e: {  	[tilespmem:s26], [sflag:$0x7] =	stream.linear.gather [hbm4b:s15+s3], $0x50, $0x38;
	[tilespmem:$0x1BB00] =	vst v63  }
0x3f: {  	_ =	swait.ge [sflag:s11], $0x50  }
0x40: {  	[sflag:s11] =	ssyncset.done $0x0  }
0x41: {  	[sflag:s11] =	ssyncadd.s32 $0xFFFFFFB0  }
0x42: {  	s2 =	rddreg [dreg:$0x1]  }
0x43: {  	[spmem:s2] =	stream.indirect.scatter.add.f32 [tilespmem:s1], [sflag:$0x4], $0x80, s0, s30, $0xb8;
	[tilespmem:$0x1BB00] =	vst v63  }
0x44: {  	s13 =	simm.s32 $0x9;
	s17 =	rddreg [dreg:$0xe]  }
0x45: {  	[tilespmem:s14], [sflag:$0xC] =	stream.linear.gather [hbm4b:s17+s3], $0x50, $0x38;
	[tilespmem:$0x1BB00] =	vst v63  }
0x46: {  	_ =	swait.ge [sflag:s13], $0x50  }
0x47: {  	[sflag:s13] =	ssyncset.done $0x0  }
0x48: {  	s15 =	simm.s32 $0x19300;
	s17 =	simm.s32 $0x2;
	[sflag:s13] =	ssyncadd.s32 $0xFFFFFFB0  }
0x49: {  	[tilespmem:s15], [sflag:$0x3] =	stream.indirect.gather [hbm4b:s4+s30], $0x80, s10, s30, $0xb8;
	[tilespmem:$0x1BB00] =	vst v63  }
0x4a: {  	_ =	swait.ge [sflag:s17], $0x2800  }
0x4b: {  	[sflag:s17] =	ssyncset.done $0x0  }
0x4c: {  	s29 =	rddreg [dreg:$0xf];
	[sflag:s17] =	ssyncadd.s32 $0xFFFFD800  }
0x4d: {  	[tilespmem:s7], [sflag:$0x8] =	stream.linear.gather [hbm4b:s29+s3], $0x50, $0x38;
	[tilespmem:$0x1BB00] =	vst v63  }
0x4e: {  	_ =	swait.ge [sflag:s16], $0x50  }
0x4f: {  	[sflag:s16] =	ssyncset.done $0x0  }
0x50: {  	[sflag:s16] =	ssyncadd.s32 $0xFFFFFFB0  }
0x51: {  	[spmem:s2] =	stream.indirect.scatter.add.f32 [tilespmem:s12], [sflag:$0x5], $0x80, s8, s30, $0xb8;
	[tilespmem:$0x1BB00] =	vst v63  }
0x52: {  	_ =	swait.ge [sflag:s18], $0x2800  }
0x53: {  	[sflag:s18] =	ssyncset.done $0x0  }
0x54: {  	s29 =	rddreg [dreg:$0x10];
	[sflag:s18] =	ssyncadd.s32 $0xFFFFD800  }
0x55: {  	[tilespmem:s0], [sflag:$0xA] =	stream.linear.gather [hbm4b:s29+s3], $0x50, $0x38;
	[tilespmem:$0x1BB00] =	vst v63  }
0x56: {  	_ =	swait.ge [sflag:s19], $0x50  }
0x57: {  	[sflag:s19] =	ssyncset.done $0x0  }
0x58: {  	[sflag:s19] =	ssyncadd.s32 $0xFFFFFFB0  }
0x59: {  	[tilespmem:s1], [sflag:$0x1] =	stream.indirect.gather [hbm4b:s4+s30], $0x80, s26, s30, $0xb8;
	[tilespmem:$0x1BB00] =	vst v63  }
0x5a: {  	_ =	swait.ge [sflag:s9], $0x2800  }
0x5b: {  	[sflag:s9] =	ssyncset.done $0x0  }
0x5c: {  	s29 =	rddreg [dreg:$0x11];
	[sflag:s9] =	ssyncadd.s32 $0xFFFFD800  }
0x5d: {  	[tilespmem:s10], [sflag:$0x9] =	stream.linear.gather [hbm4b:s29+s3], $0x50, $0x38;
	[tilespmem:$0x1BB00] =	vst v63  }
0x5e: {  	_ =	swait.ge [sflag:s20], $0x50  }
0x5f: {  	[sflag:s20] =	ssyncset.done $0x0  }
0x60: {  	[sflag:s20] =	ssyncadd.s32 $0xFFFFFFB0  }
0x61: {  	[spmem:s2] =	stream.indirect.scatter.add.f32 [tilespmem:s15], [sflag:$0x6], $0x80, s14, s30, $0xb8;
	[tilespmem:$0x1BB00] =	vst v63  }
0x62: {  	_ =	swait.ge [sflag:s21], $0x2800  }
0x63: {  	[sflag:s21] =	ssyncset.done $0x0  }
0x64: {  	s29 =	rddreg [dreg:$0x12];
	[sflag:s21] =	ssyncadd.s32 $0xFFFFD800  }
0x65: {  	[tilespmem:s8], [sflag:$0xB] =	stream.linear.gather [hbm4b:s29+s3], $0x50, $0x38;
	[tilespmem:$0x1BB00] =	vst v63  }
0x66: {  	_ =	swait.ge [sflag:s22], $0x50  }
0x67: {  	[sflag:s22] =	ssyncset.done $0x0  }
0x68: {  	[sflag:s22] =	ssyncadd.s32 $0xFFFFFFB0  }
0x69: {  	[tilespmem:s12], [sflag:$0x2] =	stream.indirect.gather [hbm4b:s4+s30], $0x80, s7, s30, $0xb8;
	[tilespmem:$0x1BB00] =	vst v63  }
0x6a: {  	_ =	swait.ge [sflag:s6], $0x2800  }
0x6b: {  	[sflag:s6] =	ssyncset.done $0x0  }
0x6c: {  	s15 =	sadd.s32 s28, s25;
	[sflag:s6] =	ssyncadd.s32 $0xFFFFD800  }
0x6d: {  	[tilespmem:s26], [sflag:$0x7] =	stream.linear.gather [hbm4b:s15+s3], $0x50, $0x38;
	[tilespmem:$0x1BB00] =	vst v63  }
0x6e: {  	_ =	swait.ge [sflag:s11], $0x50  }
0x6f: {  	[sflag:s11] =	ssyncset.done $0x0  }
0x70: {  	[sflag:s11] =	ssyncadd.s32 $0xFFFFFFB0  }
0x71: {  	[spmem:s2] =	stream.indirect.scatter.add.f32 [tilespmem:s1], [sflag:$0x4], $0x80, s0, s30, $0xb8;
	[tilespmem:$0x1BB00] =	vst v63  }
0x72: {  	_ =	swait.ge [sflag:s23], $0x2800  }
0x73: {  	s29 =	rddreg [dreg:$0x3]  }
0x74: {  	[sflag:s23] =	ssyncset.done $0x0;
	s6 =	rddreg [dreg:$0x4]  }
0x75: {  	[sflag:s23] =	ssyncadd.s32 $0xFFFFD800;
	s5 =	sadd.s32 s6, s29  }
0x76: {  	[tilespmem:s14], [sflag:$0xC] =	stream.linear.gather [hbm4b:s5+s3], $0x50, $0x38;
	[tilespmem:$0x1BB00] =	vst v63  }
0x77: {  	_ =	swait.ge [sflag:s13], $0x50  }
0x78: {  	[sflag:s13] =	ssyncset.done $0x0  }
0x79: {  	[sflag:s13] =	ssyncadd.s32 $0xFFFFFFB0;
	s13 =	simm.s32 $0x19300  }
0x7a: {  	[tilespmem:s13], [sflag:$0x3] =	stream.indirect.gather [hbm4b:s4+s30], $0x80, s10, s30, $0xb8;
	[tilespmem:$0x1BB00] =	vst v63  }
0x7b: {  	_ =	swait.ge [sflag:s17], $0x2800  }
0x7c: {  	[sflag:s17] =	ssyncset.done $0x0  }
0x7d: {  	s11 =	sadd.s32 s28, s24;
	[sflag:s17] =	ssyncadd.s32 $0xFFFFD800  }
0x7e: {  	[tilespmem:s7], [sflag:$0x8] =	stream.linear.gather [hbm4b:s11+s3], $0x50, $0x38;
	[tilespmem:$0x1BB00] =	vst v63  }
0x7f: {  	_ =	swait.ge [sflag:s16], $0x50  }
0x80: {  	[sflag:s16] =	ssyncset.done $0x0  }
0x81: {  	[sflag:s16] =	ssyncadd.s32 $0xFFFFFFB0  }
0x82: {  	[spmem:s2] =	stream.indirect.scatter.add.f32 [tilespmem:s12], [sflag:$0x5], $0x80, s8, s30, $0xb8;
	[tilespmem:$0x1BB00] =	vst v63  }
0x83: {  	_ =	swait.ge [sflag:s18], $0x2800  }
0x84: {  	[sflag:s18] =	ssyncset.done $0x0  }
0x85: {  	s15 =	sadd.s32 s6, s25;
	[sflag:s18] =	ssyncadd.s32 $0xFFFFD800  }
0x86: {  	[tilespmem:s0], [sflag:$0xA] =	stream.linear.gather [hbm4b:s15+s3], $0x50, $0x38;
	[tilespmem:$0x1BB00] =	vst v63  }
0x87: {  	_ =	swait.ge [sflag:s19], $0x50  }
0x88: {  	s17 =	smin.u32 s9, $0x77;
	[sflag:s19] =	ssyncset.done $0x0  }
0x89: {  	s5 =	smul.u32 $0x50, s17;
	[sflag:s19] =	ssyncadd.s32 $0xFFFFFFB0  }
0x8a: {  	[tilespmem:s1], [sflag:$0x1] =	stream.indirect.gather [hbm4b:s4+s30], $0x80, s26, s30, $0xb8;
	[tilespmem:$0x1BB00] =	vst v63  }
0x8b: {  	s5 =	sadd.s32 s5, s31;
	_ =	swait.ge [sflag:s9], $0x2800  }
0x8c: {  	s5 =	sshrl.u32 s5, $0x3;
	[sflag:s9] =	ssyncset.done $0x0  }
0x8d: {  	s5 =	sadd.s32 s28, s5;
	[sflag:s9] =	ssyncadd.s32 $0xFFFFD800  }
0x8e: {  	[tilespmem:s10], [sflag:$0x9] =	stream.linear.gather [hbm4b:s5+s3], $0x50, $0x38;
	[tilespmem:$0x1BB00] =	vst v63  }
0x8f: {  	_ =	swait.ge [sflag:s20], $0x50  }
0x90: {  	[sflag:s20] =	ssyncset.done $0x0  }
0x91: {  	[sflag:s20] =	ssyncadd.s32 $0xFFFFFFB0  }
0x92: {  	[spmem:s2] =	stream.indirect.scatter.add.f32 [tilespmem:s13], [sflag:$0x6], $0x80, s14, s30, $0xb8;
	[tilespmem:$0x1BB00] =	vst v63  }
0x93: {  	_ =	swait.ge [sflag:s21], $0x2800  }
0x94: {  	[sflag:s21] =	ssyncset.done $0x0  }
0x95: {  	s29 =	sadd.s32 s6, s24;
	[sflag:s21] =	ssyncadd.s32 $0xFFFFD800  }
0x96: {  	[tilespmem:s8], [sflag:$0xB] =	stream.linear.gather [hbm4b:s29+s3], $0x50, $0x38;
	[tilespmem:$0x1BB00] =	vst v63  }
0x97: {  	s6 =	sadd.s32 $0x1E, s6;
	_ =	swait.ge [sflag:s22], $0x50  }
0x98: {  	s11 =	simm.s32 $0x14100;
	s0 =	simm.s32 $0x14000;
	[sflag:s22] =	ssyncset.done $0x0  }
0x99: {  	s26 =	simm.s32 $0x6;
	s5 =	sadd.s32 $0x1E, s28;
	[sflag:s22] =	ssyncadd.s32 $0xFFFFFFB0  }
.LBB2_2:
0x9a: {  	s1 =	simm.s32 $0x14080;
	s2 =	simm.s32 $0x16B00;
	s7 =	simm.s32 $0x1  }
0x9b: {  	[tilespmem:s2], [sflag:$0x2] =	stream.indirect.gather [hbm4b:s4+s30], $0x80, s1, s30, $0xb8;
	[tilespmem:$0x1BB00] =	vst v63  }
0x9c: {  	_ =	swait.ge [sflag:s7], $0x2800  }
0x9d: {  	s29 =	smov.u32 s28;
	[sflag:s7] =	ssyncset.done $0x0  }
0x9e: {  	s28 =	sadd.s32 s5, s25;
	s12 =	simm.s32 $0xA;
	[sflag:s7] =	ssyncadd.s32 $0xFFFFD800  }
0x9f: {  	[tilespmem:s0], [sflag:$0x7] =	stream.linear.gather [hbm4b:s28+s3], $0x50, $0x38;
	[tilespmem:$0x1BB00] =	vst v63  }
0xa0: {  	_ =	swait.ge [sflag:s12], $0x50  }
0xa1: {  	[sflag:s12] =	ssyncset.done $0x0  }
0xa2: {  	[sflag:s12] =	ssyncadd.s32 $0xFFFFFFB0  }
0xa3: {  	s8 =	simm.s32 $0x14300;
	s7 =	simm.s32 $0x14180;
	s10 =	rddreg [dreg:$0x1]  }
0xa4: {  	[spmem:s10] =	stream.indirect.scatter.add.f32 [tilespmem:s8], [sflag:$0x4], $0x80, s7, s30, $0xb8;
	[tilespmem:$0x1BB00] =	vst v63  }
0xa5: {  	_ =	swait.ge [sflag:s23], $0x2800  }
0xa6: {  	s28 =	rddreg [dreg:$0x3];
	[sflag:s23] =	ssyncset.done $0x0  }
0xa7: {  	s12 =	simm.s32 $0x9;
	[sflag:s23] =	ssyncadd.s32 $0xFFFFD800;
	s28 =	sadd.s32 s6, s28  }
0xa8: {  	[tilespmem:s14], [sflag:$0xC] =	stream.linear.gather [hbm4b:s28+s3], $0x50, $0x38;
	[tilespmem:$0x1BB00] =	vst v63  }
0xa9: {  	_ =	swait.ge [sflag:s12], $0x50  }
0xaa: {  	[sflag:s12] =	ssyncset.done $0x0  }
0xab: {  	s15 =	simm.s32 $0x2;
	[sflag:s12] =	ssyncadd.s32 $0xFFFFFFB0  }
0xac: {  	[tilespmem:s13], [sflag:$0x3] =	stream.indirect.gather [hbm4b:s4+s30], $0x80, s11, s30, $0xb8;
	[tilespmem:$0x1BB00] =	vst v63  }
0xad: {  	_ =	swait.ge [sflag:s15], $0x2800  }
0xae: {  	[sflag:s15] =	ssyncset.done $0x0  }
0xaf: {  	s28 =	sadd.s32 s5, s24;
	[sflag:s15] =	ssyncadd.s32 $0xFFFFD800  }
0xb0: {  	[tilespmem:s1], [sflag:$0x8] =	stream.linear.gather [hbm4b:s28+s3], $0x50, $0x38;
	[tilespmem:$0x1BB00] =	vst v63  }
0xb1: {  	_ =	swait.ge [sflag:s16], $0x50  }
0xb2: {  	[sflag:s16] =	ssyncset.done $0x0  }
0xb3: {  	s14 =	simm.s32 $0x14200;
	[sflag:s16] =	ssyncadd.s32 $0xFFFFFFB0  }
0xb4: {  	[spmem:s10] =	stream.indirect.scatter.add.f32 [tilespmem:s2], [sflag:$0x5], $0x80, s14, s30, $0xb8;
	[tilespmem:$0x1BB00] =	vst v63  }
0xb5: {  	_ =	swait.ge [sflag:s18], $0x2800  }
0xb6: {  	[sflag:s18] =	ssyncset.done $0x0  }
0xb7: {  	s28 =	sadd.s32 s6, s25;
	[sflag:s18] =	ssyncadd.s32 $0xFFFFD800  }
0xb8: {  	[tilespmem:s7], [sflag:$0xA] =	stream.linear.gather [hbm4b:s28+s3], $0x50, $0x38;
	[tilespmem:$0x1BB00] =	vst v63  }
0xb9: {  	s17 =	smov.u32 s26;
	_ =	swait.ge [sflag:s19], $0x50  }
0xba: {  	s17 =	smin.u32 s17, $0x77;
	[sflag:s19] =	ssyncset.done $0x0  }
0xbb: {  	s17 =	smul.u32 $0x50, s17;
	[sflag:s19] =	ssyncadd.s32 $0xFFFFFFB0  }
0xbc: {  	[tilespmem:s8], [sflag:$0x1] =	stream.indirect.gather [hbm4b:s4+s30], $0x80, s0, s30, $0xb8;
	[tilespmem:$0x1BB00] =	vst v63  }
0xbd: {  	s17 =	sadd.s32 s17, s31;
	_ =	swait.ge [sflag:s9], $0x2800  }
0xbe: {  	s17 =	sshrl.u32 s17, $0x3;
	[sflag:s9] =	ssyncset.done $0x0  }
0xbf: {  	s17 =	sadd.s32 s29, s17;
	[sflag:s9] =	ssyncadd.s32 $0xFFFFD800  }
0xc0: {  	[tilespmem:s11], [sflag:$0x9] =	stream.linear.gather [hbm4b:s17+s3], $0x50, $0x38;
	[tilespmem:$0x1BB00] =	vst v63  }
0xc1: {  	_ =	swait.ge [sflag:s20], $0x50  }
0xc2: {  	p0 =	sne.s32 s26, $0x78;
	[sflag:s20] =	ssyncset.done $0x0  }
0xc3: {  	s13 =	simm.s32 $0x14280;
	s15 =	simm.s32 $0x19300;
	[sflag:s20] =	ssyncadd.s32 $0xFFFFFFB0  }
0xc4: {  	[spmem:s10] =	stream.indirect.scatter.add.f32 [tilespmem:s15], [sflag:$0x6], $0x80, s13, s30, $0xb8;
	[tilespmem:$0x1BB00] =	vst v63  }
0xc5: {  	s26 =	sadd.s32 $0x3, s26;
	s5 =	sadd.s32 $0x1E, s5;
	_ =	swait.ge [sflag:s21], $0x2800  }
0xc6: {  	s12 =	simm.s32 $0x14080;
	s28 =	smov.u32 s29;
	[sflag:s21] =	ssyncset.done $0x0  }
.Ltmp0:
0xc7: {  	s29 =	sadd.s32 s6, s24;
	[sflag:s21] =	ssyncadd.s32 $0xFFFFD800;
	(pc) =	sbr.rel @p0 .LBB2_2-.Ltmp0, $4  }
0xc8: {  	[tilespmem:s14], [sflag:$0xB] =	stream.linear.gather [hbm4b:s29+s3], $0x50, $0x38;
	[tilespmem:$0x1BB00] =	vst v63  }
0xc9: {  	s1 =	simm.s32 $0x14180;
	s7 =	simm.s32 $0x14300;
	_ =	swait.ge [sflag:s22], $0x50  }
0xca: {  	s6 =	sadd.s32 $0x1E, s6;
	s8 =	simm.s32 $0x14200;
	[sflag:s22] =	ssyncset.done $0x0  }
0xcb: {  	s13 =	simm.s32 $0x19300;
	s14 =	simm.s32 $0x14280;
	[sflag:s22] =	ssyncadd.s32 $0xFFFFFFB0  }
0xcc: {  	s0 =	simm.s32 $0x16B00;
	s2 =	simm.s32 $0x1  }
0xcd: {  	[tilespmem:s0], [sflag:$0x2] =	stream.indirect.gather [hbm4b:s4+s30], $0x80, s12, s30, $0xb8;
	[tilespmem:$0x1BB00] =	vst v63  }
0xce: {  	_ =	swait.ge [sflag:s2], $0x2800  }
0xcf: {  	[sflag:s2] =	ssyncset.done $0x0  }
0xd0: {  	s11 =	simm.s32 $0xA;
	[sflag:s2] =	ssyncadd.s32 $0xFFFFD800  }
0xd1: {  	_ =	swait.ge [sflag:s11], $0x50  }
0xd2: {  	[sflag:s11] =	ssyncset.done $0x0  }
0xd3: {  	[sflag:s11] =	ssyncadd.s32 $0xFFFFFFB0  }
0xd4: {  	s2 =	rddreg [dreg:$0x1]  }
0xd5: {  	[spmem:s2] =	stream.indirect.scatter.add.f32 [tilespmem:s7], [sflag:$0x4], $0x80, s1, s30, $0xb8;
	[tilespmem:$0x1BB00] =	vst v63  }
0xd6: {  	_ =	swait.ge [sflag:s23], $0x2800  }
0xd7: {  	[sflag:s23] =	ssyncset.done $0x0  }
0xd8: {  	s12 =	simm.s32 $0x2;
	[sflag:s23] =	ssyncadd.s32 $0xFFFFD800  }
0xd9: {  	_ =	swait.ge [sflag:s12], $0x2800  }
0xda: {  	[sflag:s12] =	ssyncset.done $0x0  }
0xdb: {  	[sflag:s12] =	ssyncadd.s32 $0xFFFFD800  }
0xdc: {  	_ =	swait.ge [sflag:s16], $0x50  }
0xdd: {  	[sflag:s16] =	ssyncset.done $0x0  }
0xde: {  	[sflag:s16] =	ssyncadd.s32 $0xFFFFFFB0  }
0xdf: {  	[spmem:s2] =	stream.indirect.scatter.add.f32 [tilespmem:s0], [sflag:$0x5], $0x80, s8, s30, $0xb8;
	[tilespmem:$0x1BB00] =	vst v63  }
0xe0: {  	_ =	swait.ge [sflag:s18], $0x2800  }
0xe1: {  	[sflag:s18] =	ssyncset.done $0x0  }
0xe2: {  	[sflag:s18] =	ssyncadd.s32 $0xFFFFD800  }
0xe3: {  	_ =	swait.ge [sflag:s21], $0x2800  }
0xe4: {  	[sflag:s21] =	ssyncset.done $0x0  }
0xe5: {  	s13 =	simm.s32 $0x9;
	[sflag:s21] =	ssyncadd.s32 $0xFFFFD800  }
0xe6: {  	_ =	swait.ge [sflag:s13], $0x50  }
0xe7: {  	[sflag:s13] =	ssyncset.done $0x0  }
0xe8: {  	[sflag:s13] =	ssyncadd.s32 $0xFFFFFFB0  }
0xe9: {  	[bflag:$0x0] =	sbarrier.arrive $0xFFFF  }
0xea: {  	s17 =	rddreg [dreg:$0x7]  }
0xeb: {  	s5 =	rddreg [dreg:$0x13]  }
0xec: {  	s6 =	simm.s32 $0xD;
	s15 =	rddreg [dreg:$0x16]  }
0xed: {  	[hbm:s5], [sflag:s17] =	dma.local [spmem:s15], $0x2800  }
0xee: {  	_ =	swait.ge [sflag:s6], $0x2800  }
0xef: {  	s26 =	rddreg [dreg:$0x15]  }
0xf0: {  	s29 =	rddreg [dreg:$0x14];
	s0 =	sadd.s32 $0x1, s26  }
0xf1: {  	p0 =	sne.s32 s0, s29  }
.Ltmp1:
0xf2: {  	_ = 	snop;
	(pc) =	sbr.rel @p0 .LBB2_1-.Ltmp1, $3  }
0xf3: {  	_ =	sdelay $0x1  }
0xf4: {  	[sflag:s6] =	ssyncset.done $0x0  }
0xf5: {  	s10 =	simm.s32 $0x14100;
	[sflag:s6] =	ssyncadd.s32 $0xFFFFD800;
	s26 =	simm.s32 $0x14000  }
0xf6: {  	_ =	sfence.sel $0x180000  }
0xf7: {  	[bflag:$0x0] =	sbarrier.arrive $0xFFFF  }
0xf8: {  	_ =	strace $0x9000004D  }
0xf9: {  	s0 =	stileid.u32;
	[bflag:$0x2] =	sbarrier.arrive $0xFFFF  }
0xfa: {  	p0 =	sne.s32 s0, $0x0;
	s0 =	rddreg [dreg:$0x2]  }
0xfb: {  	s0 =	sadd.s32 @!p0 $0x100000, s0  }
0xfc: {  	[sflag:s0] =	ssyncadd.tile.s32 @!p0 $0x1;
	_ =	shalt  }
.Lfunc_end2:
_tile_overlayer_lowered:
.L_overlay_start_2:
0xfd: {  	(tag) =	ssettag $0x2  }
0xfe: {  	s0 =	rddreg [dreg:$0x0];
	s2 =	stileid.u32  }
0xff: {  	s1 =	rddreg [dreg:$0x1];
	p0 =	sne.s32 s2, $0x0  }
0x100: {  	s3 =	rddreg [dreg:$0x2];
	[bflag:$0x3] =	sbarrier.arrive $0xFFFF;
	s2 =	simm.s32 @!p0 $0x1C0D  }
0x101: {  	[timem:s3], [sflag:s2] =	dma.local @!p0 [hbm:s0], s1  }
0x102: {  	s0 =	simm.s32 @!p0 $0xD  }
0x103: {  	_ =	swait.ge @!p0 [sflag:s0], s1  }
0x104: {  	s1 =	ssub.s32 @!p0 $0x0, s1;
	[sflag:s0] =	ssyncset.done @!p0 $0x0  }
0x105: {  	[sflag:s0] =	ssyncadd.s32 @!p0 s1  }
0x106: {  	[bflag:$0x3] =	sbarrier.arrive $0xFFFF  }
0x107: {  	_ =	shalt  }

// kernel: kernel.19.cloned.1.call-start
scs
__scs_entry_jumppad:
0x0: {  	(pc) =	sbr.rel $0x88, $3  }
0x1: {  	(tag) =	ssettag $0x0;
	lr =	simm.s32 $0x1  }
0x2: {  	[smem:$0x3F96] =	sst lr;
	_ =	strace $0xD0000000  }
0x3: {  	_ = 	snop  }
0x4: {  	_ = 	snop  }
0x5: {  	_ = 	snop  }
0x6: {  	_ = 	snop  }
0x7: {  	_ = 	snop  }
__scs_overlays_trampoline_lowered:
0x8: {  	[smem:$0x3FA5] =	sst s0  }
0x9: {  	[smem:$0x3FA6] =	sst s1  }
0xa: {  	[smem:$0x3FA7] =	sst s2  }
0xb: {  	[smem:$0x3FA8] =	sst s3  }
0xc: {  	[smem:$0x3FA9] =	sst s4  }
0xd: {  	[smem:$0x3FAA] =	sst s5  }
0xe: {  	[smem:$0x3FAB] =	sst s6  }
0xf: {  	[smem:$0x3FAC] =	sst s7  }
0x10: {  	[smem:$0x3FAD] =	sst s8  }
0x11: {  	[smem:$0x3FAE] =	sst s9;
	s0 =	simm.s32 @!p0 $0x0  }
0x12: {  	s1 =	sld [smem:$0x3F94];
	s0 =	simm.s32 @p0 $0x1  }
0x13: {  	[smem:$0x3FAF] =	sst s0;
	s0 =	simm.s32 @!p1 $0x0  }
0x14: {  	s2 =	sld [smem:$0x3F93];
	s0 =	simm.s32 @p1 $0x1  }
0x15: {  	[smem:$0x3FB0] =	sst s0;
	s0 =	simm.s32 @!p2 $0x0  }
0x16: {  	s3 =	sld [smem:$0x3FDB];
	s0 =	simm.s32 @p2 $0x1  }
0x17: {  	s4 =	simm.s32 $0x1BF5;
	[smem:$0x3FB2] =	sst s0  }
0x18: {  	s0 =	sld [smem:$0x3F95];
	_ =	swait.ge [sflag:s4], $0x0  }
0x19: {  	s7 =	sld [smem:$0x3F96]  }
0x1a: {  	s8 =	sadd.s32 $0xFFFFE003, lr  }
0x1b: {  	s9 =	sadd.s32 $0xFFFFFEF7, lr;
	s5 =	simm.s32 $0xFFFFFFFF;
	p2 =	slt.u32 s8, $0xFFFFF086  }
0x1c: {  	p1 =	slt.u32 s9, $0xF7A;
	s5 =	simm.s32 @!p2 $0x0  }
0x1d: {  	s5 =	simm.s32 @p1 $0x1;
	p0 =	seq.s32 s7, s2  }
0x1e: {  	s7 =	smul.u32 @!p0 $0xF7A, s2;
	p2 =	seq.s32 @!p0 s5, $0x0  }
0x1f: {  	s9 =	smul.u32 $0xF7A, s1;
	s8 =	simm.s32 @!p0 $0x1BF5;
	p2 =	por !p2, p0  }
0x20: {  	[sflag:s8] =	ssyncset.s32 @!p0 $0xFFFFF086;
	s6 =	sadd.s32 @!p0 s3, s7;
	s7 =	simm.s32 @!p0 $0x108  }
0x21: {  	s3 =	sadd.s32 s3, s9;
	s6 =	sadd.s32 @!p0 $0x88, s6;
	s7 =	simm.s32 @p2 $0x1082  }
0x22: {  	[simem:s7], [sflag:s8] =	dma.local @!p0 [hbm:s6], $0xF7A  }
0x23: {  	s9 =	sor.u32 $0xD0000000, s2;
	s6 =	simm.s32 $0x108;
	_ =	swait.ge @!p0 [sflag:s8], $0x0  }
0x24: {  	s3 =	sadd.s32 $0x88, s3;
	s6 =	simm.s32 @!p1 $0x1082;
	[sflag:s4] =	ssyncset.s32 $0xFFFFF086  }
0x25: {  	[simem:s6], [sflag:s4] =	dma.local [hbm:s3], $0xF7A  }
0x26: {  	[smem:$0x3F96] =	sst s1;
	(tag) =	ssettag s2;
	_ =	strace s9  }
0x27: {  	s1 =	sld [smem:$0x3FA6]  }
0x28: {  	s2 =	sld [smem:$0x3FA7]  }
0x29: {  	s4 =	sld [smem:$0x3FA9]  }
0x2a: {  	p0 =	seq.s32 s5, $0x0;
	s5 =	sld [smem:$0x3FAA]  }
0x2b: {  	s6 =	sld [smem:$0x3FAB]  }
0x2c: {  	s7 =	sld [smem:$0x3FAC]  }
0x2d: {  	s3 =	simm.s32 $0x108;
	s8 =	sld [smem:$0x3FAD]  }
0x2e: {  	s3 =	simm.s32 @!p0 $0x1082;
	s9 =	sld [smem:$0x3FAE]  }
0x2f: {  	lr =	sadd.s32 s0, s3;
	s0 =	sld [smem:$0x3FA5]  }
0x30: {  	s3 =	sld [smem:$0x3FA8]  }
0x31: {  	[smem:$0x3FB1] =	sst s10  }
0x32: {  	s10 =	sld [smem:$0x3FAF];
	_ =	sdelay $0x3  }
0x33: {  	p0 =	seq.s32 s10, $0x1;
	s10 =	sld [smem:$0x3FB1];
	_ =	sdelay $0x3  }
0x34: {  	[smem:$0x3FB1] =	sst s10  }
0x35: {  	s10 =	sld [smem:$0x3FB0];
	_ =	sdelay $0x3  }
0x36: {  	p1 =	seq.s32 s10, $0x1;
	s10 =	sld [smem:$0x3FB1];
	_ =	sdelay $0x3  }
0x37: {  	[smem:$0x3FB1] =	sst s10  }
0x38: {  	s10 =	sld [smem:$0x3FB2]  }
0x39: {  	_ = 	snop;
	(pc) =	sbr.ind lr, $3  }
0x3a: {  	_ = 	snop  }
0x3b: {  	_ = 	snop  }
0x3c: {  	p2 =	seq.s32 s10, $0x1;
	s10 =	sld [smem:$0x3FB1]  }
0x3d: {  	_ =	shalt  }
0x3e: {  	_ =	shalt  }
0x3f: {  	_ =	shalt  }
0x40: {  	_ =	shalt  }
0x41: {  	_ =	shalt  }
0x42: {  	_ =	shalt  }
0x43: {  	_ =	shalt  }
0x44: {  	_ =	shalt  }
0x45: {  	_ =	shalt  }
0x46: {  	_ =	shalt  }
0x47: {  	_ =	shalt  }
0x48: {  	_ =	shalt  }
0x49: {  	_ =	shalt  }
0x4a: {  	_ =	shalt  }
0x4b: {  	_ =	shalt  }
0x4c: {  	_ =	shalt  }
0x4d: {  	_ =	shalt  }
0x4e: {  	_ =	shalt  }
0x4f: {  	_ =	shalt  }
0x50: {  	_ =	shalt  }
0x51: {  	_ =	shalt  }
0x52: {  	_ =	shalt  }
0x53: {  	_ =	shalt  }
0x54: {  	_ =	shalt  }
0x55: {  	_ =	shalt  }
0x56: {  	_ =	shalt  }
0x57: {  	_ =	shalt  }
0x58: {  	_ =	shalt  }
0x59: {  	_ =	shalt  }
0x5a: {  	_ =	shalt  }
0x5b: {  	_ =	shalt  }
0x5c: {  	_ =	shalt  }
0x5d: {  	_ =	shalt  }
0x5e: {  	_ =	shalt  }
0x5f: {  	_ =	shalt  }
0x60: {  	_ =	shalt  }
0x61: {  	_ =	shalt  }
0x62: {  	_ =	shalt  }
0x63: {  	_ =	shalt  }
0x64: {  	_ =	shalt  }
0x65: {  	_ =	shalt  }
0x66: {  	_ =	shalt  }
0x67: {  	_ =	shalt  }
0x68: {  	_ =	shalt  }
0x69: {  	_ =	shalt  }
0x6a: {  	_ =	shalt  }
0x6b: {  	_ =	shalt  }
0x6c: {  	_ =	shalt  }
0x6d: {  	_ =	shalt  }
0x6e: {  	_ =	shalt  }
0x6f: {  	_ =	shalt  }
0x70: {  	_ =	shalt  }
0x71: {  	_ =	shalt  }
0x72: {  	_ =	shalt  }
0x73: {  	_ =	shalt  }
0x74: {  	_ =	shalt  }
0x75: {  	_ =	shalt  }
0x76: {  	_ =	shalt  }
0x77: {  	_ =	shalt  }
0x78: {  	_ =	shalt  }
0x79: {  	_ =	shalt  }
0x7a: {  	_ =	shalt  }
0x7b: {  	_ =	shalt  }
0x7c: {  	_ =	shalt  }
0x7d: {  	_ =	shalt  }
0x7e: {  	_ =	shalt  }
0x7f: {  	_ =	shalt  }
0x80: {  	_ =	shalt  }
0x81: {  	_ =	shalt  }
0x82: {  	_ =	shalt  }
0x83: {  	_ =	shalt  }
0x84: {  	_ =	shalt  }
0x85: {  	_ =	shalt  }
0x86: {  	_ =	shalt  }
0x87: {  	_ =	shalt  }
.Lfunc_end0:
.L_simem_size_0:
called_computation.3_lowered:
.L_overlay_start_0:
0x88: {  	s2 =	sld [smem:$0x3FD9]  }
0x89: {  	s3 =	sld [smem:$0x3FFE];
	_ =	sdelay $0x1  }
0x8a: {  	s1 =	srdreg.scid  }
0x8b: {  	s0 =	sand.u32 $0x1, s1  }
0x8c: {  	s16 =	sshll.u32 s0, $0xA;
	s2 =	sadd.s32 s3, s2  }
0x8d: {  	s2 =	sadd.s32 s2, s16  }
0x8e: {  	[smem:$0x3FBD] =	sst s2  }
0x8f: {  	_ = 	snop  }
0x90: {  	(tm) =	ssettm $0x1  }
0x91: {  	s17 =	sld [smem:$0x3FFB];
	_ =	sdelay $0x3  }
0x92: {  	_ =	strace s17  }
0x93: {  	s2 =	sld [smem:$0x3FFC];
	_ =	sdelay $0x3  }
0x94: {  	_ =	strace s2  }
0x95: {  	s2 =	sld [smem:$0x3FFD];
	_ =	sdelay $0x3  }
0x96: {  	_ =	strace s2  }
0x97: {  	_ =	strace $0x8FFFFFFF  }
0x98: {  	s18 =	sld [smem:$0x3FDB];
	_ =	sdelay $0x1  }
0x99: {  	s19 =	simm.s32 $_scs_section_size  }
0x9a: {  	s4 =	simm.s32 $_size__tile_overlayer_lowered;
	s5 =	simm.s32 $_tile_overlayer_lowered  }
0x9b: {  	s22 =	simm.s32 $0x1BFF;
	s21 =	sshll.u32 s5, $0x1;
	s2 =	sadd.s32 s19, s18  }
0x9c: {  	s6 =	simm.s32 $0x0;
	s20 =	sshll.u32 s4, $0x1;
	s4 =	sadd.s32 s21, s2  }
0x9d: {  	[timem:s6], [sflag:s22] =	dma.local [hbm:s4], s20  }
0x9e: {  	_ =	swait.ge [sflag:s22], s20  }
0x9f: {  	s3 =	ssub.s32 $0x0, s20;
	[sflag:s22] =	ssyncset.done $0x0  }
0xa0: {  	[sflag:s22] =	ssyncadd.s32 s3;
	_ =	sdelay $0x1  }
0xa1: {  	s23 =	simm.s32 $0x1B8B  }
0xa2: {  	_ =	swait.ge [sflag:s23], $0x1  }
0xa3: {  	[sflag:s23] =	ssyncset.done $0x0  }
0xa4: {  	s25 =	simm.s32 $0x1B8E;
	s24 =	sld [smem:$0x3FFE];
	[sflag:s23] =	ssyncadd.s32 $0xFFFFFFFF  }
0xa5: {  	s26 =	simm.s32 $execute0_lowered;
	[smem:$0x3FD2] =	sst s25  }
0xa6: {  	s4 =	sshll.u32 s26, $0x1;
	_ =	strace $0x8000004F;
	[dreg:$0x1] =	wrdreg $0xFFFFFFFF  }
0xa7: {  	s28 =	simm.s32 $_size_execute0_lowered;
	s2 =	sadd.s32 s2, s4;
	[dreg:$0x0] =	wrdreg $0x0  }
0xa8: {  	s4 =	sshll.u32 s28, $0x1;
	[dreg:$0x2] =	wrdreg s2  }
0xa9: {  	[dreg:$0x3] =	wrdreg s4  }
0xaa: {  	[dreg:$0x4] =	wrdreg $0xC0  }
0xab: {  	_ =	task [dreg:s6], $0x5FFFF  }
0xac: {  	[dreg:$0x1] =	wrdreg $0xFFFFFFFF  }
0xad: {  	[dreg:$0x0] =	wrdreg $0x60  }
0xae: {  	[dreg:$0x2] =	wrdreg s24  }
0xaf: {  	[dreg:$0x3] =	wrdreg $0x0  }
0xb0: {  	[dreg:$0x4] =	wrdreg $0x9  }
0xb1: {  	_ =	task.clear_ibuf [dreg:s6], $0x5FFFF;
	_ =	strace $0x9000004F  }
0xb2: {  	s29 =	simm.s32 $0x9;
	_ =	strace $0x80000051  }
0xb3: {  	_ =	swait.ge [sflag:s29], $0x1  }
0xb4: {  	[sflag:s29] =	ssyncadd.s32 $0xFFFFFFFF  }
0xb5: {  	_ =	strace $0x90000051  }
0xb6: {  	_ =	sfence  }
0xb7: {  	s30 =	sld [smem:$0x0];
	_ =	sdelay $0x2  }
0xb8: {  	s31 =	sshll.u32 s1, $0xD;
	s1 =	sshrl.u32 s1, $0x2  }
0xb9: {  	s3 =	sand.u32 $0x4000, s31;
	s1 =	sadd.s32 s1, s30  }
0xba: {  	s0 =	sor.u32 s3, s0;
	s1 =	sshll.u32 s1, $0x11  }
0xbb: {  	s0 =	sor.u32 s1, s0  }
0xbc: {  	s0 =	sadd.s32 $0x8F2B, s0  }
0xbd: {  	[sflag:s0] =	ssyncadd.remote.s32 $0x1  }
0xbe: {  	_ =	sfence.sel $0xFFFF  }
0xbf: {  	[dreg:$0x0] =	wrdreg $0xFFFFFFFF;
	(pc) =	sbr.abs _section_cstart, $3  }
0xc0: {  	[dreg:$0x1] =	wrdreg $0xFFFFFFFF  }
0xc1: {  	_ =	task.clear_ibuf [dreg:s6], $0x2FFFF;
	_ =	strace $0x9FFFFFFF  }
0xc2: {  	(tm) =	ssettm $0x7FFFFFFF  }
0xc3: {  	_ =	shalt  }
tec
execute0_lowered:
.L_overlay_start_1:
0x0: {  	(tag) =	ssettag $0x1  }
0x1: {  	s0 =	rddreg [dreg:$0x0]  }
0x2: {  	s2 =	rddreg [dreg:$0x1];
	s3 =	simm.s32 $0x0;
	s11 =	stileid.u32  }
0x3: {  	s4 =	srdreg.scid;
	s30 =	simm.s32 $0x50;
	[smem:$0x7FF] =	sst s3  }
0x4: {  	s1 =	smul.u32 $0x14000, s11;
	s5 =	sand.u32 $0x1, s4;
	s4 =	sadd.s32 $0x9FE00, s0  }
0x5: {  	s28 =	sadd.s32 $0x3C00, s0;
	s12 =	sadd.s32 $0xDA00, s0;
	s8 =	smul.u32 $0x50000, s11  }
0x6: {  	s26 =	sshll.u32 s11, $0x1;
	s29 =	sshll.u32 s11, $0x6;
	s18 =	smul.u32 $0x4E20, s11  }
0x7: {  	_ =	strace $0x80000050;
	s7 =	smul.u32 $0x140000, s5;
	s9 =	ssub.s32 $0x2, s5  }
0x8: {  	s17 =	sor.u32 $0x1C0D, s29;
	[dreg:$0x4] =	wrdreg s12;
	s6 =	sshrl.u32 s1, $0x3  }
0x9: {  	s10 =	sshrl.u32 s9, $0x1;
	s8 =	sshrl.u32 s8, $0x2;
	[dreg:$0x7] =	wrdreg s17  }
0xa: {  	s6 =	sadd.s32 s6, s0;
	s1 =	sadd.s32 s1, s7;
	s7 =	sor.u32 s5, s26  }
0xb: {  	s8 =	sadd.s32 s8, s2;
	s5 =	smul.u32 $0x2710, s5;
	s1 =	sshrl.u32 s1, $0x3  }
0xc: {  	s7 =	smul.u32 $0x2710, s7;
	[dreg:$0x5] =	wrdreg s8;
	s6 =	sadd.s32 $0x27800, s6  }
0xd: {  	s0 =	sadd.s32 s1, s0;
	s1 =	ssub.s32 s9, s10;
	[dreg:$0x6] =	wrdreg s6  }
0xe: {  	s5 =	sadd.s32 s5, s18;
	s18 =	simm.s32 $0x4;
	s2 =	sshrl.u32 s7, $0x3  }
0xf: {  	s31 =	sadd.s32 $0x190, s7;
	s25 =	sadd.s32 $0x190, s5;
	s0 =	sadd.s32 $0xC7000, s0  }
0x10: {  	s29 =	sadd.s32 $0x230, s5;
	s5 =	sadd.s32 $0x1E0, s5;
	s1 =	smax.u32 s1, $0x1  }
0x11: {  	s9 =	sadd.s32 s28, s2;
	s10 =	sadd.s32 $0xA, s2;
	[dreg:$0x13] =	wrdreg s0  }
0x12: {  	s13 =	sadd.s32 s12, s2;
	s15 =	sadd.s32 $0x14, s2;
	[dreg:$0x14] =	wrdreg s1  }
0x13: {  	s16 =	sadd.s32 $0x1E, s2;
	s21 =	sadd.s32 $0x28, s2;
	[dreg:$0x8] =	wrdreg s9  }
0x14: {  	s23 =	sshrl.u32 s31, $0x3;
	s26 =	sshrl.u32 s25, $0x3;
	[dreg:$0x9] =	wrdreg s13  }
0x15: {  	s25 =	sshrl.u32 s5, $0x3;
	s14 =	sadd.s32 s28, s10;
	[dreg:$0x3] =	wrdreg s26  }
0x16: {  	s0 =	simm.s32 $0x0;
	s6 =	sadd.s32 s12, s10;
	[dreg:$0xa] =	wrdreg s14  }
0x17: {  	s19 =	sadd.s32 s28, s15;
	s20 =	sadd.s32 s28, s16;
	[dreg:$0xb] =	wrdreg s6  }
0x18: {  	s22 =	sadd.s32 s28, s21;
	s24 =	sadd.s32 s12, s16;
	[dreg:$0xc] =	wrdreg s19  }
0x19: {  	s7 =	sadd.s32 s28, s23;
	s26 =	simm.s32 $0x14000;
	[dreg:$0xd] =	wrdreg s20  }
0x1a: {  	s10 =	simm.s32 $0x14100;
	s16 =	simm.s32 $0xB;
	[dreg:$0xf] =	wrdreg s22  }
0x1b: {  	s23 =	simm.s32 $0x6;
	s9 =	simm.s32 $0x3;
	[dreg:$0x10] =	wrdreg s24  }
0x1c: {  	s6 =	sadd.s32 s12, s15;
	[dreg:$0x11] =	wrdreg s7;
	s24 =	sshrl.u32 s29, $0x3  }
0x1d: {  	s14 =	simm.s32 $0x14280;
	s19 =	simm.s32 $0x7;
	s20 =	simm.s32 $0xC  }
0x1e: {  	s22 =	simm.s32 $0x8;
	[dreg:$0xe] =	wrdreg s6;
	s6 =	sadd.s32 s12, s21  }
0x1f: {  	s21 =	simm.s32 $0x5;
	[dreg:$0x12] =	wrdreg s6;
	s6 =	simm.s32 $0xD  }
.LBB2_1:
0x20: {  	[dreg:$0x15] =	wrdreg s0  }
0x21: {  	s5 =	rddreg [dreg:$0x5]  }
0x22: {  	s2 =	rddreg [dreg:$0x6];
	s1 =	sshrl.u32 s5, $0x3  }
0x23: {  	[dreg:$0x16] =	wrdreg s1  }
0x24: {  	[spmem:s1], [sflag:s17] =	dma.local [hbm:s2], $0x2800  }
0x25: {  	_ =	swait.ge [sflag:s6], $0x2800  }
0x26: {  	[sflag:s6] =	ssyncset.done $0x0  }
0x27: {  	[sflag:s6] =	ssyncadd.s32 $0xFFFFD800  }
0x28: {  	[bflag:$0x0] =	sbarrier.arrive $0xFFFF  }
0x29: {  	s7 =	rddreg [dreg:$0x8]  }
0x2a: {  	[tilespmem:s26], [sflag:$0xD] =	stream.linear.gather [hbm4b:s7+s3], $0x50, $0x38;
	[tilespmem:$0x1BB00] =	vst v63  }
0x2b: {  	_ =	swait.ge [sflag:s6], $0x50  }
0x2c: {  	[sflag:s6] =	ssyncset.done $0x0  }
0x2d: {  	s0 =	simm.s32 $0x14180;
	s8 =	rddreg [dreg:$0x9];
	[sflag:s6] =	ssyncadd.s32 $0xFFFFFFB0  }
0x2e: {  	[tilespmem:s0], [sflag:$0xA] =	stream.linear.gather [hbm4b:s8+s3], $0x50, $0x38;
	[tilespmem:$0x1BB00] =	vst v63  }
0x2f: {  	s1 =	simm.s32 $0x14300  }
0x30: {  	[tilespmem:s1], [sflag:$0x1] =	stream.indirect.gather [hbm4b:s4+s30], $0x80, s26, s30, $0xb8;
	[tilespmem:$0x1BB00] =	vst v63  }
0x31: {  	s7 =	simm.s32 $0x14080;
	s11 =	rddreg [dreg:$0xa]  }
0x32: {  	[tilespmem:s7], [sflag:$0xD] =	stream.linear.gather [hbm4b:s11+s3], $0x50, $0x38;
	[tilespmem:$0x1BB00] =	vst v63  }
0x33: {  	_ =	swait.ge [sflag:s6], $0x50  }
0x34: {  	[sflag:s6] =	ssyncset.done $0x0  }
0x35: {  	s8 =	simm.s32 $0x14200;
	s12 =	rddreg [dreg:$0xb];
	[sflag:s6] =	ssyncadd.s32 $0xFFFFFFB0  }
0x36: {  	[tilespmem:s8], [sflag:$0xB] =	stream.linear.gather [hbm4b:s12+s3], $0x50, $0x38;
	[tilespmem:$0x1BB00] =	vst v63  }
0x37: {  	s12 =	simm.s32 $0x16B00  }
0x38: {  	[tilespmem:s12], [sflag:$0x2] =	stream.indirect.gather [hbm4b:s4+s30], $0x80, s7, s30, $0xb8;
	[tilespmem:$0x1BB00] =	vst v63  }
0x39: {  	s13 =	rddreg [dreg:$0xc];
	s6 =	simm.s32 $0x1  }
0x3a: {  	[tilespmem:s10], [sflag:$0x9] =	stream.linear.gather [hbm4b:s13+s3], $0x50, $0x38;
	[tilespmem:$0x1BB00] =	vst v63  }
0x3b: {  	_ =	swait.ge [sflag:s6], $0x2800  }
0x3c: {  	[sflag:s6] =	ssyncset.done $0x0  }
0x3d: {  	s11 =	simm.s32 $0xA;
	s15 =	rddreg [dreg:$0xd];
	[sflag:s6] =	ssyncadd.s32 $0xFFFFD800  }
0x3e: {  	[tilespmem:s26], [sflag:$0x7] =	stream.linear.gather [hbm4b:s15+s3], $0x50, $0x38;
	[tilespmem:$0x1BB00] =	vst v63  }
0x3f: {  	_ =	swait.ge [sflag:s11], $0x50  }
0x40: {  	[sflag:s11] =	ssyncset.done $0x0  }
0x41: {  	[sflag:s11] =	ssyncadd.s32 $0xFFFFFFB0  }
0x42: {  	s2 =	rddreg [dreg:$0x1]  }
0x43: {  	[spmem:s2] =	stream.indirect.scatter.add.f32 [tilespmem:s1], [sflag:$0x4], $0x80, s0, s30, $0xb8;
	[tilespmem:$0x1BB00] =	vst v63  }
0x44: {  	s13 =	simm.s32 $0x9;
	s17 =	rddreg [dreg:$0xe]  }
0x45: {  	[tilespmem:s14], [sflag:$0xC] =	stream.linear.gather [hbm4b:s17+s3], $0x50, $0x38;
	[tilespmem:$0x1BB00] =	vst v63  }
0x46: {  	_ =	swait.ge [sflag:s13], $0x50  }
0x47: {  	[sflag:s13] =	ssyncset.done $0x0  }
0x48: {  	s15 =	simm.s32 $0x19300;
	s17 =	simm.s32 $0x2;
	[sflag:s13] =	ssyncadd.s32 $0xFFFFFFB0  }
0x49: {  	[tilespmem:s15], [sflag:$0x3] =	stream.indirect.gather [hbm4b:s4+s30], $0x80, s10, s30, $0xb8;
	[tilespmem:$0x1BB00] =	vst v63  }
0x4a: {  	_ =	swait.ge [sflag:s17], $0x2800  }
0x4b: {  	[sflag:s17] =	ssyncset.done $0x0  }
0x4c: {  	s29 =	rddreg [dreg:$0xf];
	[sflag:s17] =	ssyncadd.s32 $0xFFFFD800  }
0x4d: {  	[tilespmem:s7], [sflag:$0x8] =	stream.linear.gather [hbm4b:s29+s3], $0x50, $0x38;
	[tilespmem:$0x1BB00] =	vst v63  }
0x4e: {  	_ =	swait.ge [sflag:s16], $0x50  }
0x4f: {  	[sflag:s16] =	ssyncset.done $0x0  }
0x50: {  	[sflag:s16] =	ssyncadd.s32 $0xFFFFFFB0  }
0x51: {  	[spmem:s2] =	stream.indirect.scatter.add.f32 [tilespmem:s12], [sflag:$0x5], $0x80, s8, s30, $0xb8;
	[tilespmem:$0x1BB00] =	vst v63  }
0x52: {  	_ =	swait.ge [sflag:s18], $0x2800  }
0x53: {  	[sflag:s18] =	ssyncset.done $0x0  }
0x54: {  	s29 =	rddreg [dreg:$0x10];
	[sflag:s18] =	ssyncadd.s32 $0xFFFFD800  }
0x55: {  	[tilespmem:s0], [sflag:$0xA] =	stream.linear.gather [hbm4b:s29+s3], $0x50, $0x38;
	[tilespmem:$0x1BB00] =	vst v63  }
0x56: {  	_ =	swait.ge [sflag:s19], $0x50  }
0x57: {  	[sflag:s19] =	ssyncset.done $0x0  }
0x58: {  	[sflag:s19] =	ssyncadd.s32 $0xFFFFFFB0  }
0x59: {  	[tilespmem:s1], [sflag:$0x1] =	stream.indirect.gather [hbm4b:s4+s30], $0x80, s26, s30, $0xb8;
	[tilespmem:$0x1BB00] =	vst v63  }
0x5a: {  	_ =	swait.ge [sflag:s9], $0x2800  }
0x5b: {  	[sflag:s9] =	ssyncset.done $0x0  }
0x5c: {  	s29 =	rddreg [dreg:$0x11];
	[sflag:s9] =	ssyncadd.s32 $0xFFFFD800  }
0x5d: {  	[tilespmem:s10], [sflag:$0x9] =	stream.linear.gather [hbm4b:s29+s3], $0x50, $0x38;
	[tilespmem:$0x1BB00] =	vst v63  }
0x5e: {  	_ =	swait.ge [sflag:s20], $0x50  }
0x5f: {  	[sflag:s20] =	ssyncset.done $0x0  }
0x60: {  	[sflag:s20] =	ssyncadd.s32 $0xFFFFFFB0  }
0x61: {  	[spmem:s2] =	stream.indirect.scatter.add.f32 [tilespmem:s15], [sflag:$0x6], $0x80, s14, s30, $0xb8;
	[tilespmem:$0x1BB00] =	vst v63  }
0x62: {  	_ =	swait.ge [sflag:s21], $0x2800  }
0x63: {  	[sflag:s21] =	ssyncset.done $0x0  }
0x64: {  	s29 =	rddreg [dreg:$0x12];
	[sflag:s21] =	ssyncadd.s32 $0xFFFFD800  }
0x65: {  	[tilespmem:s8], [sflag:$0xB] =	stream.linear.gather [hbm4b:s29+s3], $0x50, $0x38;
	[tilespmem:$0x1BB00] =	vst v63  }
0x66: {  	_ =	swait.ge [sflag:s22], $0x50  }
0x67: {  	[sflag:s22] =	ssyncset.done $0x0  }
0x68: {  	[sflag:s22] =	ssyncadd.s32 $0xFFFFFFB0  }
0x69: {  	[tilespmem:s12], [sflag:$0x2] =	stream.indirect.gather [hbm4b:s4+s30], $0x80, s7, s30, $0xb8;
	[tilespmem:$0x1BB00] =	vst v63  }
0x6a: {  	_ =	swait.ge [sflag:s6], $0x2800  }
0x6b: {  	[sflag:s6] =	ssyncset.done $0x0  }
0x6c: {  	s15 =	sadd.s32 s28, s25;
	[sflag:s6] =	ssyncadd.s32 $0xFFFFD800  }
0x6d: {  	[tilespmem:s26], [sflag:$0x7] =	stream.linear.gather [hbm4b:s15+s3], $0x50, $0x38;
	[tilespmem:$0x1BB00] =	vst v63  }
0x6e: {  	_ =	swait.ge [sflag:s11], $0x50  }
0x6f: {  	[sflag:s11] =	ssyncset.done $0x0  }
0x70: {  	[sflag:s11] =	ssyncadd.s32 $0xFFFFFFB0  }
0x71: {  	[spmem:s2] =	stream.indirect.scatter.add.f32 [tilespmem:s1], [sflag:$0x4], $0x80, s0, s30, $0xb8;
	[tilespmem:$0x1BB00] =	vst v63  }
0x72: {  	_ =	swait.ge [sflag:s23], $0x2800  }
0x73: {  	s29 =	rddreg [dreg:$0x3]  }
0x74: {  	[sflag:s23] =	ssyncset.done $0x0;
	s6 =	rddreg [dreg:$0x4]  }
0x75: {  	[sflag:s23] =	ssyncadd.s32 $0xFFFFD800;
	s5 =	sadd.s32 s6, s29  }
0x76: {  	[tilespmem:s14], [sflag:$0xC] =	stream.linear.gather [hbm4b:s5+s3], $0x50, $0x38;
	[tilespmem:$0x1BB00] =	vst v63  }
0x77: {  	_ =	swait.ge [sflag:s13], $0x50  }
0x78: {  	[sflag:s13] =	ssyncset.done $0x0  }
0x79: {  	[sflag:s13] =	ssyncadd.s32 $0xFFFFFFB0;
	s13 =	simm.s32 $0x19300  }
0x7a: {  	[tilespmem:s13], [sflag:$0x3] =	stream.indirect.gather [hbm4b:s4+s30], $0x80, s10, s30, $0xb8;
	[tilespmem:$0x1BB00] =	vst v63  }
0x7b: {  	_ =	swait.ge [sflag:s17], $0x2800  }
0x7c: {  	[sflag:s17] =	ssyncset.done $0x0  }
0x7d: {  	s11 =	sadd.s32 s28, s24;
	[sflag:s17] =	ssyncadd.s32 $0xFFFFD800  }
0x7e: {  	[tilespmem:s7], [sflag:$0x8] =	stream.linear.gather [hbm4b:s11+s3], $0x50, $0x38;
	[tilespmem:$0x1BB00] =	vst v63  }
0x7f: {  	_ =	swait.ge [sflag:s16], $0x50  }
0x80: {  	[sflag:s16] =	ssyncset.done $0x0  }
0x81: {  	[sflag:s16] =	ssyncadd.s32 $0xFFFFFFB0  }
0x82: {  	[spmem:s2] =	stream.indirect.scatter.add.f32 [tilespmem:s12], [sflag:$0x5], $0x80, s8, s30, $0xb8;
	[tilespmem:$0x1BB00] =	vst v63  }
0x83: {  	_ =	swait.ge [sflag:s18], $0x2800  }
0x84: {  	[sflag:s18] =	ssyncset.done $0x0  }
0x85: {  	s15 =	sadd.s32 s6, s25;
	[sflag:s18] =	ssyncadd.s32 $0xFFFFD800  }
0x86: {  	[tilespmem:s0], [sflag:$0xA] =	stream.linear.gather [hbm4b:s15+s3], $0x50, $0x38;
	[tilespmem:$0x1BB00] =	vst v63  }
0x87: {  	_ =	swait.ge [sflag:s19], $0x50  }
0x88: {  	s17 =	smin.u32 s9, $0x77;
	[sflag:s19] =	ssyncset.done $0x0  }
0x89: {  	s5 =	smul.u32 $0x50, s17;
	[sflag:s19] =	ssyncadd.s32 $0xFFFFFFB0  }
0x8a: {  	[tilespmem:s1], [sflag:$0x1] =	stream.indirect.gather [hbm4b:s4+s30], $0x80, s26, s30, $0xb8;
	[tilespmem:$0x1BB00] =	vst v63  }
0x8b: {  	s5 =	sadd.s32 s5, s31;
	_ =	swait.ge [sflag:s9], $0x2800  }
0x8c: {  	s5 =	sshrl.u32 s5, $0x3;
	[sflag:s9] =	ssyncset.done $0x0  }
0x8d: {  	s5 =	sadd.s32 s28, s5;
	[sflag:s9] =	ssyncadd.s32 $0xFFFFD800  }
0x8e: {  	[tilespmem:s10], [sflag:$0x9] =	stream.linear.gather [hbm4b:s5+s3], $0x50, $0x38;
	[tilespmem:$0x1BB00] =	vst v63  }
0x8f: {  	_ =	swait.ge [sflag:s20], $0x50  }
0x90: {  	[sflag:s20] =	ssyncset.done $0x0  }
0x91: {  	[sflag:s20] =	ssyncadd.s32 $0xFFFFFFB0  }
0x92: {  	[spmem:s2] =	stream.indirect.scatter.add.f32 [tilespmem:s13], [sflag:$0x6], $0x80, s14, s30, $0xb8;
	[tilespmem:$0x1BB00] =	vst v63  }
0x93: {  	_ =	swait.ge [sflag:s21], $0x2800  }
0x94: {  	[sflag:s21] =	ssyncset.done $0x0  }
0x95: {  	s29 =	sadd.s32 s6, s24;
	[sflag:s21] =	ssyncadd.s32 $0xFFFFD800  }
0x96: {  	[tilespmem:s8], [sflag:$0xB] =	stream.linear.gather [hbm4b:s29+s3], $0x50, $0x38;
	[tilespmem:$0x1BB00] =	vst v63  }
0x97: {  	s6 =	sadd.s32 $0x1E, s6;
	_ =	swait.ge [sflag:s22], $0x50  }
0x98: {  	s11 =	simm.s32 $0x14100;
	s0 =	simm.s32 $0x14000;
	[sflag:s22] =	ssyncset.done $0x0  }
0x99: {  	s26 =	simm.s32 $0x6;
	s5 =	sadd.s32 $0x1E, s28;
	[sflag:s22] =	ssyncadd.s32 $0xFFFFFFB0  }
.LBB2_2:
0x9a: {  	s1 =	simm.s32 $0x14080;
	s2 =	simm.s32 $0x16B00;
	s7 =	simm.s32 $0x1  }
0x9b: {  	[tilespmem:s2], [sflag:$0x2] =	stream.indirect.gather [hbm4b:s4+s30], $0x80, s1, s30, $0xb8;
	[tilespmem:$0x1BB00] =	vst v63  }
0x9c: {  	_ =	swait.ge [sflag:s7], $0x2800  }
0x9d: {  	s29 =	smov.u32 s28;
	[sflag:s7] =	ssyncset.done $0x0  }
0x9e: {  	s28 =	sadd.s32 s5, s25;
	s12 =	simm.s32 $0xA;
	[sflag:s7] =	ssyncadd.s32 $0xFFFFD800  }
0x9f: {  	[tilespmem:s0], [sflag:$0x7] =	stream.linear.gather [hbm4b:s28+s3], $0x50, $0x38;
	[tilespmem:$0x1BB00] =	vst v63  }
0xa0: {  	_ =	swait.ge [sflag:s12], $0x50  }
0xa1: {  	[sflag:s12] =	ssyncset.done $0x0  }
0xa2: {  	[sflag:s12] =	ssyncadd.s32 $0xFFFFFFB0  }
0xa3: {  	s8 =	simm.s32 $0x14300;
	s7 =	simm.s32 $0x14180;
	s10 =	rddreg [dreg:$0x1]  }
0xa4: {  	[spmem:s10] =	stream.indirect.scatter.add.f32 [tilespmem:s8], [sflag:$0x4], $0x80, s7, s30, $0xb8;
	[tilespmem:$0x1BB00] =	vst v63  }
0xa5: {  	_ =	swait.ge [sflag:s23], $0x2800  }
0xa6: {  	s28 =	rddreg [dreg:$0x3];
	[sflag:s23] =	ssyncset.done $0x0  }
0xa7: {  	s12 =	simm.s32 $0x9;
	[sflag:s23] =	ssyncadd.s32 $0xFFFFD800;
	s28 =	sadd.s32 s6, s28  }
0xa8: {  	[tilespmem:s14], [sflag:$0xC] =	stream.linear.gather [hbm4b:s28+s3], $0x50, $0x38;
	[tilespmem:$0x1BB00] =	vst v63  }
0xa9: {  	_ =	swait.ge [sflag:s12], $0x50  }
0xaa: {  	[sflag:s12] =	ssyncset.done $0x0  }
0xab: {  	s15 =	simm.s32 $0x2;
	[sflag:s12] =	ssyncadd.s32 $0xFFFFFFB0  }
0xac: {  	[tilespmem:s13], [sflag:$0x3] =	stream.indirect.gather [hbm4b:s4+s30], $0x80, s11, s30, $0xb8;
	[tilespmem:$0x1BB00] =	vst v63  }
0xad: {  	_ =	swait.ge [sflag:s15], $0x2800  }
0xae: {  	[sflag:s15] =	ssyncset.done $0x0  }
0xaf: {  	s28 =	sadd.s32 s5, s24;
	[sflag:s15] =	ssyncadd.s32 $0xFFFFD800  }
0xb0: {  	[tilespmem:s1], [sflag:$0x8] =	stream.linear.gather [hbm4b:s28+s3], $0x50, $0x38;
	[tilespmem:$0x1BB00] =	vst v63  }
0xb1: {  	_ =	swait.ge [sflag:s16], $0x50  }
0xb2: {  	[sflag:s16] =	ssyncset.done $0x0  }
0xb3: {  	s14 =	simm.s32 $0x14200;
	[sflag:s16] =	ssyncadd.s32 $0xFFFFFFB0  }
0xb4: {  	[spmem:s10] =	stream.indirect.scatter.add.f32 [tilespmem:s2], [sflag:$0x5], $0x80, s14, s30, $0xb8;
	[tilespmem:$0x1BB00] =	vst v63  }
0xb5: {  	_ =	swait.ge [sflag:s18], $0x2800  }
0xb6: {  	[sflag:s18] =	ssyncset.done $0x0  }
0xb7: {  	s28 =	sadd.s32 s6, s25;
	[sflag:s18] =	ssyncadd.s32 $0xFFFFD800  }
0xb8: {  	[tilespmem:s7], [sflag:$0xA] =	stream.linear.gather [hbm4b:s28+s3], $0x50, $0x38;
	[tilespmem:$0x1BB00] =	vst v63  }
0xb9: {  	s17 =	smov.u32 s26;
	_ =	swait.ge [sflag:s19], $0x50  }
0xba: {  	s17 =	smin.u32 s17, $0x77;
	[sflag:s19] =	ssyncset.done $0x0  }
0xbb: {  	s17 =	smul.u32 $0x50, s17;
	[sflag:s19] =	ssyncadd.s32 $0xFFFFFFB0  }
0xbc: {  	[tilespmem:s8], [sflag:$0x1] =	stream.indirect.gather [hbm4b:s4+s30], $0x80, s0, s30, $0xb8;
	[tilespmem:$0x1BB00] =	vst v63  }
0xbd: {  	s17 =	sadd.s32 s17, s31;
	_ =	swait.ge [sflag:s9], $0x2800  }
0xbe: {  	s17 =	sshrl.u32 s17, $0x3;
	[sflag:s9] =	ssyncset.done $0x0  }
0xbf: {  	s17 =	sadd.s32 s29, s17;
	[sflag:s9] =	ssyncadd.s32 $0xFFFFD800  }
0xc0: {  	[tilespmem:s11], [sflag:$0x9] =	stream.linear.gather [hbm4b:s17+s3], $0x50, $0x38;
	[tilespmem:$0x1BB00] =	vst v63  }
0xc1: {  	_ =	swait.ge [sflag:s20], $0x50  }
0xc2: {  	p0 =	sne.s32 s26, $0x78;
	[sflag:s20] =	ssyncset.done $0x0  }
0xc3: {  	s13 =	simm.s32 $0x14280;
	s15 =	simm.s32 $0x19300;
	[sflag:s20] =	ssyncadd.s32 $0xFFFFFFB0  }
0xc4: {  	[spmem:s10] =	stream.indirect.scatter.add.f32 [tilespmem:s15], [sflag:$0x6], $0x80, s13, s30, $0xb8;
	[tilespmem:$0x1BB00] =	vst v63  }
0xc5: {  	s26 =	sadd.s32 $0x3, s26;
	s5 =	sadd.s32 $0x1E, s5;
	_ =	swait.ge [sflag:s21], $0x2800  }
0xc6: {  	s12 =	simm.s32 $0x14080;
	s28 =	smov.u32 s29;
	[sflag:s21] =	ssyncset.done $0x0  }
.Ltmp0:
0xc7: {  	s29 =	sadd.s32 s6, s24;
	[sflag:s21] =	ssyncadd.s32 $0xFFFFD800;
	(pc) =	sbr.rel @p0 .LBB2_2-.Ltmp0, $4  }
0xc8: {  	[tilespmem:s14], [sflag:$0xB] =	stream.linear.gather [hbm4b:s29+s3], $0x50, $0x38;
	[tilespmem:$0x1BB00] =	vst v63  }
0xc9: {  	s1 =	simm.s32 $0x14180;
	s7 =	simm.s32 $0x14300;
	_ =	swait.ge [sflag:s22], $0x50  }
0xca: {  	s6 =	sadd.s32 $0x1E, s6;
	s8 =	simm.s32 $0x14200;
	[sflag:s22] =	ssyncset.done $0x0  }
0xcb: {  	s13 =	simm.s32 $0x19300;
	s14 =	simm.s32 $0x14280;
	[sflag:s22] =	ssyncadd.s32 $0xFFFFFFB0  }
0xcc: {  	s0 =	simm.s32 $0x16B00;
	s2 =	simm.s32 $0x1  }
0xcd: {  	[tilespmem:s0], [sflag:$0x2] =	stream.indirect.gather [hbm4b:s4+s30], $0x80, s12, s30, $0xb8;
	[tilespmem:$0x1BB00] =	vst v63  }
0xce: {  	_ =	swait.ge [sflag:s2], $0x2800  }
0xcf: {  	[sflag:s2] =	ssyncset.done $0x0  }
0xd0: {  	s11 =	simm.s32 $0xA;
	[sflag:s2] =	ssyncadd.s32 $0xFFFFD800  }
0xd1: {  	_ =	swait.ge [sflag:s11], $0x50  }
0xd2: {  	[sflag:s11] =	ssyncset.done $0x0  }
0xd3: {  	[sflag:s11] =	ssyncadd.s32 $0xFFFFFFB0  }
0xd4: {  	s2 =	rddreg [dreg:$0x1]  }
0xd5: {  	[spmem:s2] =	stream.indirect.scatter.add.f32 [tilespmem:s7], [sflag:$0x4], $0x80, s1, s30, $0xb8;
	[tilespmem:$0x1BB00] =	vst v63  }
0xd6: {  	_ =	swait.ge [sflag:s23], $0x2800  }
0xd7: {  	[sflag:s23] =	ssyncset.done $0x0  }
0xd8: {  	s12 =	simm.s32 $0x2;
	[sflag:s23] =	ssyncadd.s32 $0xFFFFD800  }
0xd9: {  	_ =	swait.ge [sflag:s12], $0x2800  }
0xda: {  	[sflag:s12] =	ssyncset.done $0x0  }
0xdb: {  	[sflag:s12] =	ssyncadd.s32 $0xFFFFD800  }
0xdc: {  	_ =	swait.ge [sflag:s16], $0x50  }
0xdd: {  	[sflag:s16] =	ssyncset.done $0x0  }
0xde: {  	[sflag:s16] =	ssyncadd.s32 $0xFFFFFFB0  }
0xdf: {  	[spmem:s2] =	stream.indirect.scatter.add.f32 [tilespmem:s0], [sflag:$0x5], $0x80, s8, s30, $0xb8;
	[tilespmem:$0x1BB00] =	vst v63  }
0xe0: {  	_ =	swait.ge [sflag:s18], $0x2800  }
0xe1: {  	[sflag:s18] =	ssyncset.done $0x0  }
0xe2: {  	[sflag:s18] =	ssyncadd.s32 $0xFFFFD800  }
0xe3: {  	_ =	swait.ge [sflag:s21], $0x2800  }
0xe4: {  	[sflag:s21] =	ssyncset.done $0x0  }
0xe5: {  	s13 =	simm.s32 $0x9;
	[sflag:s21] =	ssyncadd.s32 $0xFFFFD800  }
0xe6: {  	_ =	swait.ge [sflag:s13], $0x50  }
0xe7: {  	[sflag:s13] =	ssyncset.done $0x0  }
0xe8: {  	[sflag:s13] =	ssyncadd.s32 $0xFFFFFFB0  }
0xe9: {  	[bflag:$0x0] =	sbarrier.arrive $0xFFFF  }
0xea: {  	s17 =	rddreg [dreg:$0x7]  }
0xeb: {  	s5 =	rddreg [dreg:$0x13]  }
0xec: {  	s6 =	simm.s32 $0xD;
	s15 =	rddreg [dreg:$0x16]  }
0xed: {  	[hbm:s5], [sflag:s17] =	dma.local [spmem:s15], $0x2800  }
0xee: {  	_ =	swait.ge [sflag:s6], $0x2800  }
0xef: {  	s26 =	rddreg [dreg:$0x15]  }
0xf0: {  	s29 =	rddreg [dreg:$0x14];
	s0 =	sadd.s32 $0x1, s26  }
0xf1: {  	p0 =	sne.s32 s0, s29  }
.Ltmp1:
0xf2: {  	_ = 	snop;
	(pc) =	sbr.rel @p0 .LBB2_1-.Ltmp1, $3  }
0xf3: {  	_ =	sdelay $0x1  }
0xf4: {  	[sflag:s6] =	ssyncset.done $0x0  }
0xf5: {  	s10 =	simm.s32 $0x14100;
	[sflag:s6] =	ssyncadd.s32 $0xFFFFD800;
	s26 =	simm.s32 $0x14000  }
0xf6: {  	_ =	sfence.sel $0x180000  }
0xf7: {  	[bflag:$0x0] =	sbarrier.arrive $0xFFFF  }
0xf8: {  	_ =	strace $0x90000050  }
0xf9: {  	s0 =	stileid.u32;
	[bflag:$0x2] =	sbarrier.arrive $0xFFFF  }
0xfa: {  	p0 =	sne.s32 s0, $0x0;
	s0 =	rddreg [dreg:$0x2]  }
0xfb: {  	s0 =	sadd.s32 @!p0 $0x100000, s0  }
0xfc: {  	[sflag:s0] =	ssyncadd.tile.s32 @!p0 $0x1;
	_ =	shalt  }
.Lfunc_end2:
_tile_overlayer_lowered:
.L_overlay_start_2:
0xfd: {  	(tag) =	ssettag $0x2  }
0xfe: {  	s0 =	rddreg [dreg:$0x0];
	s2 =	stileid.u32  }
0xff: {  	s1 =	rddreg [dreg:$0x1];
	p0 =	sne.s32 s2, $0x0  }
0x100: {  	s3 =	rddreg [dreg:$0x2];
	[bflag:$0x3] =	sbarrier.arrive $0xFFFF;
	s2 =	simm.s32 @!p0 $0x1C0D  }
0x101: {  	[timem:s3], [sflag:s2] =	dma.local @!p0 [hbm:s0], s1  }
0x102: {  	s0 =	simm.s32 @!p0 $0xD  }
0x103: {  	_ =	swait.ge @!p0 [sflag:s0], s1  }
0x104: {  	s1 =	ssub.s32 @!p0 $0x0, s1;
	[sflag:s0] =	ssyncset.done @!p0 $0x0  }
0x105: {  	[sflag:s0] =	ssyncadd.s32 @!p0 s1  }
0x106: {  	[bflag:$0x3] =	sbarrier.arrive $0xFFFF  }
0x107: {  	_ =	shalt  }

</sc_bundles>
